<compile_context>
chip_gen: v7x
topology: tpu7x:2x2x1
jax: 0.10.2.dev20260603
libtpu: 0.0.44.dev20260713+nightly
codegen_flags: <defaults>
</compile_context>

<pallas_src>
import functools

import jax
import jax.numpy as jnp
from jax import lax
from jax.experimental import pallas as pl
from jax.experimental.pallas import tpu as pltpu
from jax.experimental.pallas import tpu_sc as plsc

N = 10000
D = 128
HID = 16
H1 = 8

NP = 10112
DUMMY = N
E = 320000
ET = E + N
NTILES = 32
PER_TILE = 10752
EP = NTILES * PER_TILE
NR = NP // 16
K, CH = 112, 96


def _tc_call(f, out_shapes):
    return pl.pallas_call(f, out_shape=out_shapes)


def _stage_a(x_ref, c1_ref, g1d_ref, hbf_out, d_out):
    x = x_ref[...]
    h = jnp.dot(x, c1_ref[...], preferred_element_type=jnp.float32)
    hbf_out[...] = h.astype(jnp.bfloat16)
    d_out[...] = jnp.dot(x, g1d_ref[...], preferred_element_type=jnp.float32)


def _stage_c(acc_ref, b1_ref, rq_ref, m2_ref, nad_ref, hx2_out, d2_out):
    a0 = acc_ref[0]
    a1 = acc_ref[1]
    num = a0[:, :128] + a1[:, :128]
    sw = a0[:, 128:] + a1[:, 128:]
    sden = jnp.dot(sw, rq_ref[...], preferred_element_type=jnp.float32)
    h1 = num / sden + b1_ref[...]
    h1 = jnp.where(h1 > 0, h1, jnp.exp(h1) - 1.0)
    hx2_out[...] = jnp.dot(h1, m2_ref[...],
                           preferred_element_type=jnp.float32
                           ).astype(jnp.bfloat16)
    d2_out[...] = jnp.dot(h1, nad_ref[...], preferred_element_type=jnp.float32)


def _stage_e(acc_ref, b2_ref, fcw_ref, fcb_ref, out_ref):
    a0 = acc_ref[0]
    a1 = acc_ref[1]
    num = a0[:, :16] + a1[:, :16]
    s = a0[:, 16:17] + a1[:, 16:17]
    h = num / s + b2_ref[...]
    h = jnp.where(h > 0, h, jnp.exp(h) - 1.0)
    y = jnp.dot(h, fcw_ref[...], preferred_element_type=jnp.float32)
    y = y + fcb_ref[...]
    m = jnp.max(y, axis=0, keepdims=True)
    p = jnp.exp(y - m)
    out_ref[...] = p / jnp.sum(p, axis=0, keepdims=True)


def _make_edge_pass(heads, hw):
    accw = hw + 16
    multi = heads > 1
    hbw = 160 if multi else 32
    mesh = plsc.VectorSubcoreMesh(core_axis_name="c", subcore_axis_name="s")

    scratch = [
        pltpu.VMEM_SHARED((NP, accw), jnp.float32),
        pltpu.VMEM((2, K), jnp.int32),
        pltpu.VMEM((2, K), jnp.int32),
        pltpu.VMEM((2, K), jnp.int32),
        pltpu.VMEM((2, K), jnp.int32),
        pltpu.VMEM((K, hbw), jnp.bfloat16),
        pltpu.VMEM((K, hbw), jnp.bfloat16),
        pltpu.VMEM((K, 16), jnp.float32),
        pltpu.VMEM((K, 16), jnp.float32),
        pltpu.VMEM((K, accw), jnp.float32),
        pltpu.SemaphoreType.DMA,
        pltpu.SemaphoreType.DMA,
        pltpu.SemaphoreType.DMA,
        pltpu.SemaphoreType.DMA,
        pltpu.SemaphoreType.DMA,
        pltpu.SemaphoreType.DMA,
    ]

    @functools.partial(
        pl.kernel,
        mesh=mesh,
        compiler_params=pltpu.CompilerParams(needs_layout_passes=False,
                                             use_tc_tiling_on_sc=False),
        out_type=jax.ShapeDtypeStruct((2, NP, accw), jnp.float32),
        scratch_types=scratch,
    )
    def edge_pass(*refs):
        it = iter(refs)
        sd_h = next(it)
        hx_h = next(it)
        ad_h = next(it)
        out_h = next(it)
        acc = next(it)
        sds = (next(it), next(it), next(it), next(it))
        hbs = (next(it), next(it))
        abs_ = (next(it), next(it))
        cb = next(it)
        gss = (next(it), next(it))
        sss = (next(it), next(it))
        iss = (next(it), next(it))

        c = lax.axis_index("c")
        s = lax.axis_index("s")
        tile = c * 16 + s
        rows0 = s * NR
        cbase = tile * CH

        def issue_gather(r, bb):
            pltpu.async_copy(hx_h.at[sds[r].at[0]], hbs[bb], gss[bb])
            pltpu.async_copy(ad_h.at[sds[r].at[1]], abs_[bb], gss[bb])

        def wait_gather(bb):
            pltpu.make_async_copy(hx_h.at[pl.ds(0, K)], hbs[bb],
                                  gss[bb]).wait()
            pltpu.make_async_copy(ad_h.at[pl.ds(0, K)], abs_[bb],
                                  gss[bb]).wait()

        pltpu.sync_copy(sd_h.at[cbase], sds[0])
        pltpu.sync_copy(sd_h.at[cbase + 1], sds[1])
        issue_gather(0, 0)

        @plsc.parallel_loop(0, K, unroll=2)
        def zrow(r):
            for j in range(accw // 16):
                cb[r, pl.ds(j * 16, 16)] = jnp.zeros((16,), jnp.float32)

        for j in range(NR // K):
            pltpu.sync_copy(cb, acc.at[pl.ds(rows0 + j * K, K)])
        if NR % K:
            pltpu.sync_copy(cb.at[pl.ds(0, NR % K)],
                            acc.at[pl.ds(rows0 + (NR // K) * K, NR % K)])
        plsc.subcore_barrier()

        def quad(g, carry):
            for u in range(4):
                b = u % 2
                cur = 4 * g + u
                hbx = hbs[b]
                abx = abs_[b]

                @pl.when(cur + 1 < CH)
                def _():
                    @pl.when(cur >= 1)
                    def _():
                        pltpu.make_async_copy(sd_h.at[cbase],
                                              sds[(u + 1) % 4],
                                              iss[1 - b]).wait()
                    issue_gather((u + 1) % 4, 1 - b)

                @pl.when(cur + 2 < CH)
                def _():
                    pltpu.async_copy(sd_h.at[cbase + cur + 2],
                                     sds[(u + 2) % 4], iss[b])

                wait_gather(b)

                @pl.when(cur >= 1)
                def _():
                    pltpu.make_async_copy(cb, acc.at[pl.ds(0, K)],
                                          sss[1 - b]).wait()

                @plsc.parallel_loop(0, K, unroll=2)
                def edge(e):
                    ad = abx[e]
                    if multi:
                        a_s, _ = plsc.unpack(
                            hbx[e, pl.ds(128, 32)],
                            format=plsc.PackFormat.INTERLEAVED)
                    else:
                        h2v, a_s = plsc.unpack(
                            hbx[e], format=plsc.PackFormat.INTERLEAVED)
                    ev = a_s + ad
                    ev = jnp.where(ev >= 0.0, ev, 0.2 * ev)
                    w = jnp.exp(ev)
                    cb[e, pl.ds(hw, 16)] = w
                    if multi:
                        for gg in range(4):
                            idx = jnp.int32(2 * gg) + (
                                jax.lax.iota(jnp.int32, 16) // 8)
                            wpair = w.at[idx].get(mode="promise_in_bounds")
                            ve, vo = plsc.unpack(
                                hbx[e, pl.ds(gg * 32, 32)],
                                format=plsc.PackFormat.INTERLEAVED)
                            cb[e, pl.ds(gg * 32, 16)] = ve * wpair
                            cb[e, pl.ds(gg * 32 + 16, 16)] = vo * wpair
                    else:
                        idx0 = jnp.zeros((16,), jnp.int32)
                        wb = w.at[idx0].get(mode="promise_in_bounds")
                        cb[e, pl.ds(0, 16)] = wb * h2v

                pltpu.async_copy(cb, acc.at[sds[u].at[1]], sss[b], add=True)
            return carry

        lax.fori_loop(0, CH // 4, quad, 0)
        pltpu.make_async_copy(cb, acc.at[pl.ds(0, K)],
                              sss[(CH - 1) % 2]).wait()
        plsc.subcore_barrier()
        pltpu.sync_copy(acc.at[pl.ds(rows0, NR)],
                        out_h.at[c, pl.ds(rows0, NR)])

    return edge_pass


_edge_pass_l1 = _make_edge_pass(H1, H1 * HID)
_edge_pass_l2 = _make_edge_pass(1, HID)


def kernel(x, edge_index, W1, a_src1, a_dst1, b1, W2, a_src2, a_dst2, b2,
           fc_w, fc_b):
    f32 = jnp.float32
    xp = jnp.zeros((NP, D), f32).at[:N].set(x)
    loop = jnp.arange(N, dtype=jnp.int32)
    pad = DUMMY + (jnp.arange(EP - ET, dtype=jnp.int32) % (NP - N))
    src = jnp.concatenate([edge_index[0], loop, pad])
    dst = jnp.concatenate([edge_index[1], loop, pad])
    sd = jnp.stack([src.reshape(NTILES * CH, K),
                    dst.reshape(NTILES * CH, K)], axis=1)

    cc = jnp.arange(D)
    m = (cc % 32) // 2
    P = 16 * (2 * (cc // 32) + m // 8) + 2 * (m % 8) + (cc % 2)
    Q = P[32 * (cc // 32) + 2 * (cc % 16) + (cc % 32) // 16]

    eye = jnp.eye(H1, 16, dtype=f32)
    As1 = (a_src1[:, :, None] * eye[:, None, :]).reshape(D, 16)
    Ad1 = (a_dst1[:, :, None] * eye[:, None, :]).reshape(D, 16)
    W1p = W1[:, P]
    C1 = jnp.zeros((D, 160), f32).at[:, :128].set(W1p)
    C1 = C1.at[:, 128::2].set(W1 @ As1)
    G1d = W1 @ Ad1
    RQ = (Q[None, :] // 16 == jnp.arange(16)[:, None]).astype(f32)
    b1Q = b1[Q].reshape(1, D)
    W2Q = W2[Q]
    av2 = W2Q @ a_src2[0]
    M2 = jnp.zeros((D, 32), f32).at[:, 0::2].set(W2Q).at[:, 1].set(av2)
    Ad2 = jnp.pad(a_dst2.T, ((0, 0), (0, 15)))
    NAd2 = W2Q @ Ad2

    sh = jax.ShapeDtypeStruct
    hbf, ad1 = _tc_call(
        _stage_a, [sh((NP, 160), jnp.bfloat16), sh((NP, 16), f32)])(
            xp, C1, G1d)
    acc1 = _edge_pass_l1(sd, hbf, ad1)
    hx2, ad2v = _tc_call(
        _stage_c, [sh((NP, 32), jnp.bfloat16), sh((NP, 16), f32)])(
            acc1, b1Q, RQ, M2, NAd2)
    acc2 = _edge_pass_l2(sd, hx2, ad2v)
    out = _tc_call(_stage_e, sh((N, 1), f32))(
        acc2[:, :N], b2.reshape(1, HID), fc_w, fc_b.reshape(1, 1))
    return out

# --- scband reference (transcript-rebuilt; emitter-appended) ---
"""Pipeline reference for scband-gat-10213432229996 (READ-ONLY COPY).

The authoritative reference and input builder live on the scoring server;
editing this copy changes nothing except your own understanding.
"""

import jax, jax.numpy as jnp
import numpy as np

N = 10000
E = 320000
D = 128
HID = 16
H1 = 8


def gat_conv(x, edge_index, W, a_src, a_dst, bias, heads, out_ch, concat):
    n = x.shape[0]
    loop = jnp.arange(n, dtype=edge_index.dtype)
    src = jnp.concatenate([edge_index[0], loop])
    dst = jnp.concatenate([edge_index[1], loop])
    h = (x @ W).reshape(n, heads, out_ch)
    a_s = jnp.sum(h * a_src, axis=-1)
    a_d = jnp.sum(h * a_dst, axis=-1)
    e = jax.nn.leaky_relu(a_s[src] + a_d[dst], negative_slope=0.2)
    m = jax.ops.segment_max(e, dst, num_segments=n)
    e = jnp.exp(e - m[dst])
    s = jax.ops.segment_sum(e, dst, num_segments=n)
    alpha = e / (s[dst] + 1e-16)
    out = jax.ops.segment_sum(h[src] * alpha[:, :, None], dst, num_segments=n)
    if concat:
        out = out.reshape(n, heads * out_ch)
    else:
        out = out.mean(axis=1)
    return out + bias


def setup_inputs(seed: int = 0):
    key = jax.random.key(seed)
    ks = jax.random.split(key, 12)
    x = jax.random.normal(ks[0], (N, D), dtype=jnp.float32)
    edge_index = jax.random.randint(ks[1], (2, E), 0, N, dtype=jnp.int32)
    W1 = jax.random.normal(ks[2], (D, H1 * HID), dtype=jnp.float32) * 0.1
    a_src1 = jax.random.normal(ks[3], (H1, HID), dtype=jnp.float32) * 0.1
    a_dst1 = jax.random.normal(ks[4], (H1, HID), dtype=jnp.float32) * 0.1
    b1 = jnp.zeros((H1 * HID,), dtype=jnp.float32)
    W2 = jax.random.normal(ks[5], (H1 * HID, HID), dtype=jnp.float32) * 0.1
    a_src2 = jax.random.normal(ks[6], (1, HID), dtype=jnp.float32) * 0.1
    a_dst2 = jax.random.normal(ks[7], (1, HID), dtype=jnp.float32) * 0.1
    b2 = jnp.zeros((HID,), dtype=jnp.float32)
    fc_w = jax.random.normal(ks[8], (HID, 1), dtype=jnp.float32) * 0.1
    fc_b = jnp.zeros((1,), dtype=jnp.float32)
    return {"x": x, "edge_index": edge_index, "W1": W1, "a_src1": a_src1, "a_dst1": a_dst1, "b1": b1, "W2": W2, "a_src2": a_src2, "a_dst2": a_dst2, "b2": b2, "fc_w": fc_w, "fc_b": fc_b}


def reference(x, edge_index, W1, a_src1, a_dst1, b1, W2, a_src2, a_dst2, b2, fc_w, fc_b):
    h = gat_conv(x, edge_index, W1, a_src1, a_dst1, b1, H1, HID, True)
    h = jax.nn.elu(h)
    # dropout is a no-op in eval mode
    h = gat_conv(h, edge_index, W2, a_src2, a_dst2, b2, 1, HID, False)
    h = jax.nn.elu(h)
    out = h @ fc_w + fc_b
    return jax.nn.softmax(out, axis=0)

if __name__ == "__main__":
    import jax
    _d = setup_inputs()
    print(jax.jit(kernel)(*tuple(_d.values())))

</pallas_src>

<mosaic_0001>
#map = affine_map<(d0, d1) -> (0, 0, 0)>
#map1 = affine_map<(d0, d1) -> (0, 0)>
module attributes {stable_mosaic.version = 14 : i64} {
  func.func @edge_pass(%arg0: i32, %arg1: i32, %arg2: memref<3072x2x112xi32, #tpu.memory_space<hbm>>, %arg3: memref<10112x32xbf16, #tpu.memory_space<hbm>>, %arg4: memref<10112x16xf32, #tpu.memory_space<hbm>>, %arg5: memref<2x10112x32xf32, #tpu.memory_space<hbm>>, %arg6: memref<10112x32xf32, #tpu.memory_space<vmem_shared>>, %arg7: memref<2x112xi32, #tpu.memory_space<vmem>>, %arg8: memref<2x112xi32, #tpu.memory_space<vmem>>, %arg9: memref<2x112xi32, #tpu.memory_space<vmem>>, %arg10: memref<2x112xi32, #tpu.memory_space<vmem>>, %arg11: memref<112x32xbf16, #tpu.memory_space<vmem>>, %arg12: memref<112x32xbf16, #tpu.memory_space<vmem>>, %arg13: memref<112x16xf32, #tpu.memory_space<vmem>>, %arg14: memref<112x16xf32, #tpu.memory_space<vmem>>, %arg15: memref<112x32xf32, #tpu.memory_space<vmem>>, %arg16: memref<!tpu.dma_semaphore, #tpu.memory_space<semaphore_mem>>, %arg17: memref<!tpu.dma_semaphore, #tpu.memory_space<semaphore_mem>>, %arg18: memref<!tpu.dma_semaphore, #tpu.memory_space<semaphore_mem>>, %arg19: memref<!tpu.dma_semaphore, #tpu.memory_space<semaphore_mem>>, %arg20: memref<!tpu.dma_semaphore, #tpu.memory_space<semaphore_mem>>, %arg21: memref<!tpu.dma_semaphore, #tpu.memory_space<semaphore_mem>>) attributes {dimension_semantics = [#tpu.dimension_semantics<core_parallel>, #tpu.dimension_semantics<subcore_parallel>], iteration_bounds = array<i64: 2, 16>, scalar_prefetch = 0 : i64, scratch_operands = 16 : i64, tpu.core_type = #tpu.core_type<sc_vector_subcore>, window_params = [{transform_indices = #map}, {transform_indices = #map1}, {transform_indices = #map1}, {transform_indices = #map}]} {
    %mul3A = arith.constant 16 : i32
    %mul3A_0 = arith.muli %arg0, %mul3A : i32
    %add3A = arith.addi %mul3A_0, %arg1 : i32
    %mul3A_1 = arith.constant 632 : i32
    %mul3A_2 = arith.muli %arg1, %mul3A_1 : i32
    %mul3A_3 = arith.constant 96 : i32
    %mul3A_4 = arith.muli %add3A, %mul3A_3 : i32
    "tpu.region"() ({
      %run_scoped3A = tpu.sem_alloc : memref<!tpu.dma_semaphore, #tpu.memory_space<semaphore_mem>>
      %dma_start3A_45 = arith.constant 0 : i32
      %dma_start3A_46 = arith.constant 0 : i32
      %dma_start3A_47 = tpu.memref_slice %arg2[%mul3A_4, %dma_start3A_45, %dma_start3A_46] : memref<3072x2x112xi32, #tpu.memory_space<hbm>> -> memref<1x2x112xi32, #tpu.memory_space<hbm>>
      %dma_start3A_48 = tpu.memref_squeeze %dma_start3A_47 : memref<1x2x112xi32, #tpu.memory_space<hbm>> -> memref<2x112xi32, #tpu.memory_space<hbm>>
      %dma_start3A_49 = arith.constant 0 : i32
      %dma_start3A_50 = arith.constant 0 : i32
      %dma_start3A_51 = tpu.memref_slice %arg2[%mul3A_4, %dma_start3A_49, %dma_start3A_50] : memref<3072x2x112xi32, #tpu.memory_space<hbm>> -> memref<1x2x112xi32, #tpu.memory_space<hbm>>
      %dma_start3A_52 = tpu.memref_squeeze %dma_start3A_51 : memref<1x2x112xi32, #tpu.memory_space<hbm>> -> memref<2x112xi32, #tpu.memory_space<hbm>>
      tpu.enqueue_dma source(%dma_start3A_52 : memref<2x112xi32, #tpu.memory_space<hbm>>) target(%arg7 : memref<2x112xi32, #tpu.memory_space<vmem>>) target_semaphore(%run_scoped3A : memref<!tpu.dma_semaphore, #tpu.memory_space<semaphore_mem>>)
      %dma_wait3A_53 = arith.constant 0 : i32
      %dma_wait3A_54 = arith.constant 0 : i32
      %dma_wait3A_55 = tpu.memref_slice %arg2[%mul3A_4, %dma_wait3A_53, %dma_wait3A_54] : memref<3072x2x112xi32, #tpu.memory_space<hbm>> -> memref<1x2x112xi32, #tpu.memory_space<hbm>>
      %dma_wait3A_56 = tpu.memref_squeeze %dma_wait3A_55 : memref<1x2x112xi32, #tpu.memory_space<hbm>> -> memref<2x112xi32, #tpu.memory_space<hbm>>
      %dma_wait3A_57 = arith.constant 0 : i32
      %dma_wait3A_58 = arith.constant 0 : i32
      %dma_wait3A_59 = tpu.memref_slice %arg2[%mul3A_4, %dma_wait3A_57, %dma_wait3A_58] : memref<3072x2x112xi32, #tpu.memory_space<hbm>> -> memref<1x2x112xi32, #tpu.memory_space<hbm>>
      %dma_wait3A_60 = tpu.memref_squeeze %dma_wait3A_59 : memref<1x2x112xi32, #tpu.memory_space<hbm>> -> memref<2x112xi32, #tpu.memory_space<hbm>>
      tpu.wait_dma2 semaphore(%run_scoped3A : memref<!tpu.dma_semaphore, #tpu.memory_space<semaphore_mem>>) src(%dma_wait3A_60 : memref<2x112xi32, #tpu.memory_space<hbm>>) dst(%arg7 : memref<2x112xi32, #tpu.memory_space<vmem>>)
      tpu.yield
    }) : () -> ()
    %add3A_5 = arith.constant 1 : i32
    %add3A_6 = arith.addi %mul3A_4, %add3A_5 : i32
    "tpu.region"() ({
      %run_scoped3A = tpu.sem_alloc : memref<!tpu.dma_semaphore, #tpu.memory_space<semaphore_mem>>
      %dma_start3A_45 = arith.constant 0 : i32
      %dma_start3A_46 = arith.constant 0 : i32
      %dma_start3A_47 = tpu.memref_slice %arg2[%add3A_6, %dma_start3A_45, %dma_start3A_46] : memref<3072x2x112xi32, #tpu.memory_space<hbm>> -> memref<1x2x112xi32, #tpu.memory_space<hbm>>
      %dma_start3A_48 = tpu.memref_squeeze %dma_start3A_47 : memref<1x2x112xi32, #tpu.memory_space<hbm>> -> memref<2x112xi32, #tpu.memory_space<hbm>>
      %dma_start3A_49 = arith.constant 0 : i32
      %dma_start3A_50 = arith.constant 0 : i32
      %dma_start3A_51 = tpu.memref_slice %arg2[%add3A_6, %dma_start3A_49, %dma_start3A_50] : memref<3072x2x112xi32, #tpu.memory_space<hbm>> -> memref<1x2x112xi32, #tpu.memory_space<hbm>>
      %dma_start3A_52 = tpu.memref_squeeze %dma_start3A_51 : memref<1x2x112xi32, #tpu.memory_space<hbm>> -> memref<2x112xi32, #tpu.memory_space<hbm>>
      tpu.enqueue_dma source(%dma_start3A_52 : memref<2x112xi32, #tpu.memory_space<hbm>>) target(%arg8 : memref<2x112xi32, #tpu.memory_space<vmem>>) target_semaphore(%run_scoped3A : memref<!tpu.dma_semaphore, #tpu.memory_space<semaphore_mem>>)
      %dma_wait3A_53 = arith.constant 0 : i32
      %dma_wait3A_54 = arith.constant 0 : i32
      %dma_wait3A_55 = tpu.memref_slice %arg2[%add3A_6, %dma_wait3A_53, %dma_wait3A_54] : memref<3072x2x112xi32, #tpu.memory_space<hbm>> -> memref<1x2x112xi32, #tpu.memory_space<hbm>>
      %dma_wait3A_56 = tpu.memref_squeeze %dma_wait3A_55 : memref<1x2x112xi32, #tpu.memory_space<hbm>> -> memref<2x112xi32, #tpu.memory_space<hbm>>
      %dma_wait3A_57 = arith.constant 0 : i32
      %dma_wait3A_58 = arith.constant 0 : i32
      %dma_wait3A_59 = tpu.memref_slice %arg2[%add3A_6, %dma_wait3A_57, %dma_wait3A_58] : memref<3072x2x112xi32, #tpu.memory_space<hbm>> -> memref<1x2x112xi32, #tpu.memory_space<hbm>>
      %dma_wait3A_60 = tpu.memref_squeeze %dma_wait3A_59 : memref<1x2x112xi32, #tpu.memory_space<hbm>> -> memref<2x112xi32, #tpu.memory_space<hbm>>
      tpu.wait_dma2 semaphore(%run_scoped3A : memref<!tpu.dma_semaphore, #tpu.memory_space<semaphore_mem>>) src(%dma_wait3A_60 : memref<2x112xi32, #tpu.memory_space<hbm>>) dst(%arg8 : memref<2x112xi32, #tpu.memory_space<vmem>>)
      tpu.yield
    }) : () -> ()
    %dma_start3A = arith.constant 0 : i32
    %dma_start3A_7 = arith.constant 0 : i32
    %dma_start3A_8 = tpu.memref_slice %arg7[%dma_start3A, %dma_start3A_7] : memref<2x112xi32, #tpu.memory_space<vmem>> -> memref<1x112xi32, #tpu.memory_space<vmem>>
    %dma_start3A_9 = tpu.memref_squeeze %dma_start3A_8 : memref<1x112xi32, #tpu.memory_space<vmem>> -> memref<112xi32, #tpu.memory_space<vmem>>
    %dma_start3A_10 = arith.constant 0 : i32
    %dma_start3A_11 = arith.constant 0 : i32
    %dma_start3A_12 = tpu.memref_slice %arg3[%dma_start3A_10, %dma_start3A_11] : memref<10112x32xbf16, #tpu.memory_space<hbm>> -> memref<10112x32xbf16, #tpu.memory_space<hbm>>
    tpu.enqueue_indirect_dma source(%dma_start3A_12 : memref<10112x32xbf16, #tpu.memory_space<hbm>>) target(%arg11 : memref<112x32xbf16, #tpu.memory_space<vmem>>) offsets(%dma_start3A_9 : memref<112xi32, #tpu.memory_space<vmem>>) semaphore(%arg16 : memref<!tpu.dma_semaphore, #tpu.memory_space<semaphore_mem>>)
    %dma_start3A_13 = arith.constant 1 : i32
    %dma_start3A_14 = arith.constant 0 : i32
    %dma_start3A_15 = tpu.memref_slice %arg7[%dma_start3A_13, %dma_start3A_14] : memref<2x112xi32, #tpu.memory_space<vmem>> -> memref<1x112xi32, #tpu.memory_space<vmem>>
    %dma_start3A_16 = tpu.memref_squeeze %dma_start3A_15 : memref<1x112xi32, #tpu.memory_space<vmem>> -> memref<112xi32, #tpu.memory_space<vmem>>
    %dma_start3A_17 = arith.constant 0 : i32
    %dma_start3A_18 = arith.constant 0 : i32
    %dma_start3A_19 = tpu.memref_slice %arg4[%dma_start3A_17, %dma_start3A_18] : memref<10112x16xf32, #tpu.memory_space<hbm>> -> memref<10112x16xf32, #tpu.memory_space<hbm>>
    tpu.enqueue_indirect_dma source(%dma_start3A_19 : memref<10112x16xf32, #tpu.memory_space<hbm>>) target(%arg13 : memref<112x16xf32, #tpu.memory_space<vmem>>) offsets(%dma_start3A_16 : memref<112xi32, #tpu.memory_space<vmem>>) semaphore(%arg16 : memref<!tpu.dma_semaphore, #tpu.memory_space<semaphore_mem>>)
    %parallel_loop3A = arith.constant 0 : i32
    %parallel_loop3A_20 = arith.constant 112 : i32
    %parallel_loop3A_21 = arith.constant 1 : i32
    scf.for %parallel_loop3A_45 = %parallel_loop3A to %parallel_loop3A_20 step %parallel_loop3A_21  : i32 {
      %parallel_loop3A_46 = arith.constant 0.000000e+00 : f32
      %parallel_loop3A_47 = vector.broadcast %parallel_loop3A_46 : f32 to vector<16xf32>
      %parallel_loop3A_48 = arith.index_cast %parallel_loop3A_45 : i32 to index
      %parallel_loop3A_49 = arith.constant 0 : index
      %parallel_loop3A_50 = tpu.vector_load %arg15[%parallel_loop3A_48, %parallel_loop3A_49] {strides = array<i32>} : memref<112x32xf32, #tpu.memory_space<vmem>>, vector<16xf32>,
      tpu.vector_store %arg15[%parallel_loop3A_48, %parallel_loop3A_49], %parallel_loop3A_47 {strides = array<i32>} : memref<112x32xf32, #tpu.memory_space<vmem>>, vector<16xf32>,
      %parallel_loop3A_51 = arith.constant 0.000000e+00 : f32
      %parallel_loop3A_52 = vector.broadcast %parallel_loop3A_51 : f32 to vector<16xf32>
      %parallel_loop3A_53 = arith.index_cast %parallel_loop3A_45 : i32 to index
      %parallel_loop3A_54 = arith.constant 16 : index
      %parallel_loop3A_55 = tpu.vector_load %arg15[%parallel_loop3A_53, %parallel_loop3A_54] {strides = array<i32>} : memref<112x32xf32, #tpu.memory_space<vmem>>, vector<16xf32>,
      tpu.vector_store %arg15[%parallel_loop3A_53, %parallel_loop3A_54], %parallel_loop3A_52 {strides = array<i32>} : memref<112x32xf32, #tpu.memory_space<vmem>>, vector<16xf32>,
    } {sc.loop_unroll_factor = 2 : i64, sc.parallel_access}
    %add3A_22 = arith.constant 0 : i32
    %add3A_23 = arith.addi %mul3A_2, %add3A_22 : i32
    "tpu.region"() ({
      %run_scoped3A = tpu.sem_alloc : memref<!tpu.dma_semaphore, #tpu.memory_space<semaphore_mem>>
      %dma_start3A_45 = arith.constant 0 : i32
      %dma_start3A_46 = tpu.memref_slice %arg6[%add3A_23, %dma_start3A_45] : memref<10112x32xf32, #tpu.memory_space<vmem_shared>> -> memref<112x32xf32, #tpu.memory_space<vmem_shared>>
      %dma_start3A_47 = arith.constant 0 : i32
      %dma_start3A_48 = tpu.memref_slice %arg6[%add3A_23, %dma_start3A_47] : memref<10112x32xf32, #tpu.memory_space<vmem_shared>> -> memref<112x32xf32, #tpu.memory_space<vmem_shared>>
      tpu.enqueue_dma source(%arg15 : memref<112x32xf32, #tpu.memory_space<vmem>>) target(%dma_start3A_48 : memref<112x32xf32, #tpu.memory_space<vmem_shared>>) target_semaphore(%run_scoped3A : memref<!tpu.dma_semaphore, #tpu.memory_space<semaphore_mem>>)
      %dma_wait3A_49 = arith.constant 0 : i32
      %dma_wait3A_50 = tpu.memref_slice %arg6[%add3A_23, %dma_wait3A_49] : memref<10112x32xf32, #tpu.memory_space<vmem_shared>> -> memref<112x32xf32, #tpu.memory_space<vmem_shared>>
      %dma_wait3A_51 = arith.constant 0 : i32
      %dma_wait3A_52 = tpu.memref_slice %arg6[%add3A_23, %dma_wait3A_51] : memref<10112x32xf32, #tpu.memory_space<vmem_shared>> -> memref<112x32xf32, #tpu.memory_space<vmem_shared>>
      tpu.wait_dma2 semaphore(%run_scoped3A : memref<!tpu.dma_semaphore, #tpu.memory_space<semaphore_mem>>) src(%arg15 : memref<112x32xf32, #tpu.memory_space<vmem>>) dst(%dma_wait3A_52 : memref<112x32xf32, #tpu.memory_space<vmem_shared>>)
      tpu.yield
    }) : () -> ()
    %add3A_24 = arith.constant 112 : i32
    %add3A_25 = arith.addi %mul3A_2, %add3A_24 : i32
    "tpu.region"() ({
      %run_scoped3A = tpu.sem_alloc : memref<!tpu.dma_semaphore, #tpu.memory_space<semaphore_mem>>
      %dma_start3A_45 = arith.constant 0 : i32
      %dma_start3A_46 = tpu.memref_slice %arg6[%add3A_25, %dma_start3A_45] : memref<10112x32xf32, #tpu.memory_space<vmem_shared>> -> memref<112x32xf32, #tpu.memory_space<vmem_shared>>
      %dma_start3A_47 = arith.constant 0 : i32
      %dma_start3A_48 = tpu.memref_slice %arg6[%add3A_25, %dma_start3A_47] : memref<10112x32xf32, #tpu.memory_space<vmem_shared>> -> memref<112x32xf32, #tpu.memory_space<vmem_shared>>
      tpu.enqueue_dma source(%arg15 : memref<112x32xf32, #tpu.memory_space<vmem>>) target(%dma_start3A_48 : memref<112x32xf32, #tpu.memory_space<vmem_shared>>) target_semaphore(%run_scoped3A : memref<!tpu.dma_semaphore, #tpu.memory_space<semaphore_mem>>)
      %dma_wait3A_49 = arith.constant 0 : i32
      %dma_wait3A_50 = tpu.memref_slice %arg6[%add3A_25, %dma_wait3A_49] : memref<10112x32xf32, #tpu.memory_space<vmem_shared>> -> memref<112x32xf32, #tpu.memory_space<vmem_shared>>
      %dma_wait3A_51 = arith.constant 0 : i32
      %dma_wait3A_52 = tpu.memref_slice %arg6[%add3A_25, %dma_wait3A_51] : memref<10112x32xf32, #tpu.memory_space<vmem_shared>> -> memref<112x32xf32, #tpu.memory_space<vmem_shared>>
      tpu.wait_dma2 semaphore(%run_scoped3A : memref<!tpu.dma_semaphore, #tpu.memory_space<semaphore_mem>>) src(%arg15 : memref<112x32xf32, #tpu.memory_space<vmem>>) dst(%dma_wait3A_52 : memref<112x32xf32, #tpu.memory_space<vmem_shared>>)
      tpu.yield
    }) : () -> ()
    %add3A_26 = arith.constant 224 : i32
    %add3A_27 = arith.addi %mul3A_2, %add3A_26 : i32
    "tpu.region"() ({
      %run_scoped3A = tpu.sem_alloc : memref<!tpu.dma_semaphore, #tpu.memory_space<semaphore_mem>>
      %dma_start3A_45 = arith.constant 0 : i32
      %dma_start3A_46 = tpu.memref_slice %arg6[%add3A_27, %dma_start3A_45] : memref<10112x32xf32, #tpu.memory_space<vmem_shared>> -> memref<112x32xf32, #tpu.memory_space<vmem_shared>>
      %dma_start3A_47 = arith.constant 0 : i32
      %dma_start3A_48 = tpu.memref_slice %arg6[%add3A_27, %dma_start3A_47] : memref<10112x32xf32, #tpu.memory_space<vmem_shared>> -> memref<112x32xf32, #tpu.memory_space<vmem_shared>>
      tpu.enqueue_dma source(%arg15 : memref<112x32xf32, #tpu.memory_space<vmem>>) target(%dma_start3A_48 : memref<112x32xf32, #tpu.memory_space<vmem_shared>>) target_semaphore(%run_scoped3A : memref<!tpu.dma_semaphore, #tpu.memory_space<semaphore_mem>>)
      %dma_wait3A_49 = arith.constant 0 : i32
      %dma_wait3A_50 = tpu.memref_slice %arg6[%add3A_27, %dma_wait3A_49] : memref<10112x32xf32, #tpu.memory_space<vmem_shared>> -> memref<112x32xf32, #tpu.memory_space<vmem_shared>>
      %dma_wait3A_51 = arith.constant 0 : i32
      %dma_wait3A_52 = tpu.memref_slice %arg6[%add3A_27, %dma_wait3A_51] : memref<10112x32xf32, #tpu.memory_space<vmem_shared>> -> memref<112x32xf32, #tpu.memory_space<vmem_shared>>
      tpu.wait_dma2 semaphore(%run_scoped3A : memref<!tpu.dma_semaphore, #tpu.memory_space<semaphore_mem>>) src(%arg15 : memref<112x32xf32, #tpu.memory_space<vmem>>) dst(%dma_wait3A_52 : memref<112x32xf32, #tpu.memory_space<vmem_shared>>)
      tpu.yield
    }) : () -> ()
    %add3A_28 = arith.constant 336 : i32
    %add3A_29 = arith.addi %mul3A_2, %add3A_28 : i32
    "tpu.region"() ({
      %run_scoped3A = tpu.sem_alloc : memref<!tpu.dma_semaphore, #tpu.memory_space<semaphore_mem>>
      %dma_start3A_45 = arith.constant 0 : i32
      %dma_start3A_46 = tpu.memref_slice %arg6[%add3A_29, %dma_start3A_45] : memref<10112x32xf32, #tpu.memory_space<vmem_shared>> -> memref<112x32xf32, #tpu.memory_space<vmem_shared>>
      %dma_start3A_47 = arith.constant 0 : i32
      %dma_start3A_48 = tpu.memref_slice %arg6[%add3A_29, %dma_start3A_47] : memref<10112x32xf32, #tpu.memory_space<vmem_shared>> -> memref<112x32xf32, #tpu.memory_space<vmem_shared>>
      tpu.enqueue_dma source(%arg15 : memref<112x32xf32, #tpu.memory_space<vmem>>) target(%dma_start3A_48 : memref<112x32xf32, #tpu.memory_space<vmem_shared>>) target_semaphore(%run_scoped3A : memref<!tpu.dma_semaphore, #tpu.memory_space<semaphore_mem>>)
      %dma_wait3A_49 = arith.constant 0 : i32
      %dma_wait3A_50 = tpu.memref_slice %arg6[%add3A_29, %dma_wait3A_49] : memref<10112x32xf32, #tpu.memory_space<vmem_shared>> -> memref<112x32xf32, #tpu.memory_space<vmem_shared>>
      %dma_wait3A_51 = arith.constant 0 : i32
      %dma_wait3A_52 = tpu.memref_slice %arg6[%add3A_29, %dma_wait3A_51] : memref<10112x32xf32, #tpu.memory_space<vmem_shared>> -> memref<112x32xf32, #tpu.memory_space<vmem_shared>>
      tpu.wait_dma2 semaphore(%run_scoped3A : memref<!tpu.dma_semaphore, #tpu.memory_space<semaphore_mem>>) src(%arg15 : memref<112x32xf32, #tpu.memory_space<vmem>>) dst(%dma_wait3A_52 : memref<112x32xf32, #tpu.memory_space<vmem_shared>>)
      tpu.yield
    }) : () -> ()
    %add3A_30 = arith.constant 448 : i32
    %add3A_31 = arith.addi %mul3A_2, %add3A_30 : i32
    "tpu.region"() ({
      %run_scoped3A = tpu.sem_alloc : memref<!tpu.dma_semaphore, #tpu.memory_space<semaphore_mem>>
      %dma_start3A_45 = arith.constant 0 : i32
      %dma_start3A_46 = tpu.memref_slice %arg6[%add3A_31, %dma_start3A_45] : memref<10112x32xf32, #tpu.memory_space<vmem_shared>> -> memref<112x32xf32, #tpu.memory_space<vmem_shared>>
      %dma_start3A_47 = arith.constant 0 : i32
      %dma_start3A_48 = tpu.memref_slice %arg6[%add3A_31, %dma_start3A_47] : memref<10112x32xf32, #tpu.memory_space<vmem_shared>> -> memref<112x32xf32, #tpu.memory_space<vmem_shared>>
      tpu.enqueue_dma source(%arg15 : memref<112x32xf32, #tpu.memory_space<vmem>>) target(%dma_start3A_48 : memref<112x32xf32, #tpu.memory_space<vmem_shared>>) target_semaphore(%run_scoped3A : memref<!tpu.dma_semaphore, #tpu.memory_space<semaphore_mem>>)
      %dma_wait3A_49 = arith.constant 0 : i32
      %dma_wait3A_50 = tpu.memref_slice %arg6[%add3A_31, %dma_wait3A_49] : memref<10112x32xf32, #tpu.memory_space<vmem_shared>> -> memref<112x32xf32, #tpu.memory_space<vmem_shared>>
      %dma_wait3A_51 = arith.constant 0 : i32
      %dma_wait3A_52 = tpu.memref_slice %arg6[%add3A_31, %dma_wait3A_51] : memref<10112x32xf32, #tpu.memory_space<vmem_shared>> -> memref<112x32xf32, #tpu.memory_space<vmem_shared>>
      tpu.wait_dma2 semaphore(%run_scoped3A : memref<!tpu.dma_semaphore, #tpu.memory_space<semaphore_mem>>) src(%arg15 : memref<112x32xf32, #tpu.memory_space<vmem>>) dst(%dma_wait3A_52 : memref<112x32xf32, #tpu.memory_space<vmem_shared>>)
      tpu.yield
    }) : () -> ()
    %add3A_32 = arith.constant 560 : i32
    %add3A_33 = arith.addi %mul3A_2, %add3A_32 : i32
    "tpu.region"() ({
      %run_scoped3A = tpu.sem_alloc : memref<!tpu.dma_semaphore, #tpu.memory_space<semaphore_mem>>
      %dma_start3A_45 = arith.constant 0 : i32
      %dma_start3A_46 = arith.constant 0 : i32
      %dma_start3A_47 = tpu.memref_slice %arg15[%dma_start3A_45, %dma_start3A_46] : memref<112x32xf32, #tpu.memory_space<vmem>> -> memref<72x32xf32, #tpu.memory_space<vmem>>
      %dma_start3A_48 = arith.constant 0 : i32
      %dma_start3A_49 = tpu.memref_slice %arg6[%add3A_33, %dma_start3A_48] : memref<10112x32xf32, #tpu.memory_space<vmem_shared>> -> memref<72x32xf32, #tpu.memory_space<vmem_shared>>
      %dma_start3A_50 = arith.constant 0 : i32
      %dma_start3A_51 = tpu.memref_slice %arg6[%add3A_33, %dma_start3A_50] : memref<10112x32xf32, #tpu.memory_space<vmem_shared>> -> memref<72x32xf32, #tpu.memory_space<vmem_shared>>
      %dma_start3A_52 = arith.constant 0 : i32
      %dma_start3A_53 = arith.constant 0 : i32
      %dma_start3A_54 = tpu.memref_slice %arg15[%dma_start3A_52, %dma_start3A_53] : memref<112x32xf32, #tpu.memory_space<vmem>> -> memref<72x32xf32, #tpu.memory_space<vmem>>
      tpu.enqueue_dma source(%dma_start3A_54 : memref<72x32xf32, #tpu.memory_space<vmem>>) target(%dma_start3A_51 : memref<72x32xf32, #tpu.memory_space<vmem_shared>>) target_semaphore(%run_scoped3A : memref<!tpu.dma_semaphore, #tpu.memory_space<semaphore_mem>>)
      %dma_wait3A_55 = arith.constant 0 : i32
      %dma_wait3A_56 = arith.constant 0 : i32
      %dma_wait3A_57 = tpu.memref_slice %arg15[%dma_wait3A_55, %dma_wait3A_56] : memref<112x32xf32, #tpu.memory_space<vmem>> -> memref<72x32xf32, #tpu.memory_space<vmem>>
      %dma_wait3A_58 = arith.constant 0 : i32
      %dma_wait3A_59 = tpu.memref_slice %arg6[%add3A_33, %dma_wait3A_58] : memref<10112x32xf32, #tpu.memory_space<vmem_shared>> -> memref<72x32xf32, #tpu.memory_space<vmem_shared>>
      %dma_wait3A_60 = arith.constant 0 : i32
      %dma_wait3A_61 = tpu.memref_slice %arg6[%add3A_33, %dma_wait3A_60] : memref<10112x32xf32, #tpu.memory_space<vmem_shared>> -> memref<72x32xf32, #tpu.memory_space<vmem_shared>>
      %dma_wait3A_62 = arith.constant 0 : i32
      %dma_wait3A_63 = arith.constant 0 : i32
      %dma_wait3A_64 = tpu.memref_slice %arg15[%dma_wait3A_62, %dma_wait3A_63] : memref<112x32xf32, #tpu.memory_space<vmem>> -> memref<72x32xf32, #tpu.memory_space<vmem>>
      tpu.wait_dma2 semaphore(%run_scoped3A : memref<!tpu.dma_semaphore, #tpu.memory_space<semaphore_mem>>) src(%dma_wait3A_64 : memref<72x32xf32, #tpu.memory_space<vmem>>) dst(%dma_wait3A_61 : memref<72x32xf32, #tpu.memory_space<vmem_shared>>)
      tpu.yield
    }) : () -> ()
    %barrier3A = arith.constant 0 : index
    tpu.barrier barrier_id(%barrier3A)
    %scan3A = arith.constant 0 : i32
    %scan3A_34 = arith.constant 0 : i32
    %scan3A_35 = arith.constant 24 : i32
    %scan3A_36 = arith.addi %scan3A_34, %scan3A_35 : i32
    %scan3A_37 = arith.constant 1 : i32
    scf.for %scan3A_45 = %scan3A_34 to %scan3A_36 step %scan3A_37  : i32 {
      %mul3A_46 = arith.constant 4 : i32
      %mul3A_47 = arith.muli %mul3A_46, %scan3A_45 : i32
      %add3A_48 = arith.constant 0 : i32
      %add3A_49 = arith.addi %mul3A_47, %add3A_48 : i32
      %add3A_50 = arith.constant 1 : i32
      %add3A_51 = arith.addi %add3A_49, %add3A_50 : i32
      %lt3A = arith.constant 96 : i32
      %lt3A_52 = arith.cmpi slt, %add3A_51, %lt3A : i32
      %convert_element_type3A = arith.extui %lt3A_52 : i1 to i32
      %cond3A = arith.constant 0 : i32
      %cond3A_53 = arith.cmpi ne, %convert_element_type3A, %cond3A : i32
      scf.if %cond3A_53 {
        %ge3A_222 = arith.constant 1 : i32
        %ge3A_223 = arith.cmpi sge, %add3A_49, %ge3A_222 : i32
        %convert_element_type3A_224 = arith.extui %ge3A_223 : i1 to i32
        %cond3A_225 = arith.constant 0 : i32
        %cond3A_226 = arith.cmpi ne, %convert_element_type3A_224, %cond3A_225 : i32
        scf.if %cond3A_226 {
          %dma_wait3A_241 = arith.constant 0 : i32
          %dma_wait3A_242 = arith.constant 0 : i32
          %dma_wait3A_243 = tpu.memref_slice %arg2[%mul3A_4, %dma_wait3A_241, %dma_wait3A_242] : memref<3072x2x112xi32, #tpu.memory_space<hbm>> -> memref<1x2x112xi32, #tpu.memory_space<hbm>>
          %dma_wait3A_244 = tpu.memref_squeeze %dma_wait3A_243 : memref<1x2x112xi32, #tpu.memory_space<hbm>> -> memref<2x112xi32, #tpu.memory_space<hbm>>
          %dma_wait3A_245 = arith.constant 0 : i32
          %dma_wait3A_246 = arith.constant 0 : i32
          %dma_wait3A_247 = tpu.memref_slice %arg2[%mul3A_4, %dma_wait3A_245, %dma_wait3A_246] : memref<3072x2x112xi32, #tpu.memory_space<hbm>> -> memref<1x2x112xi32, #tpu.memory_space<hbm>>
          %dma_wait3A_248 = tpu.memref_squeeze %dma_wait3A_247 : memref<1x2x112xi32, #tpu.memory_space<hbm>> -> memref<2x112xi32, #tpu.memory_space<hbm>>
          tpu.wait_dma2 semaphore(%arg21 : memref<!tpu.dma_semaphore, #tpu.memory_space<semaphore_mem>>) src(%dma_wait3A_248 : memref<2x112xi32, #tpu.memory_space<hbm>>) dst(%arg8 : memref<2x112xi32, #tpu.memory_space<vmem>>)
        } else {
        }
        %dma_start3A_227 = arith.constant 0 : i32
        %dma_start3A_228 = arith.constant 0 : i32
        %dma_start3A_229 = tpu.memref_slice %arg8[%dma_start3A_227, %dma_start3A_228] : memref<2x112xi32, #tpu.memory_space<vmem>> -> memref<1x112xi32, #tpu.memory_space<vmem>>
        %dma_start3A_230 = tpu.memref_squeeze %dma_start3A_229 : memref<1x112xi32, #tpu.memory_space<vmem>> -> memref<112xi32, #tpu.memory_space<vmem>>
        %dma_start3A_231 = arith.constant 0 : i32
        %dma_start3A_232 = arith.constant 0 : i32
        %dma_start3A_233 = tpu.memref_slice %arg3[%dma_start3A_231, %dma_start3A_232] : memref<10112x32xbf16, #tpu.memory_space<hbm>> -> memref<10112x32xbf16, #tpu.memory_space<hbm>>
        tpu.enqueue_indirect_dma source(%dma_start3A_233 : memref<10112x32xbf16, #tpu.memory_space<hbm>>) target(%arg12 : memref<112x32xbf16, #tpu.memory_space<vmem>>) offsets(%dma_start3A_230 : memref<112xi32, #tpu.memory_space<vmem>>) semaphore(%arg17 : memref<!tpu.dma_semaphore, #tpu.memory_space<semaphore_mem>>)
        %dma_start3A_234 = arith.constant 1 : i32
        %dma_start3A_235 = arith.constant 0 : i32
        %dma_start3A_236 = tpu.memref_slice %arg8[%dma_start3A_234, %dma_start3A_235] : memref<2x112xi32, #tpu.memory_space<vmem>> -> memref<1x112xi32, #tpu.memory_space<vmem>>
        %dma_start3A_237 = tpu.memref_squeeze %dma_start3A_236 : memref<1x112xi32, #tpu.memory_space<vmem>> -> memref<112xi32, #tpu.memory_space<vmem>>
        %dma_start3A_238 = arith.constant 0 : i32
        %dma_start3A_239 = arith.constant 0 : i32
        %dma_start3A_240 = tpu.memref_slice %arg4[%dma_start3A_238, %dma_start3A_239] : memref<10112x16xf32, #tpu.memory_space<hbm>> -> memref<10112x16xf32, #tpu.memory_space<hbm>>
        tpu.enqueue_indirect_dma source(%dma_start3A_240 : memref<10112x16xf32, #tpu.memory_space<hbm>>) target(%arg14 : memref<112x16xf32, #tpu.memory_space<vmem>>) offsets(%dma_start3A_237 : memref<112xi32, #tpu.memory_space<vmem>>) semaphore(%arg17 : memref<!tpu.dma_semaphore, #tpu.memory_space<semaphore_mem>>)
      } else {
      }
      %add3A_54 = arith.constant 2 : i32
      %add3A_55 = arith.addi %add3A_49, %add3A_54 : i32
      %lt3A_56 = arith.constant 96 : i32
      %lt3A_57 = arith.cmpi slt, %add3A_55, %lt3A_56 : i32
      %convert_element_type3A_58 = arith.extui %lt3A_57 : i1 to i32
      %cond3A_59 = arith.constant 0 : i32
      %cond3A_60 = arith.cmpi ne, %convert_element_type3A_58, %cond3A_59 : i32
      scf.if %cond3A_60 {
        %add3A_222 = arith.addi %mul3A_4, %add3A_49 : i32
        %add3A_223 = arith.constant 2 : i32
        %add3A_224 = arith.addi %add3A_222, %add3A_223 : i32
        %dma_start3A_225 = arith.constant 0 : i32
        %dma_start3A_226 = arith.constant 0 : i32
        %dma_start3A_227 = tpu.memref_slice %arg2[%add3A_224, %dma_start3A_225, %dma_start3A_226] : memref<3072x2x112xi32, #tpu.memory_space<hbm>> -> memref<1x2x112xi32, #tpu.memory_space<hbm>>
        %dma_start3A_228 = tpu.memref_squeeze %dma_start3A_227 : memref<1x2x112xi32, #tpu.memory_space<hbm>> -> memref<2x112xi32, #tpu.memory_space<hbm>>
        %dma_start3A_229 = arith.constant 0 : i32
        %dma_start3A_230 = arith.constant 0 : i32
        %dma_start3A_231 = tpu.memref_slice %arg2[%add3A_224, %dma_start3A_229, %dma_start3A_230] : memref<3072x2x112xi32, #tpu.memory_space<hbm>> -> memref<1x2x112xi32, #tpu.memory_space<hbm>>
        %dma_start3A_232 = tpu.memref_squeeze %dma_start3A_231 : memref<1x2x112xi32, #tpu.memory_space<hbm>> -> memref<2x112xi32, #tpu.memory_space<hbm>>
        tpu.enqueue_dma source(%dma_start3A_232 : memref<2x112xi32, #tpu.memory_space<hbm>>) target(%arg9 : memref<2x112xi32, #tpu.memory_space<vmem>>) target_semaphore(%arg20 : memref<!tpu.dma_semaphore, #tpu.memory_space<semaphore_mem>>)
      } else {
      }
      %dma_wait3A_61 = arith.constant 0 : i32
      %dma_wait3A_62 = arith.constant 0 : i32
      %dma_wait3A_63 = tpu.memref_slice %arg3[%dma_wait3A_61, %dma_wait3A_62] : memref<10112x32xbf16, #tpu.memory_space<hbm>> -> memref<112x32xbf16, #tpu.memory_space<hbm>>
      %dma_wait3A_64 = arith.constant 0 : i32
      %dma_wait3A_65 = arith.constant 0 : i32
      %dma_wait3A_66 = tpu.memref_slice %arg3[%dma_wait3A_64, %dma_wait3A_65] : memref<10112x32xbf16, #tpu.memory_space<hbm>> -> memref<112x32xbf16, #tpu.memory_space<hbm>>
      tpu.wait_dma2 semaphore(%arg16 : memref<!tpu.dma_semaphore, #tpu.memory_space<semaphore_mem>>) src(%dma_wait3A_66 : memref<112x32xbf16, #tpu.memory_space<hbm>>) dst(%arg11 : memref<112x32xbf16, #tpu.memory_space<vmem>>)
      %dma_wait3A_67 = arith.constant 0 : i32
      %dma_wait3A_68 = arith.constant 0 : i32
      %dma_wait3A_69 = tpu.memref_slice %arg4[%dma_wait3A_67, %dma_wait3A_68] : memref<10112x16xf32, #tpu.memory_space<hbm>> -> memref<112x16xf32, #tpu.memory_space<hbm>>
      %dma_wait3A_70 = arith.constant 0 : i32
      %dma_wait3A_71 = arith.constant 0 : i32
      %dma_wait3A_72 = tpu.memref_slice %arg4[%dma_wait3A_70, %dma_wait3A_71] : memref<10112x16xf32, #tpu.memory_space<hbm>> -> memref<112x16xf32, #tpu.memory_space<hbm>>
      tpu.wait_dma2 semaphore(%arg16 : memref<!tpu.dma_semaphore, #tpu.memory_space<semaphore_mem>>) src(%dma_wait3A_72 : memref<112x16xf32, #tpu.memory_space<hbm>>) dst(%arg13 : memref<112x16xf32, #tpu.memory_space<vmem>>)
      %ge3A = arith.constant 1 : i32
      %ge3A_73 = arith.cmpi sge, %add3A_49, %ge3A : i32
      %convert_element_type3A_74 = arith.extui %ge3A_73 : i1 to i32
      %cond3A_75 = arith.constant 0 : i32
      %cond3A_76 = arith.cmpi ne, %convert_element_type3A_74, %cond3A_75 : i32
      scf.if %cond3A_76 {
        %dma_wait3A_222 = arith.constant 0 : i32
        %dma_wait3A_223 = arith.constant 0 : i32
        %dma_wait3A_224 = tpu.memref_slice %arg6[%dma_wait3A_222, %dma_wait3A_223] : memref<10112x32xf32, #tpu.memory_space<vmem_shared>> -> memref<112x32xf32, #tpu.memory_space<vmem_shared>>
        %dma_wait3A_225 = arith.constant 0 : i32
        %dma_wait3A_226 = arith.constant 0 : i32
        %dma_wait3A_227 = tpu.memref_slice %arg6[%dma_wait3A_225, %dma_wait3A_226] : memref<10112x32xf32, #tpu.memory_space<vmem_shared>> -> memref<112x32xf32, #tpu.memory_space<vmem_shared>>
        tpu.wait_dma2 semaphore(%arg19 : memref<!tpu.dma_semaphore, #tpu.memory_space<semaphore_mem>>) src(%arg15 : memref<112x32xf32, #tpu.memory_space<vmem>>) dst(%dma_wait3A_227 : memref<112x32xf32, #tpu.memory_space<vmem_shared>>)
      } else {
      }
      %parallel_loop3A_77 = arith.constant 0 : i32
      %parallel_loop3A_78 = arith.constant 112 : i32
      %parallel_loop3A_79 = arith.constant 1 : i32
      scf.for %parallel_loop3A_222 = %parallel_loop3A_77 to %parallel_loop3A_78 step %parallel_loop3A_79  : i32 {
        %parallel_loop3A_223 = arith.index_cast %parallel_loop3A_222 : i32 to index
        %parallel_loop3A_224 = arith.constant 0 : index
        %parallel_loop3A_225 = tpu.vector_load %arg13[%parallel_loop3A_223, %parallel_loop3A_224] {strides = array<i32>} : memref<112x16xf32, #tpu.memory_space<vmem>>, vector<16xf32>,
        %parallel_loop3A_226 = arith.index_cast %parallel_loop3A_222 : i32 to index
        %parallel_loop3A_227 = arith.constant 0 : index
        %parallel_loop3A_228 = tpu.vector_load %arg11[%parallel_loop3A_226, %parallel_loop3A_227] {strides = array<i32>} : memref<112x32xbf16, #tpu.memory_space<vmem>>, vector<32xbf16>,
        %parallel_loop3A_229 = tpu.unpack_subelements %parallel_loop3A_228, 0 {pack_format = #tpu.pack_format<interleaved>} : vector<32xbf16> -> vector<16xf32>
        %parallel_loop3A_230 = tpu.unpack_subelements %parallel_loop3A_228, 1 {pack_format = #tpu.pack_format<interleaved>} : vector<32xbf16> -> vector<16xf32>
        %parallel_loop3A_231 = arith.addf %parallel_loop3A_230, %parallel_loop3A_225 : vector<16xf32>
        %parallel_loop3A_232 = arith.constant 0.000000e+00 : f32
        %parallel_loop3A_233 = vector.broadcast %parallel_loop3A_232 : f32 to vector<16xf32>
        %parallel_loop3A_234 = arith.cmpf oge, %parallel_loop3A_231, %parallel_loop3A_233 : vector<16xf32>
        %parallel_loop3A_235 = arith.constant 2.000000e-01 : f32
        %parallel_loop3A_236 = vector.broadcast %parallel_loop3A_235 : f32 to vector<16xf32>
        %parallel_loop3A_237 = arith.mulf %parallel_loop3A_236, %parallel_loop3A_231 : vector<16xf32>
        %parallel_loop3A_238 = arith.select %parallel_loop3A_234, %parallel_loop3A_231, %parallel_loop3A_237 : vector<16xi1>, vector<16xf32>
        %parallel_loop3A_239 = math.exp %parallel_loop3A_238 : vector<16xf32>
        %parallel_loop3A_240 = arith.index_cast %parallel_loop3A_222 : i32 to index
        %parallel_loop3A_241 = arith.constant 16 : index
        %parallel_loop3A_242 = tpu.vector_load %arg15[%parallel_loop3A_240, %parallel_loop3A_241] {strides = array<i32>} : memref<112x32xf32, #tpu.memory_space<vmem>>, vector<16xf32>,
        tpu.vector_store %arg15[%parallel_loop3A_240, %parallel_loop3A_241], %parallel_loop3A_239 {strides = array<i32>} : memref<112x32xf32, #tpu.memory_space<vmem>>, vector<16xf32>,
        %parallel_loop3A_243 = arith.constant 0 : i32
        %parallel_loop3A_244 = vector.broadcast %parallel_loop3A_243 : i32 to vector<16xi32>
        %parallel_loop3A_245 = arith.constant 0 : i32
        %parallel_loop3A_246 = vector.broadcast %parallel_loop3A_245 : i32 to vector<16xi32>
        %parallel_loop3A_247 = arith.cmpi slt, %parallel_loop3A_244, %parallel_loop3A_246 : vector<16xi32>
        %parallel_loop3A_248 = arith.constant 16 : i32
        %parallel_loop3A_249 = vector.broadcast %parallel_loop3A_248 : i32 to vector<16xi32>
        %parallel_loop3A_250 = arith.addi %parallel_loop3A_244, %parallel_loop3A_249 : vector<16xi32>
        %parallel_loop3A_251 = arith.select %parallel_loop3A_247, %parallel_loop3A_250, %parallel_loop3A_244 : vector<16xi1>, vector<16xi32>
        %parallel_loop3A_252 = vector.shape_cast %parallel_loop3A_251 : vector<16xi32> to vector<16x1xi32>
        %parallel_loop3A_253 = vector.shape_cast %parallel_loop3A_252 : vector<16x1xi32> to vector<16xi32>
        %parallel_loop3A_254 = tpu.dynamic_gather %parallel_loop3A_239[%parallel_loop3A_253] in [0] : vector<16xf32>, vector<16xi32> -> vector<16xf32>
        %parallel_loop3A_255 = arith.mulf %parallel_loop3A_254, %parallel_loop3A_229 : vector<16xf32>
        %parallel_loop3A_256 = arith.index_cast %parallel_loop3A_222 : i32 to index
        %parallel_loop3A_257 = arith.constant 0 : index
        %parallel_loop3A_258 = tpu.vector_load %arg15[%parallel_loop3A_256, %parallel_loop3A_257] {strides = array<i32>} : memref<112x32xf32, #tpu.memory_space<vmem>>, vector<16xf32>,
        tpu.vector_store %arg15[%parallel_loop3A_256, %parallel_loop3A_257], %parallel_loop3A_255 {strides = array<i32>} : memref<112x32xf32, #tpu.memory_space<vmem>>, vector<16xf32>,
      } {sc.loop_unroll_factor = 2 : i64, sc.parallel_access}
      %dma_start3A_80 = arith.constant 1 : i32
      %dma_start3A_81 = arith.constant 0 : i32
      %dma_start3A_82 = tpu.memref_slice %arg7[%dma_start3A_80, %dma_start3A_81] : memref<2x112xi32, #tpu.memory_space<vmem>> -> memref<1x112xi32, #tpu.memory_space<vmem>>
      %dma_start3A_83 = tpu.memref_squeeze %dma_start3A_82 : memref<1x112xi32, #tpu.memory_space<vmem>> -> memref<112xi32, #tpu.memory_space<vmem>>
      %dma_start3A_84 = arith.constant 0 : i32
      %dma_start3A_85 = arith.constant 0 : i32
      %dma_start3A_86 = tpu.memref_slice %arg6[%dma_start3A_84, %dma_start3A_85] : memref<10112x32xf32, #tpu.memory_space<vmem_shared>> -> memref<10112x32xf32, #tpu.memory_space<vmem_shared>>
      tpu.enqueue_indirect_dma source(%arg15 : memref<112x32xf32, #tpu.memory_space<vmem>>) target(%dma_start3A_86 : memref<10112x32xf32, #tpu.memory_space<vmem_shared>>) offsets(%dma_start3A_83 : memref<112xi32, #tpu.memory_space<vmem>>) semaphore(%arg18 : memref<!tpu.dma_semaphore, #tpu.memory_space<semaphore_mem>>) {add = true}
      %mul3A_87 = arith.constant 4 : i32
      %mul3A_88 = arith.muli %mul3A_87, %scan3A_45 : i32
      %add3A_89 = arith.constant 1 : i32
      %add3A_90 = arith.addi %mul3A_88, %add3A_89 : i32
      %add3A_91 = arith.constant 1 : i32
      %add3A_92 = arith.addi %add3A_90, %add3A_91 : i32
      %lt3A_93 = arith.constant 96 : i32
      %lt3A_94 = arith.cmpi slt, %add3A_92, %lt3A_93 : i32
      %convert_element_type3A_95 = arith.extui %lt3A_94 : i1 to i32
      %cond3A_96 = arith.constant 0 : i32
      %cond3A_97 = arith.cmpi ne, %convert_element_type3A_95, %cond3A_96 : i32
      scf.if %cond3A_97 {
        %ge3A_222 = arith.constant 1 : i32
        %ge3A_223 = arith.cmpi sge, %add3A_90, %ge3A_222 : i32
        %convert_element_type3A_224 = arith.extui %ge3A_223 : i1 to i32
        %cond3A_225 = arith.constant 0 : i32
        %cond3A_226 = arith.cmpi ne, %convert_element_type3A_224, %cond3A_225 : i32
        scf.if %cond3A_226 {
          %dma_wait3A_241 = arith.constant 0 : i32
          %dma_wait3A_242 = arith.constant 0 : i32
          %dma_wait3A_243 = tpu.memref_slice %arg2[%mul3A_4, %dma_wait3A_241, %dma_wait3A_242] : memref<3072x2x112xi32, #tpu.memory_space<hbm>> -> memref<1x2x112xi32, #tpu.memory_space<hbm>>
          %dma_wait3A_244 = tpu.memref_squeeze %dma_wait3A_243 : memref<1x2x112xi32, #tpu.memory_space<hbm>> -> memref<2x112xi32, #tpu.memory_space<hbm>>
          %dma_wait3A_245 = arith.constant 0 : i32
          %dma_wait3A_246 = arith.constant 0 : i32
          %dma_wait3A_247 = tpu.memref_slice %arg2[%mul3A_4, %dma_wait3A_245, %dma_wait3A_246] : memref<3072x2x112xi32, #tpu.memory_space<hbm>> -> memref<1x2x112xi32, #tpu.memory_space<hbm>>
          %dma_wait3A_248 = tpu.memref_squeeze %dma_wait3A_247 : memref<1x2x112xi32, #tpu.memory_space<hbm>> -> memref<2x112xi32, #tpu.memory_space<hbm>>
          tpu.wait_dma2 semaphore(%arg20 : memref<!tpu.dma_semaphore, #tpu.memory_space<semaphore_mem>>) src(%dma_wait3A_248 : memref<2x112xi32, #tpu.memory_space<hbm>>) dst(%arg9 : memref<2x112xi32, #tpu.memory_space<vmem>>)
        } else {
        }
        %dma_start3A_227 = arith.constant 0 : i32
        %dma_start3A_228 = arith.constant 0 : i32
        %dma_start3A_229 = tpu.memref_slice %arg9[%dma_start3A_227, %dma_start3A_228] : memref<2x112xi32, #tpu.memory_space<vmem>> -> memref<1x112xi32, #tpu.memory_space<vmem>>
        %dma_start3A_230 = tpu.memref_squeeze %dma_start3A_229 : memref<1x112xi32, #tpu.memory_space<vmem>> -> memref<112xi32, #tpu.memory_space<vmem>>
        %dma_start3A_231 = arith.constant 0 : i32
        %dma_start3A_232 = arith.constant 0 : i32
        %dma_start3A_233 = tpu.memref_slice %arg3[%dma_start3A_231, %dma_start3A_232] : memref<10112x32xbf16, #tpu.memory_space<hbm>> -> memref<10112x32xbf16, #tpu.memory_space<hbm>>
        tpu.enqueue_indirect_dma source(%dma_start3A_233 : memref<10112x32xbf16, #tpu.memory_space<hbm>>) target(%arg11 : memref<112x32xbf16, #tpu.memory_space<vmem>>) offsets(%dma_start3A_230 : memref<112xi32, #tpu.memory_space<vmem>>) semaphore(%arg16 : memref<!tpu.dma_semaphore, #tpu.memory_space<semaphore_mem>>)
        %dma_start3A_234 = arith.constant 1 : i32
        %dma_start3A_235 = arith.constant 0 : i32
        %dma_start3A_236 = tpu.memref_slice %arg9[%dma_start3A_234, %dma_start3A_235] : memref<2x112xi32, #tpu.memory_space<vmem>> -> memref<1x112xi32, #tpu.memory_space<vmem>>
        %dma_start3A_237 = tpu.memref_squeeze %dma_start3A_236 : memref<1x112xi32, #tpu.memory_space<vmem>> -> memref<112xi32, #tpu.memory_space<vmem>>
        %dma_start3A_238 = arith.constant 0 : i32
        %dma_start3A_239 = arith.constant 0 : i32
        %dma_start3A_240 = tpu.memref_slice %arg4[%dma_start3A_238, %dma_start3A_239] : memref<10112x16xf32, #tpu.memory_space<hbm>> -> memref<10112x16xf32, #tpu.memory_space<hbm>>
        tpu.enqueue_indirect_dma source(%dma_start3A_240 : memref<10112x16xf32, #tpu.memory_space<hbm>>) target(%arg13 : memref<112x16xf32, #tpu.memory_space<vmem>>) offsets(%dma_start3A_237 : memref<112xi32, #tpu.memory_space<vmem>>) semaphore(%arg16 : memref<!tpu.dma_semaphore, #tpu.memory_space<semaphore_mem>>)
      } else {
      }
      %add3A_98 = arith.constant 2 : i32
      %add3A_99 = arith.addi %add3A_90, %add3A_98 : i32
      %lt3A_100 = arith.constant 96 : i32
      %lt3A_101 = arith.cmpi slt, %add3A_99, %lt3A_100 : i32
      %convert_element_type3A_102 = arith.extui %lt3A_101 : i1 to i32
      %cond3A_103 = arith.constant 0 : i32
      %cond3A_104 = arith.cmpi ne, %convert_element_type3A_102, %cond3A_103 : i32
      scf.if %cond3A_104 {
        %add3A_222 = arith.addi %mul3A_4, %add3A_90 : i32
        %add3A_223 = arith.constant 2 : i32
        %add3A_224 = arith.addi %add3A_222, %add3A_223 : i32
        %dma_start3A_225 = arith.constant 0 : i32
        %dma_start3A_226 = arith.constant 0 : i32
        %dma_start3A_227 = tpu.memref_slice %arg2[%add3A_224, %dma_start3A_225, %dma_start3A_226] : memref<3072x2x112xi32, #tpu.memory_space<hbm>> -> memref<1x2x112xi32, #tpu.memory_space<hbm>>
        %dma_start3A_228 = tpu.memref_squeeze %dma_start3A_227 : memref<1x2x112xi32, #tpu.memory_space<hbm>> -> memref<2x112xi32, #tpu.memory_space<hbm>>
        %dma_start3A_229 = arith.constant 0 : i32
        %dma_start3A_230 = arith.constant 0 : i32
        %dma_start3A_231 = tpu.memref_slice %arg2[%add3A_224, %dma_start3A_229, %dma_start3A_230] : memref<3072x2x112xi32, #tpu.memory_space<hbm>> -> memref<1x2x112xi32, #tpu.memory_space<hbm>>
        %dma_start3A_232 = tpu.memref_squeeze %dma_start3A_231 : memref<1x2x112xi32, #tpu.memory_space<hbm>> -> memref<2x112xi32, #tpu.memory_space<hbm>>
        tpu.enqueue_dma source(%dma_start3A_232 : memref<2x112xi32, #tpu.memory_space<hbm>>) target(%arg10 : memref<2x112xi32, #tpu.memory_space<vmem>>) target_semaphore(%arg21 : memref<!tpu.dma_semaphore, #tpu.memory_space<semaphore_mem>>)
      } else {
      }
      %dma_wait3A_105 = arith.constant 0 : i32
      %dma_wait3A_106 = arith.constant 0 : i32
      %dma_wait3A_107 = tpu.memref_slice %arg3[%dma_wait3A_105, %dma_wait3A_106] : memref<10112x32xbf16, #tpu.memory_space<hbm>> -> memref<112x32xbf16, #tpu.memory_space<hbm>>
      %dma_wait3A_108 = arith.constant 0 : i32
      %dma_wait3A_109 = arith.constant 0 : i32
      %dma_wait3A_110 = tpu.memref_slice %arg3[%dma_wait3A_108, %dma_wait3A_109] : memref<10112x32xbf16, #tpu.memory_space<hbm>> -> memref<112x32xbf16, #tpu.memory_space<hbm>>
      tpu.wait_dma2 semaphore(%arg17 : memref<!tpu.dma_semaphore, #tpu.memory_space<semaphore_mem>>) src(%dma_wait3A_110 : memref<112x32xbf16, #tpu.memory_space<hbm>>) dst(%arg12 : memref<112x32xbf16, #tpu.memory_space<vmem>>)
      %dma_wait3A_111 = arith.constant 0 : i32
      %dma_wait3A_112 = arith.constant 0 : i32
      %dma_wait3A_113 = tpu.memref_slice %arg4[%dma_wait3A_111, %dma_wait3A_112] : memref<10112x16xf32, #tpu.memory_space<hbm>> -> memref<112x16xf32, #tpu.memory_space<hbm>>
      %dma_wait3A_114 = arith.constant 0 : i32
      %dma_wait3A_115 = arith.constant 0 : i32
      %dma_wait3A_116 = tpu.memref_slice %arg4[%dma_wait3A_114, %dma_wait3A_115] : memref<10112x16xf32, #tpu.memory_space<hbm>> -> memref<112x16xf32, #tpu.memory_space<hbm>>
      tpu.wait_dma2 semaphore(%arg17 : memref<!tpu.dma_semaphore, #tpu.memory_space<semaphore_mem>>) src(%dma_wait3A_116 : memref<112x16xf32, #tpu.memory_space<hbm>>) dst(%arg14 : memref<112x16xf32, #tpu.memory_space<vmem>>)
      %ge3A_117 = arith.constant 1 : i32
      %ge3A_118 = arith.cmpi sge, %add3A_90, %ge3A_117 : i32
      %convert_element_type3A_119 = arith.extui %ge3A_118 : i1 to i32
      %cond3A_120 = arith.constant 0 : i32
      %cond3A_121 = arith.cmpi ne, %convert_element_type3A_119, %cond3A_120 : i32
      scf.if %cond3A_121 {
        %dma_wait3A_222 = arith.constant 0 : i32
        %dma_wait3A_223 = arith.constant 0 : i32
        %dma_wait3A_224 = tpu.memref_slice %arg6[%dma_wait3A_222, %dma_wait3A_223] : memref<10112x32xf32, #tpu.memory_space<vmem_shared>> -> memref<112x32xf32, #tpu.memory_space<vmem_shared>>
        %dma_wait3A_225 = arith.constant 0 : i32
        %dma_wait3A_226 = arith.constant 0 : i32
        %dma_wait3A_227 = tpu.memref_slice %arg6[%dma_wait3A_225, %dma_wait3A_226] : memref<10112x32xf32, #tpu.memory_space<vmem_shared>> -> memref<112x32xf32, #tpu.memory_space<vmem_shared>>
        tpu.wait_dma2 semaphore(%arg18 : memref<!tpu.dma_semaphore, #tpu.memory_space<semaphore_mem>>) src(%arg15 : memref<112x32xf32, #tpu.memory_space<vmem>>) dst(%dma_wait3A_227 : memref<112x32xf32, #tpu.memory_space<vmem_shared>>)
      } else {
      }
      %parallel_loop3A_122 = arith.constant 0 : i32
      %parallel_loop3A_123 = arith.constant 112 : i32
      %parallel_loop3A_124 = arith.constant 1 : i32
      scf.for %parallel_loop3A_222 = %parallel_loop3A_122 to %parallel_loop3A_123 step %parallel_loop3A_124  : i32 {
        %parallel_loop3A_223 = arith.index_cast %parallel_loop3A_222 : i32 to index
        %parallel_loop3A_224 = arith.constant 0 : index
        %parallel_loop3A_225 = tpu.vector_load %arg14[%parallel_loop3A_223, %parallel_loop3A_224] {strides = array<i32>} : memref<112x16xf32, #tpu.memory_space<vmem>>, vector<16xf32>,
        %parallel_loop3A_226 = arith.index_cast %parallel_loop3A_222 : i32 to index
        %parallel_loop3A_227 = arith.constant 0 : index
        %parallel_loop3A_228 = tpu.vector_load %arg12[%parallel_loop3A_226, %parallel_loop3A_227] {strides = array<i32>} : memref<112x32xbf16, #tpu.memory_space<vmem>>, vector<32xbf16>,
        %parallel_loop3A_229 = tpu.unpack_subelements %parallel_loop3A_228, 0 {pack_format = #tpu.pack_format<interleaved>} : vector<32xbf16> -> vector<16xf32>
        %parallel_loop3A_230 = tpu.unpack_subelements %parallel_loop3A_228, 1 {pack_format = #tpu.pack_format<interleaved>} : vector<32xbf16> -> vector<16xf32>
        %parallel_loop3A_231 = arith.addf %parallel_loop3A_230, %parallel_loop3A_225 : vector<16xf32>
        %parallel_loop3A_232 = arith.constant 0.000000e+00 : f32
        %parallel_loop3A_233 = vector.broadcast %parallel_loop3A_232 : f32 to vector<16xf32>
        %parallel_loop3A_234 = arith.cmpf oge, %parallel_loop3A_231, %parallel_loop3A_233 : vector<16xf32>
        %parallel_loop3A_235 = arith.constant 2.000000e-01 : f32
        %parallel_loop3A_236 = vector.broadcast %parallel_loop3A_235 : f32 to vector<16xf32>
        %parallel_loop3A_237 = arith.mulf %parallel_loop3A_236, %parallel_loop3A_231 : vector<16xf32>
        %parallel_loop3A_238 = arith.select %parallel_loop3A_234, %parallel_loop3A_231, %parallel_loop3A_237 : vector<16xi1>, vector<16xf32>
        %parallel_loop3A_239 = math.exp %parallel_loop3A_238 : vector<16xf32>
        %parallel_loop3A_240 = arith.index_cast %parallel_loop3A_222 : i32 to index
        %parallel_loop3A_241 = arith.constant 16 : index
        %parallel_loop3A_242 = tpu.vector_load %arg15[%parallel_loop3A_240, %parallel_loop3A_241] {strides = array<i32>} : memref<112x32xf32, #tpu.memory_space<vmem>>, vector<16xf32>,
        tpu.vector_store %arg15[%parallel_loop3A_240, %parallel_loop3A_241], %parallel_loop3A_239 {strides = array<i32>} : memref<112x32xf32, #tpu.memory_space<vmem>>, vector<16xf32>,
        %parallel_loop3A_243 = arith.constant 0 : i32
        %parallel_loop3A_244 = vector.broadcast %parallel_loop3A_243 : i32 to vector<16xi32>
        %parallel_loop3A_245 = arith.constant 0 : i32
        %parallel_loop3A_246 = vector.broadcast %parallel_loop3A_245 : i32 to vector<16xi32>
        %parallel_loop3A_247 = arith.cmpi slt, %parallel_loop3A_244, %parallel_loop3A_246 : vector<16xi32>
        %parallel_loop3A_248 = arith.constant 16 : i32
        %parallel_loop3A_249 = vector.broadcast %parallel_loop3A_248 : i32 to vector<16xi32>
        %parallel_loop3A_250 = arith.addi %parallel_loop3A_244, %parallel_loop3A_249 : vector<16xi32>
        %parallel_loop3A_251 = arith.select %parallel_loop3A_247, %parallel_loop3A_250, %parallel_loop3A_244 : vector<16xi1>, vector<16xi32>
        %parallel_loop3A_252 = vector.shape_cast %parallel_loop3A_251 : vector<16xi32> to vector<16x1xi32>
        %parallel_loop3A_253 = vector.shape_cast %parallel_loop3A_252 : vector<16x1xi32> to vector<16xi32>
        %parallel_loop3A_254 = tpu.dynamic_gather %parallel_loop3A_239[%parallel_loop3A_253] in [0] : vector<16xf32>, vector<16xi32> -> vector<16xf32>
        %parallel_loop3A_255 = arith.mulf %parallel_loop3A_254, %parallel_loop3A_229 : vector<16xf32>
        %parallel_loop3A_256 = arith.index_cast %parallel_loop3A_222 : i32 to index
        %parallel_loop3A_257 = arith.constant 0 : index
        %parallel_loop3A_258 = tpu.vector_load %arg15[%parallel_loop3A_256, %parallel_loop3A_257] {strides = array<i32>} : memref<112x32xf32, #tpu.memory_space<vmem>>, vector<16xf32>,
        tpu.vector_store %arg15[%parallel_loop3A_256, %parallel_loop3A_257], %parallel_loop3A_255 {strides = array<i32>} : memref<112x32xf32, #tpu.memory_space<vmem>>, vector<16xf32>,
      } {sc.loop_unroll_factor = 2 : i64, sc.parallel_access}
      %dma_start3A_125 = arith.constant 1 : i32
      %dma_start3A_126 = arith.constant 0 : i32
      %dma_start3A_127 = tpu.memref_slice %arg8[%dma_start3A_125, %dma_start3A_126] : memref<2x112xi32, #tpu.memory_space<vmem>> -> memref<1x112xi32, #tpu.memory_space<vmem>>
      %dma_start3A_128 = tpu.memref_squeeze %dma_start3A_127 : memref<1x112xi32, #tpu.memory_space<vmem>> -> memref<112xi32, #tpu.memory_space<vmem>>
      %dma_start3A_129 = arith.constant 0 : i32
      %dma_start3A_130 = arith.constant 0 : i32
      %dma_start3A_131 = tpu.memref_slice %arg6[%dma_start3A_129, %dma_start3A_130] : memref<10112x32xf32, #tpu.memory_space<vmem_shared>> -> memref<10112x32xf32, #tpu.memory_space<vmem_shared>>
      tpu.enqueue_indirect_dma source(%arg15 : memref<112x32xf32, #tpu.memory_space<vmem>>) target(%dma_start3A_131 : memref<10112x32xf32, #tpu.memory_space<vmem_shared>>) offsets(%dma_start3A_128 : memref<112xi32, #tpu.memory_space<vmem>>) semaphore(%arg19 : memref<!tpu.dma_semaphore, #tpu.memory_space<semaphore_mem>>) {add = true}
      %mul3A_132 = arith.constant 4 : i32
      %mul3A_133 = arith.muli %mul3A_132, %scan3A_45 : i32
      %add3A_134 = arith.constant 2 : i32
      %add3A_135 = arith.addi %mul3A_133, %add3A_134 : i32
      %add3A_136 = arith.constant 1 : i32
      %add3A_137 = arith.addi %add3A_135, %add3A_136 : i32
      %lt3A_138 = arith.constant 96 : i32
      %lt3A_139 = arith.cmpi slt, %add3A_137, %lt3A_138 : i32
      %convert_element_type3A_140 = arith.extui %lt3A_139 : i1 to i32
      %cond3A_141 = arith.constant 0 : i32
      %cond3A_142 = arith.cmpi ne, %convert_element_type3A_140, %cond3A_141 : i32
      scf.if %cond3A_142 {
        %ge3A_222 = arith.constant 1 : i32
        %ge3A_223 = arith.cmpi sge, %add3A_135, %ge3A_222 : i32
        %convert_element_type3A_224 = arith.extui %ge3A_223 : i1 to i32
        %cond3A_225 = arith.constant 0 : i32
        %cond3A_226 = arith.cmpi ne, %convert_element_type3A_224, %cond3A_225 : i32
        scf.if %cond3A_226 {
          %dma_wait3A_241 = arith.constant 0 : i32
          %dma_wait3A_242 = arith.constant 0 : i32
          %dma_wait3A_243 = tpu.memref_slice %arg2[%mul3A_4, %dma_wait3A_241, %dma_wait3A_242] : memref<3072x2x112xi32, #tpu.memory_space<hbm>> -> memref<1x2x112xi32, #tpu.memory_space<hbm>>
          %dma_wait3A_244 = tpu.memref_squeeze %dma_wait3A_243 : memref<1x2x112xi32, #tpu.memory_space<hbm>> -> memref<2x112xi32, #tpu.memory_space<hbm>>
          %dma_wait3A_245 = arith.constant 0 : i32
          %dma_wait3A_246 = arith.constant 0 : i32
          %dma_wait3A_247 = tpu.memref_slice %arg2[%mul3A_4, %dma_wait3A_245, %dma_wait3A_246] : memref<3072x2x112xi32, #tpu.memory_space<hbm>> -> memref<1x2x112xi32, #tpu.memory_space<hbm>>
          %dma_wait3A_248 = tpu.memref_squeeze %dma_wait3A_247 : memref<1x2x112xi32, #tpu.memory_space<hbm>> -> memref<2x112xi32, #tpu.memory_space<hbm>>
          tpu.wait_dma2 semaphore(%arg21 : memref<!tpu.dma_semaphore, #tpu.memory_space<semaphore_mem>>) src(%dma_wait3A_248 : memref<2x112xi32, #tpu.memory_space<hbm>>) dst(%arg10 : memref<2x112xi32, #tpu.memory_space<vmem>>)
        } else {
        }
        %dma_start3A_227 = arith.constant 0 : i32
        %dma_start3A_228 = arith.constant 0 : i32
        %dma_start3A_229 = tpu.memref_slice %arg10[%dma_start3A_227, %dma_start3A_228] : memref<2x112xi32, #tpu.memory_space<vmem>> -> memref<1x112xi32, #tpu.memory_space<vmem>>
        %dma_start3A_230 = tpu.memref_squeeze %dma_start3A_229 : memref<1x112xi32, #tpu.memory_space<vmem>> -> memref<112xi32, #tpu.memory_space<vmem>>
        %dma_start3A_231 = arith.constant 0 : i32
        %dma_start3A_232 = arith.constant 0 : i32
        %dma_start3A_233 = tpu.memref_slice %arg3[%dma_start3A_231, %dma_start3A_232] : memref<10112x32xbf16, #tpu.memory_space<hbm>> -> memref<10112x32xbf16, #tpu.memory_space<hbm>>
        tpu.enqueue_indirect_dma source(%dma_start3A_233 : memref<10112x32xbf16, #tpu.memory_space<hbm>>) target(%arg12 : memref<112x32xbf16, #tpu.memory_space<vmem>>) offsets(%dma_start3A_230 : memref<112xi32, #tpu.memory_space<vmem>>) semaphore(%arg17 : memref<!tpu.dma_semaphore, #tpu.memory_space<semaphore_mem>>)
        %dma_start3A_234 = arith.constant 1 : i32
        %dma_start3A_235 = arith.constant 0 : i32
        %dma_start3A_236 = tpu.memref_slice %arg10[%dma_start3A_234, %dma_start3A_235] : memref<2x112xi32, #tpu.memory_space<vmem>> -> memref<1x112xi32, #tpu.memory_space<vmem>>
        %dma_start3A_237 = tpu.memref_squeeze %dma_start3A_236 : memref<1x112xi32, #tpu.memory_space<vmem>> -> memref<112xi32, #tpu.memory_space<vmem>>
        %dma_start3A_238 = arith.constant 0 : i32
        %dma_start3A_239 = arith.constant 0 : i32
        %dma_start3A_240 = tpu.memref_slice %arg4[%dma_start3A_238, %dma_start3A_239] : memref<10112x16xf32, #tpu.memory_space<hbm>> -> memref<10112x16xf32, #tpu.memory_space<hbm>>
        tpu.enqueue_indirect_dma source(%dma_start3A_240 : memref<10112x16xf32, #tpu.memory_space<hbm>>) target(%arg14 : memref<112x16xf32, #tpu.memory_space<vmem>>) offsets(%dma_start3A_237 : memref<112xi32, #tpu.memory_space<vmem>>) semaphore(%arg17 : memref<!tpu.dma_semaphore, #tpu.memory_space<semaphore_mem>>)
      } else {
      }
      %add3A_143 = arith.constant 2 : i32
      %add3A_144 = arith.addi %add3A_135, %add3A_143 : i32
      %lt3A_145 = arith.constant 96 : i32
      %lt3A_146 = arith.cmpi slt, %add3A_144, %lt3A_145 : i32
      %convert_element_type3A_147 = arith.extui %lt3A_146 : i1 to i32
      %cond3A_148 = arith.constant 0 : i32
      %cond3A_149 = arith.cmpi ne, %convert_element_type3A_147, %cond3A_148 : i32
      scf.if %cond3A_149 {
        %add3A_222 = arith.addi %mul3A_4, %add3A_135 : i32
        %add3A_223 = arith.constant 2 : i32
        %add3A_224 = arith.addi %add3A_222, %add3A_223 : i32
        %dma_start3A_225 = arith.constant 0 : i32
        %dma_start3A_226 = arith.constant 0 : i32
        %dma_start3A_227 = tpu.memref_slice %arg2[%add3A_224, %dma_start3A_225, %dma_start3A_226] : memref<3072x2x112xi32, #tpu.memory_space<hbm>> -> memref<1x2x112xi32, #tpu.memory_space<hbm>>
        %dma_start3A_228 = tpu.memref_squeeze %dma_start3A_227 : memref<1x2x112xi32, #tpu.memory_space<hbm>> -> memref<2x112xi32, #tpu.memory_space<hbm>>
        %dma_start3A_229 = arith.constant 0 : i32
        %dma_start3A_230 = arith.constant 0 : i32
        %dma_start3A_231 = tpu.memref_slice %arg2[%add3A_224, %dma_start3A_229, %dma_start3A_230] : memref<3072x2x112xi32, #tpu.memory_space<hbm>> -> memref<1x2x112xi32, #tpu.memory_space<hbm>>
        %dma_start3A_232 = tpu.memref_squeeze %dma_start3A_231 : memref<1x2x112xi32, #tpu.memory_space<hbm>> -> memref<2x112xi32, #tpu.memory_space<hbm>>
        tpu.enqueue_dma source(%dma_start3A_232 : memref<2x112xi32, #tpu.memory_space<hbm>>) target(%arg7 : memref<2x112xi32, #tpu.memory_space<vmem>>) target_semaphore(%arg20 : memref<!tpu.dma_semaphore, #tpu.memory_space<semaphore_mem>>)
      } else {
      }
      %dma_wait3A_150 = arith.constant 0 : i32
      %dma_wait3A_151 = arith.constant 0 : i32
      %dma_wait3A_152 = tpu.memref_slice %arg3[%dma_wait3A_150, %dma_wait3A_151] : memref<10112x32xbf16, #tpu.memory_space<hbm>> -> memref<112x32xbf16, #tpu.memory_space<hbm>>
      %dma_wait3A_153 = arith.constant 0 : i32
      %dma_wait3A_154 = arith.constant 0 : i32
      %dma_wait3A_155 = tpu.memref_slice %arg3[%dma_wait3A_153, %dma_wait3A_154] : memref<10112x32xbf16, #tpu.memory_space<hbm>> -> memref<112x32xbf16, #tpu.memory_space<hbm>>
      tpu.wait_dma2 semaphore(%arg16 : memref<!tpu.dma_semaphore, #tpu.memory_space<semaphore_mem>>) src(%dma_wait3A_155 : memref<112x32xbf16, #tpu.memory_space<hbm>>) dst(%arg11 : memref<112x32xbf16, #tpu.memory_space<vmem>>)
      %dma_wait3A_156 = arith.constant 0 : i32
      %dma_wait3A_157 = arith.constant 0 : i32
      %dma_wait3A_158 = tpu.memref_slice %arg4[%dma_wait3A_156, %dma_wait3A_157] : memref<10112x16xf32, #tpu.memory_space<hbm>> -> memref<112x16xf32, #tpu.memory_space<hbm>>
      %dma_wait3A_159 = arith.constant 0 : i32
      %dma_wait3A_160 = arith.constant 0 : i32
      %dma_wait3A_161 = tpu.memref_slice %arg4[%dma_wait3A_159, %dma_wait3A_160] : memref<10112x16xf32, #tpu.memory_space<hbm>> -> memref<112x16xf32, #tpu.memory_space<hbm>>
      tpu.wait_dma2 semaphore(%arg16 : memref<!tpu.dma_semaphore, #tpu.memory_space<semaphore_mem>>) src(%dma_wait3A_161 : memref<112x16xf32, #tpu.memory_space<hbm>>) dst(%arg13 : memref<112x16xf32, #tpu.memory_space<vmem>>)
      %ge3A_162 = arith.constant 1 : i32
      %ge3A_163 = arith.cmpi sge, %add3A_135, %ge3A_162 : i32
      %convert_element_type3A_164 = arith.extui %ge3A_163 : i1 to i32
      %cond3A_165 = arith.constant 0 : i32
      %cond3A_166 = arith.cmpi ne, %convert_element_type3A_164, %cond3A_165 : i32
      scf.if %cond3A_166 {
        %dma_wait3A_222 = arith.constant 0 : i32
        %dma_wait3A_223 = arith.constant 0 : i32
        %dma_wait3A_224 = tpu.memref_slice %arg6[%dma_wait3A_222, %dma_wait3A_223] : memref<10112x32xf32, #tpu.memory_space<vmem_shared>> -> memref<112x32xf32, #tpu.memory_space<vmem_shared>>
        %dma_wait3A_225 = arith.constant 0 : i32
        %dma_wait3A_226 = arith.constant 0 : i32
        %dma_wait3A_227 = tpu.memref_slice %arg6[%dma_wait3A_225, %dma_wait3A_226] : memref<10112x32xf32, #tpu.memory_space<vmem_shared>> -> memref<112x32xf32, #tpu.memory_space<vmem_shared>>
        tpu.wait_dma2 semaphore(%arg19 : memref<!tpu.dma_semaphore, #tpu.memory_space<semaphore_mem>>) src(%arg15 : memref<112x32xf32, #tpu.memory_space<vmem>>) dst(%dma_wait3A_227 : memref<112x32xf32, #tpu.memory_space<vmem_shared>>)
      } else {
      }
      %parallel_loop3A_167 = arith.constant 0 : i32
      %parallel_loop3A_168 = arith.constant 112 : i32
      %parallel_loop3A_169 = arith.constant 1 : i32
      scf.for %parallel_loop3A_222 = %parallel_loop3A_167 to %parallel_loop3A_168 step %parallel_loop3A_169  : i32 {
        %parallel_loop3A_223 = arith.index_cast %parallel_loop3A_222 : i32 to index
        %parallel_loop3A_224 = arith.constant 0 : index
        %parallel_loop3A_225 = tpu.vector_load %arg13[%parallel_loop3A_223, %parallel_loop3A_224] {strides = array<i32>} : memref<112x16xf32, #tpu.memory_space<vmem>>, vector<16xf32>,
        %parallel_loop3A_226 = arith.index_cast %parallel_loop3A_222 : i32 to index
        %parallel_loop3A_227 = arith.constant 0 : index
        %parallel_loop3A_228 = tpu.vector_load %arg11[%parallel_loop3A_226, %parallel_loop3A_227] {strides = array<i32>} : memref<112x32xbf16, #tpu.memory_space<vmem>>, vector<32xbf16>,
        %parallel_loop3A_229 = tpu.unpack_subelements %parallel_loop3A_228, 0 {pack_format = #tpu.pack_format<interleaved>} : vector<32xbf16> -> vector<16xf32>
        %parallel_loop3A_230 = tpu.unpack_subelements %parallel_loop3A_228, 1 {pack_format = #tpu.pack_format<interleaved>} : vector<32xbf16> -> vector<16xf32>
        %parallel_loop3A_231 = arith.addf %parallel_loop3A_230, %parallel_loop3A_225 : vector<16xf32>
        %parallel_loop3A_232 = arith.constant 0.000000e+00 : f32
        %parallel_loop3A_233 = vector.broadcast %parallel_loop3A_232 : f32 to vector<16xf32>
        %parallel_loop3A_234 = arith.cmpf oge, %parallel_loop3A_231, %parallel_loop3A_233 : vector<16xf32>
        %parallel_loop3A_235 = arith.constant 2.000000e-01 : f32
        %parallel_loop3A_236 = vector.broadcast %parallel_loop3A_235 : f32 to vector<16xf32>
        %parallel_loop3A_237 = arith.mulf %parallel_loop3A_236, %parallel_loop3A_231 : vector<16xf32>
        %parallel_loop3A_238 = arith.select %parallel_loop3A_234, %parallel_loop3A_231, %parallel_loop3A_237 : vector<16xi1>, vector<16xf32>
        %parallel_loop3A_239 = math.exp %parallel_loop3A_238 : vector<16xf32>
        %parallel_loop3A_240 = arith.index_cast %parallel_loop3A_222 : i32 to index
        %parallel_loop3A_241 = arith.constant 16 : index
        %parallel_loop3A_242 = tpu.vector_load %arg15[%parallel_loop3A_240, %parallel_loop3A_241] {strides = array<i32>} : memref<112x32xf32, #tpu.memory_space<vmem>>, vector<16xf32>,
        tpu.vector_store %arg15[%parallel_loop3A_240, %parallel_loop3A_241], %parallel_loop3A_239 {strides = array<i32>} : memref<112x32xf32, #tpu.memory_space<vmem>>, vector<16xf32>,
        %parallel_loop3A_243 = arith.constant 0 : i32
        %parallel_loop3A_244 = vector.broadcast %parallel_loop3A_243 : i32 to vector<16xi32>
        %parallel_loop3A_245 = arith.constant 0 : i32
        %parallel_loop3A_246 = vector.broadcast %parallel_loop3A_245 : i32 to vector<16xi32>
        %parallel_loop3A_247 = arith.cmpi slt, %parallel_loop3A_244, %parallel_loop3A_246 : vector<16xi32>
        %parallel_loop3A_248 = arith.constant 16 : i32
        %parallel_loop3A_249 = vector.broadcast %parallel_loop3A_248 : i32 to vector<16xi32>
        %parallel_loop3A_250 = arith.addi %parallel_loop3A_244, %parallel_loop3A_249 : vector<16xi32>
        %parallel_loop3A_251 = arith.select %parallel_loop3A_247, %parallel_loop3A_250, %parallel_loop3A_244 : vector<16xi1>, vector<16xi32>
        %parallel_loop3A_252 = vector.shape_cast %parallel_loop3A_251 : vector<16xi32> to vector<16x1xi32>
        %parallel_loop3A_253 = vector.shape_cast %parallel_loop3A_252 : vector<16x1xi32> to vector<16xi32>
        %parallel_loop3A_254 = tpu.dynamic_gather %parallel_loop3A_239[%parallel_loop3A_253] in [0] : vector<16xf32>, vector<16xi32> -> vector<16xf32>
        %parallel_loop3A_255 = arith.mulf %parallel_loop3A_254, %parallel_loop3A_229 : vector<16xf32>
        %parallel_loop3A_256 = arith.index_cast %parallel_loop3A_222 : i32 to index
        %parallel_loop3A_257 = arith.constant 0 : index
        %parallel_loop3A_258 = tpu.vector_load %arg15[%parallel_loop3A_256, %parallel_loop3A_257] {strides = array<i32>} : memref<112x32xf32, #tpu.memory_space<vmem>>, vector<16xf32>,
        tpu.vector_store %arg15[%parallel_loop3A_256, %parallel_loop3A_257], %parallel_loop3A_255 {strides = array<i32>} : memref<112x32xf32, #tpu.memory_space<vmem>>, vector<16xf32>,
      } {sc.loop_unroll_factor = 2 : i64, sc.parallel_access}
      %dma_start3A_170 = arith.constant 1 : i32
      %dma_start3A_171 = arith.constant 0 : i32
      %dma_start3A_172 = tpu.memref_slice %arg9[%dma_start3A_170, %dma_start3A_171] : memref<2x112xi32, #tpu.memory_space<vmem>> -> memref<1x112xi32, #tpu.memory_space<vmem>>
      %dma_start3A_173 = tpu.memref_squeeze %dma_start3A_172 : memref<1x112xi32, #tpu.memory_space<vmem>> -> memref<112xi32, #tpu.memory_space<vmem>>
      %dma_start3A_174 = arith.constant 0 : i32
      %dma_start3A_175 = arith.constant 0 : i32
      %dma_start3A_176 = tpu.memref_slice %arg6[%dma_start3A_174, %dma_start3A_175] : memref<10112x32xf32, #tpu.memory_space<vmem_shared>> -> memref<10112x32xf32, #tpu.memory_space<vmem_shared>>
      tpu.enqueue_indirect_dma source(%arg15 : memref<112x32xf32, #tpu.memory_space<vmem>>) target(%dma_start3A_176 : memref<10112x32xf32, #tpu.memory_space<vmem_shared>>) offsets(%dma_start3A_173 : memref<112xi32, #tpu.memory_space<vmem>>) semaphore(%arg18 : memref<!tpu.dma_semaphore, #tpu.memory_space<semaphore_mem>>) {add = true}
      %mul3A_177 = arith.constant 4 : i32
      %mul3A_178 = arith.muli %mul3A_177, %scan3A_45 : i32
      %add3A_179 = arith.constant 3 : i32
      %add3A_180 = arith.addi %mul3A_178, %add3A_179 : i32
      %add3A_181 = arith.constant 1 : i32
      %add3A_182 = arith.addi %add3A_180, %add3A_181 : i32
      %lt3A_183 = arith.constant 96 : i32
      %lt3A_184 = arith.cmpi slt, %add3A_182, %lt3A_183 : i32
      %convert_element_type3A_185 = arith.extui %lt3A_184 : i1 to i32
      %cond3A_186 = arith.constant 0 : i32
      %cond3A_187 = arith.cmpi ne, %convert_element_type3A_185, %cond3A_186 : i32
      scf.if %cond3A_187 {
        %ge3A_222 = arith.constant 1 : i32
        %ge3A_223 = arith.cmpi sge, %add3A_180, %ge3A_222 : i32
        %convert_element_type3A_224 = arith.extui %ge3A_223 : i1 to i32
        %cond3A_225 = arith.constant 0 : i32
        %cond3A_226 = arith.cmpi ne, %convert_element_type3A_224, %cond3A_225 : i32
        scf.if %cond3A_226 {
          %dma_wait3A_241 = arith.constant 0 : i32
          %dma_wait3A_242 = arith.constant 0 : i32
          %dma_wait3A_243 = tpu.memref_slice %arg2[%mul3A_4, %dma_wait3A_241, %dma_wait3A_242] : memref<3072x2x112xi32, #tpu.memory_space<hbm>> -> memref<1x2x112xi32, #tpu.memory_space<hbm>>
          %dma_wait3A_244 = tpu.memref_squeeze %dma_wait3A_243 : memref<1x2x112xi32, #tpu.memory_space<hbm>> -> memref<2x112xi32, #tpu.memory_space<hbm>>
          %dma_wait3A_245 = arith.constant 0 : i32
          %dma_wait3A_246 = arith.constant 0 : i32
          %dma_wait3A_247 = tpu.memref_slice %arg2[%mul3A_4, %dma_wait3A_245, %dma_wait3A_246] : memref<3072x2x112xi32, #tpu.memory_space<hbm>> -> memref<1x2x112xi32, #tpu.memory_space<hbm>>
          %dma_wait3A_248 = tpu.memref_squeeze %dma_wait3A_247 : memref<1x2x112xi32, #tpu.memory_space<hbm>> -> memref<2x112xi32, #tpu.memory_space<hbm>>
          tpu.wait_dma2 semaphore(%arg20 : memref<!tpu.dma_semaphore, #tpu.memory_space<semaphore_mem>>) src(%dma_wait3A_248 : memref<2x112xi32, #tpu.memory_space<hbm>>) dst(%arg7 : memref<2x112xi32, #tpu.memory_space<vmem>>)
        } else {
        }
        %dma_start3A_227 = arith.constant 0 : i32
        %dma_start3A_228 = arith.constant 0 : i32
        %dma_start3A_229 = tpu.memref_slice %arg7[%dma_start3A_227, %dma_start3A_228] : memref<2x112xi32, #tpu.memory_space<vmem>> -> memref<1x112xi32, #tpu.memory_space<vmem>>
        %dma_start3A_230 = tpu.memref_squeeze %dma_start3A_229 : memref<1x112xi32, #tpu.memory_space<vmem>> -> memref<112xi32, #tpu.memory_space<vmem>>
        %dma_start3A_231 = arith.constant 0 : i32
        %dma_start3A_232 = arith.constant 0 : i32
        %dma_start3A_233 = tpu.memref_slice %arg3[%dma_start3A_231, %dma_start3A_232] : memref<10112x32xbf16, #tpu.memory_space<hbm>> -> memref<10112x32xbf16, #tpu.memory_space<hbm>>
        tpu.enqueue_indirect_dma source(%dma_start3A_233 : memref<10112x32xbf16, #tpu.memory_space<hbm>>) target(%arg11 : memref<112x32xbf16, #tpu.memory_space<vmem>>) offsets(%dma_start3A_230 : memref<112xi32, #tpu.memory_space<vmem>>) semaphore(%arg16 : memref<!tpu.dma_semaphore, #tpu.memory_space<semaphore_mem>>)
        %dma_start3A_234 = arith.constant 1 : i32
        %dma_start3A_235 = arith.constant 0 : i32
        %dma_start3A_236 = tpu.memref_slice %arg7[%dma_start3A_234, %dma_start3A_235] : memref<2x112xi32, #tpu.memory_space<vmem>> -> memref<1x112xi32, #tpu.memory_space<vmem>>
        %dma_start3A_237 = tpu.memref_squeeze %dma_start3A_236 : memref<1x112xi32, #tpu.memory_space<vmem>> -> memref<112xi32, #tpu.memory_space<vmem>>
        %dma_start3A_238 = arith.constant 0 : i32
        %dma_start3A_239 = arith.constant 0 : i32
        %dma_start3A_240 = tpu.memref_slice %arg4[%dma_start3A_238, %dma_start3A_239] : memref<10112x16xf32, #tpu.memory_space<hbm>> -> memref<10112x16xf32, #tpu.memory_space<hbm>>
        tpu.enqueue_indirect_dma source(%dma_start3A_240 : memref<10112x16xf32, #tpu.memory_space<hbm>>) target(%arg13 : memref<112x16xf32, #tpu.memory_space<vmem>>) offsets(%dma_start3A_237 : memref<112xi32, #tpu.memory_space<vmem>>) semaphore(%arg16 : memref<!tpu.dma_semaphore, #tpu.memory_space<semaphore_mem>>)
      } else {
      }
      %add3A_188 = arith.constant 2 : i32
      %add3A_189 = arith.addi %add3A_180, %add3A_188 : i32
      %lt3A_190 = arith.constant 96 : i32
      %lt3A_191 = arith.cmpi slt, %add3A_189, %lt3A_190 : i32
      %convert_element_type3A_192 = arith.extui %lt3A_191 : i1 to i32
      %cond3A_193 = arith.constant 0 : i32
      %cond3A_194 = arith.cmpi ne, %convert_element_type3A_192, %cond3A_193 : i32
      scf.if %cond3A_194 {
        %add3A_222 = arith.addi %mul3A_4, %add3A_180 : i32
        %add3A_223 = arith.constant 2 : i32
        %add3A_224 = arith.addi %add3A_222, %add3A_223 : i32
        %dma_start3A_225 = arith.constant 0 : i32
        %dma_start3A_226 = arith.constant 0 : i32
        %dma_start3A_227 = tpu.memref_slice %arg2[%add3A_224, %dma_start3A_225, %dma_start3A_226] : memref<3072x2x112xi32, #tpu.memory_space<hbm>> -> memref<1x2x112xi32, #tpu.memory_space<hbm>>
        %dma_start3A_228 = tpu.memref_squeeze %dma_start3A_227 : memref<1x2x112xi32, #tpu.memory_space<hbm>> -> memref<2x112xi32, #tpu.memory_space<hbm>>
        %dma_start3A_229 = arith.constant 0 : i32
        %dma_start3A_230 = arith.constant 0 : i32
        %dma_start3A_231 = tpu.memref_slice %arg2[%add3A_224, %dma_start3A_229, %dma_start3A_230] : memref<3072x2x112xi32, #tpu.memory_space<hbm>> -> memref<1x2x112xi32, #tpu.memory_space<hbm>>
        %dma_start3A_232 = tpu.memref_squeeze %dma_start3A_231 : memref<1x2x112xi32, #tpu.memory_space<hbm>> -> memref<2x112xi32, #tpu.memory_space<hbm>>
        tpu.enqueue_dma source(%dma_start3A_232 : memref<2x112xi32, #tpu.memory_space<hbm>>) target(%arg8 : memref<2x112xi32, #tpu.memory_space<vmem>>) target_semaphore(%arg21 : memref<!tpu.dma_semaphore, #tpu.memory_space<semaphore_mem>>)
      } else {
      }
      %dma_wait3A_195 = arith.constant 0 : i32
      %dma_wait3A_196 = arith.constant 0 : i32
      %dma_wait3A_197 = tpu.memref_slice %arg3[%dma_wait3A_195, %dma_wait3A_196] : memref<10112x32xbf16, #tpu.memory_space<hbm>> -> memref<112x32xbf16, #tpu.memory_space<hbm>>
      %dma_wait3A_198 = arith.constant 0 : i32
      %dma_wait3A_199 = arith.constant 0 : i32
      %dma_wait3A_200 = tpu.memref_slice %arg3[%dma_wait3A_198, %dma_wait3A_199] : memref<10112x32xbf16, #tpu.memory_space<hbm>> -> memref<112x32xbf16, #tpu.memory_space<hbm>>
      tpu.wait_dma2 semaphore(%arg17 : memref<!tpu.dma_semaphore, #tpu.memory_space<semaphore_mem>>) src(%dma_wait3A_200 : memref<112x32xbf16, #tpu.memory_space<hbm>>) dst(%arg12 : memref<112x32xbf16, #tpu.memory_space<vmem>>)
      %dma_wait3A_201 = arith.constant 0 : i32
      %dma_wait3A_202 = arith.constant 0 : i32
      %dma_wait3A_203 = tpu.memref_slice %arg4[%dma_wait3A_201, %dma_wait3A_202] : memref<10112x16xf32, #tpu.memory_space<hbm>> -> memref<112x16xf32, #tpu.memory_space<hbm>>
      %dma_wait3A_204 = arith.constant 0 : i32
      %dma_wait3A_205 = arith.constant 0 : i32
      %dma_wait3A_206 = tpu.memref_slice %arg4[%dma_wait3A_204, %dma_wait3A_205] : memref<10112x16xf32, #tpu.memory_space<hbm>> -> memref<112x16xf32, #tpu.memory_space<hbm>>
      tpu.wait_dma2 semaphore(%arg17 : memref<!tpu.dma_semaphore, #tpu.memory_space<semaphore_mem>>) src(%dma_wait3A_206 : memref<112x16xf32, #tpu.memory_space<hbm>>) dst(%arg14 : memref<112x16xf32, #tpu.memory_space<vmem>>)
      %ge3A_207 = arith.constant 1 : i32
      %ge3A_208 = arith.cmpi sge, %add3A_180, %ge3A_207 : i32
      %convert_element_type3A_209 = arith.extui %ge3A_208 : i1 to i32
      %cond3A_210 = arith.constant 0 : i32
      %cond3A_211 = arith.cmpi ne, %convert_element_type3A_209, %cond3A_210 : i32
      scf.if %cond3A_211 {
        %dma_wait3A_222 = arith.constant 0 : i32
        %dma_wait3A_223 = arith.constant 0 : i32
        %dma_wait3A_224 = tpu.memref_slice %arg6[%dma_wait3A_222, %dma_wait3A_223] : memref<10112x32xf32, #tpu.memory_space<vmem_shared>> -> memref<112x32xf32, #tpu.memory_space<vmem_shared>>
        %dma_wait3A_225 = arith.constant 0 : i32
        %dma_wait3A_226 = arith.constant 0 : i32
        %dma_wait3A_227 = tpu.memref_slice %arg6[%dma_wait3A_225, %dma_wait3A_226] : memref<10112x32xf32, #tpu.memory_space<vmem_shared>> -> memref<112x32xf32, #tpu.memory_space<vmem_shared>>
        tpu.wait_dma2 semaphore(%arg18 : memref<!tpu.dma_semaphore, #tpu.memory_space<semaphore_mem>>) src(%arg15 : memref<112x32xf32, #tpu.memory_space<vmem>>) dst(%dma_wait3A_227 : memref<112x32xf32, #tpu.memory_space<vmem_shared>>)
      } else {
      }
      %parallel_loop3A_212 = arith.constant 0 : i32
      %parallel_loop3A_213 = arith.constant 112 : i32
      %parallel_loop3A_214 = arith.constant 1 : i32
      scf.for %parallel_loop3A_222 = %parallel_loop3A_212 to %parallel_loop3A_213 step %parallel_loop3A_214  : i32 {
        %parallel_loop3A_223 = arith.index_cast %parallel_loop3A_222 : i32 to index
        %parallel_loop3A_224 = arith.constant 0 : index
        %parallel_loop3A_225 = tpu.vector_load %arg14[%parallel_loop3A_223, %parallel_loop3A_224] {strides = array<i32>} : memref<112x16xf32, #tpu.memory_space<vmem>>, vector<16xf32>,
        %parallel_loop3A_226 = arith.index_cast %parallel_loop3A_222 : i32 to index
        %parallel_loop3A_227 = arith.constant 0 : index
        %parallel_loop3A_228 = tpu.vector_load %arg12[%parallel_loop3A_226, %parallel_loop3A_227] {strides = array<i32>} : memref<112x32xbf16, #tpu.memory_space<vmem>>, vector<32xbf16>,
        %parallel_loop3A_229 = tpu.unpack_subelements %parallel_loop3A_228, 0 {pack_format = #tpu.pack_format<interleaved>} : vector<32xbf16> -> vector<16xf32>
        %parallel_loop3A_230 = tpu.unpack_subelements %parallel_loop3A_228, 1 {pack_format = #tpu.pack_format<interleaved>} : vector<32xbf16> -> vector<16xf32>
        %parallel_loop3A_231 = arith.addf %parallel_loop3A_230, %parallel_loop3A_225 : vector<16xf32>
        %parallel_loop3A_232 = arith.constant 0.000000e+00 : f32
        %parallel_loop3A_233 = vector.broadcast %parallel_loop3A_232 : f32 to vector<16xf32>
        %parallel_loop3A_234 = arith.cmpf oge, %parallel_loop3A_231, %parallel_loop3A_233 : vector<16xf32>
        %parallel_loop3A_235 = arith.constant 2.000000e-01 : f32
        %parallel_loop3A_236 = vector.broadcast %parallel_loop3A_235 : f32 to vector<16xf32>
        %parallel_loop3A_237 = arith.mulf %parallel_loop3A_236, %parallel_loop3A_231 : vector<16xf32>
        %parallel_loop3A_238 = arith.select %parallel_loop3A_234, %parallel_loop3A_231, %parallel_loop3A_237 : vector<16xi1>, vector<16xf32>
        %parallel_loop3A_239 = math.exp %parallel_loop3A_238 : vector<16xf32>
        %parallel_loop3A_240 = arith.index_cast %parallel_loop3A_222 : i32 to index
        %parallel_loop3A_241 = arith.constant 16 : index
        %parallel_loop3A_242 = tpu.vector_load %arg15[%parallel_loop3A_240, %parallel_loop3A_241] {strides = array<i32>} : memref<112x32xf32, #tpu.memory_space<vmem>>, vector<16xf32>,
        tpu.vector_store %arg15[%parallel_loop3A_240, %parallel_loop3A_241], %parallel_loop3A_239 {strides = array<i32>} : memref<112x32xf32, #tpu.memory_space<vmem>>, vector<16xf32>,
        %parallel_loop3A_243 = arith.constant 0 : i32
        %parallel_loop3A_244 = vector.broadcast %parallel_loop3A_243 : i32 to vector<16xi32>
        %parallel_loop3A_245 = arith.constant 0 : i32
        %parallel_loop3A_246 = vector.broadcast %parallel_loop3A_245 : i32 to vector<16xi32>
        %parallel_loop3A_247 = arith.cmpi slt, %parallel_loop3A_244, %parallel_loop3A_246 : vector<16xi32>
        %parallel_loop3A_248 = arith.constant 16 : i32
        %parallel_loop3A_249 = vector.broadcast %parallel_loop3A_248 : i32 to vector<16xi32>
        %parallel_loop3A_250 = arith.addi %parallel_loop3A_244, %parallel_loop3A_249 : vector<16xi32>
        %parallel_loop3A_251 = arith.select %parallel_loop3A_247, %parallel_loop3A_250, %parallel_loop3A_244 : vector<16xi1>, vector<16xi32>
        %parallel_loop3A_252 = vector.shape_cast %parallel_loop3A_251 : vector<16xi32> to vector<16x1xi32>
        %parallel_loop3A_253 = vector.shape_cast %parallel_loop3A_252 : vector<16x1xi32> to vector<16xi32>
        %parallel_loop3A_254 = tpu.dynamic_gather %parallel_loop3A_239[%parallel_loop3A_253] in [0] : vector<16xf32>, vector<16xi32> -> vector<16xf32>
        %parallel_loop3A_255 = arith.mulf %parallel_loop3A_254, %parallel_loop3A_229 : vector<16xf32>
        %parallel_loop3A_256 = arith.index_cast %parallel_loop3A_222 : i32 to index
        %parallel_loop3A_257 = arith.constant 0 : index
        %parallel_loop3A_258 = tpu.vector_load %arg15[%parallel_loop3A_256, %parallel_loop3A_257] {strides = array<i32>} : memref<112x32xf32, #tpu.memory_space<vmem>>, vector<16xf32>,
        tpu.vector_store %arg15[%parallel_loop3A_256, %parallel_loop3A_257], %parallel_loop3A_255 {strides = array<i32>} : memref<112x32xf32, #tpu.memory_space<vmem>>, vector<16xf32>,
      } {sc.loop_unroll_factor = 2 : i64, sc.parallel_access}
      %dma_start3A_215 = arith.constant 1 : i32
      %dma_start3A_216 = arith.constant 0 : i32
      %dma_start3A_217 = tpu.memref_slice %arg10[%dma_start3A_215, %dma_start3A_216] : memref<2x112xi32, #tpu.memory_space<vmem>> -> memref<1x112xi32, #tpu.memory_space<vmem>>
      %dma_start3A_218 = tpu.memref_squeeze %dma_start3A_217 : memref<1x112xi32, #tpu.memory_space<vmem>> -> memref<112xi32, #tpu.memory_space<vmem>>
      %dma_start3A_219 = arith.constant 0 : i32
      %dma_start3A_220 = arith.constant 0 : i32
      %dma_start3A_221 = tpu.memref_slice %arg6[%dma_start3A_219, %dma_start3A_220] : memref<10112x32xf32, #tpu.memory_space<vmem_shared>> -> memref<10112x32xf32, #tpu.memory_space<vmem_shared>>
      tpu.enqueue_indirect_dma source(%arg15 : memref<112x32xf32, #tpu.memory_space<vmem>>) target(%dma_start3A_221 : memref<10112x32xf32, #tpu.memory_space<vmem_shared>>) offsets(%dma_start3A_218 : memref<112xi32, #tpu.memory_space<vmem>>) semaphore(%arg19 : memref<!tpu.dma_semaphore, #tpu.memory_space<semaphore_mem>>) {add = true}
    }
    %scan3A_38 = arith.constant 24 : i32
    %dma_wait3A = arith.constant 0 : i32
    %dma_wait3A_39 = arith.constant 0 : i32
    %dma_wait3A_40 = tpu.memref_slice %arg6[%dma_wait3A, %dma_wait3A_39] : memref<10112x32xf32, #tpu.memory_space<vmem_shared>> -> memref<112x32xf32, #tpu.memory_space<vmem_shared>>
    %dma_wait3A_41 = arith.constant 0 : i32
    %dma_wait3A_42 = arith.constant 0 : i32
    %dma_wait3A_43 = tpu.memref_slice %arg6[%dma_wait3A_41, %dma_wait3A_42] : memref<10112x32xf32, #tpu.memory_space<vmem_shared>> -> memref<112x32xf32, #tpu.memory_space<vmem_shared>>
    tpu.wait_dma2 semaphore(%arg19 : memref<!tpu.dma_semaphore, #tpu.memory_space<semaphore_mem>>) src(%arg15 : memref<112x32xf32, #tpu.memory_space<vmem>>) dst(%dma_wait3A_43 : memref<112x32xf32, #tpu.memory_space<vmem_shared>>)
    %barrier3A_44 = arith.constant 0 : index
    tpu.barrier barrier_id(%barrier3A_44)
    "tpu.region"() ({
      %run_scoped3A = tpu.sem_alloc : memref<!tpu.dma_semaphore, #tpu.memory_space<semaphore_mem>>
      %dma_start3A_45 = arith.constant 0 : i32
      %dma_start3A_46 = tpu.memref_slice %arg5[%arg0, %mul3A_2, %dma_start3A_45] : memref<2x10112x32xf32, #tpu.memory_space<hbm>> -> memref<1x632x32xf32, #tpu.memory_space<hbm>>
      %dma_start3A_47 = tpu.memref_squeeze %dma_start3A_46 : memref<1x632x32xf32, #tpu.memory_space<hbm>> -> memref<632x32xf32, #tpu.memory_space<hbm>>
      %dma_start3A_48 = arith.constant 0 : i32
      %dma_start3A_49 = tpu.memref_slice %arg6[%mul3A_2, %dma_start3A_48] : memref<10112x32xf32, #tpu.memory_space<vmem_shared>> -> memref<632x32xf32, #tpu.memory_space<vmem_shared>>
      tpu.enqueue_dma source(%dma_start3A_49 : memref<632x32xf32, #tpu.memory_space<vmem_shared>>) target(%dma_start3A_47 : memref<632x32xf32, #tpu.memory_space<hbm>>) target_semaphore(%run_scoped3A : memref<!tpu.dma_semaphore, #tpu.memory_space<semaphore_mem>>)
      %dma_wait3A_50 = arith.constant 0 : i32
      %dma_wait3A_51 = tpu.memref_slice %arg5[%arg0, %mul3A_2, %dma_wait3A_50] : memref<2x10112x32xf32, #tpu.memory_space<hbm>> -> memref<1x632x32xf32, #tpu.memory_space<hbm>>
      %dma_wait3A_52 = tpu.memref_squeeze %dma_wait3A_51 : memref<1x632x32xf32, #tpu.memory_space<hbm>> -> memref<632x32xf32, #tpu.memory_space<hbm>>
      %dma_wait3A_53 = arith.constant 0 : i32
      %dma_wait3A_54 = tpu.memref_slice %arg6[%mul3A_2, %dma_wait3A_53] : memref<10112x32xf32, #tpu.memory_space<vmem_shared>> -> memref<632x32xf32, #tpu.memory_space<vmem_shared>>
      tpu.wait_dma2 semaphore(%run_scoped3A : memref<!tpu.dma_semaphore, #tpu.memory_space<semaphore_mem>>) src(%dma_wait3A_54 : memref<632x32xf32, #tpu.memory_space<vmem_shared>>) dst(%dma_wait3A_52 : memref<632x32xf32, #tpu.memory_space<hbm>>)
      tpu.yield
    }) : () -> ()
    return
  }
}

#map = affine_map<(d0, d1) -> (0, 0, 0)>
#map1 = affine_map<(d0, d1) -> (0, 0)>
module attributes {stable_mosaic.version = 14 : i64} {
  func.func @edge_pass(%arg0: i32, %arg1: i32, %arg2: memref<3072x2x112xi32, #tpu.memory_space<hbm>>, %arg3: memref<10112x160xbf16, #tpu.memory_space<hbm>>, %arg4: memref<10112x16xf32, #tpu.memory_space<hbm>>, %arg5: memref<2x10112x144xf32, #tpu.memory_space<hbm>>, %arg6: memref<10112x144xf32, #tpu.memory_space<vmem_shared>>, %arg7: memref<2x112xi32, #tpu.memory_space<vmem>>, %arg8: memref<2x112xi32, #tpu.memory_space<vmem>>, %arg9: memref<2x112xi32, #tpu.memory_space<vmem>>, %arg10: memref<2x112xi32, #tpu.memory_space<vmem>>, %arg11: memref<112x160xbf16, #tpu.memory_space<vmem>>, %arg12: memref<112x160xbf16, #tpu.memory_space<vmem>>, %arg13: memref<112x16xf32, #tpu.memory_space<vmem>>, %arg14: memref<112x16xf32, #tpu.memory_space<vmem>>, %arg15: memref<112x144xf32, #tpu.memory_space<vmem>>, %arg16: memref<!tpu.dma_semaphore, #tpu.memory_space<semaphore_mem>>, %arg17: memref<!tpu.dma_semaphore, #tpu.memory_space<semaphore_mem>>, %arg18: memref<!tpu.dma_semaphore, #tpu.memory_space<semaphore_mem>>, %arg19: memref<!tpu.dma_semaphore, #tpu.memory_space<semaphore_mem>>, %arg20: memref<!tpu.dma_semaphore, #tpu.memory_space<semaphore_mem>>, %arg21: memref<!tpu.dma_semaphore, #tpu.memory_space<semaphore_mem>>) attributes {dimension_semantics = [#tpu.dimension_semantics<core_parallel>, #tpu.dimension_semantics<subcore_parallel>], iteration_bounds = array<i64: 2, 16>, scalar_prefetch = 0 : i64, scratch_operands = 16 : i64, tpu.core_type = #tpu.core_type<sc_vector_subcore>, window_params = [{transform_indices = #map}, {transform_indices = #map1}, {transform_indices = #map1}, {transform_indices = #map}]} {
    %mul3A = arith.constant 16 : i32
    %mul3A_0 = arith.muli %arg0, %mul3A : i32
    %add3A = arith.addi %mul3A_0, %arg1 : i32
    %mul3A_1 = arith.constant 632 : i32
    %mul3A_2 = arith.muli %arg1, %mul3A_1 : i32
    %mul3A_3 = arith.constant 96 : i32
    %mul3A_4 = arith.muli %add3A, %mul3A_3 : i32
    "tpu.region"() ({
      %run_scoped3A = tpu.sem_alloc : memref<!tpu.dma_semaphore, #tpu.memory_space<semaphore_mem>>
      %dma_start3A_45 = arith.constant 0 : i32
      %dma_start3A_46 = arith.constant 0 : i32
      %dma_start3A_47 = tpu.memref_slice %arg2[%mul3A_4, %dma_start3A_45, %dma_start3A_46] : memref<3072x2x112xi32, #tpu.memory_space<hbm>> -> memref<1x2x112xi32, #tpu.memory_space<hbm>>
      %dma_start3A_48 = tpu.memref_squeeze %dma_start3A_47 : memref<1x2x112xi32, #tpu.memory_space<hbm>> -> memref<2x112xi32, #tpu.memory_space<hbm>>
      %dma_start3A_49 = arith.constant 0 : i32
      %dma_start3A_50 = arith.constant 0 : i32
      %dma_start3A_51 = tpu.memref_slice %arg2[%mul3A_4, %dma_start3A_49, %dma_start3A_50] : memref<3072x2x112xi32, #tpu.memory_space<hbm>> -> memref<1x2x112xi32, #tpu.memory_space<hbm>>
      %dma_start3A_52 = tpu.memref_squeeze %dma_start3A_51 : memref<1x2x112xi32, #tpu.memory_space<hbm>> -> memref<2x112xi32, #tpu.memory_space<hbm>>
      tpu.enqueue_dma source(%dma_start3A_52 : memref<2x112xi32, #tpu.memory_space<hbm>>) target(%arg7 : memref<2x112xi32, #tpu.memory_space<vmem>>) target_semaphore(%run_scoped3A : memref<!tpu.dma_semaphore, #tpu.memory_space<semaphore_mem>>)
      %dma_wait3A_53 = arith.constant 0 : i32
      %dma_wait3A_54 = arith.constant 0 : i32
      %dma_wait3A_55 = tpu.memref_slice %arg2[%mul3A_4, %dma_wait3A_53, %dma_wait3A_54] : memref<3072x2x112xi32, #tpu.memory_space<hbm>> -> memref<1x2x112xi32, #tpu.memory_space<hbm>>
      %dma_wait3A_56 = tpu.memref_squeeze %dma_wait3A_55 : memref<1x2x112xi32, #tpu.memory_space<hbm>> -> memref<2x112xi32, #tpu.memory_space<hbm>>
      %dma_wait3A_57 = arith.constant 0 : i32
      %dma_wait3A_58 = arith.constant 0 : i32
      %dma_wait3A_59 = tpu.memref_slice %arg2[%mul3A_4, %dma_wait3A_57, %dma_wait3A_58] : memref<3072x2x112xi32, #tpu.memory_space<hbm>> -> memref<1x2x112xi32, #tpu.memory_space<hbm>>
      %dma_wait3A_60 = tpu.memref_squeeze %dma_wait3A_59 : memref<1x2x112xi32, #tpu.memory_space<hbm>> -> memref<2x112xi32, #tpu.memory_space<hbm>>
      tpu.wait_dma2 semaphore(%run_scoped3A : memref<!tpu.dma_semaphore, #tpu.memory_space<semaphore_mem>>) src(%dma_wait3A_60 : memref<2x112xi32, #tpu.memory_space<hbm>>) dst(%arg7 : memref<2x112xi32, #tpu.memory_space<vmem>>)
      tpu.yield
    }) : () -> ()
    %add3A_5 = arith.constant 1 : i32
    %add3A_6 = arith.addi %mul3A_4, %add3A_5 : i32
    "tpu.region"() ({
      %run_scoped3A = tpu.sem_alloc : memref<!tpu.dma_semaphore, #tpu.memory_space<semaphore_mem>>
      %dma_start3A_45 = arith.constant 0 : i32
      %dma_start3A_46 = arith.constant 0 : i32
      %dma_start3A_47 = tpu.memref_slice %arg2[%add3A_6, %dma_start3A_45, %dma_start3A_46] : memref<3072x2x112xi32, #tpu.memory_space<hbm>> -> memref<1x2x112xi32, #tpu.memory_space<hbm>>
      %dma_start3A_48 = tpu.memref_squeeze %dma_start3A_47 : memref<1x2x112xi32, #tpu.memory_space<hbm>> -> memref<2x112xi32, #tpu.memory_space<hbm>>
      %dma_start3A_49 = arith.constant 0 : i32
      %dma_start3A_50 = arith.constant 0 : i32
      %dma_start3A_51 = tpu.memref_slice %arg2[%add3A_6, %dma_start3A_49, %dma_start3A_50] : memref<3072x2x112xi32, #tpu.memory_space<hbm>> -> memref<1x2x112xi32, #tpu.memory_space<hbm>>
      %dma_start3A_52 = tpu.memref_squeeze %dma_start3A_51 : memref<1x2x112xi32, #tpu.memory_space<hbm>> -> memref<2x112xi32, #tpu.memory_space<hbm>>
      tpu.enqueue_dma source(%dma_start3A_52 : memref<2x112xi32, #tpu.memory_space<hbm>>) target(%arg8 : memref<2x112xi32, #tpu.memory_space<vmem>>) target_semaphore(%run_scoped3A : memref<!tpu.dma_semaphore, #tpu.memory_space<semaphore_mem>>)
      %dma_wait3A_53 = arith.constant 0 : i32
      %dma_wait3A_54 = arith.constant 0 : i32
      %dma_wait3A_55 = tpu.memref_slice %arg2[%add3A_6, %dma_wait3A_53, %dma_wait3A_54] : memref<3072x2x112xi32, #tpu.memory_space<hbm>> -> memref<1x2x112xi32, #tpu.memory_space<hbm>>
      %dma_wait3A_56 = tpu.memref_squeeze %dma_wait3A_55 : memref<1x2x112xi32, #tpu.memory_space<hbm>> -> memref<2x112xi32, #tpu.memory_space<hbm>>
      %dma_wait3A_57 = arith.constant 0 : i32
      %dma_wait3A_58 = arith.constant 0 : i32
      %dma_wait3A_59 = tpu.memref_slice %arg2[%add3A_6, %dma_wait3A_57, %dma_wait3A_58] : memref<3072x2x112xi32, #tpu.memory_space<hbm>> -> memref<1x2x112xi32, #tpu.memory_space<hbm>>
      %dma_wait3A_60 = tpu.memref_squeeze %dma_wait3A_59 : memref<1x2x112xi32, #tpu.memory_space<hbm>> -> memref<2x112xi32, #tpu.memory_space<hbm>>
      tpu.wait_dma2 semaphore(%run_scoped3A : memref<!tpu.dma_semaphore, #tpu.memory_space<semaphore_mem>>) src(%dma_wait3A_60 : memref<2x112xi32, #tpu.memory_space<hbm>>) dst(%arg8 : memref<2x112xi32, #tpu.memory_space<vmem>>)
      tpu.yield
    }) : () -> ()
    %dma_start3A = arith.constant 0 : i32
    %dma_start3A_7 = arith.constant 0 : i32
    %dma_start3A_8 = tpu.memref_slice %arg7[%dma_start3A, %dma_start3A_7] : memref<2x112xi32, #tpu.memory_space<vmem>> -> memref<1x112xi32, #tpu.memory_space<vmem>>
    %dma_start3A_9 = tpu.memref_squeeze %dma_start3A_8 : memref<1x112xi32, #tpu.memory_space<vmem>> -> memref<112xi32, #tpu.memory_space<vmem>>
    %dma_start3A_10 = arith.constant 0 : i32
    %dma_start3A_11 = arith.constant 0 : i32
    %dma_start3A_12 = tpu.memref_slice %arg3[%dma_start3A_10, %dma_start3A_11] : memref<10112x160xbf16, #tpu.memory_space<hbm>> -> memref<10112x160xbf16, #tpu.memory_space<hbm>>
    tpu.enqueue_indirect_dma source(%dma_start3A_12 : memref<10112x160xbf16, #tpu.memory_space<hbm>>) target(%arg11 : memref<112x160xbf16, #tpu.memory_space<vmem>>) offsets(%dma_start3A_9 : memref<112xi32, #tpu.memory_space<vmem>>) semaphore(%arg16 : memref<!tpu.dma_semaphore, #tpu.memory_space<semaphore_mem>>)
    %dma_start3A_13 = arith.constant 1 : i32
    %dma_start3A_14 = arith.constant 0 : i32
    %dma_start3A_15 = tpu.memref_slice %arg7[%dma_start3A_13, %dma_start3A_14] : memref<2x112xi32, #tpu.memory_space<vmem>> -> memref<1x112xi32, #tpu.memory_space<vmem>>
    %dma_start3A_16 = tpu.memref_squeeze %dma_start3A_15 : memref<1x112xi32, #tpu.memory_space<vmem>> -> memref<112xi32, #tpu.memory_space<vmem>>
    %dma_start3A_17 = arith.constant 0 : i32
    %dma_start3A_18 = arith.constant 0 : i32
    %dma_start3A_19 = tpu.memref_slice %arg4[%dma_start3A_17, %dma_start3A_18] : memref<10112x16xf32, #tpu.memory_space<hbm>> -> memref<10112x16xf32, #tpu.memory_space<hbm>>
    tpu.enqueue_indirect_dma source(%dma_start3A_19 : memref<10112x16xf32, #tpu.memory_space<hbm>>) target(%arg13 : memref<112x16xf32, #tpu.memory_space<vmem>>) offsets(%dma_start3A_16 : memref<112xi32, #tpu.memory_space<vmem>>) semaphore(%arg16 : memref<!tpu.dma_semaphore, #tpu.memory_space<semaphore_mem>>)
    %parallel_loop3A = arith.constant 0 : i32
    %parallel_loop3A_20 = arith.constant 112 : i32
    %parallel_loop3A_21 = arith.constant 1 : i32
    scf.for %parallel_loop3A_45 = %parallel_loop3A to %parallel_loop3A_20 step %parallel_loop3A_21  : i32 {
      %parallel_loop3A_46 = arith.constant 0.000000e+00 : f32
      %parallel_loop3A_47 = vector.broadcast %parallel_loop3A_46 : f32 to vector<16xf32>
      %parallel_loop3A_48 = arith.index_cast %parallel_loop3A_45 : i32 to index
      %parallel_loop3A_49 = arith.constant 0 : index
      %parallel_loop3A_50 = tpu.vector_load %arg15[%parallel_loop3A_48, %parallel_loop3A_49] {strides = array<i32>} : memref<112x144xf32, #tpu.memory_space<vmem>>, vector<16xf32>,
      tpu.vector_store %arg15[%parallel_loop3A_48, %parallel_loop3A_49], %parallel_loop3A_47 {strides = array<i32>} : memref<112x144xf32, #tpu.memory_space<vmem>>, vector<16xf32>,
      %parallel_loop3A_51 = arith.constant 0.000000e+00 : f32
      %parallel_loop3A_52 = vector.broadcast %parallel_loop3A_51 : f32 to vector<16xf32>
      %parallel_loop3A_53 = arith.index_cast %parallel_loop3A_45 : i32 to index
      %parallel_loop3A_54 = arith.constant 16 : index
      %parallel_loop3A_55 = tpu.vector_load %arg15[%parallel_loop3A_53, %parallel_loop3A_54] {strides = array<i32>} : memref<112x144xf32, #tpu.memory_space<vmem>>, vector<16xf32>,
      tpu.vector_store %arg15[%parallel_loop3A_53, %parallel_loop3A_54], %parallel_loop3A_52 {strides = array<i32>} : memref<112x144xf32, #tpu.memory_space<vmem>>, vector<16xf32>,
      %parallel_loop3A_56 = arith.constant 0.000000e+00 : f32
      %parallel_loop3A_57 = vector.broadcast %parallel_loop3A_56 : f32 to vector<16xf32>
      %parallel_loop3A_58 = arith.index_cast %parallel_loop3A_45 : i32 to index
      %parallel_loop3A_59 = arith.constant 32 : index
      %parallel_loop3A_60 = tpu.vector_load %arg15[%parallel_loop3A_58, %parallel_loop3A_59] {strides = array<i32>} : memref<112x144xf32, #tpu.memory_space<vmem>>, vector<16xf32>,
      tpu.vector_store %arg15[%parallel_loop3A_58, %parallel_loop3A_59], %parallel_loop3A_57 {strides = array<i32>} : memref<112x144xf32, #tpu.memory_space<vmem>>, vector<16xf32>,
      %parallel_loop3A_61 = arith.constant 0.000000e+00 : f32
      %parallel_loop3A_62 = vector.broadcast %parallel_loop3A_61 : f32 to vector<16xf32>
      %parallel_loop3A_63 = arith.index_cast %parallel_loop3A_45 : i32 to index
      %parallel_loop3A_64 = arith.constant 48 : index
      %parallel_loop3A_65 = tpu.vector_load %arg15[%parallel_loop3A_63, %parallel_loop3A_64] {strides = array<i32>} : memref<112x144xf32, #tpu.memory_space<vmem>>, vector<16xf32>,
      tpu.vector_store %arg15[%parallel_loop3A_63, %parallel_loop3A_64], %parallel_loop3A_62 {strides = array<i32>} : memref<112x144xf32, #tpu.memory_space<vmem>>, vector<16xf32>,
      %parallel_loop3A_66 = arith.constant 0.000000e+00 : f32
      %parallel_loop3A_67 = vector.broadcast %parallel_loop3A_66 : f32 to vector<16xf32>
      %parallel_loop3A_68 = arith.index_cast %parallel_loop3A_45 : i32 to index
      %parallel_loop3A_69 = arith.constant 64 : index
      %parallel_loop3A_70 = tpu.vector_load %arg15[%parallel_loop3A_68, %parallel_loop3A_69] {strides = array<i32>} : memref<112x144xf32, #tpu.memory_space<vmem>>, vector<16xf32>,
      tpu.vector_store %arg15[%parallel_loop3A_68, %parallel_loop3A_69], %parallel_loop3A_67 {strides = array<i32>} : memref<112x144xf32, #tpu.memory_space<vmem>>, vector<16xf32>,
      %parallel_loop3A_71 = arith.constant 0.000000e+00 : f32
      %parallel_loop3A_72 = vector.broadcast %parallel_loop3A_71 : f32 to vector<16xf32>
      %parallel_loop3A_73 = arith.index_cast %parallel_loop3A_45 : i32 to index
      %parallel_loop3A_74 = arith.constant 80 : index
      %parallel_loop3A_75 = tpu.vector_load %arg15[%parallel_loop3A_73, %parallel_loop3A_74] {strides = array<i32>} : memref<112x144xf32, #tpu.memory_space<vmem>>, vector<16xf32>,
      tpu.vector_store %arg15[%parallel_loop3A_73, %parallel_loop3A_74], %parallel_loop3A_72 {strides = array<i32>} : memref<112x144xf32, #tpu.memory_space<vmem>>, vector<16xf32>,
      %parallel_loop3A_76 = arith.constant 0.000000e+00 : f32
      %parallel_loop3A_77 = vector.broadcast %parallel_loop3A_76 : f32 to vector<16xf32>
      %parallel_loop3A_78 = arith.index_cast %parallel_loop3A_45 : i32 to index
      %parallel_loop3A_79 = arith.constant 96 : index
      %parallel_loop3A_80 = tpu.vector_load %arg15[%parallel_loop3A_78, %parallel_loop3A_79] {strides = array<i32>} : memref<112x144xf32, #tpu.memory_space<vmem>>, vector<16xf32>,
      tpu.vector_store %arg15[%parallel_loop3A_78, %parallel_loop3A_79], %parallel_loop3A_77 {strides = array<i32>} : memref<112x144xf32, #tpu.memory_space<vmem>>, vector<16xf32>,
      %parallel_loop3A_81 = arith.constant 0.000000e+00 : f32
      %parallel_loop3A_82 = vector.broadcast %parallel_loop3A_81 : f32 to vector<16xf32>
      %parallel_loop3A_83 = arith.index_cast %parallel_loop3A_45 : i32 to index
      %parallel_loop3A_84 = arith.constant 112 : index
      %parallel_loop3A_85 = tpu.vector_load %arg15[%parallel_loop3A_83, %parallel_loop3A_84] {strides = array<i32>} : memref<112x144xf32, #tpu.memory_space<vmem>>, vector<16xf32>,
      tpu.vector_store %arg15[%parallel_loop3A_83, %parallel_loop3A_84], %parallel_loop3A_82 {strides = array<i32>} : memref<112x144xf32, #tpu.memory_space<vmem>>, vector<16xf32>,
      %parallel_loop3A_86 = arith.constant 0.000000e+00 : f32
      %parallel_loop3A_87 = vector.broadcast %parallel_loop3A_86 : f32 to vector<16xf32>
      %parallel_loop3A_88 = arith.index_cast %parallel_loop3A_45 : i32 to index
      %parallel_loop3A_89 = arith.constant 128 : index
      %parallel_loop3A_90 = tpu.vector_load %arg15[%parallel_loop3A_88, %parallel_loop3A_89] {strides = array<i32>} : memref<112x144xf32, #tpu.memory_space<vmem>>, vector<16xf32>,
      tpu.vector_store %arg15[%parallel_loop3A_88, %parallel_loop3A_89], %parallel_loop3A_87 {strides = array<i32>} : memref<112x144xf32, #tpu.memory_space<vmem>>, vector<16xf32>,
    } {sc.loop_unroll_factor = 2 : i64, sc.parallel_access}
    %add3A_22 = arith.constant 0 : i32
    %add3A_23 = arith.addi %mul3A_2, %add3A_22 : i32
    "tpu.region"() ({
      %run_scoped3A = tpu.sem_alloc : memref<!tpu.dma_semaphore, #tpu.memory_space<semaphore_mem>>
      %dma_start3A_45 = arith.constant 0 : i32
      %dma_start3A_46 = tpu.memref_slice %arg6[%add3A_23, %dma_start3A_45] : memref<10112x144xf32, #tpu.memory_space<vmem_shared>> -> memref<112x144xf32, #tpu.memory_space<vmem_shared>>
      %dma_start3A_47 = arith.constant 0 : i32
      %dma_start3A_48 = tpu.memref_slice %arg6[%add3A_23, %dma_start3A_47] : memref<10112x144xf32, #tpu.memory_space<vmem_shared>> -> memref<112x144xf32, #tpu.memory_space<vmem_shared>>
      tpu.enqueue_dma source(%arg15 : memref<112x144xf32, #tpu.memory_space<vmem>>) target(%dma_start3A_48 : memref<112x144xf32, #tpu.memory_space<vmem_shared>>) target_semaphore(%run_scoped3A : memref<!tpu.dma_semaphore, #tpu.memory_space<semaphore_mem>>)
      %dma_wait3A_49 = arith.constant 0 : i32
      %dma_wait3A_50 = tpu.memref_slice %arg6[%add3A_23, %dma_wait3A_49] : memref<10112x144xf32, #tpu.memory_space<vmem_shared>> -> memref<112x144xf32, #tpu.memory_space<vmem_shared>>
      %dma_wait3A_51 = arith.constant 0 : i32
      %dma_wait3A_52 = tpu.memref_slice %arg6[%add3A_23, %dma_wait3A_51] : memref<10112x144xf32, #tpu.memory_space<vmem_shared>> -> memref<112x144xf32, #tpu.memory_space<vmem_shared>>
      tpu.wait_dma2 semaphore(%run_scoped3A : memref<!tpu.dma_semaphore, #tpu.memory_space<semaphore_mem>>) src(%arg15 : memref<112x144xf32, #tpu.memory_space<vmem>>) dst(%dma_wait3A_52 : memref<112x144xf32, #tpu.memory_space<vmem_shared>>)
      tpu.yield
    }) : () -> ()
    %add3A_24 = arith.constant 112 : i32
    %add3A_25 = arith.addi %mul3A_2, %add3A_24 : i32
    "tpu.region"() ({
      %run_scoped3A = tpu.sem_alloc : memref<!tpu.dma_semaphore, #tpu.memory_space<semaphore_mem>>
      %dma_start3A_45 = arith.constant 0 : i32
      %dma_start3A_46 = tpu.memref_slice %arg6[%add3A_25, %dma_start3A_45] : memref<10112x144xf32, #tpu.memory_space<vmem_shared>> -> memref<112x144xf32, #tpu.memory_space<vmem_shared>>
      %dma_start3A_47 = arith.constant 0 : i32
      %dma_start3A_48 = tpu.memref_slice %arg6[%add3A_25, %dma_start3A_47] : memref<10112x144xf32, #tpu.memory_space<vmem_shared>> -> memref<112x144xf32, #tpu.memory_space<vmem_shared>>
      tpu.enqueue_dma source(%arg15 : memref<112x144xf32, #tpu.memory_space<vmem>>) target(%dma_start3A_48 : memref<112x144xf32, #tpu.memory_space<vmem_shared>>) target_semaphore(%run_scoped3A : memref<!tpu.dma_semaphore, #tpu.memory_space<semaphore_mem>>)
      %dma_wait3A_49 = arith.constant 0 : i32
      %dma_wait3A_50 = tpu.memref_slice %arg6[%add3A_25, %dma_wait3A_49] : memref<10112x144xf32, #tpu.memory_space<vmem_shared>> -> memref<112x144xf32, #tpu.memory_space<vmem_shared>>
      %dma_wait3A_51 = arith.constant 0 : i32
      %dma_wait3A_52 = tpu.memref_slice %arg6[%add3A_25, %dma_wait3A_51] : memref<10112x144xf32, #tpu.memory_space<vmem_shared>> -> memref<112x144xf32, #tpu.memory_space<vmem_shared>>
      tpu.wait_dma2 semaphore(%run_scoped3A : memref<!tpu.dma_semaphore, #tpu.memory_space<semaphore_mem>>) src(%arg15 : memref<112x144xf32, #tpu.memory_space<vmem>>) dst(%dma_wait3A_52 : memref<112x144xf32, #tpu.memory_space<vmem_shared>>)
      tpu.yield
    }) : () -> ()
    %add3A_26 = arith.constant 224 : i32
    %add3A_27 = arith.addi %mul3A_2, %add3A_26 : i32
    "tpu.region"() ({
      %run_scoped3A = tpu.sem_alloc : memref<!tpu.dma_semaphore, #tpu.memory_space<semaphore_mem>>
      %dma_start3A_45 = arith.constant 0 : i32
      %dma_start3A_46 = tpu.memref_slice %arg6[%add3A_27, %dma_start3A_45] : memref<10112x144xf32, #tpu.memory_space<vmem_shared>> -> memref<112x144xf32, #tpu.memory_space<vmem_shared>>
      %dma_start3A_47 = arith.constant 0 : i32
      %dma_start3A_48 = tpu.memref_slice %arg6[%add3A_27, %dma_start3A_47] : memref<10112x144xf32, #tpu.memory_space<vmem_shared>> -> memref<112x144xf32, #tpu.memory_space<vmem_shared>>
      tpu.enqueue_dma source(%arg15 : memref<112x144xf32, #tpu.memory_space<vmem>>) target(%dma_start3A_48 : memref<112x144xf32, #tpu.memory_space<vmem_shared>>) target_semaphore(%run_scoped3A : memref<!tpu.dma_semaphore, #tpu.memory_space<semaphore_mem>>)
      %dma_wait3A_49 = arith.constant 0 : i32
      %dma_wait3A_50 = tpu.memref_slice %arg6[%add3A_27, %dma_wait3A_49] : memref<10112x144xf32, #tpu.memory_space<vmem_shared>> -> memref<112x144xf32, #tpu.memory_space<vmem_shared>>
      %dma_wait3A_51 = arith.constant 0 : i32
      %dma_wait3A_52 = tpu.memref_slice %arg6[%add3A_27, %dma_wait3A_51] : memref<10112x144xf32, #tpu.memory_space<vmem_shared>> -> memref<112x144xf32, #tpu.memory_space<vmem_shared>>
      tpu.wait_dma2 semaphore(%run_scoped3A : memref<!tpu.dma_semaphore, #tpu.memory_space<semaphore_mem>>) src(%arg15 : memref<112x144xf32, #tpu.memory_space<vmem>>) dst(%dma_wait3A_52 : memref<112x144xf32, #tpu.memory_space<vmem_shared>>)
      tpu.yield
    }) : () -> ()
    %add3A_28 = arith.constant 336 : i32
    %add3A_29 = arith.addi %mul3A_2, %add3A_28 : i32
    "tpu.region"() ({
      %run_scoped3A = tpu.sem_alloc : memref<!tpu.dma_semaphore, #tpu.memory_space<semaphore_mem>>
      %dma_start3A_45 = arith.constant 0 : i32
      %dma_start3A_46 = tpu.memref_slice %arg6[%add3A_29, %dma_start3A_45] : memref<10112x144xf32, #tpu.memory_space<vmem_shared>> -> memref<112x144xf32, #tpu.memory_space<vmem_shared>>
      %dma_start3A_47 = arith.constant 0 : i32
      %dma_start3A_48 = tpu.memref_slice %arg6[%add3A_29, %dma_start3A_47] : memref<10112x144xf32, #tpu.memory_space<vmem_shared>> -> memref<112x144xf32, #tpu.memory_space<vmem_shared>>
      tpu.enqueue_dma source(%arg15 : memref<112x144xf32, #tpu.memory_space<vmem>>) target(%dma_start3A_48 : memref<112x144xf32, #tpu.memory_space<vmem_shared>>) target_semaphore(%run_scoped3A : memref<!tpu.dma_semaphore, #tpu.memory_space<semaphore_mem>>)
      %dma_wait3A_49 = arith.constant 0 : i32
      %dma_wait3A_50 = tpu.memref_slice %arg6[%add3A_29, %dma_wait3A_49] : memref<10112x144xf32, #tpu.memory_space<vmem_shared>> -> memref<112x144xf32, #tpu.memory_space<vmem_shared>>
      %dma_wait3A_51 = arith.constant 0 : i32
      %dma_wait3A_52 = tpu.memref_slice %arg6[%add3A_29, %dma_wait3A_51] : memref<10112x144xf32, #tpu.memory_space<vmem_shared>> -> memref<112x144xf32, #tpu.memory_space<vmem_shared>>
      tpu.wait_dma2 semaphore(%run_scoped3A : memref<!tpu.dma_semaphore, #tpu.memory_space<semaphore_mem>>) src(%arg15 : memref<112x144xf32, #tpu.memory_space<vmem>>) dst(%dma_wait3A_52 : memref<112x144xf32, #tpu.memory_space<vmem_shared>>)
      tpu.yield
    }) : () -> ()
    %add3A_30 = arith.constant 448 : i32
    %add3A_31 = arith.addi %mul3A_2, %add3A_30 : i32
    "tpu.region"() ({
      %run_scoped3A = tpu.sem_alloc : memref<!tpu.dma_semaphore, #tpu.memory_space<semaphore_mem>>
      %dma_start3A_45 = arith.constant 0 : i32
      %dma_start3A_46 = tpu.memref_slice %arg6[%add3A_31, %dma_start3A_45] : memref<10112x144xf32, #tpu.memory_space<vmem_shared>> -> memref<112x144xf32, #tpu.memory_space<vmem_shared>>
      %dma_start3A_47 = arith.constant 0 : i32
      %dma_start3A_48 = tpu.memref_slice %arg6[%add3A_31, %dma_start3A_47] : memref<10112x144xf32, #tpu.memory_space<vmem_shared>> -> memref<112x144xf32, #tpu.memory_space<vmem_shared>>
      tpu.enqueue_dma source(%arg15 : memref<112x144xf32, #tpu.memory_space<vmem>>) target(%dma_start3A_48 : memref<112x144xf32, #tpu.memory_space<vmem_shared>>) target_semaphore(%run_scoped3A : memref<!tpu.dma_semaphore, #tpu.memory_space<semaphore_mem>>)
      %dma_wait3A_49 = arith.constant 0 : i32
      %dma_wait3A_50 = tpu.memref_slice %arg6[%add3A_31, %dma_wait3A_49] : memref<10112x144xf32, #tpu.memory_space<vmem_shared>> -> memref<112x144xf32, #tpu.memory_space<vmem_shared>>
      %dma_wait3A_51 = arith.constant 0 : i32
      %dma_wait3A_52 = tpu.memref_slice %arg6[%add3A_31, %dma_wait3A_51] : memref<10112x144xf32, #tpu.memory_space<vmem_shared>> -> memref<112x144xf32, #tpu.memory_space<vmem_shared>>
      tpu.wait_dma2 semaphore(%run_scoped3A : memref<!tpu.dma_semaphore, #tpu.memory_space<semaphore_mem>>) src(%arg15 : memref<112x144xf32, #tpu.memory_space<vmem>>) dst(%dma_wait3A_52 : memref<112x144xf32, #tpu.memory_space<vmem_shared>>)
      tpu.yield
    }) : () -> ()
    %add3A_32 = arith.constant 560 : i32
    %add3A_33 = arith.addi %mul3A_2, %add3A_32 : i32
    "tpu.region"() ({
      %run_scoped3A = tpu.sem_alloc : memref<!tpu.dma_semaphore, #tpu.memory_space<semaphore_mem>>
      %dma_start3A_45 = arith.constant 0 : i32
      %dma_start3A_46 = arith.constant 0 : i32
      %dma_start3A_47 = tpu.memref_slice %arg15[%dma_start3A_45, %dma_start3A_46] : memref<112x144xf32, #tpu.memory_space<vmem>> -> memref<72x144xf32, #tpu.memory_space<vmem>>
      %dma_start3A_48 = arith.constant 0 : i32
      %dma_start3A_49 = tpu.memref_slice %arg6[%add3A_33, %dma_start3A_48] : memref<10112x144xf32, #tpu.memory_space<vmem_shared>> -> memref<72x144xf32, #tpu.memory_space<vmem_shared>>
      %dma_start3A_50 = arith.constant 0 : i32
      %dma_start3A_51 = tpu.memref_slice %arg6[%add3A_33, %dma_start3A_50] : memref<10112x144xf32, #tpu.memory_space<vmem_shared>> -> memref<72x144xf32, #tpu.memory_space<vmem_shared>>
      %dma_start3A_52 = arith.constant 0 : i32
      %dma_start3A_53 = arith.constant 0 : i32
      %dma_start3A_54 = tpu.memref_slice %arg15[%dma_start3A_52, %dma_start3A_53] : memref<112x144xf32, #tpu.memory_space<vmem>> -> memref<72x144xf32, #tpu.memory_space<vmem>>
      tpu.enqueue_dma source(%dma_start3A_54 : memref<72x144xf32, #tpu.memory_space<vmem>>) target(%dma_start3A_51 : memref<72x144xf32, #tpu.memory_space<vmem_shared>>) target_semaphore(%run_scoped3A : memref<!tpu.dma_semaphore, #tpu.memory_space<semaphore_mem>>)
      %dma_wait3A_55 = arith.constant 0 : i32
      %dma_wait3A_56 = arith.constant 0 : i32
      %dma_wait3A_57 = tpu.memref_slice %arg15[%dma_wait3A_55, %dma_wait3A_56] : memref<112x144xf32, #tpu.memory_space<vmem>> -> memref<72x144xf32, #tpu.memory_space<vmem>>
      %dma_wait3A_58 = arith.constant 0 : i32
      %dma_wait3A_59 = tpu.memref_slice %arg6[%add3A_33, %dma_wait3A_58] : memref<10112x144xf32, #tpu.memory_space<vmem_shared>> -> memref<72x144xf32, #tpu.memory_space<vmem_shared>>
      %dma_wait3A_60 = arith.constant 0 : i32
      %dma_wait3A_61 = tpu.memref_slice %arg6[%add3A_33, %dma_wait3A_60] : memref<10112x144xf32, #tpu.memory_space<vmem_shared>> -> memref<72x144xf32, #tpu.memory_space<vmem_shared>>
      %dma_wait3A_62 = arith.constant 0 : i32
      %dma_wait3A_63 = arith.constant 0 : i32
      %dma_wait3A_64 = tpu.memref_slice %arg15[%dma_wait3A_62, %dma_wait3A_63] : memref<112x144xf32, #tpu.memory_space<vmem>> -> memref<72x144xf32, #tpu.memory_space<vmem>>
      tpu.wait_dma2 semaphore(%run_scoped3A : memref<!tpu.dma_semaphore, #tpu.memory_space<semaphore_mem>>) src(%dma_wait3A_64 : memref<72x144xf32, #tpu.memory_space<vmem>>) dst(%dma_wait3A_61 : memref<72x144xf32, #tpu.memory_space<vmem_shared>>)
      tpu.yield
    }) : () -> ()
    %barrier3A = arith.constant 0 : index
    tpu.barrier barrier_id(%barrier3A)
    %scan3A = arith.constant 0 : i32
    %scan3A_34 = arith.constant 0 : i32
    %scan3A_35 = arith.constant 24 : i32
    %scan3A_36 = arith.addi %scan3A_34, %scan3A_35 : i32
    %scan3A_37 = arith.constant 1 : i32
    scf.for %scan3A_45 = %scan3A_34 to %scan3A_36 step %scan3A_37  : i32 {
      %mul3A_46 = arith.constant 4 : i32
      %mul3A_47 = arith.muli %mul3A_46, %scan3A_45 : i32
      %add3A_48 = arith.constant 0 : i32
      %add3A_49 = arith.addi %mul3A_47, %add3A_48 : i32
      %add3A_50 = arith.constant 1 : i32
      %add3A_51 = arith.addi %add3A_49, %add3A_50 : i32
      %lt3A = arith.constant 96 : i32
      %lt3A_52 = arith.cmpi slt, %add3A_51, %lt3A : i32
      %convert_element_type3A = arith.extui %lt3A_52 : i1 to i32
      %cond3A = arith.constant 0 : i32
      %cond3A_53 = arith.cmpi ne, %convert_element_type3A, %cond3A : i32
      scf.if %cond3A_53 {
        %ge3A_222 = arith.constant 1 : i32
        %ge3A_223 = arith.cmpi sge, %add3A_49, %ge3A_222 : i32
        %convert_element_type3A_224 = arith.extui %ge3A_223 : i1 to i32
        %cond3A_225 = arith.constant 0 : i32
        %cond3A_226 = arith.cmpi ne, %convert_element_type3A_224, %cond3A_225 : i32
        scf.if %cond3A_226 {
          %dma_wait3A_241 = arith.constant 0 : i32
          %dma_wait3A_242 = arith.constant 0 : i32
          %dma_wait3A_243 = tpu.memref_slice %arg2[%mul3A_4, %dma_wait3A_241, %dma_wait3A_242] : memref<3072x2x112xi32, #tpu.memory_space<hbm>> -> memref<1x2x112xi32, #tpu.memory_space<hbm>>
          %dma_wait3A_244 = tpu.memref_squeeze %dma_wait3A_243 : memref<1x2x112xi32, #tpu.memory_space<hbm>> -> memref<2x112xi32, #tpu.memory_space<hbm>>
          %dma_wait3A_245 = arith.constant 0 : i32
          %dma_wait3A_246 = arith.constant 0 : i32
          %dma_wait3A_247 = tpu.memref_slice %arg2[%mul3A_4, %dma_wait3A_245, %dma_wait3A_246] : memref<3072x2x112xi32, #tpu.memory_space<hbm>> -> memref<1x2x112xi32, #tpu.memory_space<hbm>>
          %dma_wait3A_248 = tpu.memref_squeeze %dma_wait3A_247 : memref<1x2x112xi32, #tpu.memory_space<hbm>> -> memref<2x112xi32, #tpu.memory_space<hbm>>
          tpu.wait_dma2 semaphore(%arg21 : memref<!tpu.dma_semaphore, #tpu.memory_space<semaphore_mem>>) src(%dma_wait3A_248 : memref<2x112xi32, #tpu.memory_space<hbm>>) dst(%arg8 : memref<2x112xi32, #tpu.memory_space<vmem>>)
        } else {
        }
        %dma_start3A_227 = arith.constant 0 : i32
        %dma_start3A_228 = arith.constant 0 : i32
        %dma_start3A_229 = tpu.memref_slice %arg8[%dma_start3A_227, %dma_start3A_228] : memref<2x112xi32, #tpu.memory_space<vmem>> -> memref<1x112xi32, #tpu.memory_space<vmem>>
        %dma_start3A_230 = tpu.memref_squeeze %dma_start3A_229 : memref<1x112xi32, #tpu.memory_space<vmem>> -> memref<112xi32, #tpu.memory_space<vmem>>
        %dma_start3A_231 = arith.constant 0 : i32
        %dma_start3A_232 = arith.constant 0 : i32
        %dma_start3A_233 = tpu.memref_slice %arg3[%dma_start3A_231, %dma_start3A_232] : memref<10112x160xbf16, #tpu.memory_space<hbm>> -> memref<10112x160xbf16, #tpu.memory_space<hbm>>
        tpu.enqueue_indirect_dma source(%dma_start3A_233 : memref<10112x160xbf16, #tpu.memory_space<hbm>>) target(%arg12 : memref<112x160xbf16, #tpu.memory_space<vmem>>) offsets(%dma_start3A_230 : memref<112xi32, #tpu.memory_space<vmem>>) semaphore(%arg17 : memref<!tpu.dma_semaphore, #tpu.memory_space<semaphore_mem>>)
        %dma_start3A_234 = arith.constant 1 : i32
        %dma_start3A_235 = arith.constant 0 : i32
        %dma_start3A_236 = tpu.memref_slice %arg8[%dma_start3A_234, %dma_start3A_235] : memref<2x112xi32, #tpu.memory_space<vmem>> -> memref<1x112xi32, #tpu.memory_space<vmem>>
        %dma_start3A_237 = tpu.memref_squeeze %dma_start3A_236 : memref<1x112xi32, #tpu.memory_space<vmem>> -> memref<112xi32, #tpu.memory_space<vmem>>
        %dma_start3A_238 = arith.constant 0 : i32
        %dma_start3A_239 = arith.constant 0 : i32
        %dma_start3A_240 = tpu.memref_slice %arg4[%dma_start3A_238, %dma_start3A_239] : memref<10112x16xf32, #tpu.memory_space<hbm>> -> memref<10112x16xf32, #tpu.memory_space<hbm>>
        tpu.enqueue_indirect_dma source(%dma_start3A_240 : memref<10112x16xf32, #tpu.memory_space<hbm>>) target(%arg14 : memref<112x16xf32, #tpu.memory_space<vmem>>) offsets(%dma_start3A_237 : memref<112xi32, #tpu.memory_space<vmem>>) semaphore(%arg17 : memref<!tpu.dma_semaphore, #tpu.memory_space<semaphore_mem>>)
      } else {
      }
      %add3A_54 = arith.constant 2 : i32
      %add3A_55 = arith.addi %add3A_49, %add3A_54 : i32
      %lt3A_56 = arith.constant 96 : i32
      %lt3A_57 = arith.cmpi slt, %add3A_55, %lt3A_56 : i32
      %convert_element_type3A_58 = arith.extui %lt3A_57 : i1 to i32
      %cond3A_59 = arith.constant 0 : i32
      %cond3A_60 = arith.cmpi ne, %convert_element_type3A_58, %cond3A_59 : i32
      scf.if %cond3A_60 {
        %add3A_222 = arith.addi %mul3A_4, %add3A_49 : i32
        %add3A_223 = arith.constant 2 : i32
        %add3A_224 = arith.addi %add3A_222, %add3A_223 : i32
        %dma_start3A_225 = arith.constant 0 : i32
        %dma_start3A_226 = arith.constant 0 : i32
        %dma_start3A_227 = tpu.memref_slice %arg2[%add3A_224, %dma_start3A_225, %dma_start3A_226] : memref<3072x2x112xi32, #tpu.memory_space<hbm>> -> memref<1x2x112xi32, #tpu.memory_space<hbm>>
        %dma_start3A_228 = tpu.memref_squeeze %dma_start3A_227 : memref<1x2x112xi32, #tpu.memory_space<hbm>> -> memref<2x112xi32, #tpu.memory_space<hbm>>
        %dma_start3A_229 = arith.constant 0 : i32
        %dma_start3A_230 = arith.constant 0 : i32
        %dma_start3A_231 = tpu.memref_slice %arg2[%add3A_224, %dma_start3A_229, %dma_start3A_230] : memref<3072x2x112xi32, #tpu.memory_space<hbm>> -> memref<1x2x112xi32, #tpu.memory_space<hbm>>
        %dma_start3A_232 = tpu.memref_squeeze %dma_start3A_231 : memref<1x2x112xi32, #tpu.memory_space<hbm>> -> memref<2x112xi32, #tpu.memory_space<hbm>>
        tpu.enqueue_dma source(%dma_start3A_232 : memref<2x112xi32, #tpu.memory_space<hbm>>) target(%arg9 : memref<2x112xi32, #tpu.memory_space<vmem>>) target_semaphore(%arg20 : memref<!tpu.dma_semaphore, #tpu.memory_space<semaphore_mem>>)
      } else {
      }
      %dma_wait3A_61 = arith.constant 0 : i32
      %dma_wait3A_62 = arith.constant 0 : i32
      %dma_wait3A_63 = tpu.memref_slice %arg3[%dma_wait3A_61, %dma_wait3A_62] : memref<10112x160xbf16, #tpu.memory_space<hbm>> -> memref<112x160xbf16, #tpu.memory_space<hbm>>
      %dma_wait3A_64 = arith.constant 0 : i32
      %dma_wait3A_65 = arith.constant 0 : i32
      %dma_wait3A_66 = tpu.memref_slice %arg3[%dma_wait3A_64, %dma_wait3A_65] : memref<10112x160xbf16, #tpu.memory_space<hbm>> -> memref<112x160xbf16, #tpu.memory_space<hbm>>
      tpu.wait_dma2 semaphore(%arg16 : memref<!tpu.dma_semaphore, #tpu.memory_space<semaphore_mem>>) src(%dma_wait3A_66 : memref<112x160xbf16, #tpu.memory_space<hbm>>) dst(%arg11 : memref<112x160xbf16, #tpu.memory_space<vmem>>)
      %dma_wait3A_67 = arith.constant 0 : i32
      %dma_wait3A_68 = arith.constant 0 : i32
      %dma_wait3A_69 = tpu.memref_slice %arg4[%dma_wait3A_67, %dma_wait3A_68] : memref<10112x16xf32, #tpu.memory_space<hbm>> -> memref<112x16xf32, #tpu.memory_space<hbm>>
      %dma_wait3A_70 = arith.constant 0 : i32
      %dma_wait3A_71 = arith.constant 0 : i32
      %dma_wait3A_72 = tpu.memref_slice %arg4[%dma_wait3A_70, %dma_wait3A_71] : memref<10112x16xf32, #tpu.memory_space<hbm>> -> memref<112x16xf32, #tpu.memory_space<hbm>>
      tpu.wait_dma2 semaphore(%arg16 : memref<!tpu.dma_semaphore, #tpu.memory_space<semaphore_mem>>) src(%dma_wait3A_72 : memref<112x16xf32, #tpu.memory_space<hbm>>) dst(%arg13 : memref<112x16xf32, #tpu.memory_space<vmem>>)
      %ge3A = arith.constant 1 : i32
      %ge3A_73 = arith.cmpi sge, %add3A_49, %ge3A : i32
      %convert_element_type3A_74 = arith.extui %ge3A_73 : i1 to i32
      %cond3A_75 = arith.constant 0 : i32
      %cond3A_76 = arith.cmpi ne, %convert_element_type3A_74, %cond3A_75 : i32
      scf.if %cond3A_76 {
        %dma_wait3A_222 = arith.constant 0 : i32
        %dma_wait3A_223 = arith.constant 0 : i32
        %dma_wait3A_224 = tpu.memref_slice %arg6[%dma_wait3A_222, %dma_wait3A_223] : memref<10112x144xf32, #tpu.memory_space<vmem_shared>> -> memref<112x144xf32, #tpu.memory_space<vmem_shared>>
        %dma_wait3A_225 = arith.constant 0 : i32
        %dma_wait3A_226 = arith.constant 0 : i32
        %dma_wait3A_227 = tpu.memref_slice %arg6[%dma_wait3A_225, %dma_wait3A_226] : memref<10112x144xf32, #tpu.memory_space<vmem_shared>> -> memref<112x144xf32, #tpu.memory_space<vmem_shared>>
        tpu.wait_dma2 semaphore(%arg19 : memref<!tpu.dma_semaphore, #tpu.memory_space<semaphore_mem>>) src(%arg15 : memref<112x144xf32, #tpu.memory_space<vmem>>) dst(%dma_wait3A_227 : memref<112x144xf32, #tpu.memory_space<vmem_shared>>)
      } else {
      }
      %parallel_loop3A_77 = arith.constant 0 : i32
      %parallel_loop3A_78 = arith.constant 112 : i32
      %parallel_loop3A_79 = arith.constant 1 : i32
      scf.for %parallel_loop3A_222 = %parallel_loop3A_77 to %parallel_loop3A_78 step %parallel_loop3A_79  : i32 {
        %parallel_loop3A_223 = arith.index_cast %parallel_loop3A_222 : i32 to index
        %parallel_loop3A_224 = arith.constant 0 : index
        %parallel_loop3A_225 = tpu.vector_load %arg13[%parallel_loop3A_223, %parallel_loop3A_224] {strides = array<i32>} : memref<112x16xf32, #tpu.memory_space<vmem>>, vector<16xf32>,
        %parallel_loop3A_226 = arith.index_cast %parallel_loop3A_222 : i32 to index
        %parallel_loop3A_227 = arith.constant 128 : index
        %parallel_loop3A_228 = tpu.vector_load %arg11[%parallel_loop3A_226, %parallel_loop3A_227] {strides = array<i32>} : memref<112x160xbf16, #tpu.memory_space<vmem>>, vector<32xbf16>,
        %parallel_loop3A_229 = tpu.unpack_subelements %parallel_loop3A_228, 0 {pack_format = #tpu.pack_format<interleaved>} : vector<32xbf16> -> vector<16xf32>
        %parallel_loop3A_230 = tpu.unpack_subelements %parallel_loop3A_228, 1 {pack_format = #tpu.pack_format<interleaved>} : vector<32xbf16> -> vector<16xf32>
        %parallel_loop3A_231 = arith.addf %parallel_loop3A_229, %parallel_loop3A_225 : vector<16xf32>
        %parallel_loop3A_232 = arith.constant 0.000000e+00 : f32
        %parallel_loop3A_233 = vector.broadcast %parallel_loop3A_232 : f32 to vector<16xf32>
        %parallel_loop3A_234 = arith.cmpf oge, %parallel_loop3A_231, %parallel_loop3A_233 : vector<16xf32>
        %parallel_loop3A_235 = arith.constant 2.000000e-01 : f32
        %parallel_loop3A_236 = vector.broadcast %parallel_loop3A_235 : f32 to vector<16xf32>
        %parallel_loop3A_237 = arith.mulf %parallel_loop3A_236, %parallel_loop3A_231 : vector<16xf32>
        %parallel_loop3A_238 = arith.select %parallel_loop3A_234, %parallel_loop3A_231, %parallel_loop3A_237 : vector<16xi1>, vector<16xf32>
        %parallel_loop3A_239 = math.exp %parallel_loop3A_238 : vector<16xf32>
        %parallel_loop3A_240 = arith.index_cast %parallel_loop3A_222 : i32 to index
        %parallel_loop3A_241 = arith.constant 128 : index
        %parallel_loop3A_242 = tpu.vector_load %arg15[%parallel_loop3A_240, %parallel_loop3A_241] {strides = array<i32>} : memref<112x144xf32, #tpu.memory_space<vmem>>, vector<16xf32>,
        tpu.vector_store %arg15[%parallel_loop3A_240, %parallel_loop3A_241], %parallel_loop3A_239 {strides = array<i32>} : memref<112x144xf32, #tpu.memory_space<vmem>>, vector<16xf32>,
        %parallel_loop3A_243 = tpu.iota {dimensions = array<i32: 0>} : vector<16xi32>
        %parallel_loop3A_244 = arith.constant 8 : i32
        %parallel_loop3A_245 = vector.broadcast %parallel_loop3A_244 : i32 to vector<16xi32>
        %parallel_loop3A_246 = arith.divsi %parallel_loop3A_243, %parallel_loop3A_245 : vector<16xi32>
        %parallel_loop3A_247 = arith.constant 0 : i32
        %parallel_loop3A_248 = vector.broadcast %parallel_loop3A_247 : i32 to vector<16xi32>
        %parallel_loop3A_249 = arith.cmpi sgt, %parallel_loop3A_243, %parallel_loop3A_248 : vector<16xi32>
        %parallel_loop3A_250 = arith.extui %parallel_loop3A_249 : vector<16xi1> to vector<16xi32>
        %parallel_loop3A_251 = arith.constant 0 : i32
        %parallel_loop3A_252 = vector.broadcast %parallel_loop3A_251 : i32 to vector<16xi32>
        %parallel_loop3A_253 = arith.cmpi slt, %parallel_loop3A_243, %parallel_loop3A_252 : vector<16xi32>
        %parallel_loop3A_254 = arith.extui %parallel_loop3A_253 : vector<16xi1> to vector<16xi32>
        %parallel_loop3A_255 = arith.subi %parallel_loop3A_250, %parallel_loop3A_254 : vector<16xi32>
        %parallel_loop3A_256 = arith.constant 0 : i32
        %parallel_loop3A_257 = arith.cmpi sgt, %parallel_loop3A_244, %parallel_loop3A_256 : i32
        %parallel_loop3A_258 = arith.extui %parallel_loop3A_257 : i1 to i32
        %parallel_loop3A_259 = arith.constant 0 : i32
        %parallel_loop3A_260 = arith.cmpi slt, %parallel_loop3A_244, %parallel_loop3A_259 : i32
        %parallel_loop3A_261 = arith.extui %parallel_loop3A_260 : i1 to i32
        %parallel_loop3A_262 = arith.subi %parallel_loop3A_258, %parallel_loop3A_261 : i32
        %parallel_loop3A_263 = vector.broadcast %parallel_loop3A_262 : i32 to vector<16xi32>
        %parallel_loop3A_264 = arith.cmpi ne, %parallel_loop3A_255, %parallel_loop3A_263 : vector<16xi32>
        %parallel_loop3A_265 = vector.broadcast %parallel_loop3A_244 : i32 to vector<16xi32>
        %parallel_loop3A_266 = arith.remsi %parallel_loop3A_243, %parallel_loop3A_265 : vector<16xi32>
        %parallel_loop3A_267 = arith.constant 0 : i32
        %parallel_loop3A_268 = vector.broadcast %parallel_loop3A_267 : i32 to vector<16xi32>
        %parallel_loop3A_269 = arith.cmpi ne, %parallel_loop3A_266, %parallel_loop3A_268 : vector<16xi32>
        %parallel_loop3A_270 = arith.andi %parallel_loop3A_264, %parallel_loop3A_269 : vector<16xi1>
        %parallel_loop3A_271 = arith.constant 1 : i32
        %parallel_loop3A_272 = vector.broadcast %parallel_loop3A_271 : i32 to vector<16xi32>
        %parallel_loop3A_273 = arith.subi %parallel_loop3A_246, %parallel_loop3A_272 : vector<16xi32>
        %parallel_loop3A_274 = arith.select %parallel_loop3A_270, %parallel_loop3A_273, %parallel_loop3A_246 : vector<16xi1>, vector<16xi32>
        %parallel_loop3A_275 = arith.constant 0 : i32
        %parallel_loop3A_276 = vector.broadcast %parallel_loop3A_275 : i32 to vector<16xi32>
        %parallel_loop3A_277 = arith.addi %parallel_loop3A_276, %parallel_loop3A_274 : vector<16xi32>
        %parallel_loop3A_278 = arith.constant 0 : i32
        %parallel_loop3A_279 = vector.broadcast %parallel_loop3A_278 : i32 to vector<16xi32>
        %parallel_loop3A_280 = arith.cmpi slt, %parallel_loop3A_277, %parallel_loop3A_279 : vector<16xi32>
        %parallel_loop3A_281 = arith.constant 16 : i32
        %parallel_loop3A_282 = vector.broadcast %parallel_loop3A_281 : i32 to vector<16xi32>
        %parallel_loop3A_283 = arith.addi %parallel_loop3A_277, %parallel_loop3A_282 : vector<16xi32>
        %parallel_loop3A_284 = arith.select %parallel_loop3A_280, %parallel_loop3A_283, %parallel_loop3A_277 : vector<16xi1>, vector<16xi32>
        %parallel_loop3A_285 = vector.shape_cast %parallel_loop3A_284 : vector<16xi32> to vector<16x1xi32>
        %parallel_loop3A_286 = vector.shape_cast %parallel_loop3A_285 : vector<16x1xi32> to vector<16xi32>
        %parallel_loop3A_287 = tpu.dynamic_gather %parallel_loop3A_239[%parallel_loop3A_286] in [0] : vector<16xf32>, vector<16xi32> -> vector<16xf32>
        %parallel_loop3A_288 = arith.index_cast %parallel_loop3A_222 : i32 to index
        %parallel_loop3A_289 = arith.constant 0 : index
        %parallel_loop3A_290 = tpu.vector_load %arg11[%parallel_loop3A_288, %parallel_loop3A_289] {strides = array<i32>} : memref<112x160xbf16, #tpu.memory_space<vmem>>, vector<32xbf16>,
        %parallel_loop3A_291 = tpu.unpack_subelements %parallel_loop3A_290, 0 {pack_format = #tpu.pack_format<interleaved>} : vector<32xbf16> -> vector<16xf32>
        %parallel_loop3A_292 = tpu.unpack_subelements %parallel_loop3A_290, 1 {pack_format = #tpu.pack_format<interleaved>} : vector<32xbf16> -> vector<16xf32>
        %parallel_loop3A_293 = arith.mulf %parallel_loop3A_291, %parallel_loop3A_287 : vector<16xf32>
        %parallel_loop3A_294 = arith.index_cast %parallel_loop3A_222 : i32 to index
        %parallel_loop3A_295 = arith.constant 0 : index
        %parallel_loop3A_296 = tpu.vector_load %arg15[%parallel_loop3A_294, %parallel_loop3A_295] {strides = array<i32>} : memref<112x144xf32, #tpu.memory_space<vmem>>, vector<16xf32>,
        tpu.vector_store %arg15[%parallel_loop3A_294, %parallel_loop3A_295], %parallel_loop3A_293 {strides = array<i32>} : memref<112x144xf32, #tpu.memory_space<vmem>>, vector<16xf32>,
        %parallel_loop3A_297 = arith.mulf %parallel_loop3A_292, %parallel_loop3A_287 : vector<16xf32>
        %parallel_loop3A_298 = arith.index_cast %parallel_loop3A_222 : i32 to index
        %parallel_loop3A_299 = arith.constant 16 : index
        %parallel_loop3A_300 = tpu.vector_load %arg15[%parallel_loop3A_298, %parallel_loop3A_299] {strides = array<i32>} : memref<112x144xf32, #tpu.memory_space<vmem>>, vector<16xf32>,
        tpu.vector_store %arg15[%parallel_loop3A_298, %parallel_loop3A_299], %parallel_loop3A_297 {strides = array<i32>} : memref<112x144xf32, #tpu.memory_space<vmem>>, vector<16xf32>,
        %parallel_loop3A_301 = tpu.iota {dimensions = array<i32: 0>} : vector<16xi32>
        %parallel_loop3A_302 = arith.constant 8 : i32
        %parallel_loop3A_303 = vector.broadcast %parallel_loop3A_302 : i32 to vector<16xi32>
        %parallel_loop3A_304 = arith.divsi %parallel_loop3A_301, %parallel_loop3A_303 : vector<16xi32>
        %parallel_loop3A_305 = arith.constant 0 : i32
        %parallel_loop3A_306 = vector.broadcast %parallel_loop3A_305 : i32 to vector<16xi32>
        %parallel_loop3A_307 = arith.cmpi sgt, %parallel_loop3A_301, %parallel_loop3A_306 : vector<16xi32>
        %parallel_loop3A_308 = arith.extui %parallel_loop3A_307 : vector<16xi1> to vector<16xi32>
        %parallel_loop3A_309 = arith.constant 0 : i32
        %parallel_loop3A_310 = vector.broadcast %parallel_loop3A_309 : i32 to vector<16xi32>
        %parallel_loop3A_311 = arith.cmpi slt, %parallel_loop3A_301, %parallel_loop3A_310 : vector<16xi32>
        %parallel_loop3A_312 = arith.extui %parallel_loop3A_311 : vector<16xi1> to vector<16xi32>
        %parallel_loop3A_313 = arith.subi %parallel_loop3A_308, %parallel_loop3A_312 : vector<16xi32>
        %parallel_loop3A_314 = arith.constant 0 : i32
        %parallel_loop3A_315 = arith.cmpi sgt, %parallel_loop3A_302, %parallel_loop3A_314 : i32
        %parallel_loop3A_316 = arith.extui %parallel_loop3A_315 : i1 to i32
        %parallel_loop3A_317 = arith.constant 0 : i32
        %parallel_loop3A_318 = arith.cmpi slt, %parallel_loop3A_302, %parallel_loop3A_317 : i32
        %parallel_loop3A_319 = arith.extui %parallel_loop3A_318 : i1 to i32
        %parallel_loop3A_320 = arith.subi %parallel_loop3A_316, %parallel_loop3A_319 : i32
        %parallel_loop3A_321 = vector.broadcast %parallel_loop3A_320 : i32 to vector<16xi32>
        %parallel_loop3A_322 = arith.cmpi ne, %parallel_loop3A_313, %parallel_loop3A_321 : vector<16xi32>
        %parallel_loop3A_323 = vector.broadcast %parallel_loop3A_302 : i32 to vector<16xi32>
        %parallel_loop3A_324 = arith.remsi %parallel_loop3A_301, %parallel_loop3A_323 : vector<16xi32>
        %parallel_loop3A_325 = arith.constant 0 : i32
        %parallel_loop3A_326 = vector.broadcast %parallel_loop3A_325 : i32 to vector<16xi32>
        %parallel_loop3A_327 = arith.cmpi ne, %parallel_loop3A_324, %parallel_loop3A_326 : vector<16xi32>
        %parallel_loop3A_328 = arith.andi %parallel_loop3A_322, %parallel_loop3A_327 : vector<16xi1>
        %parallel_loop3A_329 = arith.constant 1 : i32
        %parallel_loop3A_330 = vector.broadcast %parallel_loop3A_329 : i32 to vector<16xi32>
        %parallel_loop3A_331 = arith.subi %parallel_loop3A_304, %parallel_loop3A_330 : vector<16xi32>
        %parallel_loop3A_332 = arith.select %parallel_loop3A_328, %parallel_loop3A_331, %parallel_loop3A_304 : vector<16xi1>, vector<16xi32>
        %parallel_loop3A_333 = arith.constant 2 : i32
        %parallel_loop3A_334 = vector.broadcast %parallel_loop3A_333 : i32 to vector<16xi32>
        %parallel_loop3A_335 = arith.addi %parallel_loop3A_334, %parallel_loop3A_332 : vector<16xi32>
        %parallel_loop3A_336 = arith.constant 0 : i32
        %parallel_loop3A_337 = vector.broadcast %parallel_loop3A_336 : i32 to vector<16xi32>
        %parallel_loop3A_338 = arith.cmpi slt, %parallel_loop3A_335, %parallel_loop3A_337 : vector<16xi32>
        %parallel_loop3A_339 = arith.constant 16 : i32
        %parallel_loop3A_340 = vector.broadcast %parallel_loop3A_339 : i32 to vector<16xi32>
        %parallel_loop3A_341 = arith.addi %parallel_loop3A_335, %parallel_loop3A_340 : vector<16xi32>
        %parallel_loop3A_342 = arith.select %parallel_loop3A_338, %parallel_loop3A_341, %parallel_loop3A_335 : vector<16xi1>, vector<16xi32>
        %parallel_loop3A_343 = vector.shape_cast %parallel_loop3A_342 : vector<16xi32> to vector<16x1xi32>
        %parallel_loop3A_344 = vector.shape_cast %parallel_loop3A_343 : vector<16x1xi32> to vector<16xi32>
        %parallel_loop3A_345 = tpu.dynamic_gather %parallel_loop3A_239[%parallel_loop3A_344] in [0] : vector<16xf32>, vector<16xi32> -> vector<16xf32>
        %parallel_loop3A_346 = arith.index_cast %parallel_loop3A_222 : i32 to index
        %parallel_loop3A_347 = arith.constant 32 : index
        %parallel_loop3A_348 = tpu.vector_load %arg11[%parallel_loop3A_346, %parallel_loop3A_347] {strides = array<i32>} : memref<112x160xbf16, #tpu.memory_space<vmem>>, vector<32xbf16>,
        %parallel_loop3A_349 = tpu.unpack_subelements %parallel_loop3A_348, 0 {pack_format = #tpu.pack_format<interleaved>} : vector<32xbf16> -> vector<16xf32>
        %parallel_loop3A_350 = tpu.unpack_subelements %parallel_loop3A_348, 1 {pack_format = #tpu.pack_format<interleaved>} : vector<32xbf16> -> vector<16xf32>
        %parallel_loop3A_351 = arith.mulf %parallel_loop3A_349, %parallel_loop3A_345 : vector<16xf32>
        %parallel_loop3A_352 = arith.index_cast %parallel_loop3A_222 : i32 to index
        %parallel_loop3A_353 = arith.constant 32 : index
        %parallel_loop3A_354 = tpu.vector_load %arg15[%parallel_loop3A_352, %parallel_loop3A_353] {strides = array<i32>} : memref<112x144xf32, #tpu.memory_space<vmem>>, vector<16xf32>,
        tpu.vector_store %arg15[%parallel_loop3A_352, %parallel_loop3A_353], %parallel_loop3A_351 {strides = array<i32>} : memref<112x144xf32, #tpu.memory_space<vmem>>, vector<16xf32>,
        %parallel_loop3A_355 = arith.mulf %parallel_loop3A_350, %parallel_loop3A_345 : vector<16xf32>
        %parallel_loop3A_356 = arith.index_cast %parallel_loop3A_222 : i32 to index
        %parallel_loop3A_357 = arith.constant 48 : index
        %parallel_loop3A_358 = tpu.vector_load %arg15[%parallel_loop3A_356, %parallel_loop3A_357] {strides = array<i32>} : memref<112x144xf32, #tpu.memory_space<vmem>>, vector<16xf32>,
        tpu.vector_store %arg15[%parallel_loop3A_356, %parallel_loop3A_357], %parallel_loop3A_355 {strides = array<i32>} : memref<112x144xf32, #tpu.memory_space<vmem>>, vector<16xf32>,
        %parallel_loop3A_359 = tpu.iota {dimensions = array<i32: 0>} : vector<16xi32>
        %parallel_loop3A_360 = arith.constant 8 : i32
        %parallel_loop3A_361 = vector.broadcast %parallel_loop3A_360 : i32 to vector<16xi32>
        %parallel_loop3A_362 = arith.divsi %parallel_loop3A_359, %parallel_loop3A_361 : vector<16xi32>
        %parallel_loop3A_363 = arith.constant 0 : i32
        %parallel_loop3A_364 = vector.broadcast %parallel_loop3A_363 : i32 to vector<16xi32>
        %parallel_loop3A_365 = arith.cmpi sgt, %parallel_loop3A_359, %parallel_loop3A_364 : vector<16xi32>
        %parallel_loop3A_366 = arith.extui %parallel_loop3A_365 : vector<16xi1> to vector<16xi32>
        %parallel_loop3A_367 = arith.constant 0 : i32
        %parallel_loop3A_368 = vector.broadcast %parallel_loop3A_367 : i32 to vector<16xi32>
        %parallel_loop3A_369 = arith.cmpi slt, %parallel_loop3A_359, %parallel_loop3A_368 : vector<16xi32>
        %parallel_loop3A_370 = arith.extui %parallel_loop3A_369 : vector<16xi1> to vector<16xi32>
        %parallel_loop3A_371 = arith.subi %parallel_loop3A_366, %parallel_loop3A_370 : vector<16xi32>
        %parallel_loop3A_372 = arith.constant 0 : i32
        %parallel_loop3A_373 = arith.cmpi sgt, %parallel_loop3A_360, %parallel_loop3A_372 : i32
        %parallel_loop3A_374 = arith.extui %parallel_loop3A_373 : i1 to i32
        %parallel_loop3A_375 = arith.constant 0 : i32
        %parallel_loop3A_376 = arith.cmpi slt, %parallel_loop3A_360, %parallel_loop3A_375 : i32
        %parallel_loop3A_377 = arith.extui %parallel_loop3A_376 : i1 to i32
        %parallel_loop3A_378 = arith.subi %parallel_loop3A_374, %parallel_loop3A_377 : i32
        %parallel_loop3A_379 = vector.broadcast %parallel_loop3A_378 : i32 to vector<16xi32>
        %parallel_loop3A_380 = arith.cmpi ne, %parallel_loop3A_371, %parallel_loop3A_379 : vector<16xi32>
        %parallel_loop3A_381 = vector.broadcast %parallel_loop3A_360 : i32 to vector<16xi32>
        %parallel_loop3A_382 = arith.remsi %parallel_loop3A_359, %parallel_loop3A_381 : vector<16xi32>
        %parallel_loop3A_383 = arith.constant 0 : i32
        %parallel_loop3A_384 = vector.broadcast %parallel_loop3A_383 : i32 to vector<16xi32>
        %parallel_loop3A_385 = arith.cmpi ne, %parallel_loop3A_382, %parallel_loop3A_384 : vector<16xi32>
        %parallel_loop3A_386 = arith.andi %parallel_loop3A_380, %parallel_loop3A_385 : vector<16xi1>
        %parallel_loop3A_387 = arith.constant 1 : i32
        %parallel_loop3A_388 = vector.broadcast %parallel_loop3A_387 : i32 to vector<16xi32>
        %parallel_loop3A_389 = arith.subi %parallel_loop3A_362, %parallel_loop3A_388 : vector<16xi32>
        %parallel_loop3A_390 = arith.select %parallel_loop3A_386, %parallel_loop3A_389, %parallel_loop3A_362 : vector<16xi1>, vector<16xi32>
        %parallel_loop3A_391 = arith.constant 4 : i32
        %parallel_loop3A_392 = vector.broadcast %parallel_loop3A_391 : i32 to vector<16xi32>
        %parallel_loop3A_393 = arith.addi %parallel_loop3A_392, %parallel_loop3A_390 : vector<16xi32>
        %parallel_loop3A_394 = arith.constant 0 : i32
        %parallel_loop3A_395 = vector.broadcast %parallel_loop3A_394 : i32 to vector<16xi32>
        %parallel_loop3A_396 = arith.cmpi slt, %parallel_loop3A_393, %parallel_loop3A_395 : vector<16xi32>
        %parallel_loop3A_397 = arith.constant 16 : i32
        %parallel_loop3A_398 = vector.broadcast %parallel_loop3A_397 : i32 to vector<16xi32>
        %parallel_loop3A_399 = arith.addi %parallel_loop3A_393, %parallel_loop3A_398 : vector<16xi32>
        %parallel_loop3A_400 = arith.select %parallel_loop3A_396, %parallel_loop3A_399, %parallel_loop3A_393 : vector<16xi1>, vector<16xi32>
        %parallel_loop3A_401 = vector.shape_cast %parallel_loop3A_400 : vector<16xi32> to vector<16x1xi32>
        %parallel_loop3A_402 = vector.shape_cast %parallel_loop3A_401 : vector<16x1xi32> to vector<16xi32>
        %parallel_loop3A_403 = tpu.dynamic_gather %parallel_loop3A_239[%parallel_loop3A_402] in [0] : vector<16xf32>, vector<16xi32> -> vector<16xf32>
        %parallel_loop3A_404 = arith.index_cast %parallel_loop3A_222 : i32 to index
        %parallel_loop3A_405 = arith.constant 64 : index
        %parallel_loop3A_406 = tpu.vector_load %arg11[%parallel_loop3A_404, %parallel_loop3A_405] {strides = array<i32>} : memref<112x160xbf16, #tpu.memory_space<vmem>>, vector<32xbf16>,
        %parallel_loop3A_407 = tpu.unpack_subelements %parallel_loop3A_406, 0 {pack_format = #tpu.pack_format<interleaved>} : vector<32xbf16> -> vector<16xf32>
        %parallel_loop3A_408 = tpu.unpack_subelements %parallel_loop3A_406, 1 {pack_format = #tpu.pack_format<interleaved>} : vector<32xbf16> -> vector<16xf32>
        %parallel_loop3A_409 = arith.mulf %parallel_loop3A_407, %parallel_loop3A_403 : vector<16xf32>
        %parallel_loop3A_410 = arith.index_cast %parallel_loop3A_222 : i32 to index
        %parallel_loop3A_411 = arith.constant 64 : index
        %parallel_loop3A_412 = tpu.vector_load %arg15[%parallel_loop3A_410, %parallel_loop3A_411] {strides = array<i32>} : memref<112x144xf32, #tpu.memory_space<vmem>>, vector<16xf32>,
        tpu.vector_store %arg15[%parallel_loop3A_410, %parallel_loop3A_411], %parallel_loop3A_409 {strides = array<i32>} : memref<112x144xf32, #tpu.memory_space<vmem>>, vector<16xf32>,
        %parallel_loop3A_413 = arith.mulf %parallel_loop3A_408, %parallel_loop3A_403 : vector<16xf32>
        %parallel_loop3A_414 = arith.index_cast %parallel_loop3A_222 : i32 to index
        %parallel_loop3A_415 = arith.constant 80 : index
        %parallel_loop3A_416 = tpu.vector_load %arg15[%parallel_loop3A_414, %parallel_loop3A_415] {strides = array<i32>} : memref<112x144xf32, #tpu.memory_space<vmem>>, vector<16xf32>,
        tpu.vector_store %arg15[%parallel_loop3A_414, %parallel_loop3A_415], %parallel_loop3A_413 {strides = array<i32>} : memref<112x144xf32, #tpu.memory_space<vmem>>, vector<16xf32>,
        %parallel_loop3A_417 = tpu.iota {dimensions = array<i32: 0>} : vector<16xi32>
        %parallel_loop3A_418 = arith.constant 8 : i32
        %parallel_loop3A_419 = vector.broadcast %parallel_loop3A_418 : i32 to vector<16xi32>
        %parallel_loop3A_420 = arith.divsi %parallel_loop3A_417, %parallel_loop3A_419 : vector<16xi32>
        %parallel_loop3A_421 = arith.constant 0 : i32
        %parallel_loop3A_422 = vector.broadcast %parallel_loop3A_421 : i32 to vector<16xi32>
        %parallel_loop3A_423 = arith.cmpi sgt, %parallel_loop3A_417, %parallel_loop3A_422 : vector<16xi32>
        %parallel_loop3A_424 = arith.extui %parallel_loop3A_423 : vector<16xi1> to vector<16xi32>
        %parallel_loop3A_425 = arith.constant 0 : i32
        %parallel_loop3A_426 = vector.broadcast %parallel_loop3A_425 : i32 to vector<16xi32>
        %parallel_loop3A_427 = arith.cmpi slt, %parallel_loop3A_417, %parallel_loop3A_426 : vector<16xi32>
        %parallel_loop3A_428 = arith.extui %parallel_loop3A_427 : vector<16xi1> to vector<16xi32>
        %parallel_loop3A_429 = arith.subi %parallel_loop3A_424, %parallel_loop3A_428 : vector<16xi32>
        %parallel_loop3A_430 = arith.constant 0 : i32
        %parallel_loop3A_431 = arith.cmpi sgt, %parallel_loop3A_418, %parallel_loop3A_430 : i32
        %parallel_loop3A_432 = arith.extui %parallel_loop3A_431 : i1 to i32
        %parallel_loop3A_433 = arith.constant 0 : i32
        %parallel_loop3A_434 = arith.cmpi slt, %parallel_loop3A_418, %parallel_loop3A_433 : i32
        %parallel_loop3A_435 = arith.extui %parallel_loop3A_434 : i1 to i32
        %parallel_loop3A_436 = arith.subi %parallel_loop3A_432, %parallel_loop3A_435 : i32
        %parallel_loop3A_437 = vector.broadcast %parallel_loop3A_436 : i32 to vector<16xi32>
        %parallel_loop3A_438 = arith.cmpi ne, %parallel_loop3A_429, %parallel_loop3A_437 : vector<16xi32>
        %parallel_loop3A_439 = vector.broadcast %parallel_loop3A_418 : i32 to vector<16xi32>
        %parallel_loop3A_440 = arith.remsi %parallel_loop3A_417, %parallel_loop3A_439 : vector<16xi32>
        %parallel_loop3A_441 = arith.constant 0 : i32
        %parallel_loop3A_442 = vector.broadcast %parallel_loop3A_441 : i32 to vector<16xi32>
        %parallel_loop3A_443 = arith.cmpi ne, %parallel_loop3A_440, %parallel_loop3A_442 : vector<16xi32>
        %parallel_loop3A_444 = arith.andi %parallel_loop3A_438, %parallel_loop3A_443 : vector<16xi1>
        %parallel_loop3A_445 = arith.constant 1 : i32
        %parallel_loop3A_446 = vector.broadcast %parallel_loop3A_445 : i32 to vector<16xi32>
        %parallel_loop3A_447 = arith.subi %parallel_loop3A_420, %parallel_loop3A_446 : vector<16xi32>
        %parallel_loop3A_448 = arith.select %parallel_loop3A_444, %parallel_loop3A_447, %parallel_loop3A_420 : vector<16xi1>, vector<16xi32>
        %parallel_loop3A_449 = arith.constant 6 : i32
        %parallel_loop3A_450 = vector.broadcast %parallel_loop3A_449 : i32 to vector<16xi32>
        %parallel_loop3A_451 = arith.addi %parallel_loop3A_450, %parallel_loop3A_448 : vector<16xi32>
        %parallel_loop3A_452 = arith.constant 0 : i32
        %parallel_loop3A_453 = vector.broadcast %parallel_loop3A_452 : i32 to vector<16xi32>
        %parallel_loop3A_454 = arith.cmpi slt, %parallel_loop3A_451, %parallel_loop3A_453 : vector<16xi32>
        %parallel_loop3A_455 = arith.constant 16 : i32
        %parallel_loop3A_456 = vector.broadcast %parallel_loop3A_455 : i32 to vector<16xi32>
        %parallel_loop3A_457 = arith.addi %parallel_loop3A_451, %parallel_loop3A_456 : vector<16xi32>
        %parallel_loop3A_458 = arith.select %parallel_loop3A_454, %parallel_loop3A_457, %parallel_loop3A_451 : vector<16xi1>, vector<16xi32>
        %parallel_loop3A_459 = vector.shape_cast %parallel_loop3A_458 : vector<16xi32> to vector<16x1xi32>
        %parallel_loop3A_460 = vector.shape_cast %parallel_loop3A_459 : vector<16x1xi32> to vector<16xi32>
        %parallel_loop3A_461 = tpu.dynamic_gather %parallel_loop3A_239[%parallel_loop3A_460] in [0] : vector<16xf32>, vector<16xi32> -> vector<16xf32>
        %parallel_loop3A_462 = arith.index_cast %parallel_loop3A_222 : i32 to index
        %parallel_loop3A_463 = arith.constant 96 : index
        %parallel_loop3A_464 = tpu.vector_load %arg11[%parallel_loop3A_462, %parallel_loop3A_463] {strides = array<i32>} : memref<112x160xbf16, #tpu.memory_space<vmem>>, vector<32xbf16>,
        %parallel_loop3A_465 = tpu.unpack_subelements %parallel_loop3A_464, 0 {pack_format = #tpu.pack_format<interleaved>} : vector<32xbf16> -> vector<16xf32>
        %parallel_loop3A_466 = tpu.unpack_subelements %parallel_loop3A_464, 1 {pack_format = #tpu.pack_format<interleaved>} : vector<32xbf16> -> vector<16xf32>
        %parallel_loop3A_467 = arith.mulf %parallel_loop3A_465, %parallel_loop3A_461 : vector<16xf32>
        %parallel_loop3A_468 = arith.index_cast %parallel_loop3A_222 : i32 to index
        %parallel_loop3A_469 = arith.constant 96 : index
        %parallel_loop3A_470 = tpu.vector_load %arg15[%parallel_loop3A_468, %parallel_loop3A_469] {strides = array<i32>} : memref<112x144xf32, #tpu.memory_space<vmem>>, vector<16xf32>,
        tpu.vector_store %arg15[%parallel_loop3A_468, %parallel_loop3A_469], %parallel_loop3A_467 {strides = array<i32>} : memref<112x144xf32, #tpu.memory_space<vmem>>, vector<16xf32>,
        %parallel_loop3A_471 = arith.mulf %parallel_loop3A_466, %parallel_loop3A_461 : vector<16xf32>
        %parallel_loop3A_472 = arith.index_cast %parallel_loop3A_222 : i32 to index
        %parallel_loop3A_473 = arith.constant 112 : index
        %parallel_loop3A_474 = tpu.vector_load %arg15[%parallel_loop3A_472, %parallel_loop3A_473] {strides = array<i32>} : memref<112x144xf32, #tpu.memory_space<vmem>>, vector<16xf32>,
        tpu.vector_store %arg15[%parallel_loop3A_472, %parallel_loop3A_473], %parallel_loop3A_471 {strides = array<i32>} : memref<112x144xf32, #tpu.memory_space<vmem>>, vector<16xf32>,
      } {sc.loop_unroll_factor = 2 : i64, sc.parallel_access}
      %dma_start3A_80 = arith.constant 1 : i32
      %dma_start3A_81 = arith.constant 0 : i32
      %dma_start3A_82 = tpu.memref_slice %arg7[%dma_start3A_80, %dma_start3A_81] : memref<2x112xi32, #tpu.memory_space<vmem>> -> memref<1x112xi32, #tpu.memory_space<vmem>>
      %dma_start3A_83 = tpu.memref_squeeze %dma_start3A_82 : memref<1x112xi32, #tpu.memory_space<vmem>> -> memref<112xi32, #tpu.memory_space<vmem>>
      %dma_start3A_84 = arith.constant 0 : i32
      %dma_start3A_85 = arith.constant 0 : i32
      %dma_start3A_86 = tpu.memref_slice %arg6[%dma_start3A_84, %dma_start3A_85] : memref<10112x144xf32, #tpu.memory_space<vmem_shared>> -> memref<10112x144xf32, #tpu.memory_space<vmem_shared>>
      tpu.enqueue_indirect_dma source(%arg15 : memref<112x144xf32, #tpu.memory_space<vmem>>) target(%dma_start3A_86 : memref<10112x144xf32, #tpu.memory_space<vmem_shared>>) offsets(%dma_start3A_83 : memref<112xi32, #tpu.memory_space<vmem>>) semaphore(%arg18 : memref<!tpu.dma_semaphore, #tpu.memory_space<semaphore_mem>>) {add = true}
      %mul3A_87 = arith.constant 4 : i32
      %mul3A_88 = arith.muli %mul3A_87, %scan3A_45 : i32
      %add3A_89 = arith.constant 1 : i32
      %add3A_90 = arith.addi %mul3A_88, %add3A_89 : i32
      %add3A_91 = arith.constant 1 : i32
      %add3A_92 = arith.addi %add3A_90, %add3A_91 : i32
      %lt3A_93 = arith.constant 96 : i32
      %lt3A_94 = arith.cmpi slt, %add3A_92, %lt3A_93 : i32
      %convert_element_type3A_95 = arith.extui %lt3A_94 : i1 to i32
      %cond3A_96 = arith.constant 0 : i32
      %cond3A_97 = arith.cmpi ne, %convert_element_type3A_95, %cond3A_96 : i32
      scf.if %cond3A_97 {
        %ge3A_222 = arith.constant 1 : i32
        %ge3A_223 = arith.cmpi sge, %add3A_90, %ge3A_222 : i32
        %convert_element_type3A_224 = arith.extui %ge3A_223 : i1 to i32
        %cond3A_225 = arith.constant 0 : i32
        %cond3A_226 = arith.cmpi ne, %convert_element_type3A_224, %cond3A_225 : i32
        scf.if %cond3A_226 {
          %dma_wait3A_241 = arith.constant 0 : i32
          %dma_wait3A_242 = arith.constant 0 : i32
          %dma_wait3A_243 = tpu.memref_slice %arg2[%mul3A_4, %dma_wait3A_241, %dma_wait3A_242] : memref<3072x2x112xi32, #tpu.memory_space<hbm>> -> memref<1x2x112xi32, #tpu.memory_space<hbm>>
          %dma_wait3A_244 = tpu.memref_squeeze %dma_wait3A_243 : memref<1x2x112xi32, #tpu.memory_space<hbm>> -> memref<2x112xi32, #tpu.memory_space<hbm>>
          %dma_wait3A_245 = arith.constant 0 : i32
          %dma_wait3A_246 = arith.constant 0 : i32
          %dma_wait3A_247 = tpu.memref_slice %arg2[%mul3A_4, %dma_wait3A_245, %dma_wait3A_246] : memref<3072x2x112xi32, #tpu.memory_space<hbm>> -> memref<1x2x112xi32, #tpu.memory_space<hbm>>
          %dma_wait3A_248 = tpu.memref_squeeze %dma_wait3A_247 : memref<1x2x112xi32, #tpu.memory_space<hbm>> -> memref<2x112xi32, #tpu.memory_space<hbm>>
          tpu.wait_dma2 semaphore(%arg20 : memref<!tpu.dma_semaphore, #tpu.memory_space<semaphore_mem>>) src(%dma_wait3A_248 : memref<2x112xi32, #tpu.memory_space<hbm>>) dst(%arg9 : memref<2x112xi32, #tpu.memory_space<vmem>>)
        } else {
        }
        %dma_start3A_227 = arith.constant 0 : i32
        %dma_start3A_228 = arith.constant 0 : i32
        %dma_start3A_229 = tpu.memref_slice %arg9[%dma_start3A_227, %dma_start3A_228] : memref<2x112xi32, #tpu.memory_space<vmem>> -> memref<1x112xi32, #tpu.memory_space<vmem>>
        %dma_start3A_230 = tpu.memref_squeeze %dma_start3A_229 : memref<1x112xi32, #tpu.memory_space<vmem>> -> memref<112xi32, #tpu.memory_space<vmem>>
        %dma_start3A_231 = arith.constant 0 : i32
        %dma_start3A_232 = arith.constant 0 : i32
        %dma_start3A_233 = tpu.memref_slice %arg3[%dma_start3A_231, %dma_start3A_232] : memref<10112x160xbf16, #tpu.memory_space<hbm>> -> memref<10112x160xbf16, #tpu.memory_space<hbm>>
        tpu.enqueue_indirect_dma source(%dma_start3A_233 : memref<10112x160xbf16, #tpu.memory_space<hbm>>) target(%arg11 : memref<112x160xbf16, #tpu.memory_space<vmem>>) offsets(%dma_start3A_230 : memref<112xi32, #tpu.memory_space<vmem>>) semaphore(%arg16 : memref<!tpu.dma_semaphore, #tpu.memory_space<semaphore_mem>>)
        %dma_start3A_234 = arith.constant 1 : i32
        %dma_start3A_235 = arith.constant 0 : i32
        %dma_start3A_236 = tpu.memref_slice %arg9[%dma_start3A_234, %dma_start3A_235] : memref<2x112xi32, #tpu.memory_space<vmem>> -> memref<1x112xi32, #tpu.memory_space<vmem>>
        %dma_start3A_237 = tpu.memref_squeeze %dma_start3A_236 : memref<1x112xi32, #tpu.memory_space<vmem>> -> memref<112xi32, #tpu.memory_space<vmem>>
        %dma_start3A_238 = arith.constant 0 : i32
        %dma_start3A_239 = arith.constant 0 : i32
        %dma_start3A_240 = tpu.memref_slice %arg4[%dma_start3A_238, %dma_start3A_239] : memref<10112x16xf32, #tpu.memory_space<hbm>> -> memref<10112x16xf32, #tpu.memory_space<hbm>>
        tpu.enqueue_indirect_dma source(%dma_start3A_240 : memref<10112x16xf32, #tpu.memory_space<hbm>>) target(%arg13 : memref<112x16xf32, #tpu.memory_space<vmem>>) offsets(%dma_start3A_237 : memref<112xi32, #tpu.memory_space<vmem>>) semaphore(%arg16 : memref<!tpu.dma_semaphore, #tpu.memory_space<semaphore_mem>>)
      } else {
      }
      %add3A_98 = arith.constant 2 : i32
      %add3A_99 = arith.addi %add3A_90, %add3A_98 : i32
      %lt3A_100 = arith.constant 96 : i32
      %lt3A_101 = arith.cmpi slt, %add3A_99, %lt3A_100 : i32
      %convert_element_type3A_102 = arith.extui %lt3A_101 : i1 to i32
      %cond3A_103 = arith.constant 0 : i32
      %cond3A_104 = arith.cmpi ne, %convert_element_type3A_102, %cond3A_103 : i32
      scf.if %cond3A_104 {
        %add3A_222 = arith.addi %mul3A_4, %add3A_90 : i32
        %add3A_223 = arith.constant 2 : i32
        %add3A_224 = arith.addi %add3A_222, %add3A_223 : i32
        %dma_start3A_225 = arith.constant 0 : i32
        %dma_start3A_226 = arith.constant 0 : i32
        %dma_start3A_227 = tpu.memref_slice %arg2[%add3A_224, %dma_start3A_225, %dma_start3A_226] : memref<3072x2x112xi32, #tpu.memory_space<hbm>> -> memref<1x2x112xi32, #tpu.memory_space<hbm>>
        %dma_start3A_228 = tpu.memref_squeeze %dma_start3A_227 : memref<1x2x112xi32, #tpu.memory_space<hbm>> -> memref<2x112xi32, #tpu.memory_space<hbm>>
        %dma_start3A_229 = arith.constant 0 : i32
        %dma_start3A_230 = arith.constant 0 : i32
        %dma_start3A_231 = tpu.memref_slice %arg2[%add3A_224, %dma_start3A_229, %dma_start3A_230] : memref<3072x2x112xi32, #tpu.memory_space<hbm>> -> memref<1x2x112xi32, #tpu.memory_space<hbm>>
        %dma_start3A_232 = tpu.memref_squeeze %dma_start3A_231 : memref<1x2x112xi32, #tpu.memory_space<hbm>> -> memref<2x112xi32, #tpu.memory_space<hbm>>
        tpu.enqueue_dma source(%dma_start3A_232 : memref<2x112xi32, #tpu.memory_space<hbm>>) target(%arg10 : memref<2x112xi32, #tpu.memory_space<vmem>>) target_semaphore(%arg21 : memref<!tpu.dma_semaphore, #tpu.memory_space<semaphore_mem>>)
      } else {
      }
      %dma_wait3A_105 = arith.constant 0 : i32
      %dma_wait3A_106 = arith.constant 0 : i32
      %dma_wait3A_107 = tpu.memref_slice %arg3[%dma_wait3A_105, %dma_wait3A_106] : memref<10112x160xbf16, #tpu.memory_space<hbm>> -> memref<112x160xbf16, #tpu.memory_space<hbm>>
      %dma_wait3A_108 = arith.constant 0 : i32
      %dma_wait3A_109 = arith.constant 0 : i32
      %dma_wait3A_110 = tpu.memref_slice %arg3[%dma_wait3A_108, %dma_wait3A_109] : memref<10112x160xbf16, #tpu.memory_space<hbm>> -> memref<112x160xbf16, #tpu.memory_space<hbm>>
      tpu.wait_dma2 semaphore(%arg17 : memref<!tpu.dma_semaphore, #tpu.memory_space<semaphore_mem>>) src(%dma_wait3A_110 : memref<112x160xbf16, #tpu.memory_space<hbm>>) dst(%arg12 : memref<112x160xbf16, #tpu.memory_space<vmem>>)
      %dma_wait3A_111 = arith.constant 0 : i32
      %dma_wait3A_112 = arith.constant 0 : i32
      %dma_wait3A_113 = tpu.memref_slice %arg4[%dma_wait3A_111, %dma_wait3A_112] : memref<10112x16xf32, #tpu.memory_space<hbm>> -> memref<112x16xf32, #tpu.memory_space<hbm>>
      %dma_wait3A_114 = arith.constant 0 : i32
      %dma_wait3A_115 = arith.constant 0 : i32
      %dma_wait3A_116 = tpu.memref_slice %arg4[%dma_wait3A_114, %dma_wait3A_115] : memref<10112x16xf32, #tpu.memory_space<hbm>> -> memref<112x16xf32, #tpu.memory_space<hbm>>
      tpu.wait_dma2 semaphore(%arg17 : memref<!tpu.dma_semaphore, #tpu.memory_space<semaphore_mem>>) src(%dma_wait3A_116 : memref<112x16xf32, #tpu.memory_space<hbm>>) dst(%arg14 : memref<112x16xf32, #tpu.memory_space<vmem>>)
      %ge3A_117 = arith.constant 1 : i32
      %ge3A_118 = arith.cmpi sge, %add3A_90, %ge3A_117 : i32
      %convert_element_type3A_119 = arith.extui %ge3A_118 : i1 to i32
      %cond3A_120 = arith.constant 0 : i32
      %cond3A_121 = arith.cmpi ne, %convert_element_type3A_119, %cond3A_120 : i32
      scf.if %cond3A_121 {
        %dma_wait3A_222 = arith.constant 0 : i32
        %dma_wait3A_223 = arith.constant 0 : i32
        %dma_wait3A_224 = tpu.memref_slice %arg6[%dma_wait3A_222, %dma_wait3A_223] : memref<10112x144xf32, #tpu.memory_space<vmem_shared>> -> memref<112x144xf32, #tpu.memory_space<vmem_shared>>
        %dma_wait3A_225 = arith.constant 0 : i32
        %dma_wait3A_226 = arith.constant 0 : i32
        %dma_wait3A_227 = tpu.memref_slice %arg6[%dma_wait3A_225, %dma_wait3A_226] : memref<10112x144xf32, #tpu.memory_space<vmem_shared>> -> memref<112x144xf32, #tpu.memory_space<vmem_shared>>
        tpu.wait_dma2 semaphore(%arg18 : memref<!tpu.dma_semaphore, #tpu.memory_space<semaphore_mem>>) src(%arg15 : memref<112x144xf32, #tpu.memory_space<vmem>>) dst(%dma_wait3A_227 : memref<112x144xf32, #tpu.memory_space<vmem_shared>>)
      } else {
      }
      %parallel_loop3A_122 = arith.constant 0 : i32
      %parallel_loop3A_123 = arith.constant 112 : i32
      %parallel_loop3A_124 = arith.constant 1 : i32
      scf.for %parallel_loop3A_222 = %parallel_loop3A_122 to %parallel_loop3A_123 step %parallel_loop3A_124  : i32 {
        %parallel_loop3A_223 = arith.index_cast %parallel_loop3A_222 : i32 to index
        %parallel_loop3A_224 = arith.constant 0 : index
        %parallel_loop3A_225 = tpu.vector_load %arg14[%parallel_loop3A_223, %parallel_loop3A_224] {strides = array<i32>} : memref<112x16xf32, #tpu.memory_space<vmem>>, vector<16xf32>,
        %parallel_loop3A_226 = arith.index_cast %parallel_loop3A_222 : i32 to index
        %parallel_loop3A_227 = arith.constant 128 : index
        %parallel_loop3A_228 = tpu.vector_load %arg12[%parallel_loop3A_226, %parallel_loop3A_227] {strides = array<i32>} : memref<112x160xbf16, #tpu.memory_space<vmem>>, vector<32xbf16>,
        %parallel_loop3A_229 = tpu.unpack_subelements %parallel_loop3A_228, 0 {pack_format = #tpu.pack_format<interleaved>} : vector<32xbf16> -> vector<16xf32>
        %parallel_loop3A_230 = tpu.unpack_subelements %parallel_loop3A_228, 1 {pack_format = #tpu.pack_format<interleaved>} : vector<32xbf16> -> vector<16xf32>
        %parallel_loop3A_231 = arith.addf %parallel_loop3A_229, %parallel_loop3A_225 : vector<16xf32>
        %parallel_loop3A_232 = arith.constant 0.000000e+00 : f32
        %parallel_loop3A_233 = vector.broadcast %parallel_loop3A_232 : f32 to vector<16xf32>
        %parallel_loop3A_234 = arith.cmpf oge, %parallel_loop3A_231, %parallel_loop3A_233 : vector<16xf32>
        %parallel_loop3A_235 = arith.constant 2.000000e-01 : f32
        %parallel_loop3A_236 = vector.broadcast %parallel_loop3A_235 : f32 to vector<16xf32>
        %parallel_loop3A_237 = arith.mulf %parallel_loop3A_236, %parallel_loop3A_231 : vector<16xf32>
        %parallel_loop3A_238 = arith.select %parallel_loop3A_234, %parallel_loop3A_231, %parallel_loop3A_237 : vector<16xi1>, vector<16xf32>
        %parallel_loop3A_239 = math.exp %parallel_loop3A_238 : vector<16xf32>
        %parallel_loop3A_240 = arith.index_cast %parallel_loop3A_222 : i32 to index
        %parallel_loop3A_241 = arith.constant 128 : index
        %parallel_loop3A_242 = tpu.vector_load %arg15[%parallel_loop3A_240, %parallel_loop3A_241] {strides = array<i32>} : memref<112x144xf32, #tpu.memory_space<vmem>>, vector<16xf32>,
        tpu.vector_store %arg15[%parallel_loop3A_240, %parallel_loop3A_241], %parallel_loop3A_239 {strides = array<i32>} : memref<112x144xf32, #tpu.memory_space<vmem>>, vector<16xf32>,
        %parallel_loop3A_243 = tpu.iota {dimensions = array<i32: 0>} : vector<16xi32>
        %parallel_loop3A_244 = arith.constant 8 : i32
        %parallel_loop3A_245 = vector.broadcast %parallel_loop3A_244 : i32 to vector<16xi32>
        %parallel_loop3A_246 = arith.divsi %parallel_loop3A_243, %parallel_loop3A_245 : vector<16xi32>
        %parallel_loop3A_247 = arith.constant 0 : i32
        %parallel_loop3A_248 = vector.broadcast %parallel_loop3A_247 : i32 to vector<16xi32>
        %parallel_loop3A_249 = arith.cmpi sgt, %parallel_loop3A_243, %parallel_loop3A_248 : vector<16xi32>
        %parallel_loop3A_250 = arith.extui %parallel_loop3A_249 : vector<16xi1> to vector<16xi32>
        %parallel_loop3A_251 = arith.constant 0 : i32
        %parallel_loop3A_252 = vector.broadcast %parallel_loop3A_251 : i32 to vector<16xi32>
        %parallel_loop3A_253 = arith.cmpi slt, %parallel_loop3A_243, %parallel_loop3A_252 : vector<16xi32>
        %parallel_loop3A_254 = arith.extui %parallel_loop3A_253 : vector<16xi1> to vector<16xi32>
        %parallel_loop3A_255 = arith.subi %parallel_loop3A_250, %parallel_loop3A_254 : vector<16xi32>
        %parallel_loop3A_256 = arith.constant 0 : i32
        %parallel_loop3A_257 = arith.cmpi sgt, %parallel_loop3A_244, %parallel_loop3A_256 : i32
        %parallel_loop3A_258 = arith.extui %parallel_loop3A_257 : i1 to i32
        %parallel_loop3A_259 = arith.constant 0 : i32
        %parallel_loop3A_260 = arith.cmpi slt, %parallel_loop3A_244, %parallel_loop3A_259 : i32
        %parallel_loop3A_261 = arith.extui %parallel_loop3A_260 : i1 to i32
        %parallel_loop3A_262 = arith.subi %parallel_loop3A_258, %parallel_loop3A_261 : i32
        %parallel_loop3A_263 = vector.broadcast %parallel_loop3A_262 : i32 to vector<16xi32>
        %parallel_loop3A_264 = arith.cmpi ne, %parallel_loop3A_255, %parallel_loop3A_263 : vector<16xi32>
        %parallel_loop3A_265 = vector.broadcast %parallel_loop3A_244 : i32 to vector<16xi32>
        %parallel_loop3A_266 = arith.remsi %parallel_loop3A_243, %parallel_loop3A_265 : vector<16xi32>
        %parallel_loop3A_267 = arith.constant 0 : i32
        %parallel_loop3A_268 = vector.broadcast %parallel_loop3A_267 : i32 to vector<16xi32>
        %parallel_loop3A_269 = arith.cmpi ne, %parallel_loop3A_266, %parallel_loop3A_268 : vector<16xi32>
        %parallel_loop3A_270 = arith.andi %parallel_loop3A_264, %parallel_loop3A_269 : vector<16xi1>
        %parallel_loop3A_271 = arith.constant 1 : i32
        %parallel_loop3A_272 = vector.broadcast %parallel_loop3A_271 : i32 to vector<16xi32>
        %parallel_loop3A_273 = arith.subi %parallel_loop3A_246, %parallel_loop3A_272 : vector<16xi32>
        %parallel_loop3A_274 = arith.select %parallel_loop3A_270, %parallel_loop3A_273, %parallel_loop3A_246 : vector<16xi1>, vector<16xi32>
        %parallel_loop3A_275 = arith.constant 0 : i32
        %parallel_loop3A_276 = vector.broadcast %parallel_loop3A_275 : i32 to vector<16xi32>
        %parallel_loop3A_277 = arith.addi %parallel_loop3A_276, %parallel_loop3A_274 : vector<16xi32>
        %parallel_loop3A_278 = arith.constant 0 : i32
        %parallel_loop3A_279 = vector.broadcast %parallel_loop3A_278 : i32 to vector<16xi32>
        %parallel_loop3A_280 = arith.cmpi slt, %parallel_loop3A_277, %parallel_loop3A_279 : vector<16xi32>
        %parallel_loop3A_281 = arith.constant 16 : i32
        %parallel_loop3A_282 = vector.broadcast %parallel_loop3A_281 : i32 to vector<16xi32>
        %parallel_loop3A_283 = arith.addi %parallel_loop3A_277, %parallel_loop3A_282 : vector<16xi32>
        %parallel_loop3A_284 = arith.select %parallel_loop3A_280, %parallel_loop3A_283, %parallel_loop3A_277 : vector<16xi1>, vector<16xi32>
        %parallel_loop3A_285 = vector.shape_cast %parallel_loop3A_284 : vector<16xi32> to vector<16x1xi32>
        %parallel_loop3A_286 = vector.shape_cast %parallel_loop3A_285 : vector<16x1xi32> to vector<16xi32>
        %parallel_loop3A_287 = tpu.dynamic_gather %parallel_loop3A_239[%parallel_loop3A_286] in [0] : vector<16xf32>, vector<16xi32> -> vector<16xf32>
        %parallel_loop3A_288 = arith.index_cast %parallel_loop3A_222 : i32 to index
        %parallel_loop3A_289 = arith.constant 0 : index
        %parallel_loop3A_290 = tpu.vector_load %arg12[%parallel_loop3A_288, %parallel_loop3A_289] {strides = array<i32>} : memref<112x160xbf16, #tpu.memory_space<vmem>>, vector<32xbf16>,
        %parallel_loop3A_291 = tpu.unpack_subelements %parallel_loop3A_290, 0 {pack_format = #tpu.pack_format<interleaved>} : vector<32xbf16> -> vector<16xf32>
        %parallel_loop3A_292 = tpu.unpack_subelements %parallel_loop3A_290, 1 {pack_format = #tpu.pack_format<interleaved>} : vector<32xbf16> -> vector<16xf32>
        %parallel_loop3A_293 = arith.mulf %parallel_loop3A_291, %parallel_loop3A_287 : vector<16xf32>
        %parallel_loop3A_294 = arith.index_cast %parallel_loop3A_222 : i32 to index
        %parallel_loop3A_295 = arith.constant 0 : index
        %parallel_loop3A_296 = tpu.vector_load %arg15[%parallel_loop3A_294, %parallel_loop3A_295] {strides = array<i32>} : memref<112x144xf32, #tpu.memory_space<vmem>>, vector<16xf32>,
        tpu.vector_store %arg15[%parallel_loop3A_294, %parallel_loop3A_295], %parallel_loop3A_293 {strides = array<i32>} : memref<112x144xf32, #tpu.memory_space<vmem>>, vector<16xf32>,
        %parallel_loop3A_297 = arith.mulf %parallel_loop3A_292, %parallel_loop3A_287 : vector<16xf32>
        %parallel_loop3A_298 = arith.index_cast %parallel_loop3A_222 : i32 to index
        %parallel_loop3A_299 = arith.constant 16 : index
        %parallel_loop3A_300 = tpu.vector_load %arg15[%parallel_loop3A_298, %parallel_loop3A_299] {strides = array<i32>} : memref<112x144xf32, #tpu.memory_space<vmem>>, vector<16xf32>,
        tpu.vector_store %arg15[%parallel_loop3A_298, %parallel_loop3A_299], %parallel_loop3A_297 {strides = array<i32>} : memref<112x144xf32, #tpu.memory_space<vmem>>, vector<16xf32>,
        %parallel_loop3A_301 = tpu.iota {dimensions = array<i32: 0>} : vector<16xi32>
        %parallel_loop3A_302 = arith.constant 8 : i32
        %parallel_loop3A_303 = vector.broadcast %parallel_loop3A_302 : i32 to vector<16xi32>
        %parallel_loop3A_304 = arith.divsi %parallel_loop3A_301, %parallel_loop3A_303 : vector<16xi32>
        %parallel_loop3A_305 = arith.constant 0 : i32
        %parallel_loop3A_306 = vector.broadcast %parallel_loop3A_305 : i32 to vector<16xi32>
        %parallel_loop3A_307 = arith.cmpi sgt, %parallel_loop3A_301, %parallel_loop3A_306 : vector<16xi32>
        %parallel_loop3A_308 = arith.extui %parallel_loop3A_307 : vector<16xi1> to vector<16xi32>
        %parallel_loop3A_309 = arith.constant 0 : i32
        %parallel_loop3A_310 = vector.broadcast %parallel_loop3A_309 : i32 to vector<16xi32>
        %parallel_loop3A_311 = arith.cmpi slt, %parallel_loop3A_301, %parallel_loop3A_310 : vector<16xi32>
        %parallel_loop3A_312 = arith.extui %parallel_loop3A_311 : vector<16xi1> to vector<16xi32>
        %parallel_loop3A_313 = arith.subi %parallel_loop3A_308, %parallel_loop3A_312 : vector<16xi32>
        %parallel_loop3A_314 = arith.constant 0 : i32
        %parallel_loop3A_315 = arith.cmpi sgt, %parallel_loop3A_302, %parallel_loop3A_314 : i32
        %parallel_loop3A_316 = arith.extui %parallel_loop3A_315 : i1 to i32
        %parallel_loop3A_317 = arith.constant 0 : i32
        %parallel_loop3A_318 = arith.cmpi slt, %parallel_loop3A_302, %parallel_loop3A_317 : i32
        %parallel_loop3A_319 = arith.extui %parallel_loop3A_318 : i1 to i32
        %parallel_loop3A_320 = arith.subi %parallel_loop3A_316, %parallel_loop3A_319 : i32
        %parallel_loop3A_321 = vector.broadcast %parallel_loop3A_320 : i32 to vector<16xi32>
        %parallel_loop3A_322 = arith.cmpi ne, %parallel_loop3A_313, %parallel_loop3A_321 : vector<16xi32>
        %parallel_loop3A_323 = vector.broadcast %parallel_loop3A_302 : i32 to vector<16xi32>
        %parallel_loop3A_324 = arith.remsi %parallel_loop3A_301, %parallel_loop3A_323 : vector<16xi32>
        %parallel_loop3A_325 = arith.constant 0 : i32
        %parallel_loop3A_326 = vector.broadcast %parallel_loop3A_325 : i32 to vector<16xi32>
        %parallel_loop3A_327 = arith.cmpi ne, %parallel_loop3A_324, %parallel_loop3A_326 : vector<16xi32>
        %parallel_loop3A_328 = arith.andi %parallel_loop3A_322, %parallel_loop3A_327 : vector<16xi1>
        %parallel_loop3A_329 = arith.constant 1 : i32
        %parallel_loop3A_330 = vector.broadcast %parallel_loop3A_329 : i32 to vector<16xi32>
        %parallel_loop3A_331 = arith.subi %parallel_loop3A_304, %parallel_loop3A_330 : vector<16xi32>
        %parallel_loop3A_332 = arith.select %parallel_loop3A_328, %parallel_loop3A_331, %parallel_loop3A_304 : vector<16xi1>, vector<16xi32>
        %parallel_loop3A_333 = arith.constant 2 : i32
        %parallel_loop3A_334 = vector.broadcast %parallel_loop3A_333 : i32 to vector<16xi32>
        %parallel_loop3A_335 = arith.addi %parallel_loop3A_334, %parallel_loop3A_332 : vector<16xi32>
        %parallel_loop3A_336 = arith.constant 0 : i32
        %parallel_loop3A_337 = vector.broadcast %parallel_loop3A_336 : i32 to vector<16xi32>
        %parallel_loop3A_338 = arith.cmpi slt, %parallel_loop3A_335, %parallel_loop3A_337 : vector<16xi32>
        %parallel_loop3A_339 = arith.constant 16 : i32
        %parallel_loop3A_340 = vector.broadcast %parallel_loop3A_339 : i32 to vector<16xi32>
        %parallel_loop3A_341 = arith.addi %parallel_loop3A_335, %parallel_loop3A_340 : vector<16xi32>
        %parallel_loop3A_342 = arith.select %parallel_loop3A_338, %parallel_loop3A_341, %parallel_loop3A_335 : vector<16xi1>, vector<16xi32>
        %parallel_loop3A_343 = vector.shape_cast %parallel_loop3A_342 : vector<16xi32> to vector<16x1xi32>
        %parallel_loop3A_344 = vector.shape_cast %parallel_loop3A_343 : vector<16x1xi32> to vector<16xi32>
        %parallel_loop3A_345 = tpu.dynamic_gather %parallel_loop3A_239[%parallel_loop3A_344] in [0] : vector<16xf32>, vector<16xi32> -> vector<16xf32>
        %parallel_loop3A_346 = arith.index_cast %parallel_loop3A_222 : i32 to index
        %parallel_loop3A_347 = arith.constant 32 : index
        %parallel_loop3A_348 = tpu.vector_load %arg12[%parallel_loop3A_346, %parallel_loop3A_347] {strides = array<i32>} : memref<112x160xbf16, #tpu.memory_space<vmem>>, vector<32xbf16>,
        %parallel_loop3A_349 = tpu.unpack_subelements %parallel_loop3A_348, 0 {pack_format = #tpu.pack_format<interleaved>} : vector<32xbf16> -> vector<16xf32>
        %parallel_loop3A_350 = tpu.unpack_subelements %parallel_loop3A_348, 1 {pack_format = #tpu.pack_format<interleaved>} : vector<32xbf16> -> vector<16xf32>
        %parallel_loop3A_351 = arith.mulf %parallel_loop3A_349, %parallel_loop3A_345 : vector<16xf32>
        %parallel_loop3A_352 = arith.index_cast %parallel_loop3A_222 : i32 to index
        %parallel_loop3A_353 = arith.constant 32 : index
        %parallel_loop3A_354 = tpu.vector_load %arg15[%parallel_loop3A_352, %parallel_loop3A_353] {strides = array<i32>} : memref<112x144xf32, #tpu.memory_space<vmem>>, vector<16xf32>,
        tpu.vector_store %arg15[%parallel_loop3A_352, %parallel_loop3A_353], %parallel_loop3A_351 {strides = array<i32>} : memref<112x144xf32, #tpu.memory_space<vmem>>, vector<16xf32>,
        %parallel_loop3A_355 = arith.mulf %parallel_loop3A_350, %parallel_loop3A_345 : vector<16xf32>
        %parallel_loop3A_356 = arith.index_cast %parallel_loop3A_222 : i32 to index
        %parallel_loop3A_357 = arith.constant 48 : index
        %parallel_loop3A_358 = tpu.vector_load %arg15[%parallel_loop3A_356, %parallel_loop3A_357] {strides = array<i32>} : memref<112x144xf32, #tpu.memory_space<vmem>>, vector<16xf32>,
        tpu.vector_store %arg15[%parallel_loop3A_356, %parallel_loop3A_357], %parallel_loop3A_355 {strides = array<i32>} : memref<112x144xf32, #tpu.memory_space<vmem>>, vector<16xf32>,
        %parallel_loop3A_359 = tpu.iota {dimensions = array<i32: 0>} : vector<16xi32>
        %parallel_loop3A_360 = arith.constant 8 : i32
        %parallel_loop3A_361 = vector.broadcast %parallel_loop3A_360 : i32 to vector<16xi32>
        %parallel_loop3A_362 = arith.divsi %parallel_loop3A_359, %parallel_loop3A_361 : vector<16xi32>
        %parallel_loop3A_363 = arith.constant 0 : i32
        %parallel_loop3A_364 = vector.broadcast %parallel_loop3A_363 : i32 to vector<16xi32>
        %parallel_loop3A_365 = arith.cmpi sgt, %parallel_loop3A_359, %parallel_loop3A_364 : vector<16xi32>
        %parallel_loop3A_366 = arith.extui %parallel_loop3A_365 : vector<16xi1> to vector<16xi32>
        %parallel_loop3A_367 = arith.constant 0 : i32
        %parallel_loop3A_368 = vector.broadcast %parallel_loop3A_367 : i32 to vector<16xi32>
        %parallel_loop3A_369 = arith.cmpi slt, %parallel_loop3A_359, %parallel_loop3A_368 : vector<16xi32>
        %parallel_loop3A_370 = arith.extui %parallel_loop3A_369 : vector<16xi1> to vector<16xi32>
        %parallel_loop3A_371 = arith.subi %parallel_loop3A_366, %parallel_loop3A_370 : vector<16xi32>
        %parallel_loop3A_372 = arith.constant 0 : i32
        %parallel_loop3A_373 = arith.cmpi sgt, %parallel_loop3A_360, %parallel_loop3A_372 : i32
        %parallel_loop3A_374 = arith.extui %parallel_loop3A_373 : i1 to i32
        %parallel_loop3A_375 = arith.constant 0 : i32
        %parallel_loop3A_376 = arith.cmpi slt, %parallel_loop3A_360, %parallel_loop3A_375 : i32
        %parallel_loop3A_377 = arith.extui %parallel_loop3A_376 : i1 to i32
        %parallel_loop3A_378 = arith.subi %parallel_loop3A_374, %parallel_loop3A_377 : i32
        %parallel_loop3A_379 = vector.broadcast %parallel_loop3A_378 : i32 to vector<16xi32>
        %parallel_loop3A_380 = arith.cmpi ne, %parallel_loop3A_371, %parallel_loop3A_379 : vector<16xi32>
        %parallel_loop3A_381 = vector.broadcast %parallel_loop3A_360 : i32 to vector<16xi32>
        %parallel_loop3A_382 = arith.remsi %parallel_loop3A_359, %parallel_loop3A_381 : vector<16xi32>
        %parallel_loop3A_383 = arith.constant 0 : i32
        %parallel_loop3A_384 = vector.broadcast %parallel_loop3A_383 : i32 to vector<16xi32>
        %parallel_loop3A_385 = arith.cmpi ne, %parallel_loop3A_382, %parallel_loop3A_384 : vector<16xi32>
        %parallel_loop3A_386 = arith.andi %parallel_loop3A_380, %parallel_loop3A_385 : vector<16xi1>
        %parallel_loop3A_387 = arith.constant 1 : i32
        %parallel_loop3A_388 = vector.broadcast %parallel_loop3A_387 : i32 to vector<16xi32>
        %parallel_loop3A_389 = arith.subi %parallel_loop3A_362, %parallel_loop3A_388 : vector<16xi32>
        %parallel_loop3A_390 = arith.select %parallel_loop3A_386, %parallel_loop3A_389, %parallel_loop3A_362 : vector<16xi1>, vector<16xi32>
        %parallel_loop3A_391 = arith.constant 4 : i32
        %parallel_loop3A_392 = vector.broadcast %parallel_loop3A_391 : i32 to vector<16xi32>
        %parallel_loop3A_393 = arith.addi %parallel_loop3A_392, %parallel_loop3A_390 : vector<16xi32>
        %parallel_loop3A_394 = arith.constant 0 : i32
        %parallel_loop3A_395 = vector.broadcast %parallel_loop3A_394 : i32 to vector<16xi32>
        %parallel_loop3A_396 = arith.cmpi slt, %parallel_loop3A_393, %parallel_loop3A_395 : vector<16xi32>
        %parallel_loop3A_397 = arith.constant 16 : i32
        %parallel_loop3A_398 = vector.broadcast %parallel_loop3A_397 : i32 to vector<16xi32>
        %parallel_loop3A_399 = arith.addi %parallel_loop3A_393, %parallel_loop3A_398 : vector<16xi32>
        %parallel_loop3A_400 = arith.select %parallel_loop3A_396, %parallel_loop3A_399, %parallel_loop3A_393 : vector<16xi1>, vector<16xi32>
        %parallel_loop3A_401 = vector.shape_cast %parallel_loop3A_400 : vector<16xi32> to vector<16x1xi32>
        %parallel_loop3A_402 = vector.shape_cast %parallel_loop3A_401 : vector<16x1xi32> to vector<16xi32>
        %parallel_loop3A_403 = tpu.dynamic_gather %parallel_loop3A_239[%parallel_loop3A_402] in [0] : vector<16xf32>, vector<16xi32> -> vector<16xf32>
        %parallel_loop3A_404 = arith.index_cast %parallel_loop3A_222 : i32 to index
        %parallel_loop3A_405 = arith.constant 64 : index
        %parallel_loop3A_406 = tpu.vector_load %arg12[%parallel_loop3A_404, %parallel_loop3A_405] {strides = array<i32>} : memref<112x160xbf16, #tpu.memory_space<vmem>>, vector<32xbf16>,
        %parallel_loop3A_407 = tpu.unpack_subelements %parallel_loop3A_406, 0 {pack_format = #tpu.pack_format<interleaved>} : vector<32xbf16> -> vector<16xf32>
        %parallel_loop3A_408 = tpu.unpack_subelements %parallel_loop3A_406, 1 {pack_format = #tpu.pack_format<interleaved>} : vector<32xbf16> -> vector<16xf32>
        %parallel_loop3A_409 = arith.mulf %parallel_loop3A_407, %parallel_loop3A_403 : vector<16xf32>
        %parallel_loop3A_410 = arith.index_cast %parallel_loop3A_222 : i32 to index
        %parallel_loop3A_411 = arith.constant 64 : index
        %parallel_loop3A_412 = tpu.vector_load %arg15[%parallel_loop3A_410, %parallel_loop3A_411] {strides = array<i32>} : memref<112x144xf32, #tpu.memory_space<vmem>>, vector<16xf32>,
        tpu.vector_store %arg15[%parallel_loop3A_410, %parallel_loop3A_411], %parallel_loop3A_409 {strides = array<i32>} : memref<112x144xf32, #tpu.memory_space<vmem>>, vector<16xf32>,
        %parallel_loop3A_413 = arith.mulf %parallel_loop3A_408, %parallel_loop3A_403 : vector<16xf32>
        %parallel_loop3A_414 = arith.index_cast %parallel_loop3A_222 : i32 to index
        %parallel_loop3A_415 = arith.constant 80 : index
        %parallel_loop3A_416 = tpu.vector_load %arg15[%parallel_loop3A_414, %parallel_loop3A_415] {strides = array<i32>} : memref<112x144xf32, #tpu.memory_space<vmem>>, vector<16xf32>,
        tpu.vector_store %arg15[%parallel_loop3A_414, %parallel_loop3A_415], %parallel_loop3A_413 {strides = array<i32>} : memref<112x144xf32, #tpu.memory_space<vmem>>, vector<16xf32>,
        %parallel_loop3A_417 = tpu.iota {dimensions = array<i32: 0>} : vector<16xi32>
        %parallel_loop3A_418 = arith.constant 8 : i32
        %parallel_loop3A_419 = vector.broadcast %parallel_loop3A_418 : i32 to vector<16xi32>
        %parallel_loop3A_420 = arith.divsi %parallel_loop3A_417, %parallel_loop3A_419 : vector<16xi32>
        %parallel_loop3A_421 = arith.constant 0 : i32
        %parallel_loop3A_422 = vector.broadcast %parallel_loop3A_421 : i32 to vector<16xi32>
        %parallel_loop3A_423 = arith.cmpi sgt, %parallel_loop3A_417, %parallel_loop3A_422 : vector<16xi32>
        %parallel_loop3A_424 = arith.extui %parallel_loop3A_423 : vector<16xi1> to vector<16xi32>
        %parallel_loop3A_425 = arith.constant 0 : i32
        %parallel_loop3A_426 = vector.broadcast %parallel_loop3A_425 : i32 to vector<16xi32>
        %parallel_loop3A_427 = arith.cmpi slt, %parallel_loop3A_417, %parallel_loop3A_426 : vector<16xi32>
        %parallel_loop3A_428 = arith.extui %parallel_loop3A_427 : vector<16xi1> to vector<16xi32>
        %parallel_loop3A_429 = arith.subi %parallel_loop3A_424, %parallel_loop3A_428 : vector<16xi32>
        %parallel_loop3A_430 = arith.constant 0 : i32
        %parallel_loop3A_431 = arith.cmpi sgt, %parallel_loop3A_418, %parallel_loop3A_430 : i32
        %parallel_loop3A_432 = arith.extui %parallel_loop3A_431 : i1 to i32
        %parallel_loop3A_433 = arith.constant 0 : i32
        %parallel_loop3A_434 = arith.cmpi slt, %parallel_loop3A_418, %parallel_loop3A_433 : i32
        %parallel_loop3A_435 = arith.extui %parallel_loop3A_434 : i1 to i32
        %parallel_loop3A_436 = arith.subi %parallel_loop3A_432, %parallel_loop3A_435 : i32
        %parallel_loop3A_437 = vector.broadcast %parallel_loop3A_436 : i32 to vector<16xi32>
        %parallel_loop3A_438 = arith.cmpi ne, %parallel_loop3A_429, %parallel_loop3A_437 : vector<16xi32>
        %parallel_loop3A_439 = vector.broadcast %parallel_loop3A_418 : i32 to vector<16xi32>
        %parallel_loop3A_440 = arith.remsi %parallel_loop3A_417, %parallel_loop3A_439 : vector<16xi32>
        %parallel_loop3A_441 = arith.constant 0 : i32
        %parallel_loop3A_442 = vector.broadcast %parallel_loop3A_441 : i32 to vector<16xi32>
        %parallel_loop3A_443 = arith.cmpi ne, %parallel_loop3A_440, %parallel_loop3A_442 : vector<16xi32>
        %parallel_loop3A_444 = arith.andi %parallel_loop3A_438, %parallel_loop3A_443 : vector<16xi1>
        %parallel_loop3A_445 = arith.constant 1 : i32
        %parallel_loop3A_446 = vector.broadcast %parallel_loop3A_445 : i32 to vector<16xi32>
        %parallel_loop3A_447 = arith.subi %parallel_loop3A_420, %parallel_loop3A_446 : vector<16xi32>
        %parallel_loop3A_448 = arith.select %parallel_loop3A_444, %parallel_loop3A_447, %parallel_loop3A_420 : vector<16xi1>, vector<16xi32>
        %parallel_loop3A_449 = arith.constant 6 : i32
        %parallel_loop3A_450 = vector.broadcast %parallel_loop3A_449 : i32 to vector<16xi32>
        %parallel_loop3A_451 = arith.addi %parallel_loop3A_450, %parallel_loop3A_448 : vector<16xi32>
        %parallel_loop3A_452 = arith.constant 0 : i32
        %parallel_loop3A_453 = vector.broadcast %parallel_loop3A_452 : i32 to vector<16xi32>
        %parallel_loop3A_454 = arith.cmpi slt, %parallel_loop3A_451, %parallel_loop3A_453 : vector<16xi32>
        %parallel_loop3A_455 = arith.constant 16 : i32
        %parallel_loop3A_456 = vector.broadcast %parallel_loop3A_455 : i32 to vector<16xi32>
        %parallel_loop3A_457 = arith.addi %parallel_loop3A_451, %parallel_loop3A_456 : vector<16xi32>
        %parallel_loop3A_458 = arith.select %parallel_loop3A_454, %parallel_loop3A_457, %parallel_loop3A_451 : vector<16xi1>, vector<16xi32>
        %parallel_loop3A_459 = vector.shape_cast %parallel_loop3A_458 : vector<16xi32> to vector<16x1xi32>
        %parallel_loop3A_460 = vector.shape_cast %parallel_loop3A_459 : vector<16x1xi32> to vector<16xi32>
        %parallel_loop3A_461 = tpu.dynamic_gather %parallel_loop3A_239[%parallel_loop3A_460] in [0] : vector<16xf32>, vector<16xi32> -> vector<16xf32>
        %parallel_loop3A_462 = arith.index_cast %parallel_loop3A_222 : i32 to index
        %parallel_loop3A_463 = arith.constant 96 : index
        %parallel_loop3A_464 = tpu.vector_load %arg12[%parallel_loop3A_462, %parallel_loop3A_463] {strides = array<i32>} : memref<112x160xbf16, #tpu.memory_space<vmem>>, vector<32xbf16>,
        %parallel_loop3A_465 = tpu.unpack_subelements %parallel_loop3A_464, 0 {pack_format = #tpu.pack_format<interleaved>} : vector<32xbf16> -> vector<16xf32>
        %parallel_loop3A_466 = tpu.unpack_subelements %parallel_loop3A_464, 1 {pack_format = #tpu.pack_format<interleaved>} : vector<32xbf16> -> vector<16xf32>
        %parallel_loop3A_467 = arith.mulf %parallel_loop3A_465, %parallel_loop3A_461 : vector<16xf32>
        %parallel_loop3A_468 = arith.index_cast %parallel_loop3A_222 : i32 to index
        %parallel_loop3A_469 = arith.constant 96 : index
        %parallel_loop3A_470 = tpu.vector_load %arg15[%parallel_loop3A_468, %parallel_loop3A_469] {strides = array<i32>} : memref<112x144xf32, #tpu.memory_space<vmem>>, vector<16xf32>,
        tpu.vector_store %arg15[%parallel_loop3A_468, %parallel_loop3A_469], %parallel_loop3A_467 {strides = array<i32>} : memref<112x144xf32, #tpu.memory_space<vmem>>, vector<16xf32>,
        %parallel_loop3A_471 = arith.mulf %parallel_loop3A_466, %parallel_loop3A_461 : vector<16xf32>
        %parallel_loop3A_472 = arith.index_cast %parallel_loop3A_222 : i32 to index
        %parallel_loop3A_473 = arith.constant 112 : index
        %parallel_loop3A_474 = tpu.vector_load %arg15[%parallel_loop3A_472, %parallel_loop3A_473] {strides = array<i32>} : memref<112x144xf32, #tpu.memory_space<vmem>>, vector<16xf32>,
        tpu.vector_store %arg15[%parallel_loop3A_472, %parallel_loop3A_473], %parallel_loop3A_471 {strides = array<i32>} : memref<112x144xf32, #tpu.memory_space<vmem>>, vector<16xf32>,
      } {sc.loop_unroll_factor = 2 : i64, sc.parallel_access}
      %dma_start3A_125 = arith.constant 1 : i32
      %dma_start3A_126 = arith.constant 0 : i32
      %dma_start3A_127 = tpu.memref_slice %arg8[%dma_start3A_125, %dma_start3A_126] : memref<2x112xi32, #tpu.memory_space<vmem>> -> memref<1x112xi32, #tpu.memory_space<vmem>>
      %dma_start3A_128 = tpu.memref_squeeze %dma_start3A_127 : memref<1x112xi32, #tpu.memory_space<vmem>> -> memref<112xi32, #tpu.memory_space<vmem>>
      %dma_start3A_129 = arith.constant 0 : i32
      %dma_start3A_130 = arith.constant 0 : i32
      %dma_start3A_131 = tpu.memref_slice %arg6[%dma_start3A_129, %dma_start3A_130] : memref<10112x144xf32, #tpu.memory_space<vmem_shared>> -> memref<10112x144xf32, #tpu.memory_space<vmem_shared>>
      tpu.enqueue_indirect_dma source(%arg15 : memref<112x144xf32, #tpu.memory_space<vmem>>) target(%dma_start3A_131 : memref<10112x144xf32, #tpu.memory_space<vmem_shared>>) offsets(%dma_start3A_128 : memref<112xi32, #tpu.memory_space<vmem>>) semaphore(%arg19 : memref<!tpu.dma_semaphore, #tpu.memory_space<semaphore_mem>>) {add = true}
      %mul3A_132 = arith.constant 4 : i32
      %mul3A_133 = arith.muli %mul3A_132, %scan3A_45 : i32
      %add3A_134 = arith.constant 2 : i32
      %add3A_135 = arith.addi %mul3A_133, %add3A_134 : i32
      %add3A_136 = arith.constant 1 : i32
      %add3A_137 = arith.addi %add3A_135, %add3A_136 : i32
      %lt3A_138 = arith.constant 96 : i32
      %lt3A_139 = arith.cmpi slt, %add3A_137, %lt3A_138 : i32
      %convert_element_type3A_140 = arith.extui %lt3A_139 : i1 to i32
      %cond3A_141 = arith.constant 0 : i32
      %cond3A_142 = arith.cmpi ne, %convert_element_type3A_140, %cond3A_141 : i32
      scf.if %cond3A_142 {
        %ge3A_222 = arith.constant 1 : i32
        %ge3A_223 = arith.cmpi sge, %add3A_135, %ge3A_222 : i32
        %convert_element_type3A_224 = arith.extui %ge3A_223 : i1 to i32
        %cond3A_225 = arith.constant 0 : i32
        %cond3A_226 = arith.cmpi ne, %convert_element_type3A_224, %cond3A_225 : i32
        scf.if %cond3A_226 {
          %dma_wait3A_241 = arith.constant 0 : i32
          %dma_wait3A_242 = arith.constant 0 : i32
          %dma_wait3A_243 = tpu.memref_slice %arg2[%mul3A_4, %dma_wait3A_241, %dma_wait3A_242] : memref<3072x2x112xi32, #tpu.memory_space<hbm>> -> memref<1x2x112xi32, #tpu.memory_space<hbm>>
          %dma_wait3A_244 = tpu.memref_squeeze %dma_wait3A_243 : memref<1x2x112xi32, #tpu.memory_space<hbm>> -> memref<2x112xi32, #tpu.memory_space<hbm>>
          %dma_wait3A_245 = arith.constant 0 : i32
          %dma_wait3A_246 = arith.constant 0 : i32
          %dma_wait3A_247 = tpu.memref_slice %arg2[%mul3A_4, %dma_wait3A_245, %dma_wait3A_246] : memref<3072x2x112xi32, #tpu.memory_space<hbm>> -> memref<1x2x112xi32, #tpu.memory_space<hbm>>
          %dma_wait3A_248 = tpu.memref_squeeze %dma_wait3A_247 : memref<1x2x112xi32, #tpu.memory_space<hbm>> -> memref<2x112xi32, #tpu.memory_space<hbm>>
          tpu.wait_dma2 semaphore(%arg21 : memref<!tpu.dma_semaphore, #tpu.memory_space<semaphore_mem>>) src(%dma_wait3A_248 : memref<2x112xi32, #tpu.memory_space<hbm>>) dst(%arg10 : memref<2x112xi32, #tpu.memory_space<vmem>>)
        } else {
        }
        %dma_start3A_227 = arith.constant 0 : i32
        %dma_start3A_228 = arith.constant 0 : i32
        %dma_start3A_229 = tpu.memref_slice %arg10[%dma_start3A_227, %dma_start3A_228] : memref<2x112xi32, #tpu.memory_space<vmem>> -> memref<1x112xi32, #tpu.memory_space<vmem>>
        %dma_start3A_230 = tpu.memref_squeeze %dma_start3A_229 : memref<1x112xi32, #tpu.memory_space<vmem>> -> memref<112xi32, #tpu.memory_space<vmem>>
        %dma_start3A_231 = arith.constant 0 : i32
        %dma_start3A_232 = arith.constant 0 : i32
        %dma_start3A_233 = tpu.memref_slice %arg3[%dma_start3A_231, %dma_start3A_232] : memref<10112x160xbf16, #tpu.memory_space<hbm>> -> memref<10112x160xbf16, #tpu.memory_space<hbm>>
        tpu.enqueue_indirect_dma source(%dma_start3A_233 : memref<10112x160xbf16, #tpu.memory_space<hbm>>) target(%arg12 : memref<112x160xbf16, #tpu.memory_space<vmem>>) offsets(%dma_start3A_230 : memref<112xi32, #tpu.memory_space<vmem>>) semaphore(%arg17 : memref<!tpu.dma_semaphore, #tpu.memory_space<semaphore_mem>>)
        %dma_start3A_234 = arith.constant 1 : i32
        %dma_start3A_235 = arith.constant 0 : i32
        %dma_start3A_236 = tpu.memref_slice %arg10[%dma_start3A_234, %dma_start3A_235] : memref<2x112xi32, #tpu.memory_space<vmem>> -> memref<1x112xi32, #tpu.memory_space<vmem>>
        %dma_start3A_237 = tpu.memref_squeeze %dma_start3A_236 : memref<1x112xi32, #tpu.memory_space<vmem>> -> memref<112xi32, #tpu.memory_space<vmem>>
        %dma_start3A_238 = arith.constant 0 : i32
        %dma_start3A_239 = arith.constant 0 : i32
        %dma_start3A_240 = tpu.memref_slice %arg4[%dma_start3A_238, %dma_start3A_239] : memref<10112x16xf32, #tpu.memory_space<hbm>> -> memref<10112x16xf32, #tpu.memory_space<hbm>>
        tpu.enqueue_indirect_dma source(%dma_start3A_240 : memref<10112x16xf32, #tpu.memory_space<hbm>>) target(%arg14 : memref<112x16xf32, #tpu.memory_space<vmem>>) offsets(%dma_start3A_237 : memref<112xi32, #tpu.memory_space<vmem>>) semaphore(%arg17 : memref<!tpu.dma_semaphore, #tpu.memory_space<semaphore_mem>>)
      } else {
      }
      %add3A_143 = arith.constant 2 : i32
      %add3A_144 = arith.addi %add3A_135, %add3A_143 : i32
      %lt3A_145 = arith.constant 96 : i32
      %lt3A_146 = arith.cmpi slt, %add3A_144, %lt3A_145 : i32
      %convert_element_type3A_147 = arith.extui %lt3A_146 : i1 to i32
      %cond3A_148 = arith.constant 0 : i32
      %cond3A_149 = arith.cmpi ne, %convert_element_type3A_147, %cond3A_148 : i32
      scf.if %cond3A_149 {
        %add3A_222 = arith.addi %mul3A_4, %add3A_135 : i32
        %add3A_223 = arith.constant 2 : i32
        %add3A_224 = arith.addi %add3A_222, %add3A_223 : i32
        %dma_start3A_225 = arith.constant 0 : i32
        %dma_start3A_226 = arith.constant 0 : i32
        %dma_start3A_227 = tpu.memref_slice %arg2[%add3A_224, %dma_start3A_225, %dma_start3A_226] : memref<3072x2x112xi32, #tpu.memory_space<hbm>> -> memref<1x2x112xi32, #tpu.memory_space<hbm>>
        %dma_start3A_228 = tpu.memref_squeeze %dma_start3A_227 : memref<1x2x112xi32, #tpu.memory_space<hbm>> -> memref<2x112xi32, #tpu.memory_space<hbm>>
        %dma_start3A_229 = arith.constant 0 : i32
        %dma_start3A_230 = arith.constant 0 : i32
        %dma_start3A_231 = tpu.memref_slice %arg2[%add3A_224, %dma_start3A_229, %dma_start3A_230] : memref<3072x2x112xi32, #tpu.memory_space<hbm>> -> memref<1x2x112xi32, #tpu.memory_space<hbm>>
        %dma_start3A_232 = tpu.memref_squeeze %dma_start3A_231 : memref<1x2x112xi32, #tpu.memory_space<hbm>> -> memref<2x112xi32, #tpu.memory_space<hbm>>
        tpu.enqueue_dma source(%dma_start3A_232 : memref<2x112xi32, #tpu.memory_space<hbm>>) target(%arg7 : memref<2x112xi32, #tpu.memory_space<vmem>>) target_semaphore(%arg20 : memref<!tpu.dma_semaphore, #tpu.memory_space<semaphore_mem>>)
      } else {
      }
      %dma_wait3A_150 = arith.constant 0 : i32
      %dma_wait3A_151 = arith.constant 0 : i32
      %dma_wait3A_152 = tpu.memref_slice %arg3[%dma_wait3A_150, %dma_wait3A_151] : memref<10112x160xbf16, #tpu.memory_space<hbm>> -> memref<112x160xbf16, #tpu.memory_space<hbm>>
      %dma_wait3A_153 = arith.constant 0 : i32
      %dma_wait3A_154 = arith.constant 0 : i32
      %dma_wait3A_155 = tpu.memref_slice %arg3[%dma_wait3A_153, %dma_wait3A_154] : memref<10112x160xbf16, #tpu.memory_space<hbm>> -> memref<112x160xbf16, #tpu.memory_space<hbm>>
      tpu.wait_dma2 semaphore(%arg16 : memref<!tpu.dma_semaphore, #tpu.memory_space<semaphore_mem>>) src(%dma_wait3A_155 : memref<112x160xbf16, #tpu.memory_space<hbm>>) dst(%arg11 : memref<112x160xbf16, #tpu.memory_space<vmem>>)
      %dma_wait3A_156 = arith.constant 0 : i32
      %dma_wait3A_157 = arith.constant 0 : i32
      %dma_wait3A_158 = tpu.memref_slice %arg4[%dma_wait3A_156, %dma_wait3A_157] : memref<10112x16xf32, #tpu.memory_space<hbm>> -> memref<112x16xf32, #tpu.memory_space<hbm>>
      %dma_wait3A_159 = arith.constant 0 : i32
      %dma_wait3A_160 = arith.constant 0 : i32
      %dma_wait3A_161 = tpu.memref_slice %arg4[%dma_wait3A_159, %dma_wait3A_160] : memref<10112x16xf32, #tpu.memory_space<hbm>> -> memref<112x16xf32, #tpu.memory_space<hbm>>
      tpu.wait_dma2 semaphore(%arg16 : memref<!tpu.dma_semaphore, #tpu.memory_space<semaphore_mem>>) src(%dma_wait3A_161 : memref<112x16xf32, #tpu.memory_space<hbm>>) dst(%arg13 : memref<112x16xf32, #tpu.memory_space<vmem>>)
      %ge3A_162 = arith.constant 1 : i32
      %ge3A_163 = arith.cmpi sge, %add3A_135, %ge3A_162 : i32
      %convert_element_type3A_164 = arith.extui %ge3A_163 : i1 to i32
      %cond3A_165 = arith.constant 0 : i32
      %cond3A_166 = arith.cmpi ne, %convert_element_type3A_164, %cond3A_165 : i32
      scf.if %cond3A_166 {
        %dma_wait3A_222 = arith.constant 0 : i32
        %dma_wait3A_223 = arith.constant 0 : i32
        %dma_wait3A_224 = tpu.memref_slice %arg6[%dma_wait3A_222, %dma_wait3A_223] : memref<10112x144xf32, #tpu.memory_space<vmem_shared>> -> memref<112x144xf32, #tpu.memory_space<vmem_shared>>
        %dma_wait3A_225 = arith.constant 0 : i32
        %dma_wait3A_226 = arith.constant 0 : i32
        %dma_wait3A_227 = tpu.memref_slice %arg6[%dma_wait3A_225, %dma_wait3A_226] : memref<10112x144xf32, #tpu.memory_space<vmem_shared>> -> memref<112x144xf32, #tpu.memory_space<vmem_shared>>
        tpu.wait_dma2 semaphore(%arg19 : memref<!tpu.dma_semaphore, #tpu.memory_space<semaphore_mem>>) src(%arg15 : memref<112x144xf32, #tpu.memory_space<vmem>>) dst(%dma_wait3A_227 : memref<112x144xf32, #tpu.memory_space<vmem_shared>>)
      } else {
      }
      %parallel_loop3A_167 = arith.constant 0 : i32
      %parallel_loop3A_168 = arith.constant 112 : i32
      %parallel_loop3A_169 = arith.constant 1 : i32
      scf.for %parallel_loop3A_222 = %parallel_loop3A_167 to %parallel_loop3A_168 step %parallel_loop3A_169  : i32 {
        %parallel_loop3A_223 = arith.index_cast %parallel_loop3A_222 : i32 to index
        %parallel_loop3A_224 = arith.constant 0 : index
        %parallel_loop3A_225 = tpu.vector_load %arg13[%parallel_loop3A_223, %parallel_loop3A_224] {strides = array<i32>} : memref<112x16xf32, #tpu.memory_space<vmem>>, vector<16xf32>,
        %parallel_loop3A_226 = arith.index_cast %parallel_loop3A_222 : i32 to index
        %parallel_loop3A_227 = arith.constant 128 : index
        %parallel_loop3A_228 = tpu.vector_load %arg11[%parallel_loop3A_226, %parallel_loop3A_227] {strides = array<i32>} : memref<112x160xbf16, #tpu.memory_space<vmem>>, vector<32xbf16>,
        %parallel_loop3A_229 = tpu.unpack_subelements %parallel_loop3A_228, 0 {pack_format = #tpu.pack_format<interleaved>} : vector<32xbf16> -> vector<16xf32>
        %parallel_loop3A_230 = tpu.unpack_subelements %parallel_loop3A_228, 1 {pack_format = #tpu.pack_format<interleaved>} : vector<32xbf16> -> vector<16xf32>
        %parallel_loop3A_231 = arith.addf %parallel_loop3A_229, %parallel_loop3A_225 : vector<16xf32>
        %parallel_loop3A_232 = arith.constant 0.000000e+00 : f32
        %parallel_loop3A_233 = vector.broadcast %parallel_loop3A_232 : f32 to vector<16xf32>
        %parallel_loop3A_234 = arith.cmpf oge, %parallel_loop3A_231, %parallel_loop3A_233 : vector<16xf32>
        %parallel_loop3A_235 = arith.constant 2.000000e-01 : f32
        %parallel_loop3A_236 = vector.broadcast %parallel_loop3A_235 : f32 to vector<16xf32>
        %parallel_loop3A_237 = arith.mulf %parallel_loop3A_236, %parallel_loop3A_231 : vector<16xf32>
        %parallel_loop3A_238 = arith.select %parallel_loop3A_234, %parallel_loop3A_231, %parallel_loop3A_237 : vector<16xi1>, vector<16xf32>
        %parallel_loop3A_239 = math.exp %parallel_loop3A_238 : vector<16xf32>
        %parallel_loop3A_240 = arith.index_cast %parallel_loop3A_222 : i32 to index
        %parallel_loop3A_241 = arith.constant 128 : index
        %parallel_loop3A_242 = tpu.vector_load %arg15[%parallel_loop3A_240, %parallel_loop3A_241] {strides = array<i32>} : memref<112x144xf32, #tpu.memory_space<vmem>>, vector<16xf32>,
        tpu.vector_store %arg15[%parallel_loop3A_240, %parallel_loop3A_241], %parallel_loop3A_239 {strides = array<i32>} : memref<112x144xf32, #tpu.memory_space<vmem>>, vector<16xf32>,
        %parallel_loop3A_243 = tpu.iota {dimensions = array<i32: 0>} : vector<16xi32>
        %parallel_loop3A_244 = arith.constant 8 : i32
        %parallel_loop3A_245 = vector.broadcast %parallel_loop3A_244 : i32 to vector<16xi32>
        %parallel_loop3A_246 = arith.divsi %parallel_loop3A_243, %parallel_loop3A_245 : vector<16xi32>
        %parallel_loop3A_247 = arith.constant 0 : i32
        %parallel_loop3A_248 = vector.broadcast %parallel_loop3A_247 : i32 to vector<16xi32>
        %parallel_loop3A_249 = arith.cmpi sgt, %parallel_loop3A_243, %parallel_loop3A_248 : vector<16xi32>
        %parallel_loop3A_250 = arith.extui %parallel_loop3A_249 : vector<16xi1> to vector<16xi32>
        %parallel_loop3A_251 = arith.constant 0 : i32
        %parallel_loop3A_252 = vector.broadcast %parallel_loop3A_251 : i32 to vector<16xi32>
        %parallel_loop3A_253 = arith.cmpi slt, %parallel_loop3A_243, %parallel_loop3A_252 : vector<16xi32>
        %parallel_loop3A_254 = arith.extui %parallel_loop3A_253 : vector<16xi1> to vector<16xi32>
        %parallel_loop3A_255 = arith.subi %parallel_loop3A_250, %parallel_loop3A_254 : vector<16xi32>
        %parallel_loop3A_256 = arith.constant 0 : i32
        %parallel_loop3A_257 = arith.cmpi sgt, %parallel_loop3A_244, %parallel_loop3A_256 : i32
        %parallel_loop3A_258 = arith.extui %parallel_loop3A_257 : i1 to i32
        %parallel_loop3A_259 = arith.constant 0 : i32
        %parallel_loop3A_260 = arith.cmpi slt, %parallel_loop3A_244, %parallel_loop3A_259 : i32
        %parallel_loop3A_261 = arith.extui %parallel_loop3A_260 : i1 to i32
        %parallel_loop3A_262 = arith.subi %parallel_loop3A_258, %parallel_loop3A_261 : i32
        %parallel_loop3A_263 = vector.broadcast %parallel_loop3A_262 : i32 to vector<16xi32>
        %parallel_loop3A_264 = arith.cmpi ne, %parallel_loop3A_255, %parallel_loop3A_263 : vector<16xi32>
        %parallel_loop3A_265 = vector.broadcast %parallel_loop3A_244 : i32 to vector<16xi32>
        %parallel_loop3A_266 = arith.remsi %parallel_loop3A_243, %parallel_loop3A_265 : vector<16xi32>
        %parallel_loop3A_267 = arith.constant 0 : i32
        %parallel_loop3A_268 = vector.broadcast %parallel_loop3A_267 : i32 to vector<16xi32>
        %parallel_loop3A_269 = arith.cmpi ne, %parallel_loop3A_266, %parallel_loop3A_268 : vector<16xi32>
        %parallel_loop3A_270 = arith.andi %parallel_loop3A_264, %parallel_loop3A_269 : vector<16xi1>
        %parallel_loop3A_271 = arith.constant 1 : i32
        %parallel_loop3A_272 = vector.broadcast %parallel_loop3A_271 : i32 to vector<16xi32>
        %parallel_loop3A_273 = arith.subi %parallel_loop3A_246, %parallel_loop3A_272 : vector<16xi32>
        %parallel_loop3A_274 = arith.select %parallel_loop3A_270, %parallel_loop3A_273, %parallel_loop3A_246 : vector<16xi1>, vector<16xi32>
        %parallel_loop3A_275 = arith.constant 0 : i32
        %parallel_loop3A_276 = vector.broadcast %parallel_loop3A_275 : i32 to vector<16xi32>
        %parallel_loop3A_277 = arith.addi %parallel_loop3A_276, %parallel_loop3A_274 : vector<16xi32>
        %parallel_loop3A_278 = arith.constant 0 : i32
        %parallel_loop3A_279 = vector.broadcast %parallel_loop3A_278 : i32 to vector<16xi32>
        %parallel_loop3A_280 = arith.cmpi slt, %parallel_loop3A_277, %parallel_loop3A_279 : vector<16xi32>
        %parallel_loop3A_281 = arith.constant 16 : i32
        %parallel_loop3A_282 = vector.broadcast %parallel_loop3A_281 : i32 to vector<16xi32>
        %parallel_loop3A_283 = arith.addi %parallel_loop3A_277, %parallel_loop3A_282 : vector<16xi32>
        %parallel_loop3A_284 = arith.select %parallel_loop3A_280, %parallel_loop3A_283, %parallel_loop3A_277 : vector<16xi1>, vector<16xi32>
        %parallel_loop3A_285 = vector.shape_cast %parallel_loop3A_284 : vector<16xi32> to vector<16x1xi32>
        %parallel_loop3A_286 = vector.shape_cast %parallel_loop3A_285 : vector<16x1xi32> to vector<16xi32>
        %parallel_loop3A_287 = tpu.dynamic_gather %parallel_loop3A_239[%parallel_loop3A_286] in [0] : vector<16xf32>, vector<16xi32> -> vector<16xf32>
        %parallel_loop3A_288 = arith.index_cast %parallel_loop3A_222 : i32 to index
        %parallel_loop3A_289 = arith.constant 0 : index
        %parallel_loop3A_290 = tpu.vector_load %arg11[%parallel_loop3A_288, %parallel_loop3A_289] {strides = array<i32>} : memref<112x160xbf16, #tpu.memory_space<vmem>>, vector<32xbf16>,
        %parallel_loop3A_291 = tpu.unpack_subelements %parallel_loop3A_290, 0 {pack_format = #tpu.pack_format<interleaved>} : vector<32xbf16> -> vector<16xf32>
        %parallel_loop3A_292 = tpu.unpack_subelements %parallel_loop3A_290, 1 {pack_format = #tpu.pack_format<interleaved>} : vector<32xbf16> -> vector<16xf32>
        %parallel_loop3A_293 = arith.mulf %parallel_loop3A_291, %parallel_loop3A_287 : vector<16xf32>
        %parallel_loop3A_294 = arith.index_cast %parallel_loop3A_222 : i32 to index
        %parallel_loop3A_295 = arith.constant 0 : index
        %parallel_loop3A_296 = tpu.vector_load %arg15[%parallel_loop3A_294, %parallel_loop3A_295] {strides = array<i32>} : memref<112x144xf32, #tpu.memory_space<vmem>>, vector<16xf32>,
        tpu.vector_store %arg15[%parallel_loop3A_294, %parallel_loop3A_295], %parallel_loop3A_293 {strides = array<i32>} : memref<112x144xf32, #tpu.memory_space<vmem>>, vector<16xf32>,
        %parallel_loop3A_297 = arith.mulf %parallel_loop3A_292, %parallel_loop3A_287 : vector<16xf32>
        %parallel_loop3A_298 = arith.index_cast %parallel_loop3A_222 : i32 to index
        %parallel_loop3A_299 = arith.constant 16 : index
        %parallel_loop3A_300 = tpu.vector_load %arg15[%parallel_loop3A_298, %parallel_loop3A_299] {strides = array<i32>} : memref<112x144xf32, #tpu.memory_space<vmem>>, vector<16xf32>,
        tpu.vector_store %arg15[%parallel_loop3A_298, %parallel_loop3A_299], %parallel_loop3A_297 {strides = array<i32>} : memref<112x144xf32, #tpu.memory_space<vmem>>, vector<16xf32>,
        %parallel_loop3A_301 = tpu.iota {dimensions = array<i32: 0>} : vector<16xi32>
        %parallel_loop3A_302 = arith.constant 8 : i32
        %parallel_loop3A_303 = vector.broadcast %parallel_loop3A_302 : i32 to vector<16xi32>
        %parallel_loop3A_304 = arith.divsi %parallel_loop3A_301, %parallel_loop3A_303 : vector<16xi32>
        %parallel_loop3A_305 = arith.constant 0 : i32
        %parallel_loop3A_306 = vector.broadcast %parallel_loop3A_305 : i32 to vector<16xi32>
        %parallel_loop3A_307 = arith.cmpi sgt, %parallel_loop3A_301, %parallel_loop3A_306 : vector<16xi32>
        %parallel_loop3A_308 = arith.extui %parallel_loop3A_307 : vector<16xi1> to vector<16xi32>
        %parallel_loop3A_309 = arith.constant 0 : i32
        %parallel_loop3A_310 = vector.broadcast %parallel_loop3A_309 : i32 to vector<16xi32>
        %parallel_loop3A_311 = arith.cmpi slt, %parallel_loop3A_301, %parallel_loop3A_310 : vector<16xi32>
        %parallel_loop3A_312 = arith.extui %parallel_loop3A_311 : vector<16xi1> to vector<16xi32>
        %parallel_loop3A_313 = arith.subi %parallel_loop3A_308, %parallel_loop3A_312 : vector<16xi32>
        %parallel_loop3A_314 = arith.constant 0 : i32
        %parallel_loop3A_315 = arith.cmpi sgt, %parallel_loop3A_302, %parallel_loop3A_314 : i32
        %parallel_loop3A_316 = arith.extui %parallel_loop3A_315 : i1 to i32
        %parallel_loop3A_317 = arith.constant 0 : i32
        %parallel_loop3A_318 = arith.cmpi slt, %parallel_loop3A_302, %parallel_loop3A_317 : i32
        %parallel_loop3A_319 = arith.extui %parallel_loop3A_318 : i1 to i32
        %parallel_loop3A_320 = arith.subi %parallel_loop3A_316, %parallel_loop3A_319 : i32
        %parallel_loop3A_321 = vector.broadcast %parallel_loop3A_320 : i32 to vector<16xi32>
        %parallel_loop3A_322 = arith.cmpi ne, %parallel_loop3A_313, %parallel_loop3A_321 : vector<16xi32>
        %parallel_loop3A_323 = vector.broadcast %parallel_loop3A_302 : i32 to vector<16xi32>
        %parallel_loop3A_324 = arith.remsi %parallel_loop3A_301, %parallel_loop3A_323 : vector<16xi32>
        %parallel_loop3A_325 = arith.constant 0 : i32
        %parallel_loop3A_326 = vector.broadcast %parallel_loop3A_325 : i32 to vector<16xi32>
        %parallel_loop3A_327 = arith.cmpi ne, %parallel_loop3A_324, %parallel_loop3A_326 : vector<16xi32>
        %parallel_loop3A_328 = arith.andi %parallel_loop3A_322, %parallel_loop3A_327 : vector<16xi1>
        %parallel_loop3A_329 = arith.constant 1 : i32
        %parallel_loop3A_330 = vector.broadcast %parallel_loop3A_329 : i32 to vector<16xi32>
        %parallel_loop3A_331 = arith.subi %parallel_loop3A_304, %parallel_loop3A_330 : vector<16xi32>
        %parallel_loop3A_332 = arith.select %parallel_loop3A_328, %parallel_loop3A_331, %parallel_loop3A_304 : vector<16xi1>, vector<16xi32>
        %parallel_loop3A_333 = arith.constant 2 : i32
        %parallel_loop3A_334 = vector.broadcast %parallel_loop3A_333 : i32 to vector<16xi32>
        %parallel_loop3A_335 = arith.addi %parallel_loop3A_334, %parallel_loop3A_332 : vector<16xi32>
        %parallel_loop3A_336 = arith.constant 0 : i32
        %parallel_loop3A_337 = vector.broadcast %parallel_loop3A_336 : i32 to vector<16xi32>
        %parallel_loop3A_338 = arith.cmpi slt, %parallel_loop3A_335, %parallel_loop3A_337 : vector<16xi32>
        %parallel_loop3A_339 = arith.constant 16 : i32
        %parallel_loop3A_340 = vector.broadcast %parallel_loop3A_339 : i32 to vector<16xi32>
        %parallel_loop3A_341 = arith.addi %parallel_loop3A_335, %parallel_loop3A_340 : vector<16xi32>
        %parallel_loop3A_342 = arith.select %parallel_loop3A_338, %parallel_loop3A_341, %parallel_loop3A_335 : vector<16xi1>, vector<16xi32>
        %parallel_loop3A_343 = vector.shape_cast %parallel_loop3A_342 : vector<16xi32> to vector<16x1xi32>
        %parallel_loop3A_344 = vector.shape_cast %parallel_loop3A_343 : vector<16x1xi32> to vector<16xi32>
        %parallel_loop3A_345 = tpu.dynamic_gather %parallel_loop3A_239[%parallel_loop3A_344] in [0] : vector<16xf32>, vector<16xi32> -> vector<16xf32>
        %parallel_loop3A_346 = arith.index_cast %parallel_loop3A_222 : i32 to index
        %parallel_loop3A_347 = arith.constant 32 : index
        %parallel_loop3A_348 = tpu.vector_load %arg11[%parallel_loop3A_346, %parallel_loop3A_347] {strides = array<i32>} : memref<112x160xbf16, #tpu.memory_space<vmem>>, vector<32xbf16>,
        %parallel_loop3A_349 = tpu.unpack_subelements %parallel_loop3A_348, 0 {pack_format = #tpu.pack_format<interleaved>} : vector<32xbf16> -> vector<16xf32>
        %parallel_loop3A_350 = tpu.unpack_subelements %parallel_loop3A_348, 1 {pack_format = #tpu.pack_format<interleaved>} : vector<32xbf16> -> vector<16xf32>
        %parallel_loop3A_351 = arith.mulf %parallel_loop3A_349, %parallel_loop3A_345 : vector<16xf32>
        %parallel_loop3A_352 = arith.index_cast %parallel_loop3A_222 : i32 to index
        %parallel_loop3A_353 = arith.constant 32 : index
        %parallel_loop3A_354 = tpu.vector_load %arg15[%parallel_loop3A_352, %parallel_loop3A_353] {strides = array<i32>} : memref<112x144xf32, #tpu.memory_space<vmem>>, vector<16xf32>,
        tpu.vector_store %arg15[%parallel_loop3A_352, %parallel_loop3A_353], %parallel_loop3A_351 {strides = array<i32>} : memref<112x144xf32, #tpu.memory_space<vmem>>, vector<16xf32>,
        %parallel_loop3A_355 = arith.mulf %parallel_loop3A_350, %parallel_loop3A_345 : vector<16xf32>
        %parallel_loop3A_356 = arith.index_cast %parallel_loop3A_222 : i32 to index
        %parallel_loop3A_357 = arith.constant 48 : index
        %parallel_loop3A_358 = tpu.vector_load %arg15[%parallel_loop3A_356, %parallel_loop3A_357] {strides = array<i32>} : memref<112x144xf32, #tpu.memory_space<vmem>>, vector<16xf32>,
        tpu.vector_store %arg15[%parallel_loop3A_356, %parallel_loop3A_357], %parallel_loop3A_355 {strides = array<i32>} : memref<112x144xf32, #tpu.memory_space<vmem>>, vector<16xf32>,
        %parallel_loop3A_359 = tpu.iota {dimensions = array<i32: 0>} : vector<16xi32>
        %parallel_loop3A_360 = arith.constant 8 : i32
        %parallel_loop3A_361 = vector.broadcast %parallel_loop3A_360 : i32 to vector<16xi32>
        %parallel_loop3A_362 = arith.divsi %parallel_loop3A_359, %parallel_loop3A_361 : vector<16xi32>
        %parallel_loop3A_363 = arith.constant 0 : i32
        %parallel_loop3A_364 = vector.broadcast %parallel_loop3A_363 : i32 to vector<16xi32>
        %parallel_loop3A_365 = arith.cmpi sgt, %parallel_loop3A_359, %parallel_loop3A_364 : vector<16xi32>
        %parallel_loop3A_366 = arith.extui %parallel_loop3A_365 : vector<16xi1> to vector<16xi32>
        %parallel_loop3A_367 = arith.constant 0 : i32
        %parallel_loop3A_368 = vector.broadcast %parallel_loop3A_367 : i32 to vector<16xi32>
        %parallel_loop3A_369 = arith.cmpi slt, %parallel_loop3A_359, %parallel_loop3A_368 : vector<16xi32>
        %parallel_loop3A_370 = arith.extui %parallel_loop3A_369 : vector<16xi1> to vector<16xi32>
        %parallel_loop3A_371 = arith.subi %parallel_loop3A_366, %parallel_loop3A_370 : vector<16xi32>
        %parallel_loop3A_372 = arith.constant 0 : i32
        %parallel_loop3A_373 = arith.cmpi sgt, %parallel_loop3A_360, %parallel_loop3A_372 : i32
        %parallel_loop3A_374 = arith.extui %parallel_loop3A_373 : i1 to i32
        %parallel_loop3A_375 = arith.constant 0 : i32
        %parallel_loop3A_376 = arith.cmpi slt, %parallel_loop3A_360, %parallel_loop3A_375 : i32
        %parallel_loop3A_377 = arith.extui %parallel_loop3A_376 : i1 to i32
        %parallel_loop3A_378 = arith.subi %parallel_loop3A_374, %parallel_loop3A_377 : i32
        %parallel_loop3A_379 = vector.broadcast %parallel_loop3A_378 : i32 to vector<16xi32>
        %parallel_loop3A_380 = arith.cmpi ne, %parallel_loop3A_371, %parallel_loop3A_379 : vector<16xi32>
        %parallel_loop3A_381 = vector.broadcast %parallel_loop3A_360 : i32 to vector<16xi32>
        %parallel_loop3A_382 = arith.remsi %parallel_loop3A_359, %parallel_loop3A_381 : vector<16xi32>
        %parallel_loop3A_383 = arith.constant 0 : i32
        %parallel_loop3A_384 = vector.broadcast %parallel_loop3A_383 : i32 to vector<16xi32>
        %parallel_loop3A_385 = arith.cmpi ne, %parallel_loop3A_382, %parallel_loop3A_384 : vector<16xi32>
        %parallel_loop3A_386 = arith.andi %parallel_loop3A_380, %parallel_loop3A_385 : vector<16xi1>
        %parallel_loop3A_387 = arith.constant 1 : i32
        %parallel_loop3A_388 = vector.broadcast %parallel_loop3A_387 : i32 to vector<16xi32>
        %parallel_loop3A_389 = arith.subi %parallel_loop3A_362, %parallel_loop3A_388 : vector<16xi32>
        %parallel_loop3A_390 = arith.select %parallel_loop3A_386, %parallel_loop3A_389, %parallel_loop3A_362 : vector<16xi1>, vector<16xi32>
        %parallel_loop3A_391 = arith.constant 4 : i32
        %parallel_loop3A_392 = vector.broadcast %parallel_loop3A_391 : i32 to vector<16xi32>
        %parallel_loop3A_393 = arith.addi %parallel_loop3A_392, %parallel_loop3A_390 : vector<16xi32>
        %parallel_loop3A_394 = arith.constant 0 : i32
        %parallel_loop3A_395 = vector.broadcast %parallel_loop3A_394 : i32 to vector<16xi32>
        %parallel_loop3A_396 = arith.cmpi slt, %parallel_loop3A_393, %parallel_loop3A_395 : vector<16xi32>
        %parallel_loop3A_397 = arith.constant 16 : i32
        %parallel_loop3A_398 = vector.broadcast %parallel_loop3A_397 : i32 to vector<16xi32>
        %parallel_loop3A_399 = arith.addi %parallel_loop3A_393, %parallel_loop3A_398 : vector<16xi32>
        %parallel_loop3A_400 = arith.select %parallel_loop3A_396, %parallel_loop3A_399, %parallel_loop3A_393 : vector<16xi1>, vector<16xi32>
        %parallel_loop3A_401 = vector.shape_cast %parallel_loop3A_400 : vector<16xi32> to vector<16x1xi32>
        %parallel_loop3A_402 = vector.shape_cast %parallel_loop3A_401 : vector<16x1xi32> to vector<16xi32>
        %parallel_loop3A_403 = tpu.dynamic_gather %parallel_loop3A_239[%parallel_loop3A_402] in [0] : vector<16xf32>, vector<16xi32> -> vector<16xf32>
        %parallel_loop3A_404 = arith.index_cast %parallel_loop3A_222 : i32 to index
        %parallel_loop3A_405 = arith.constant 64 : index
        %parallel_loop3A_406 = tpu.vector_load %arg11[%parallel_loop3A_404, %parallel_loop3A_405] {strides = array<i32>} : memref<112x160xbf16, #tpu.memory_space<vmem>>, vector<32xbf16>,
        %parallel_loop3A_407 = tpu.unpack_subelements %parallel_loop3A_406, 0 {pack_format = #tpu.pack_format<interleaved>} : vector<32xbf16> -> vector<16xf32>
        %parallel_loop3A_408 = tpu.unpack_subelements %parallel_loop3A_406, 1 {pack_format = #tpu.pack_format<interleaved>} : vector<32xbf16> -> vector<16xf32>
        %parallel_loop3A_409 = arith.mulf %parallel_loop3A_407, %parallel_loop3A_403 : vector<16xf32>
        %parallel_loop3A_410 = arith.index_cast %parallel_loop3A_222 : i32 to index
        %parallel_loop3A_411 = arith.constant 64 : index
        %parallel_loop3A_412 = tpu.vector_load %arg15[%parallel_loop3A_410, %parallel_loop3A_411] {strides = array<i32>} : memref<112x144xf32, #tpu.memory_space<vmem>>, vector<16xf32>,
        tpu.vector_store %arg15[%parallel_loop3A_410, %parallel_loop3A_411], %parallel_loop3A_409 {strides = array<i32>} : memref<112x144xf32, #tpu.memory_space<vmem>>, vector<16xf32>,
        %parallel_loop3A_413 = arith.mulf %parallel_loop3A_408, %parallel_loop3A_403 : vector<16xf32>
        %parallel_loop3A_414 = arith.index_cast %parallel_loop3A_222 : i32 to index
        %parallel_loop3A_415 = arith.constant 80 : index
        %parallel_loop3A_416 = tpu.vector_load %arg15[%parallel_loop3A_414, %parallel_loop3A_415] {strides = array<i32>} : memref<112x144xf32, #tpu.memory_space<vmem>>, vector<16xf32>,
        tpu.vector_store %arg15[%parallel_loop3A_414, %parallel_loop3A_415], %parallel_loop3A_413 {strides = array<i32>} : memref<112x144xf32, #tpu.memory_space<vmem>>, vector<16xf32>,
        %parallel_loop3A_417 = tpu.iota {dimensions = array<i32: 0>} : vector<16xi32>
        %parallel_loop3A_418 = arith.constant 8 : i32
        %parallel_loop3A_419 = vector.broadcast %parallel_loop3A_418 : i32 to vector<16xi32>
        %parallel_loop3A_420 = arith.divsi %parallel_loop3A_417, %parallel_loop3A_419 : vector<16xi32>
        %parallel_loop3A_421 = arith.constant 0 : i32
        %parallel_loop3A_422 = vector.broadcast %parallel_loop3A_421 : i32 to vector<16xi32>
        %parallel_loop3A_423 = arith.cmpi sgt, %parallel_loop3A_417, %parallel_loop3A_422 : vector<16xi32>
        %parallel_loop3A_424 = arith.extui %parallel_loop3A_423 : vector<16xi1> to vector<16xi32>
        %parallel_loop3A_425 = arith.constant 0 : i32
        %parallel_loop3A_426 = vector.broadcast %parallel_loop3A_425 : i32 to vector<16xi32>
        %parallel_loop3A_427 = arith.cmpi slt, %parallel_loop3A_417, %parallel_loop3A_426 : vector<16xi32>
        %parallel_loop3A_428 = arith.extui %parallel_loop3A_427 : vector<16xi1> to vector<16xi32>
        %parallel_loop3A_429 = arith.subi %parallel_loop3A_424, %parallel_loop3A_428 : vector<16xi32>
        %parallel_loop3A_430 = arith.constant 0 : i32
        %parallel_loop3A_431 = arith.cmpi sgt, %parallel_loop3A_418, %parallel_loop3A_430 : i32
        %parallel_loop3A_432 = arith.extui %parallel_loop3A_431 : i1 to i32
        %parallel_loop3A_433 = arith.constant 0 : i32
        %parallel_loop3A_434 = arith.cmpi slt, %parallel_loop3A_418, %parallel_loop3A_433 : i32
        %parallel_loop3A_435 = arith.extui %parallel_loop3A_434 : i1 to i32
        %parallel_loop3A_436 = arith.subi %parallel_loop3A_432, %parallel_loop3A_435 : i32
        %parallel_loop3A_437 = vector.broadcast %parallel_loop3A_436 : i32 to vector<16xi32>
        %parallel_loop3A_438 = arith.cmpi ne, %parallel_loop3A_429, %parallel_loop3A_437 : vector<16xi32>
        %parallel_loop3A_439 = vector.broadcast %parallel_loop3A_418 : i32 to vector<16xi32>
        %parallel_loop3A_440 = arith.remsi %parallel_loop3A_417, %parallel_loop3A_439 : vector<16xi32>
        %parallel_loop3A_441 = arith.constant 0 : i32
        %parallel_loop3A_442 = vector.broadcast %parallel_loop3A_441 : i32 to vector<16xi32>
        %parallel_loop3A_443 = arith.cmpi ne, %parallel_loop3A_440, %parallel_loop3A_442 : vector<16xi32>
        %parallel_loop3A_444 = arith.andi %parallel_loop3A_438, %parallel_loop3A_443 : vector<16xi1>
        %parallel_loop3A_445 = arith.constant 1 : i32
        %parallel_loop3A_446 = vector.broadcast %parallel_loop3A_445 : i32 to vector<16xi32>
        %parallel_loop3A_447 = arith.subi %parallel_loop3A_420, %parallel_loop3A_446 : vector<16xi32>
        %parallel_loop3A_448 = arith.select %parallel_loop3A_444, %parallel_loop3A_447, %parallel_loop3A_420 : vector<16xi1>, vector<16xi32>
        %parallel_loop3A_449 = arith.constant 6 : i32
        %parallel_loop3A_450 = vector.broadcast %parallel_loop3A_449 : i32 to vector<16xi32>
        %parallel_loop3A_451 = arith.addi %parallel_loop3A_450, %parallel_loop3A_448 : vector<16xi32>
        %parallel_loop3A_452 = arith.constant 0 : i32
        %parallel_loop3A_453 = vector.broadcast %parallel_loop3A_452 : i32 to vector<16xi32>
        %parallel_loop3A_454 = arith.cmpi slt, %parallel_loop3A_451, %parallel_loop3A_453 : vector<16xi32>
        %parallel_loop3A_455 = arith.constant 16 : i32
        %parallel_loop3A_456 = vector.broadcast %parallel_loop3A_455 : i32 to vector<16xi32>
        %parallel_loop3A_457 = arith.addi %parallel_loop3A_451, %parallel_loop3A_456 : vector<16xi32>
        %parallel_loop3A_458 = arith.select %parallel_loop3A_454, %parallel_loop3A_457, %parallel_loop3A_451 : vector<16xi1>, vector<16xi32>
        %parallel_loop3A_459 = vector.shape_cast %parallel_loop3A_458 : vector<16xi32> to vector<16x1xi32>
        %parallel_loop3A_460 = vector.shape_cast %parallel_loop3A_459 : vector<16x1xi32> to vector<16xi32>
        %parallel_loop3A_461 = tpu.dynamic_gather %parallel_loop3A_239[%parallel_loop3A_460] in [0] : vector<16xf32>, vector<16xi32> -> vector<16xf32>
        %parallel_loop3A_462 = arith.index_cast %parallel_loop3A_222 : i32 to index
        %parallel_loop3A_463 = arith.constant 96 : index
        %parallel_loop3A_464 = tpu.vector_load %arg11[%parallel_loop3A_462, %parallel_loop3A_463] {strides = array<i32>} : memref<112x160xbf16, #tpu.memory_space<vmem>>, vector<32xbf16>,
        %parallel_loop3A_465 = tpu.unpack_subelements %parallel_loop3A_464, 0 {pack_format = #tpu.pack_format<interleaved>} : vector<32xbf16> -> vector<16xf32>
        %parallel_loop3A_466 = tpu.unpack_subelements %parallel_loop3A_464, 1 {pack_format = #tpu.pack_format<interleaved>} : vector<32xbf16> -> vector<16xf32>
        %parallel_loop3A_467 = arith.mulf %parallel_loop3A_465, %parallel_loop3A_461 : vector<16xf32>
        %parallel_loop3A_468 = arith.index_cast %parallel_loop3A_222 : i32 to index
        %parallel_loop3A_469 = arith.constant 96 : index
        %parallel_loop3A_470 = tpu.vector_load %arg15[%parallel_loop3A_468, %parallel_loop3A_469] {strides = array<i32>} : memref<112x144xf32, #tpu.memory_space<vmem>>, vector<16xf32>,
        tpu.vector_store %arg15[%parallel_loop3A_468, %parallel_loop3A_469], %parallel_loop3A_467 {strides = array<i32>} : memref<112x144xf32, #tpu.memory_space<vmem>>, vector<16xf32>,
        %parallel_loop3A_471 = arith.mulf %parallel_loop3A_466, %parallel_loop3A_461 : vector<16xf32>
        %parallel_loop3A_472 = arith.index_cast %parallel_loop3A_222 : i32 to index
        %parallel_loop3A_473 = arith.constant 112 : index
        %parallel_loop3A_474 = tpu.vector_load %arg15[%parallel_loop3A_472, %parallel_loop3A_473] {strides = array<i32>} : memref<112x144xf32, #tpu.memory_space<vmem>>, vector<16xf32>,
        tpu.vector_store %arg15[%parallel_loop3A_472, %parallel_loop3A_473], %parallel_loop3A_471 {strides = array<i32>} : memref<112x144xf32, #tpu.memory_space<vmem>>, vector<16xf32>,
      } {sc.loop_unroll_factor = 2 : i64, sc.parallel_access}
      %dma_start3A_170 = arith.constant 1 : i32
      %dma_start3A_171 = arith.constant 0 : i32
      %dma_start3A_172 = tpu.memref_slice %arg9[%dma_start3A_170, %dma_start3A_171] : memref<2x112xi32, #tpu.memory_space<vmem>> -> memref<1x112xi32, #tpu.memory_space<vmem>>
      %dma_start3A_173 = tpu.memref_squeeze %dma_start3A_172 : memref<1x112xi32, #tpu.memory_space<vmem>> -> memref<112xi32, #tpu.memory_space<vmem>>
      %dma_start3A_174 = arith.constant 0 : i32
      %dma_start3A_175 = arith.constant 0 : i32
      %dma_start3A_176 = tpu.memref_slice %arg6[%dma_start3A_174, %dma_start3A_175] : memref<10112x144xf32, #tpu.memory_space<vmem_shared>> -> memref<10112x144xf32, #tpu.memory_space<vmem_shared>>
      tpu.enqueue_indirect_dma source(%arg15 : memref<112x144xf32, #tpu.memory_space<vmem>>) target(%dma_start3A_176 : memref<10112x144xf32, #tpu.memory_space<vmem_shared>>) offsets(%dma_start3A_173 : memref<112xi32, #tpu.memory_space<vmem>>) semaphore(%arg18 : memref<!tpu.dma_semaphore, #tpu.memory_space<semaphore_mem>>) {add = true}
      %mul3A_177 = arith.constant 4 : i32
      %mul3A_178 = arith.muli %mul3A_177, %scan3A_45 : i32
      %add3A_179 = arith.constant 3 : i32
      %add3A_180 = arith.addi %mul3A_178, %add3A_179 : i32
      %add3A_181 = arith.constant 1 : i32
      %add3A_182 = arith.addi %add3A_180, %add3A_181 : i32
      %lt3A_183 = arith.constant 96 : i32
      %lt3A_184 = arith.cmpi slt, %add3A_182, %lt3A_183 : i32
      %convert_element_type3A_185 = arith.extui %lt3A_184 : i1 to i32
      %cond3A_186 = arith.constant 0 : i32
      %cond3A_187 = arith.cmpi ne, %convert_element_type3A_185, %cond3A_186 : i32
      scf.if %cond3A_187 {
        %ge3A_222 = arith.constant 1 : i32
        %ge3A_223 = arith.cmpi sge, %add3A_180, %ge3A_222 : i32
        %convert_element_type3A_224 = arith.extui %ge3A_223 : i1 to i32
        %cond3A_225 = arith.constant 0 : i32
        %cond3A_226 = arith.cmpi ne, %convert_element_type3A_224, %cond3A_225 : i32
        scf.if %cond3A_226 {
          %dma_wait3A_241 = arith.constant 0 : i32
          %dma_wait3A_242 = arith.constant 0 : i32
          %dma_wait3A_243 = tpu.memref_slice %arg2[%mul3A_4, %dma_wait3A_241, %dma_wait3A_242] : memref<3072x2x112xi32, #tpu.memory_space<hbm>> -> memref<1x2x112xi32, #tpu.memory_space<hbm>>
          %dma_wait3A_244 = tpu.memref_squeeze %dma_wait3A_243 : memref<1x2x112xi32, #tpu.memory_space<hbm>> -> memref<2x112xi32, #tpu.memory_space<hbm>>
          %dma_wait3A_245 = arith.constant 0 : i32
          %dma_wait3A_246 = arith.constant 0 : i32
          %dma_wait3A_247 = tpu.memref_slice %arg2[%mul3A_4, %dma_wait3A_245, %dma_wait3A_246] : memref<3072x2x112xi32, #tpu.memory_space<hbm>> -> memref<1x2x112xi32, #tpu.memory_space<hbm>>
          %dma_wait3A_248 = tpu.memref_squeeze %dma_wait3A_247 : memref<1x2x112xi32, #tpu.memory_space<hbm>> -> memref<2x112xi32, #tpu.memory_space<hbm>>
          tpu.wait_dma2 semaphore(%arg20 : memref<!tpu.dma_semaphore, #tpu.memory_space<semaphore_mem>>) src(%dma_wait3A_248 : memref<2x112xi32, #tpu.memory_space<hbm>>) dst(%arg7 : memref<2x112xi32, #tpu.memory_space<vmem>>)
        } else {
        }
        %dma_start3A_227 = arith.constant 0 : i32
        %dma_start3A_228 = arith.constant 0 : i32
        %dma_start3A_229 = tpu.memref_slice %arg7[%dma_start3A_227, %dma_start3A_228] : memref<2x112xi32, #tpu.memory_space<vmem>> -> memref<1x112xi32, #tpu.memory_space<vmem>>
        %dma_start3A_230 = tpu.memref_squeeze %dma_start3A_229 : memref<1x112xi32, #tpu.memory_space<vmem>> -> memref<112xi32, #tpu.memory_space<vmem>>
        %dma_start3A_231 = arith.constant 0 : i32
        %dma_start3A_232 = arith.constant 0 : i32
        %dma_start3A_233 = tpu.memref_slice %arg3[%dma_start3A_231, %dma_start3A_232] : memref<10112x160xbf16, #tpu.memory_space<hbm>> -> memref<10112x160xbf16, #tpu.memory_space<hbm>>
        tpu.enqueue_indirect_dma source(%dma_start3A_233 : memref<10112x160xbf16, #tpu.memory_space<hbm>>) target(%arg11 : memref<112x160xbf16, #tpu.memory_space<vmem>>) offsets(%dma_start3A_230 : memref<112xi32, #tpu.memory_space<vmem>>) semaphore(%arg16 : memref<!tpu.dma_semaphore, #tpu.memory_space<semaphore_mem>>)
        %dma_start3A_234 = arith.constant 1 : i32
        %dma_start3A_235 = arith.constant 0 : i32
        %dma_start3A_236 = tpu.memref_slice %arg7[%dma_start3A_234, %dma_start3A_235] : memref<2x112xi32, #tpu.memory_space<vmem>> -> memref<1x112xi32, #tpu.memory_space<vmem>>
        %dma_start3A_237 = tpu.memref_squeeze %dma_start3A_236 : memref<1x112xi32, #tpu.memory_space<vmem>> -> memref<112xi32, #tpu.memory_space<vmem>>
        %dma_start3A_238 = arith.constant 0 : i32
        %dma_start3A_239 = arith.constant 0 : i32
        %dma_start3A_240 = tpu.memref_slice %arg4[%dma_start3A_238, %dma_start3A_239] : memref<10112x16xf32, #tpu.memory_space<hbm>> -> memref<10112x16xf32, #tpu.memory_space<hbm>>
        tpu.enqueue_indirect_dma source(%dma_start3A_240 : memref<10112x16xf32, #tpu.memory_space<hbm>>) target(%arg13 : memref<112x16xf32, #tpu.memory_space<vmem>>) offsets(%dma_start3A_237 : memref<112xi32, #tpu.memory_space<vmem>>) semaphore(%arg16 : memref<!tpu.dma_semaphore, #tpu.memory_space<semaphore_mem>>)
      } else {
      }
      %add3A_188 = arith.constant 2 : i32
      %add3A_189 = arith.addi %add3A_180, %add3A_188 : i32
      %lt3A_190 = arith.constant 96 : i32
      %lt3A_191 = arith.cmpi slt, %add3A_189, %lt3A_190 : i32
      %convert_element_type3A_192 = arith.extui %lt3A_191 : i1 to i32
      %cond3A_193 = arith.constant 0 : i32
      %cond3A_194 = arith.cmpi ne, %convert_element_type3A_192, %cond3A_193 : i32
      scf.if %cond3A_194 {
        %add3A_222 = arith.addi %mul3A_4, %add3A_180 : i32
        %add3A_223 = arith.constant 2 : i32
        %add3A_224 = arith.addi %add3A_222, %add3A_223 : i32
        %dma_start3A_225 = arith.constant 0 : i32
        %dma_start3A_226 = arith.constant 0 : i32
        %dma_start3A_227 = tpu.memref_slice %arg2[%add3A_224, %dma_start3A_225, %dma_start3A_226] : memref<3072x2x112xi32, #tpu.memory_space<hbm>> -> memref<1x2x112xi32, #tpu.memory_space<hbm>>
        %dma_start3A_228 = tpu.memref_squeeze %dma_start3A_227 : memref<1x2x112xi32, #tpu.memory_space<hbm>> -> memref<2x112xi32, #tpu.memory_space<hbm>>
        %dma_start3A_229 = arith.constant 0 : i32
        %dma_start3A_230 = arith.constant 0 : i32
        %dma_start3A_231 = tpu.memref_slice %arg2[%add3A_224, %dma_start3A_229, %dma_start3A_230] : memref<3072x2x112xi32, #tpu.memory_space<hbm>> -> memref<1x2x112xi32, #tpu.memory_space<hbm>>
        %dma_start3A_232 = tpu.memref_squeeze %dma_start3A_231 : memref<1x2x112xi32, #tpu.memory_space<hbm>> -> memref<2x112xi32, #tpu.memory_space<hbm>>
        tpu.enqueue_dma source(%dma_start3A_232 : memref<2x112xi32, #tpu.memory_space<hbm>>) target(%arg8 : memref<2x112xi32, #tpu.memory_space<vmem>>) target_semaphore(%arg21 : memref<!tpu.dma_semaphore, #tpu.memory_space<semaphore_mem>>)
      } else {
      }
      %dma_wait3A_195 = arith.constant 0 : i32
      %dma_wait3A_196 = arith.constant 0 : i32
      %dma_wait3A_197 = tpu.memref_slice %arg3[%dma_wait3A_195, %dma_wait3A_196] : memref<10112x160xbf16, #tpu.memory_space<hbm>> -> memref<112x160xbf16, #tpu.memory_space<hbm>>
      %dma_wait3A_198 = arith.constant 0 : i32
      %dma_wait3A_199 = arith.constant 0 : i32
      %dma_wait3A_200 = tpu.memref_slice %arg3[%dma_wait3A_198, %dma_wait3A_199] : memref<10112x160xbf16, #tpu.memory_space<hbm>> -> memref<112x160xbf16, #tpu.memory_space<hbm>>
      tpu.wait_dma2 semaphore(%arg17 : memref<!tpu.dma_semaphore, #tpu.memory_space<semaphore_mem>>) src(%dma_wait3A_200 : memref<112x160xbf16, #tpu.memory_space<hbm>>) dst(%arg12 : memref<112x160xbf16, #tpu.memory_space<vmem>>)
      %dma_wait3A_201 = arith.constant 0 : i32
      %dma_wait3A_202 = arith.constant 0 : i32
      %dma_wait3A_203 = tpu.memref_slice %arg4[%dma_wait3A_201, %dma_wait3A_202] : memref<10112x16xf32, #tpu.memory_space<hbm>> -> memref<112x16xf32, #tpu.memory_space<hbm>>
      %dma_wait3A_204 = arith.constant 0 : i32
      %dma_wait3A_205 = arith.constant 0 : i32
      %dma_wait3A_206 = tpu.memref_slice %arg4[%dma_wait3A_204, %dma_wait3A_205] : memref<10112x16xf32, #tpu.memory_space<hbm>> -> memref<112x16xf32, #tpu.memory_space<hbm>>
      tpu.wait_dma2 semaphore(%arg17 : memref<!tpu.dma_semaphore, #tpu.memory_space<semaphore_mem>>) src(%dma_wait3A_206 : memref<112x16xf32, #tpu.memory_space<hbm>>) dst(%arg14 : memref<112x16xf32, #tpu.memory_space<vmem>>)
      %ge3A_207 = arith.constant 1 : i32
      %ge3A_208 = arith.cmpi sge, %add3A_180, %ge3A_207 : i32
      %convert_element_type3A_209 = arith.extui %ge3A_208 : i1 to i32
      %cond3A_210 = arith.constant 0 : i32
      %cond3A_211 = arith.cmpi ne, %convert_element_type3A_209, %cond3A_210 : i32
      scf.if %cond3A_211 {
        %dma_wait3A_222 = arith.constant 0 : i32
        %dma_wait3A_223 = arith.constant 0 : i32
        %dma_wait3A_224 = tpu.memref_slice %arg6[%dma_wait3A_222, %dma_wait3A_223] : memref<10112x144xf32, #tpu.memory_space<vmem_shared>> -> memref<112x144xf32, #tpu.memory_space<vmem_shared>>
        %dma_wait3A_225 = arith.constant 0 : i32
        %dma_wait3A_226 = arith.constant 0 : i32
        %dma_wait3A_227 = tpu.memref_slice %arg6[%dma_wait3A_225, %dma_wait3A_226] : memref<10112x144xf32, #tpu.memory_space<vmem_shared>> -> memref<112x144xf32, #tpu.memory_space<vmem_shared>>
        tpu.wait_dma2 semaphore(%arg18 : memref<!tpu.dma_semaphore, #tpu.memory_space<semaphore_mem>>) src(%arg15 : memref<112x144xf32, #tpu.memory_space<vmem>>) dst(%dma_wait3A_227 : memref<112x144xf32, #tpu.memory_space<vmem_shared>>)
      } else {
      }
      %parallel_loop3A_212 = arith.constant 0 : i32
      %parallel_loop3A_213 = arith.constant 112 : i32
      %parallel_loop3A_214 = arith.constant 1 : i32
      scf.for %parallel_loop3A_222 = %parallel_loop3A_212 to %parallel_loop3A_213 step %parallel_loop3A_214  : i32 {
        %parallel_loop3A_223 = arith.index_cast %parallel_loop3A_222 : i32 to index
        %parallel_loop3A_224 = arith.constant 0 : index
        %parallel_loop3A_225 = tpu.vector_load %arg14[%parallel_loop3A_223, %parallel_loop3A_224] {strides = array<i32>} : memref<112x16xf32, #tpu.memory_space<vmem>>, vector<16xf32>,
        %parallel_loop3A_226 = arith.index_cast %parallel_loop3A_222 : i32 to index
        %parallel_loop3A_227 = arith.constant 128 : index
        %parallel_loop3A_228 = tpu.vector_load %arg12[%parallel_loop3A_226, %parallel_loop3A_227] {strides = array<i32>} : memref<112x160xbf16, #tpu.memory_space<vmem>>, vector<32xbf16>,
        %parallel_loop3A_229 = tpu.unpack_subelements %parallel_loop3A_228, 0 {pack_format = #tpu.pack_format<interleaved>} : vector<32xbf16> -> vector<16xf32>
        %parallel_loop3A_230 = tpu.unpack_subelements %parallel_loop3A_228, 1 {pack_format = #tpu.pack_format<interleaved>} : vector<32xbf16> -> vector<16xf32>
        %parallel_loop3A_231 = arith.addf %parallel_loop3A_229, %parallel_loop3A_225 : vector<16xf32>
        %parallel_loop3A_232 = arith.constant 0.000000e+00 : f32
        %parallel_loop3A_233 = vector.broadcast %parallel_loop3A_232 : f32 to vector<16xf32>
        %parallel_loop3A_234 = arith.cmpf oge, %parallel_loop3A_231, %parallel_loop3A_233 : vector<16xf32>
        %parallel_loop3A_235 = arith.constant 2.000000e-01 : f32
        %parallel_loop3A_236 = vector.broadcast %parallel_loop3A_235 : f32 to vector<16xf32>
        %parallel_loop3A_237 = arith.mulf %parallel_loop3A_236, %parallel_loop3A_231 : vector<16xf32>
        %parallel_loop3A_238 = arith.select %parallel_loop3A_234, %parallel_loop3A_231, %parallel_loop3A_237 : vector<16xi1>, vector<16xf32>
        %parallel_loop3A_239 = math.exp %parallel_loop3A_238 : vector<16xf32>
        %parallel_loop3A_240 = arith.index_cast %parallel_loop3A_222 : i32 to index
        %parallel_loop3A_241 = arith.constant 128 : index
        %parallel_loop3A_242 = tpu.vector_load %arg15[%parallel_loop3A_240, %parallel_loop3A_241] {strides = array<i32>} : memref<112x144xf32, #tpu.memory_space<vmem>>, vector<16xf32>,
        tpu.vector_store %arg15[%parallel_loop3A_240, %parallel_loop3A_241], %parallel_loop3A_239 {strides = array<i32>} : memref<112x144xf32, #tpu.memory_space<vmem>>, vector<16xf32>,
        %parallel_loop3A_243 = tpu.iota {dimensions = array<i32: 0>} : vector<16xi32>
        %parallel_loop3A_244 = arith.constant 8 : i32
        %parallel_loop3A_245 = vector.broadcast %parallel_loop3A_244 : i32 to vector<16xi32>
        %parallel_loop3A_246 = arith.divsi %parallel_loop3A_243, %parallel_loop3A_245 : vector<16xi32>
        %parallel_loop3A_247 = arith.constant 0 : i32
        %parallel_loop3A_248 = vector.broadcast %parallel_loop3A_247 : i32 to vector<16xi32>
        %parallel_loop3A_249 = arith.cmpi sgt, %parallel_loop3A_243, %parallel_loop3A_248 : vector<16xi32>
        %parallel_loop3A_250 = arith.extui %parallel_loop3A_249 : vector<16xi1> to vector<16xi32>
        %parallel_loop3A_251 = arith.constant 0 : i32
        %parallel_loop3A_252 = vector.broadcast %parallel_loop3A_251 : i32 to vector<16xi32>
        %parallel_loop3A_253 = arith.cmpi slt, %parallel_loop3A_243, %parallel_loop3A_252 : vector<16xi32>
        %parallel_loop3A_254 = arith.extui %parallel_loop3A_253 : vector<16xi1> to vector<16xi32>
        %parallel_loop3A_255 = arith.subi %parallel_loop3A_250, %parallel_loop3A_254 : vector<16xi32>
        %parallel_loop3A_256 = arith.constant 0 : i32
        %parallel_loop3A_257 = arith.cmpi sgt, %parallel_loop3A_244, %parallel_loop3A_256 : i32
        %parallel_loop3A_258 = arith.extui %parallel_loop3A_257 : i1 to i32
        %parallel_loop3A_259 = arith.constant 0 : i32
        %parallel_loop3A_260 = arith.cmpi slt, %parallel_loop3A_244, %parallel_loop3A_259 : i32
        %parallel_loop3A_261 = arith.extui %parallel_loop3A_260 : i1 to i32
        %parallel_loop3A_262 = arith.subi %parallel_loop3A_258, %parallel_loop3A_261 : i32
        %parallel_loop3A_263 = vector.broadcast %parallel_loop3A_262 : i32 to vector<16xi32>
        %parallel_loop3A_264 = arith.cmpi ne, %parallel_loop3A_255, %parallel_loop3A_263 : vector<16xi32>
        %parallel_loop3A_265 = vector.broadcast %parallel_loop3A_244 : i32 to vector<16xi32>
        %parallel_loop3A_266 = arith.remsi %parallel_loop3A_243, %parallel_loop3A_265 : vector<16xi32>
        %parallel_loop3A_267 = arith.constant 0 : i32
        %parallel_loop3A_268 = vector.broadcast %parallel_loop3A_267 : i32 to vector<16xi32>
        %parallel_loop3A_269 = arith.cmpi ne, %parallel_loop3A_266, %parallel_loop3A_268 : vector<16xi32>
        %parallel_loop3A_270 = arith.andi %parallel_loop3A_264, %parallel_loop3A_269 : vector<16xi1>
        %parallel_loop3A_271 = arith.constant 1 : i32
        %parallel_loop3A_272 = vector.broadcast %parallel_loop3A_271 : i32 to vector<16xi32>
        %parallel_loop3A_273 = arith.subi %parallel_loop3A_246, %parallel_loop3A_272 : vector<16xi32>
        %parallel_loop3A_274 = arith.select %parallel_loop3A_270, %parallel_loop3A_273, %parallel_loop3A_246 : vector<16xi1>, vector<16xi32>
        %parallel_loop3A_275 = arith.constant 0 : i32
        %parallel_loop3A_276 = vector.broadcast %parallel_loop3A_275 : i32 to vector<16xi32>
        %parallel_loop3A_277 = arith.addi %parallel_loop3A_276, %parallel_loop3A_274 : vector<16xi32>
        %parallel_loop3A_278 = arith.constant 0 : i32
        %parallel_loop3A_279 = vector.broadcast %parallel_loop3A_278 : i32 to vector<16xi32>
        %parallel_loop3A_280 = arith.cmpi slt, %parallel_loop3A_277, %parallel_loop3A_279 : vector<16xi32>
        %parallel_loop3A_281 = arith.constant 16 : i32
        %parallel_loop3A_282 = vector.broadcast %parallel_loop3A_281 : i32 to vector<16xi32>
        %parallel_loop3A_283 = arith.addi %parallel_loop3A_277, %parallel_loop3A_282 : vector<16xi32>
        %parallel_loop3A_284 = arith.select %parallel_loop3A_280, %parallel_loop3A_283, %parallel_loop3A_277 : vector<16xi1>, vector<16xi32>
        %parallel_loop3A_285 = vector.shape_cast %parallel_loop3A_284 : vector<16xi32> to vector<16x1xi32>
        %parallel_loop3A_286 = vector.shape_cast %parallel_loop3A_285 : vector<16x1xi32> to vector<16xi32>
        %parallel_loop3A_287 = tpu.dynamic_gather %parallel_loop3A_239[%parallel_loop3A_286] in [0] : vector<16xf32>, vector<16xi32> -> vector<16xf32>
        %parallel_loop3A_288 = arith.index_cast %parallel_loop3A_222 : i32 to index
        %parallel_loop3A_289 = arith.constant 0 : index
        %parallel_loop3A_290 = tpu.vector_load %arg12[%parallel_loop3A_288, %parallel_loop3A_289] {strides = array<i32>} : memref<112x160xbf16, #tpu.memory_space<vmem>>, vector<32xbf16>,
        %parallel_loop3A_291 = tpu.unpack_subelements %parallel_loop3A_290, 0 {pack_format = #tpu.pack_format<interleaved>} : vector<32xbf16> -> vector<16xf32>
        %parallel_loop3A_292 = tpu.unpack_subelements %parallel_loop3A_290, 1 {pack_format = #tpu.pack_format<interleaved>} : vector<32xbf16> -> vector<16xf32>
        %parallel_loop3A_293 = arith.mulf %parallel_loop3A_291, %parallel_loop3A_287 : vector<16xf32>
        %parallel_loop3A_294 = arith.index_cast %parallel_loop3A_222 : i32 to index
        %parallel_loop3A_295 = arith.constant 0 : index
        %parallel_loop3A_296 = tpu.vector_load %arg15[%parallel_loop3A_294, %parallel_loop3A_295] {strides = array<i32>} : memref<112x144xf32, #tpu.memory_space<vmem>>, vector<16xf32>,
        tpu.vector_store %arg15[%parallel_loop3A_294, %parallel_loop3A_295], %parallel_loop3A_293 {strides = array<i32>} : memref<112x144xf32, #tpu.memory_space<vmem>>, vector<16xf32>,
        %parallel_loop3A_297 = arith.mulf %parallel_loop3A_292, %parallel_loop3A_287 : vector<16xf32>
        %parallel_loop3A_298 = arith.index_cast %parallel_loop3A_222 : i32 to index
        %parallel_loop3A_299 = arith.constant 16 : index
        %parallel_loop3A_300 = tpu.vector_load %arg15[%parallel_loop3A_298, %parallel_loop3A_299] {strides = array<i32>} : memref<112x144xf32, #tpu.memory_space<vmem>>, vector<16xf32>,
        tpu.vector_store %arg15[%parallel_loop3A_298, %parallel_loop3A_299], %parallel_loop3A_297 {strides = array<i32>} : memref<112x144xf32, #tpu.memory_space<vmem>>, vector<16xf32>,
        %parallel_loop3A_301 = tpu.iota {dimensions = array<i32: 0>} : vector<16xi32>
        %parallel_loop3A_302 = arith.constant 8 : i32
        %parallel_loop3A_303 = vector.broadcast %parallel_loop3A_302 : i32 to vector<16xi32>
        %parallel_loop3A_304 = arith.divsi %parallel_loop3A_301, %parallel_loop3A_303 : vector<16xi32>
        %parallel_loop3A_305 = arith.constant 0 : i32
        %parallel_loop3A_306 = vector.broadcast %parallel_loop3A_305 : i32 to vector<16xi32>
        %parallel_loop3A_307 = arith.cmpi sgt, %parallel_loop3A_301, %parallel_loop3A_306 : vector<16xi32>
        %parallel_loop3A_308 = arith.extui %parallel_loop3A_307 : vector<16xi1> to vector<16xi32>
        %parallel_loop3A_309 = arith.constant 0 : i32
        %parallel_loop3A_310 = vector.broadcast %parallel_loop3A_309 : i32 to vector<16xi32>
        %parallel_loop3A_311 = arith.cmpi slt, %parallel_loop3A_301, %parallel_loop3A_310 : vector<16xi32>
        %parallel_loop3A_312 = arith.extui %parallel_loop3A_311 : vector<16xi1> to vector<16xi32>
        %parallel_loop3A_313 = arith.subi %parallel_loop3A_308, %parallel_loop3A_312 : vector<16xi32>
        %parallel_loop3A_314 = arith.constant 0 : i32
        %parallel_loop3A_315 = arith.cmpi sgt, %parallel_loop3A_302, %parallel_loop3A_314 : i32
        %parallel_loop3A_316 = arith.extui %parallel_loop3A_315 : i1 to i32
        %parallel_loop3A_317 = arith.constant 0 : i32
        %parallel_loop3A_318 = arith.cmpi slt, %parallel_loop3A_302, %parallel_loop3A_317 : i32
        %parallel_loop3A_319 = arith.extui %parallel_loop3A_318 : i1 to i32
        %parallel_loop3A_320 = arith.subi %parallel_loop3A_316, %parallel_loop3A_319 : i32
        %parallel_loop3A_321 = vector.broadcast %parallel_loop3A_320 : i32 to vector<16xi32>
        %parallel_loop3A_322 = arith.cmpi ne, %parallel_loop3A_313, %parallel_loop3A_321 : vector<16xi32>
        %parallel_loop3A_323 = vector.broadcast %parallel_loop3A_302 : i32 to vector<16xi32>
        %parallel_loop3A_324 = arith.remsi %parallel_loop3A_301, %parallel_loop3A_323 : vector<16xi32>
        %parallel_loop3A_325 = arith.constant 0 : i32
        %parallel_loop3A_326 = vector.broadcast %parallel_loop3A_325 : i32 to vector<16xi32>
        %parallel_loop3A_327 = arith.cmpi ne, %parallel_loop3A_324, %parallel_loop3A_326 : vector<16xi32>
        %parallel_loop3A_328 = arith.andi %parallel_loop3A_322, %parallel_loop3A_327 : vector<16xi1>
        %parallel_loop3A_329 = arith.constant 1 : i32
        %parallel_loop3A_330 = vector.broadcast %parallel_loop3A_329 : i32 to vector<16xi32>
        %parallel_loop3A_331 = arith.subi %parallel_loop3A_304, %parallel_loop3A_330 : vector<16xi32>
        %parallel_loop3A_332 = arith.select %parallel_loop3A_328, %parallel_loop3A_331, %parallel_loop3A_304 : vector<16xi1>, vector<16xi32>
        %parallel_loop3A_333 = arith.constant 2 : i32
        %parallel_loop3A_334 = vector.broadcast %parallel_loop3A_333 : i32 to vector<16xi32>
        %parallel_loop3A_335 = arith.addi %parallel_loop3A_334, %parallel_loop3A_332 : vector<16xi32>
        %parallel_loop3A_336 = arith.constant 0 : i32
        %parallel_loop3A_337 = vector.broadcast %parallel_loop3A_336 : i32 to vector<16xi32>
        %parallel_loop3A_338 = arith.cmpi slt, %parallel_loop3A_335, %parallel_loop3A_337 : vector<16xi32>
        %parallel_loop3A_339 = arith.constant 16 : i32
        %parallel_loop3A_340 = vector.broadcast %parallel_loop3A_339 : i32 to vector<16xi32>
        %parallel_loop3A_341 = arith.addi %parallel_loop3A_335, %parallel_loop3A_340 : vector<16xi32>
        %parallel_loop3A_342 = arith.select %parallel_loop3A_338, %parallel_loop3A_341, %parallel_loop3A_335 : vector<16xi1>, vector<16xi32>
        %parallel_loop3A_343 = vector.shape_cast %parallel_loop3A_342 : vector<16xi32> to vector<16x1xi32>
        %parallel_loop3A_344 = vector.shape_cast %parallel_loop3A_343 : vector<16x1xi32> to vector<16xi32>
        %parallel_loop3A_345 = tpu.dynamic_gather %parallel_loop3A_239[%parallel_loop3A_344] in [0] : vector<16xf32>, vector<16xi32> -> vector<16xf32>
        %parallel_loop3A_346 = arith.index_cast %parallel_loop3A_222 : i32 to index
        %parallel_loop3A_347 = arith.constant 32 : index
        %parallel_loop3A_348 = tpu.vector_load %arg12[%parallel_loop3A_346, %parallel_loop3A_347] {strides = array<i32>} : memref<112x160xbf16, #tpu.memory_space<vmem>>, vector<32xbf16>,
        %parallel_loop3A_349 = tpu.unpack_subelements %parallel_loop3A_348, 0 {pack_format = #tpu.pack_format<interleaved>} : vector<32xbf16> -> vector<16xf32>
        %parallel_loop3A_350 = tpu.unpack_subelements %parallel_loop3A_348, 1 {pack_format = #tpu.pack_format<interleaved>} : vector<32xbf16> -> vector<16xf32>
        %parallel_loop3A_351 = arith.mulf %parallel_loop3A_349, %parallel_loop3A_345 : vector<16xf32>
        %parallel_loop3A_352 = arith.index_cast %parallel_loop3A_222 : i32 to index
        %parallel_loop3A_353 = arith.constant 32 : index
        %parallel_loop3A_354 = tpu.vector_load %arg15[%parallel_loop3A_352, %parallel_loop3A_353] {strides = array<i32>} : memref<112x144xf32, #tpu.memory_space<vmem>>, vector<16xf32>,
        tpu.vector_store %arg15[%parallel_loop3A_352, %parallel_loop3A_353], %parallel_loop3A_351 {strides = array<i32>} : memref<112x144xf32, #tpu.memory_space<vmem>>, vector<16xf32>,
        %parallel_loop3A_355 = arith.mulf %parallel_loop3A_350, %parallel_loop3A_345 : vector<16xf32>
        %parallel_loop3A_356 = arith.index_cast %parallel_loop3A_222 : i32 to index
        %parallel_loop3A_357 = arith.constant 48 : index
        %parallel_loop3A_358 = tpu.vector_load %arg15[%parallel_loop3A_356, %parallel_loop3A_357] {strides = array<i32>} : memref<112x144xf32, #tpu.memory_space<vmem>>, vector<16xf32>,
        tpu.vector_store %arg15[%parallel_loop3A_356, %parallel_loop3A_357], %parallel_loop3A_355 {strides = array<i32>} : memref<112x144xf32, #tpu.memory_space<vmem>>, vector<16xf32>,
        %parallel_loop3A_359 = tpu.iota {dimensions = array<i32: 0>} : vector<16xi32>
        %parallel_loop3A_360 = arith.constant 8 : i32
        %parallel_loop3A_361 = vector.broadcast %parallel_loop3A_360 : i32 to vector<16xi32>
        %parallel_loop3A_362 = arith.divsi %parallel_loop3A_359, %parallel_loop3A_361 : vector<16xi32>
        %parallel_loop3A_363 = arith.constant 0 : i32
        %parallel_loop3A_364 = vector.broadcast %parallel_loop3A_363 : i32 to vector<16xi32>
        %parallel_loop3A_365 = arith.cmpi sgt, %parallel_loop3A_359, %parallel_loop3A_364 : vector<16xi32>
        %parallel_loop3A_366 = arith.extui %parallel_loop3A_365 : vector<16xi1> to vector<16xi32>
        %parallel_loop3A_367 = arith.constant 0 : i32
        %parallel_loop3A_368 = vector.broadcast %parallel_loop3A_367 : i32 to vector<16xi32>
        %parallel_loop3A_369 = arith.cmpi slt, %parallel_loop3A_359, %parallel_loop3A_368 : vector<16xi32>
        %parallel_loop3A_370 = arith.extui %parallel_loop3A_369 : vector<16xi1> to vector<16xi32>
        %parallel_loop3A_371 = arith.subi %parallel_loop3A_366, %parallel_loop3A_370 : vector<16xi32>
        %parallel_loop3A_372 = arith.constant 0 : i32
        %parallel_loop3A_373 = arith.cmpi sgt, %parallel_loop3A_360, %parallel_loop3A_372 : i32
        %parallel_loop3A_374 = arith.extui %parallel_loop3A_373 : i1 to i32
        %parallel_loop3A_375 = arith.constant 0 : i32
        %parallel_loop3A_376 = arith.cmpi slt, %parallel_loop3A_360, %parallel_loop3A_375 : i32
        %parallel_loop3A_377 = arith.extui %parallel_loop3A_376 : i1 to i32
        %parallel_loop3A_378 = arith.subi %parallel_loop3A_374, %parallel_loop3A_377 : i32
        %parallel_loop3A_379 = vector.broadcast %parallel_loop3A_378 : i32 to vector<16xi32>
        %parallel_loop3A_380 = arith.cmpi ne, %parallel_loop3A_371, %parallel_loop3A_379 : vector<16xi32>
        %parallel_loop3A_381 = vector.broadcast %parallel_loop3A_360 : i32 to vector<16xi32>
        %parallel_loop3A_382 = arith.remsi %parallel_loop3A_359, %parallel_loop3A_381 : vector<16xi32>
        %parallel_loop3A_383 = arith.constant 0 : i32
        %parallel_loop3A_384 = vector.broadcast %parallel_loop3A_383 : i32 to vector<16xi32>
        %parallel_loop3A_385 = arith.cmpi ne, %parallel_loop3A_382, %parallel_loop3A_384 : vector<16xi32>
        %parallel_loop3A_386 = arith.andi %parallel_loop3A_380, %parallel_loop3A_385 : vector<16xi1>
        %parallel_loop3A_387 = arith.constant 1 : i32
        %parallel_loop3A_388 = vector.broadcast %parallel_loop3A_387 : i32 to vector<16xi32>
        %parallel_loop3A_389 = arith.subi %parallel_loop3A_362, %parallel_loop3A_388 : vector<16xi32>
        %parallel_loop3A_390 = arith.select %parallel_loop3A_386, %parallel_loop3A_389, %parallel_loop3A_362 : vector<16xi1>, vector<16xi32>
        %parallel_loop3A_391 = arith.constant 4 : i32
        %parallel_loop3A_392 = vector.broadcast %parallel_loop3A_391 : i32 to vector<16xi32>
        %parallel_loop3A_393 = arith.addi %parallel_loop3A_392, %parallel_loop3A_390 : vector<16xi32>
        %parallel_loop3A_394 = arith.constant 0 : i32
        %parallel_loop3A_395 = vector.broadcast %parallel_loop3A_394 : i32 to vector<16xi32>
        %parallel_loop3A_396 = arith.cmpi slt, %parallel_loop3A_393, %parallel_loop3A_395 : vector<16xi32>
        %parallel_loop3A_397 = arith.constant 16 : i32
        %parallel_loop3A_398 = vector.broadcast %parallel_loop3A_397 : i32 to vector<16xi32>
        %parallel_loop3A_399 = arith.addi %parallel_loop3A_393, %parallel_loop3A_398 : vector<16xi32>
        %parallel_loop3A_400 = arith.select %parallel_loop3A_396, %parallel_loop3A_399, %parallel_loop3A_393 : vector<16xi1>, vector<16xi32>
        %parallel_loop3A_401 = vector.shape_cast %parallel_loop3A_400 : vector<16xi32> to vector<16x1xi32>
        %parallel_loop3A_402 = vector.shape_cast %parallel_loop3A_401 : vector<16x1xi32> to vector<16xi32>
        %parallel_loop3A_403 = tpu.dynamic_gather %parallel_loop3A_239[%parallel_loop3A_402] in [0] : vector<16xf32>, vector<16xi32> -> vector<16xf32>
        %parallel_loop3A_404 = arith.index_cast %parallel_loop3A_222 : i32 to index
        %parallel_loop3A_405 = arith.constant 64 : index
        %parallel_loop3A_406 = tpu.vector_load %arg12[%parallel_loop3A_404, %parallel_loop3A_405] {strides = array<i32>} : memref<112x160xbf16, #tpu.memory_space<vmem>>, vector<32xbf16>,
        %parallel_loop3A_407 = tpu.unpack_subelements %parallel_loop3A_406, 0 {pack_format = #tpu.pack_format<interleaved>} : vector<32xbf16> -> vector<16xf32>
        %parallel_loop3A_408 = tpu.unpack_subelements %parallel_loop3A_406, 1 {pack_format = #tpu.pack_format<interleaved>} : vector<32xbf16> -> vector<16xf32>
        %parallel_loop3A_409 = arith.mulf %parallel_loop3A_407, %parallel_loop3A_403 : vector<16xf32>
        %parallel_loop3A_410 = arith.index_cast %parallel_loop3A_222 : i32 to index
        %parallel_loop3A_411 = arith.constant 64 : index
        %parallel_loop3A_412 = tpu.vector_load %arg15[%parallel_loop3A_410, %parallel_loop3A_411] {strides = array<i32>} : memref<112x144xf32, #tpu.memory_space<vmem>>, vector<16xf32>,
        tpu.vector_store %arg15[%parallel_loop3A_410, %parallel_loop3A_411], %parallel_loop3A_409 {strides = array<i32>} : memref<112x144xf32, #tpu.memory_space<vmem>>, vector<16xf32>,
        %parallel_loop3A_413 = arith.mulf %parallel_loop3A_408, %parallel_loop3A_403 : vector<16xf32>
        %parallel_loop3A_414 = arith.index_cast %parallel_loop3A_222 : i32 to index
        %parallel_loop3A_415 = arith.constant 80 : index
        %parallel_loop3A_416 = tpu.vector_load %arg15[%parallel_loop3A_414, %parallel_loop3A_415] {strides = array<i32>} : memref<112x144xf32, #tpu.memory_space<vmem>>, vector<16xf32>,
        tpu.vector_store %arg15[%parallel_loop3A_414, %parallel_loop3A_415], %parallel_loop3A_413 {strides = array<i32>} : memref<112x144xf32, #tpu.memory_space<vmem>>, vector<16xf32>,
        %parallel_loop3A_417 = tpu.iota {dimensions = array<i32: 0>} : vector<16xi32>
        %parallel_loop3A_418 = arith.constant 8 : i32
        %parallel_loop3A_419 = vector.broadcast %parallel_loop3A_418 : i32 to vector<16xi32>
        %parallel_loop3A_420 = arith.divsi %parallel_loop3A_417, %parallel_loop3A_419 : vector<16xi32>
        %parallel_loop3A_421 = arith.constant 0 : i32
        %parallel_loop3A_422 = vector.broadcast %parallel_loop3A_421 : i32 to vector<16xi32>
        %parallel_loop3A_423 = arith.cmpi sgt, %parallel_loop3A_417, %parallel_loop3A_422 : vector<16xi32>
        %parallel_loop3A_424 = arith.extui %parallel_loop3A_423 : vector<16xi1> to vector<16xi32>
        %parallel_loop3A_425 = arith.constant 0 : i32
        %parallel_loop3A_426 = vector.broadcast %parallel_loop3A_425 : i32 to vector<16xi32>
        %parallel_loop3A_427 = arith.cmpi slt, %parallel_loop3A_417, %parallel_loop3A_426 : vector<16xi32>
        %parallel_loop3A_428 = arith.extui %parallel_loop3A_427 : vector<16xi1> to vector<16xi32>
        %parallel_loop3A_429 = arith.subi %parallel_loop3A_424, %parallel_loop3A_428 : vector<16xi32>
        %parallel_loop3A_430 = arith.constant 0 : i32
        %parallel_loop3A_431 = arith.cmpi sgt, %parallel_loop3A_418, %parallel_loop3A_430 : i32
        %parallel_loop3A_432 = arith.extui %parallel_loop3A_431 : i1 to i32
        %parallel_loop3A_433 = arith.constant 0 : i32
        %parallel_loop3A_434 = arith.cmpi slt, %parallel_loop3A_418, %parallel_loop3A_433 : i32
        %parallel_loop3A_435 = arith.extui %parallel_loop3A_434 : i1 to i32
        %parallel_loop3A_436 = arith.subi %parallel_loop3A_432, %parallel_loop3A_435 : i32
        %parallel_loop3A_437 = vector.broadcast %parallel_loop3A_436 : i32 to vector<16xi32>
        %parallel_loop3A_438 = arith.cmpi ne, %parallel_loop3A_429, %parallel_loop3A_437 : vector<16xi32>
        %parallel_loop3A_439 = vector.broadcast %parallel_loop3A_418 : i32 to vector<16xi32>
        %parallel_loop3A_440 = arith.remsi %parallel_loop3A_417, %parallel_loop3A_439 : vector<16xi32>
        %parallel_loop3A_441 = arith.constant 0 : i32
        %parallel_loop3A_442 = vector.broadcast %parallel_loop3A_441 : i32 to vector<16xi32>
        %parallel_loop3A_443 = arith.cmpi ne, %parallel_loop3A_440, %parallel_loop3A_442 : vector<16xi32>
        %parallel_loop3A_444 = arith.andi %parallel_loop3A_438, %parallel_loop3A_443 : vector<16xi1>
        %parallel_loop3A_445 = arith.constant 1 : i32
        %parallel_loop3A_446 = vector.broadcast %parallel_loop3A_445 : i32 to vector<16xi32>
        %parallel_loop3A_447 = arith.subi %parallel_loop3A_420, %parallel_loop3A_446 : vector<16xi32>
        %parallel_loop3A_448 = arith.select %parallel_loop3A_444, %parallel_loop3A_447, %parallel_loop3A_420 : vector<16xi1>, vector<16xi32>
        %parallel_loop3A_449 = arith.constant 6 : i32
        %parallel_loop3A_450 = vector.broadcast %parallel_loop3A_449 : i32 to vector<16xi32>
        %parallel_loop3A_451 = arith.addi %parallel_loop3A_450, %parallel_loop3A_448 : vector<16xi32>
        %parallel_loop3A_452 = arith.constant 0 : i32
        %parallel_loop3A_453 = vector.broadcast %parallel_loop3A_452 : i32 to vector<16xi32>
        %parallel_loop3A_454 = arith.cmpi slt, %parallel_loop3A_451, %parallel_loop3A_453 : vector<16xi32>
        %parallel_loop3A_455 = arith.constant 16 : i32
        %parallel_loop3A_456 = vector.broadcast %parallel_loop3A_455 : i32 to vector<16xi32>
        %parallel_loop3A_457 = arith.addi %parallel_loop3A_451, %parallel_loop3A_456 : vector<16xi32>
        %parallel_loop3A_458 = arith.select %parallel_loop3A_454, %parallel_loop3A_457, %parallel_loop3A_451 : vector<16xi1>, vector<16xi32>
        %parallel_loop3A_459 = vector.shape_cast %parallel_loop3A_458 : vector<16xi32> to vector<16x1xi32>
        %parallel_loop3A_460 = vector.shape_cast %parallel_loop3A_459 : vector<16x1xi32> to vector<16xi32>
        %parallel_loop3A_461 = tpu.dynamic_gather %parallel_loop3A_239[%parallel_loop3A_460] in [0] : vector<16xf32>, vector<16xi32> -> vector<16xf32>
        %parallel_loop3A_462 = arith.index_cast %parallel_loop3A_222 : i32 to index
        %parallel_loop3A_463 = arith.constant 96 : index
        %parallel_loop3A_464 = tpu.vector_load %arg12[%parallel_loop3A_462, %parallel_loop3A_463] {strides = array<i32>} : memref<112x160xbf16, #tpu.memory_space<vmem>>, vector<32xbf16>,
        %parallel_loop3A_465 = tpu.unpack_subelements %parallel_loop3A_464, 0 {pack_format = #tpu.pack_format<interleaved>} : vector<32xbf16> -> vector<16xf32>
        %parallel_loop3A_466 = tpu.unpack_subelements %parallel_loop3A_464, 1 {pack_format = #tpu.pack_format<interleaved>} : vector<32xbf16> -> vector<16xf32>
        %parallel_loop3A_467 = arith.mulf %parallel_loop3A_465, %parallel_loop3A_461 : vector<16xf32>
        %parallel_loop3A_468 = arith.index_cast %parallel_loop3A_222 : i32 to index
        %parallel_loop3A_469 = arith.constant 96 : index
        %parallel_loop3A_470 = tpu.vector_load %arg15[%parallel_loop3A_468, %parallel_loop3A_469] {strides = array<i32>} : memref<112x144xf32, #tpu.memory_space<vmem>>, vector<16xf32>,
        tpu.vector_store %arg15[%parallel_loop3A_468, %parallel_loop3A_469], %parallel_loop3A_467 {strides = array<i32>} : memref<112x144xf32, #tpu.memory_space<vmem>>, vector<16xf32>,
        %parallel_loop3A_471 = arith.mulf %parallel_loop3A_466, %parallel_loop3A_461 : vector<16xf32>
        %parallel_loop3A_472 = arith.index_cast %parallel_loop3A_222 : i32 to index
        %parallel_loop3A_473 = arith.constant 112 : index
        %parallel_loop3A_474 = tpu.vector_load %arg15[%parallel_loop3A_472, %parallel_loop3A_473] {strides = array<i32>} : memref<112x144xf32, #tpu.memory_space<vmem>>, vector<16xf32>,
        tpu.vector_store %arg15[%parallel_loop3A_472, %parallel_loop3A_473], %parallel_loop3A_471 {strides = array<i32>} : memref<112x144xf32, #tpu.memory_space<vmem>>, vector<16xf32>,
      } {sc.loop_unroll_factor = 2 : i64, sc.parallel_access}
      %dma_start3A_215 = arith.constant 1 : i32
      %dma_start3A_216 = arith.constant 0 : i32
      %dma_start3A_217 = tpu.memref_slice %arg10[%dma_start3A_215, %dma_start3A_216] : memref<2x112xi32, #tpu.memory_space<vmem>> -> memref<1x112xi32, #tpu.memory_space<vmem>>
      %dma_start3A_218 = tpu.memref_squeeze %dma_start3A_217 : memref<1x112xi32, #tpu.memory_space<vmem>> -> memref<112xi32, #tpu.memory_space<vmem>>
      %dma_start3A_219 = arith.constant 0 : i32
      %dma_start3A_220 = arith.constant 0 : i32
      %dma_start3A_221 = tpu.memref_slice %arg6[%dma_start3A_219, %dma_start3A_220] : memref<10112x144xf32, #tpu.memory_space<vmem_shared>> -> memref<10112x144xf32, #tpu.memory_space<vmem_shared>>
      tpu.enqueue_indirect_dma source(%arg15 : memref<112x144xf32, #tpu.memory_space<vmem>>) target(%dma_start3A_221 : memref<10112x144xf32, #tpu.memory_space<vmem_shared>>) offsets(%dma_start3A_218 : memref<112xi32, #tpu.memory_space<vmem>>) semaphore(%arg19 : memref<!tpu.dma_semaphore, #tpu.memory_space<semaphore_mem>>) {add = true}
    }
    %scan3A_38 = arith.constant 24 : i32
    %dma_wait3A = arith.constant 0 : i32
    %dma_wait3A_39 = arith.constant 0 : i32
    %dma_wait3A_40 = tpu.memref_slice %arg6[%dma_wait3A, %dma_wait3A_39] : memref<10112x144xf32, #tpu.memory_space<vmem_shared>> -> memref<112x144xf32, #tpu.memory_space<vmem_shared>>
    %dma_wait3A_41 = arith.constant 0 : i32
    %dma_wait3A_42 = arith.constant 0 : i32
    %dma_wait3A_43 = tpu.memref_slice %arg6[%dma_wait3A_41, %dma_wait3A_42] : memref<10112x144xf32, #tpu.memory_space<vmem_shared>> -> memref<112x144xf32, #tpu.memory_space<vmem_shared>>
    tpu.wait_dma2 semaphore(%arg19 : memref<!tpu.dma_semaphore, #tpu.memory_space<semaphore_mem>>) src(%arg15 : memref<112x144xf32, #tpu.memory_space<vmem>>) dst(%dma_wait3A_43 : memref<112x144xf32, #tpu.memory_space<vmem_shared>>)
    %barrier3A_44 = arith.constant 0 : index
    tpu.barrier barrier_id(%barrier3A_44)
    "tpu.region"() ({
      %run_scoped3A = tpu.sem_alloc : memref<!tpu.dma_semaphore, #tpu.memory_space<semaphore_mem>>
      %dma_start3A_45 = arith.constant 0 : i32
      %dma_start3A_46 = tpu.memref_slice %arg5[%arg0, %mul3A_2, %dma_start3A_45] : memref<2x10112x144xf32, #tpu.memory_space<hbm>> -> memref<1x632x144xf32, #tpu.memory_space<hbm>>
      %dma_start3A_47 = tpu.memref_squeeze %dma_start3A_46 : memref<1x632x144xf32, #tpu.memory_space<hbm>> -> memref<632x144xf32, #tpu.memory_space<hbm>>
      %dma_start3A_48 = arith.constant 0 : i32
      %dma_start3A_49 = tpu.memref_slice %arg6[%mul3A_2, %dma_start3A_48] : memref<10112x144xf32, #tpu.memory_space<vmem_shared>> -> memref<632x144xf32, #tpu.memory_space<vmem_shared>>
      tpu.enqueue_dma source(%dma_start3A_49 : memref<632x144xf32, #tpu.memory_space<vmem_shared>>) target(%dma_start3A_47 : memref<632x144xf32, #tpu.memory_space<hbm>>) target_semaphore(%run_scoped3A : memref<!tpu.dma_semaphore, #tpu.memory_space<semaphore_mem>>)
      %dma_wait3A_50 = arith.constant 0 : i32
      %dma_wait3A_51 = tpu.memref_slice %arg5[%arg0, %mul3A_2, %dma_wait3A_50] : memref<2x10112x144xf32, #tpu.memory_space<hbm>> -> memref<1x632x144xf32, #tpu.memory_space<hbm>>
      %dma_wait3A_52 = tpu.memref_squeeze %dma_wait3A_51 : memref<1x632x144xf32, #tpu.memory_space<hbm>> -> memref<632x144xf32, #tpu.memory_space<hbm>>
      %dma_wait3A_53 = arith.constant 0 : i32
      %dma_wait3A_54 = tpu.memref_slice %arg6[%mul3A_2, %dma_wait3A_53] : memref<10112x144xf32, #tpu.memory_space<vmem_shared>> -> memref<632x144xf32, #tpu.memory_space<vmem_shared>>
      tpu.wait_dma2 semaphore(%run_scoped3A : memref<!tpu.dma_semaphore, #tpu.memory_space<semaphore_mem>>) src(%dma_wait3A_54 : memref<632x144xf32, #tpu.memory_space<vmem_shared>>) dst(%dma_wait3A_52 : memref<632x144xf32, #tpu.memory_space<hbm>>)
      tpu.yield
    }) : () -> ()
    return
  }
}

module attributes {stable_mosaic.version = 14 : i64} {
  func.func @_stage_a(%arg0: memref<10112x128xf32, #tpu.memory_space<vmem>>, %arg1: memref<128x160xf32, #tpu.memory_space<vmem>>, %arg2: memref<128x16xf32, #tpu.memory_space<vmem>>, %arg3: memref<10112x160xbf16, #tpu.memory_space<vmem>>, %arg4: memref<10112x16xf32, #tpu.memory_space<vmem>>) attributes {dimension_semantics = [], scalar_prefetch = 0 : i64, scratch_operands = 0 : i64, tpu.core_type = #tpu.core_type<tc>} {
    %get3A = arith.constant 0 : index
    %get3A_0 = arith.constant 0 : index
    %get3A_1 = vector.load %arg0[%get3A, %get3A_0] : memref<10112x128xf32, #tpu.memory_space<vmem>>, vector<10112x128xf32>
    %get3A_2 = arith.constant 0 : index
    %get3A_3 = arith.constant 0 : index
    %get3A_4 = vector.load %arg1[%get3A_2, %get3A_3] : memref<128x160xf32, #tpu.memory_space<vmem>>, vector<128x160xf32>
    %dot_general3A = arith.constant dense<0.000000e+00> : vector<10112x160xf32>
    %dot_general3A_5 = tpu.matmul %get3A_1, %get3A_4, %dot_general3A {dimension_numbers = #tpu.dot_dimension_numbers<[1], [0], [0], [1], [0, 0, 1, 1], [], []>, transpose_lhs_hint = false} : vector<10112x128xf32>, vector<128x160xf32>, vector<10112x160xf32> -> vector<10112x160xf32>
    %convert_element_type3A = arith.truncf %dot_general3A_5 : vector<10112x160xf32> to vector<10112x160xbf16>
    %swap3A = arith.constant 0 : index
    %swap3A_6 = arith.constant 0 : index
    %swap3A_7 = vector.load %arg3[%swap3A, %swap3A_6] : memref<10112x160xbf16, #tpu.memory_space<vmem>>, vector<10112x160xbf16>
    tpu.vector_store %arg3[%swap3A, %swap3A_6], %convert_element_type3A {strides = array<i32>} : memref<10112x160xbf16, #tpu.memory_space<vmem>>, vector<10112x160xbf16>,
    %get3A_8 = arith.constant 0 : index
    %get3A_9 = arith.constant 0 : index
    %get3A_10 = vector.load %arg2[%get3A_8, %get3A_9] : memref<128x16xf32, #tpu.memory_space<vmem>>, vector<128x16xf32>
    %dot_general3A_11 = arith.constant dense<0.000000e+00> : vector<10112x16xf32>
    %dot_general3A_12 = tpu.matmul %get3A_1, %get3A_10, %dot_general3A_11 {dimension_numbers = #tpu.dot_dimension_numbers<[1], [0], [0], [1], [0, 0, 1, 1], [], []>, transpose_lhs_hint = false} : vector<10112x128xf32>, vector<128x16xf32>, vector<10112x16xf32> -> vector<10112x16xf32>
    %swap3A_13 = arith.constant 0 : index
    %swap3A_14 = arith.constant 0 : index
    %swap3A_15 = vector.load %arg4[%swap3A_13, %swap3A_14] : memref<10112x16xf32, #tpu.memory_space<vmem>>, vector<10112x16xf32>
    tpu.vector_store %arg4[%swap3A_13, %swap3A_14], %dot_general3A_12 {strides = array<i32>} : memref<10112x16xf32, #tpu.memory_space<vmem>>, vector<10112x16xf32>,
    return
  }
}

module attributes {stable_mosaic.version = 14 : i64} {
  func.func @_stage_c(%arg0: memref<2x10112x144xf32, #tpu.memory_space<vmem>>, %arg1: memref<1x128xf32, #tpu.memory_space<vmem>>, %arg2: memref<16x128xf32, #tpu.memory_space<vmem>>, %arg3: memref<128x32xf32, #tpu.memory_space<vmem>>, %arg4: memref<128x16xf32, #tpu.memory_space<vmem>>, %arg5: memref<10112x32xbf16, #tpu.memory_space<vmem>>, %arg6: memref<10112x16xf32, #tpu.memory_space<vmem>>) attributes {dimension_semantics = [], scalar_prefetch = 0 : i64, scratch_operands = 0 : i64, tpu.core_type = #tpu.core_type<tc>} {
    %get3A = arith.constant 0 : index
    %get3A_0 = arith.constant 0 : index
    %get3A_1 = arith.constant 0 : index
    %get3A_2 = vector.load %arg0[%get3A, %get3A_0, %get3A_1] : memref<2x10112x144xf32, #tpu.memory_space<vmem>>, vector<1x10112x144xf32>
    %get3A_3 = vector.shape_cast %get3A_2 : vector<1x10112x144xf32> to vector<10112x144xf32>
    %get3A_4 = arith.constant 1 : index
    %get3A_5 = arith.constant 0 : index
    %get3A_6 = arith.constant 0 : index
    %get3A_7 = vector.load %arg0[%get3A_4, %get3A_5, %get3A_6] : memref<2x10112x144xf32, #tpu.memory_space<vmem>>, vector<1x10112x144xf32>
    %get3A_8 = vector.shape_cast %get3A_7 : vector<1x10112x144xf32> to vector<10112x144xf32>
    %slice3A = vector.extract_strided_slice %get3A_3 {offsets = [0, 0], sizes = [10112, 128], strides = [1, 1]} : vector<10112x144xf32> to vector<10112x128xf32>
    %slice3A_9 = vector.extract_strided_slice %get3A_8 {offsets = [0, 0], sizes = [10112, 128], strides = [1, 1]} : vector<10112x144xf32> to vector<10112x128xf32>
    %add3A = arith.addf %slice3A, %slice3A_9 : vector<10112x128xf32>
    %slice3A_10 = vector.extract_strided_slice %get3A_3 {offsets = [0, 128], sizes = [10112, 16], strides = [1, 1]} : vector<10112x144xf32> to vector<10112x16xf32>
    %slice3A_11 = vector.extract_strided_slice %get3A_8 {offsets = [0, 128], sizes = [10112, 16], strides = [1, 1]} : vector<10112x144xf32> to vector<10112x16xf32>
    %add3A_12 = arith.addf %slice3A_10, %slice3A_11 : vector<10112x16xf32>
    %get3A_13 = arith.constant 0 : index
    %get3A_14 = arith.constant 0 : index
    %get3A_15 = vector.load %arg2[%get3A_13, %get3A_14] : memref<16x128xf32, #tpu.memory_space<vmem>>, vector<16x128xf32>
    %dot_general3A = arith.constant dense<0.000000e+00> : vector<10112x128xf32>
    %dot_general3A_16 = tpu.matmul %add3A_12, %get3A_15, %dot_general3A {dimension_numbers = #tpu.dot_dimension_numbers<[1], [0], [0], [1], [0, 0, 1, 1], [], []>, transpose_lhs_hint = false} : vector<10112x16xf32>, vector<16x128xf32>, vector<10112x128xf32> -> vector<10112x128xf32>
    %div3A = arith.divf %add3A, %dot_general3A_16 : vector<10112x128xf32>
    %get3A_17 = arith.constant 0 : index
    %get3A_18 = arith.constant 0 : index
    %get3A_19 = vector.load %arg1[%get3A_17, %get3A_18] : memref<1x128xf32, #tpu.memory_space<vmem>>, vector<1x128xf32>
    %add3A_20 = vector.broadcast %get3A_19 : vector<1x128xf32> to vector<10112x128xf32>
    %add3A_21 = arith.addf %div3A, %add3A_20 : vector<10112x128xf32>
    %gt3A = arith.constant 0.000000e+00 : f32
    %gt3A_22 = vector.broadcast %gt3A : f32 to vector<10112x128xf32>
    %gt3A_23 = arith.cmpf ogt, %add3A_21, %gt3A_22 : vector<10112x128xf32>
    %exp3A = math.exp %add3A_21 : vector<10112x128xf32>
    %sub3A = arith.constant 1.000000e+00 : f32
    %sub3A_24 = vector.broadcast %sub3A : f32 to vector<10112x128xf32>
    %sub3A_25 = arith.subf %exp3A, %sub3A_24 : vector<10112x128xf32>
    %select_n3A = arith.select %gt3A_23, %add3A_21, %sub3A_25 : vector<10112x128xi1>, vector<10112x128xf32>
    %get3A_26 = arith.constant 0 : index
    %get3A_27 = arith.constant 0 : index
    %get3A_28 = vector.load %arg3[%get3A_26, %get3A_27] : memref<128x32xf32, #tpu.memory_space<vmem>>, vector<128x32xf32>
    %dot_general3A_29 = arith.constant dense<0.000000e+00> : vector<10112x32xf32>
    %dot_general3A_30 = tpu.matmul %select_n3A, %get3A_28, %dot_general3A_29 {dimension_numbers = #tpu.dot_dimension_numbers<[1], [0], [0], [1], [0, 0, 1, 1], [], []>, transpose_lhs_hint = false} : vector<10112x128xf32>, vector<128x32xf32>, vector<10112x32xf32> -> vector<10112x32xf32>
    %convert_element_type3A = arith.truncf %dot_general3A_30 : vector<10112x32xf32> to vector<10112x32xbf16>
    %swap3A = arith.constant 0 : index
    %swap3A_31 = arith.constant 0 : index
    %swap3A_32 = vector.load %arg5[%swap3A, %swap3A_31] : memref<10112x32xbf16, #tpu.memory_space<vmem>>, vector<10112x32xbf16>
    tpu.vector_store %arg5[%swap3A, %swap3A_31], %convert_element_type3A {strides = array<i32>} : memref<10112x32xbf16, #tpu.memory_space<vmem>>, vector<10112x32xbf16>,
    %get3A_33 = arith.constant 0 : index
    %get3A_34 = arith.constant 0 : index
    %get3A_35 = vector.load %arg4[%get3A_33, %get3A_34] : memref<128x16xf32, #tpu.memory_space<vmem>>, vector<128x16xf32>
    %dot_general3A_36 = arith.constant dense<0.000000e+00> : vector<10112x16xf32>
    %dot_general3A_37 = tpu.matmul %select_n3A, %get3A_35, %dot_general3A_36 {dimension_numbers = #tpu.dot_dimension_numbers<[1], [0], [0], [1], [0, 0, 1, 1], [], []>, transpose_lhs_hint = false} : vector<10112x128xf32>, vector<128x16xf32>, vector<10112x16xf32> -> vector<10112x16xf32>
    %swap3A_38 = arith.constant 0 : index
    %swap3A_39 = arith.constant 0 : index
    %swap3A_40 = vector.load %arg6[%swap3A_38, %swap3A_39] : memref<10112x16xf32, #tpu.memory_space<vmem>>, vector<10112x16xf32>
    tpu.vector_store %arg6[%swap3A_38, %swap3A_39], %dot_general3A_37 {strides = array<i32>} : memref<10112x16xf32, #tpu.memory_space<vmem>>, vector<10112x16xf32>,
    return
  }
}

module attributes {stable_mosaic.version = 14 : i64} {
  func.func @_stage_e(%arg0: memref<2x10000x32xf32, #tpu.memory_space<vmem>>, %arg1: memref<1x16xf32, #tpu.memory_space<vmem>>, %arg2: memref<16x1xf32, #tpu.memory_space<vmem>>, %arg3: memref<1x1xf32, #tpu.memory_space<vmem>>, %arg4: memref<10000x1xf32, #tpu.memory_space<vmem>>) attributes {dimension_semantics = [], scalar_prefetch = 0 : i64, scratch_operands = 0 : i64, tpu.core_type = #tpu.core_type<tc>} {
    %get3A = arith.constant 0 : index
    %get3A_0 = arith.constant 0 : index
    %get3A_1 = arith.constant 0 : index
    %get3A_2 = vector.load %arg0[%get3A, %get3A_0, %get3A_1] : memref<2x10000x32xf32, #tpu.memory_space<vmem>>, vector<1x10000x32xf32>
    %get3A_3 = vector.shape_cast %get3A_2 : vector<1x10000x32xf32> to vector<10000x32xf32>
    %get3A_4 = arith.constant 1 : index
    %get3A_5 = arith.constant 0 : index
    %get3A_6 = arith.constant 0 : index
    %get3A_7 = vector.load %arg0[%get3A_4, %get3A_5, %get3A_6] : memref<2x10000x32xf32, #tpu.memory_space<vmem>>, vector<1x10000x32xf32>
    %get3A_8 = vector.shape_cast %get3A_7 : vector<1x10000x32xf32> to vector<10000x32xf32>
    %slice3A = vector.extract_strided_slice %get3A_3 {offsets = [0, 0], sizes = [10000, 16], strides = [1, 1]} : vector<10000x32xf32> to vector<10000x16xf32>
    %slice3A_9 = vector.extract_strided_slice %get3A_8 {offsets = [0, 0], sizes = [10000, 16], strides = [1, 1]} : vector<10000x32xf32> to vector<10000x16xf32>
    %add3A = arith.addf %slice3A, %slice3A_9 : vector<10000x16xf32>
    %slice3A_10 = vector.extract_strided_slice %get3A_3 {offsets = [0, 16], sizes = [10000, 1], strides = [1, 1]} : vector<10000x32xf32> to vector<10000x1xf32>
    %slice3A_11 = vector.extract_strided_slice %get3A_8 {offsets = [0, 16], sizes = [10000, 1], strides = [1, 1]} : vector<10000x32xf32> to vector<10000x1xf32>
    %add3A_12 = arith.addf %slice3A_10, %slice3A_11 : vector<10000x1xf32>
    %div3A = vector.broadcast %add3A_12 : vector<10000x1xf32> to vector<10000x16xf32>
    %div3A_13 = arith.divf %add3A, %div3A : vector<10000x16xf32>
    %get3A_14 = arith.constant 0 : index
    %get3A_15 = arith.constant 0 : index
    %get3A_16 = vector.load %arg1[%get3A_14, %get3A_15] : memref<1x16xf32, #tpu.memory_space<vmem>>, vector<1x16xf32>
    %add3A_17 = vector.broadcast %get3A_16 : vector<1x16xf32> to vector<10000x16xf32>
    %add3A_18 = arith.addf %div3A_13, %add3A_17 : vector<10000x16xf32>
    %gt3A = arith.constant 0.000000e+00 : f32
    %gt3A_19 = vector.broadcast %gt3A : f32 to vector<10000x16xf32>
    %gt3A_20 = arith.cmpf ogt, %add3A_18, %gt3A_19 : vector<10000x16xf32>
    %exp3A = math.exp %add3A_18 : vector<10000x16xf32>
    %sub3A = arith.constant 1.000000e+00 : f32
    %sub3A_21 = vector.broadcast %sub3A : f32 to vector<10000x16xf32>
    %sub3A_22 = arith.subf %exp3A, %sub3A_21 : vector<10000x16xf32>
    %select_n3A = arith.select %gt3A_20, %add3A_18, %sub3A_22 : vector<10000x16xi1>, vector<10000x16xf32>
    %get3A_23 = arith.constant 0 : index
    %get3A_24 = arith.constant 0 : index
    %get3A_25 = vector.load %arg2[%get3A_23, %get3A_24] : memref<16x1xf32, #tpu.memory_space<vmem>>, vector<16x1xf32>
    %dot_general3A = arith.constant dense<0.000000e+00> : vector<10000x1xf32>
    %dot_general3A_26 = tpu.matmul %select_n3A, %get3A_25, %dot_general3A {dimension_numbers = #tpu.dot_dimension_numbers<[1], [0], [0], [1], [0, 0, 1, 1], [], []>, transpose_lhs_hint = false} : vector<10000x16xf32>, vector<16x1xf32>, vector<10000x1xf32> -> vector<10000x1xf32>
    %get3A_27 = arith.constant 0 : index
    %get3A_28 = arith.constant 0 : index
    %get3A_29 = vector.load %arg3[%get3A_27, %get3A_28] : memref<1x1xf32, #tpu.memory_space<vmem>>, vector<1x1xf32>
    %add3A_30 = vector.broadcast %get3A_29 : vector<1x1xf32> to vector<10000x1xf32>
    %add3A_31 = arith.addf %dot_general3A_26, %add3A_30 : vector<10000x1xf32>
    %reduce_max3A = arith.constant dense<0xFF800000> : vector<1xf32>
    %reduce_max3A_32 = vector.multi_reduction <maximumf>, %add3A_31, %reduce_max3A [0] : vector<10000x1xf32> to vector<1xf32>
    %broadcast_in_dim3A = vector.shape_cast %reduce_max3A_32 : vector<1xf32> to vector<1x1xf32>
    %sub3A_33 = vector.broadcast %broadcast_in_dim3A : vector<1x1xf32> to vector<10000x1xf32>
    %sub3A_34 = arith.subf %add3A_31, %sub3A_33 : vector<10000x1xf32>
    %exp3A_35 = math.exp %sub3A_34 : vector<10000x1xf32>
    %reduce_sum3A = arith.constant dense<0.000000e+00> : vector<1xf32>
    %reduce_sum3A_36 = vector.multi_reduction <add>, %exp3A_35, %reduce_sum3A [0] : vector<10000x1xf32> to vector<1xf32>
    %broadcast_in_dim3A_37 = vector.shape_cast %reduce_sum3A_36 : vector<1xf32> to vector<1x1xf32>
    %div3A_38 = vector.broadcast %broadcast_in_dim3A_37 : vector<1x1xf32> to vector<10000x1xf32>
    %div3A_39 = arith.divf %exp3A_35, %div3A_38 : vector<10000x1xf32>
    %swap3A = arith.constant 0 : index
    %swap3A_40 = arith.constant 0 : index
    %swap3A_41 = vector.load %arg4[%swap3A, %swap3A_40] : memref<10000x1xf32, #tpu.memory_space<vmem>>, vector<10000x1xf32>
    tpu.vector_store %arg4[%swap3A, %swap3A_40], %div3A_39 {strides = array<i32>} : memref<10000x1xf32, #tpu.memory_space<vmem>>, vector<10000x1xf32>,
    return
  }
}

</mosaic_0001>

<sc_bundles>
// kernel: kernel.10.cloned.1.call-start
scs
__scs_entry_jumppad:
0x0: {  	(pc) =	sbr.rel $0x88, $3  }
0x1: {  	(tag) =	ssettag $0x0;
	lr =	simm.s32 $0x1  }
0x2: {  	[smem:$0x3F95] =	sst lr;
	_ =	strace $0xD0000000  }
0x3: {  	_ = 	snop  }
0x4: {  	_ = 	snop  }
0x5: {  	_ = 	snop  }
0x6: {  	_ = 	snop  }
0x7: {  	_ = 	snop  }
__scs_overlays_trampoline_lowered:
0x8: {  	[smem:$0x3FA4] =	sst s0  }
0x9: {  	[smem:$0x3FA5] =	sst s1  }
0xa: {  	[smem:$0x3FA6] =	sst s2  }
0xb: {  	[smem:$0x3FA7] =	sst s3  }
0xc: {  	[smem:$0x3FA8] =	sst s4  }
0xd: {  	[smem:$0x3FA9] =	sst s5  }
0xe: {  	[smem:$0x3FAA] =	sst s6  }
0xf: {  	[smem:$0x3FAB] =	sst s7  }
0x10: {  	[smem:$0x3FAC] =	sst s8  }
0x11: {  	[smem:$0x3FAD] =	sst s9;
	s0 =	simm.s32 @!p0 $0x0  }
0x12: {  	s1 =	sld [smem:$0x3F93];
	s0 =	simm.s32 @p0 $0x1  }
0x13: {  	[smem:$0x3FAE] =	sst s0;
	s0 =	simm.s32 @!p1 $0x0  }
0x14: {  	s2 =	sld [smem:$0x3F92];
	s0 =	simm.s32 @p1 $0x1  }
0x15: {  	[smem:$0x3FAF] =	sst s0;
	s0 =	simm.s32 @!p2 $0x0  }
0x16: {  	s3 =	sld [smem:$0x3FDB];
	s0 =	simm.s32 @p2 $0x1  }
0x17: {  	s4 =	simm.s32 $0x1BF5;
	[smem:$0x3FB1] =	sst s0  }
0x18: {  	s0 =	sld [smem:$0x3F94];
	_ =	swait.ge [sflag:s4], $0x0  }
0x19: {  	s7 =	sld [smem:$0x3F95]  }
0x1a: {  	s8 =	sadd.s32 $0xFFFFE003, lr  }
0x1b: {  	s9 =	sadd.s32 $0xFFFFFEF7, lr;
	s5 =	simm.s32 $0xFFFFFFFF;
	p2 =	slt.u32 s8, $0xFFFFF086  }
0x1c: {  	p1 =	slt.u32 s9, $0xF7A;
	s5 =	simm.s32 @!p2 $0x0  }
0x1d: {  	s5 =	simm.s32 @p1 $0x1;
	p0 =	seq.s32 s7, s2  }
0x1e: {  	s7 =	smul.u32 @!p0 $0xF7A, s2;
	p2 =	seq.s32 @!p0 s5, $0x0  }
0x1f: {  	s9 =	smul.u32 $0xF7A, s1;
	s8 =	simm.s32 @!p0 $0x1BF5;
	p2 =	por !p2, p0  }
0x20: {  	[sflag:s8] =	ssyncset.s32 @!p0 $0xFFFFF086;
	s6 =	sadd.s32 @!p0 s3, s7;
	s7 =	simm.s32 @!p0 $0x108  }
0x21: {  	s3 =	sadd.s32 s3, s9;
	s6 =	sadd.s32 @!p0 $0x88, s6;
	s7 =	simm.s32 @p2 $0x1082  }
0x22: {  	[simem:s7], [sflag:s8] =	dma.local @!p0 [hbm:s6], $0xF7A  }
0x23: {  	s9 =	sor.u32 $0xD0000000, s2;
	s6 =	simm.s32 $0x108;
	_ =	swait.ge @!p0 [sflag:s8], $0x0  }
0x24: {  	s3 =	sadd.s32 $0x88, s3;
	s6 =	simm.s32 @!p1 $0x1082;
	[sflag:s4] =	ssyncset.s32 $0xFFFFF086  }
0x25: {  	[simem:s6], [sflag:s4] =	dma.local [hbm:s3], $0xF7A  }
0x26: {  	[smem:$0x3F95] =	sst s1;
	(tag) =	ssettag s2;
	_ =	strace s9  }
0x27: {  	s1 =	sld [smem:$0x3FA5]  }
0x28: {  	s2 =	sld [smem:$0x3FA6]  }
0x29: {  	s4 =	sld [smem:$0x3FA8]  }
0x2a: {  	p0 =	seq.s32 s5, $0x0;
	s5 =	sld [smem:$0x3FA9]  }
0x2b: {  	s6 =	sld [smem:$0x3FAA]  }
0x2c: {  	s7 =	sld [smem:$0x3FAB]  }
0x2d: {  	s3 =	simm.s32 $0x108;
	s8 =	sld [smem:$0x3FAC]  }
0x2e: {  	s3 =	simm.s32 @!p0 $0x1082;
	s9 =	sld [smem:$0x3FAD]  }
0x2f: {  	lr =	sadd.s32 s0, s3;
	s0 =	sld [smem:$0x3FA4]  }
0x30: {  	s3 =	sld [smem:$0x3FA7]  }
0x31: {  	[smem:$0x3FB0] =	sst s10  }
0x32: {  	s10 =	sld [smem:$0x3FAE];
	_ =	sdelay $0x3  }
0x33: {  	p0 =	seq.s32 s10, $0x1;
	s10 =	sld [smem:$0x3FB0];
	_ =	sdelay $0x3  }
0x34: {  	[smem:$0x3FB0] =	sst s10  }
0x35: {  	s10 =	sld [smem:$0x3FAF];
	_ =	sdelay $0x3  }
0x36: {  	p1 =	seq.s32 s10, $0x1;
	s10 =	sld [smem:$0x3FB0];
	_ =	sdelay $0x3  }
0x37: {  	[smem:$0x3FB0] =	sst s10  }
0x38: {  	s10 =	sld [smem:$0x3FB1]  }
0x39: {  	_ = 	snop;
	(pc) =	sbr.ind lr, $3  }
0x3a: {  	_ = 	snop  }
0x3b: {  	_ = 	snop  }
0x3c: {  	p2 =	seq.s32 s10, $0x1;
	s10 =	sld [smem:$0x3FB0]  }
0x3d: {  	_ =	shalt  }
0x3e: {  	_ =	shalt  }
0x3f: {  	_ =	shalt  }
0x40: {  	_ =	shalt  }
0x41: {  	_ =	shalt  }
0x42: {  	_ =	shalt  }
0x43: {  	_ =	shalt  }
0x44: {  	_ =	shalt  }
0x45: {  	_ =	shalt  }
0x46: {  	_ =	shalt  }
0x47: {  	_ =	shalt  }
0x48: {  	_ =	shalt  }
0x49: {  	_ =	shalt  }
0x4a: {  	_ =	shalt  }
0x4b: {  	_ =	shalt  }
0x4c: {  	_ =	shalt  }
0x4d: {  	_ =	shalt  }
0x4e: {  	_ =	shalt  }
0x4f: {  	_ =	shalt  }
0x50: {  	_ =	shalt  }
0x51: {  	_ =	shalt  }
0x52: {  	_ =	shalt  }
0x53: {  	_ =	shalt  }
0x54: {  	_ =	shalt  }
0x55: {  	_ =	shalt  }
0x56: {  	_ =	shalt  }
0x57: {  	_ =	shalt  }
0x58: {  	_ =	shalt  }
0x59: {  	_ =	shalt  }
0x5a: {  	_ =	shalt  }
0x5b: {  	_ =	shalt  }
0x5c: {  	_ =	shalt  }
0x5d: {  	_ =	shalt  }
0x5e: {  	_ =	shalt  }
0x5f: {  	_ =	shalt  }
0x60: {  	_ =	shalt  }
0x61: {  	_ =	shalt  }
0x62: {  	_ =	shalt  }
0x63: {  	_ =	shalt  }
0x64: {  	_ =	shalt  }
0x65: {  	_ =	shalt  }
0x66: {  	_ =	shalt  }
0x67: {  	_ =	shalt  }
0x68: {  	_ =	shalt  }
0x69: {  	_ =	shalt  }
0x6a: {  	_ =	shalt  }
0x6b: {  	_ =	shalt  }
0x6c: {  	_ =	shalt  }
0x6d: {  	_ =	shalt  }
0x6e: {  	_ =	shalt  }
0x6f: {  	_ =	shalt  }
0x70: {  	_ =	shalt  }
0x71: {  	_ =	shalt  }
0x72: {  	_ =	shalt  }
0x73: {  	_ =	shalt  }
0x74: {  	_ =	shalt  }
0x75: {  	_ =	shalt  }
0x76: {  	_ =	shalt  }
0x77: {  	_ =	shalt  }
0x78: {  	_ =	shalt  }
0x79: {  	_ =	shalt  }
0x7a: {  	_ =	shalt  }
0x7b: {  	_ =	shalt  }
0x7c: {  	_ =	shalt  }
0x7d: {  	_ =	shalt  }
0x7e: {  	_ =	shalt  }
0x7f: {  	_ =	shalt  }
0x80: {  	_ =	shalt  }
0x81: {  	_ =	shalt  }
0x82: {  	_ =	shalt  }
0x83: {  	_ =	shalt  }
0x84: {  	_ =	shalt  }
0x85: {  	_ =	shalt  }
0x86: {  	_ =	shalt  }
0x87: {  	_ =	shalt  }
.Lfunc_end0:
.L_simem_size_0:
called_computation.1_lowered:
.L_overlay_start_0:
0x88: {  	s2 =	sld [smem:$0x3FD9]  }
0x89: {  	s3 =	sld [smem:$0x3FFE];
	_ =	sdelay $0x1  }
0x8a: {  	s1 =	srdreg.scid  }
0x8b: {  	s0 =	sand.u32 $0x1, s1  }
0x8c: {  	s16 =	sshll.u32 s0, $0xA;
	s2 =	sadd.s32 s3, s2  }
0x8d: {  	s2 =	sadd.s32 s2, s16  }
0x8e: {  	[smem:$0x3FBC] =	sst s2  }
0x8f: {  	_ = 	snop  }
0x90: {  	(tm) =	ssettm $0x1  }
0x91: {  	s17 =	sld [smem:$0x3FFB];
	_ =	sdelay $0x3  }
0x92: {  	_ =	strace s17  }
0x93: {  	s2 =	sld [smem:$0x3FFC];
	_ =	sdelay $0x3  }
0x94: {  	_ =	strace s2  }
0x95: {  	s2 =	sld [smem:$0x3FFD];
	_ =	sdelay $0x3  }
0x96: {  	_ =	strace s2  }
0x97: {  	_ =	strace $0x8FFFFFFF  }
0x98: {  	s18 =	sld [smem:$0x3FDB];
	_ =	sdelay $0x1  }
0x99: {  	s19 =	simm.s32 $_scs_section_size  }
0x9a: {  	s4 =	simm.s32 $_size__tile_overlayer_lowered;
	s5 =	simm.s32 $_tile_overlayer_lowered  }
0x9b: {  	s22 =	simm.s32 $0x1BFF;
	s21 =	sshll.u32 s5, $0x1;
	s2 =	sadd.s32 s19, s18  }
0x9c: {  	s6 =	simm.s32 $0x0;
	s20 =	sshll.u32 s4, $0x1;
	s4 =	sadd.s32 s21, s2  }
0x9d: {  	[timem:s6], [sflag:s22] =	dma.local [hbm:s4], s20  }
0x9e: {  	_ =	swait.ge [sflag:s22], s20  }
0x9f: {  	s3 =	ssub.s32 $0x0, s20;
	[sflag:s22] =	ssyncset.done $0x0  }
0xa0: {  	[sflag:s22] =	ssyncadd.s32 s3;
	_ =	sdelay $0x1  }
0xa1: {  	s23 =	simm.s32 $0x1B8B  }
0xa2: {  	_ =	swait.ge [sflag:s23], $0x1  }
0xa3: {  	[sflag:s23] =	ssyncset.done $0x0  }
0xa4: {  	s25 =	simm.s32 $0x1B8E;
	s24 =	sld [smem:$0x3FFE];
	[sflag:s23] =	ssyncadd.s32 $0xFFFFFFFF  }
0xa5: {  	s26 =	simm.s32 $execute0_lowered;
	[smem:$0x3FD2] =	sst s25  }
0xa6: {  	s4 =	sshll.u32 s26, $0x1;
	_ =	strace $0x80000049;
	[dreg:$0x1] =	wrdreg $0xFFFFFFFF  }
0xa7: {  	s28 =	simm.s32 $_size_execute0_lowered;
	s2 =	sadd.s32 s2, s4;
	[dreg:$0x0] =	wrdreg $0x0  }
0xa8: {  	s4 =	sshll.u32 s28, $0x1;
	[dreg:$0x2] =	wrdreg s2  }
0xa9: {  	[dreg:$0x3] =	wrdreg s4  }
0xaa: {  	[dreg:$0x4] =	wrdreg $0xC0  }
0xab: {  	_ =	task [dreg:s6], $0x5FFFF  }
0xac: {  	[dreg:$0x1] =	wrdreg $0xFFFFFFFF  }
0xad: {  	[dreg:$0x0] =	wrdreg $0x60  }
0xae: {  	[dreg:$0x2] =	wrdreg s24  }
0xaf: {  	[dreg:$0x3] =	wrdreg $0x0  }
0xb0: {  	[dreg:$0x4] =	wrdreg $0x9  }
0xb1: {  	_ =	task.clear_ibuf [dreg:s6], $0x5FFFF;
	_ =	strace $0x90000049  }
0xb2: {  	s29 =	simm.s32 $0x9;
	_ =	strace $0x8000004B  }
0xb3: {  	_ =	swait.ge [sflag:s29], $0x1  }
0xb4: {  	[sflag:s29] =	ssyncadd.s32 $0xFFFFFFFF  }
0xb5: {  	_ =	strace $0x9000004B  }
0xb6: {  	_ =	sfence  }
0xb7: {  	s30 =	sld [smem:$0x0];
	_ =	sdelay $0x2  }
0xb8: {  	s31 =	sshll.u32 s1, $0xD;
	s1 =	sshrl.u32 s1, $0x2  }
0xb9: {  	s3 =	sand.u32 $0x4000, s31;
	s1 =	sadd.s32 s1, s30  }
0xba: {  	s0 =	sor.u32 s3, s0;
	s1 =	sshll.u32 s1, $0x11  }
0xbb: {  	s0 =	sor.u32 s1, s0  }
0xbc: {  	s0 =	sadd.s32 $0x8F2B, s0  }
0xbd: {  	[sflag:s0] =	ssyncadd.remote.s32 $0x1  }
0xbe: {  	_ =	sfence.sel $0xFFFF  }
0xbf: {  	[dreg:$0x0] =	wrdreg $0xFFFFFFFF;
	(pc) =	sbr.abs _section_cstart, $3  }
0xc0: {  	[dreg:$0x1] =	wrdreg $0xFFFFFFFF  }
0xc1: {  	_ =	task.clear_ibuf [dreg:s6], $0x2FFFF;
	_ =	strace $0x9FFFFFFF  }
0xc2: {  	(tm) =	ssettm $0x7FFFFFFF  }
0xc3: {  	_ =	shalt  }
tec
execute0_lowered:
.L_overlay_start_1:
0x0: {  	(tag) =	ssettag $0x1  }
0x1: {  	s0 =	rddreg [dreg:$0x0]  }
0x2: {  	s2 =	rddreg [dreg:$0x1]  }
0x3: {  	s1 =	srdreg.scid;
	s11 =	stileid.u32  }
0x4: {  	s3 =	simm.s32 $0x0;
	s28 =	simm.s32 $0x6080;
	s29 =	simm.s32 $0x6E80  }
0x5: {  	s30 =	simm.s32 $0x5980;
	s31 =	simm.s32 $0x5050;
	s12 =	simm.s32 $0x51A0  }
0x6: {  	s13 =	simm.s32 $0x2;
	s14 =	simm.s32 $0x3;
	s15 =	simm.s32 $0x6  }
0x7: {  	s1 =	sand.u32 $0x1, s1;
	s7 =	smul.u32 $0x4F00, s11;
	[smem:$0x7FF] =	sst s3  }
0x8: {  	s4 =	sadd.s32 $0xC00, s0;
	s6 =	smul.u32 $0x4F000, s1;
	s5 =	sshll.u32 s1, $0x4  }
0x9: {  	_ =	strace $0x8000004A;
	s1 =	ssub.s32 $0x2, s1;
	s8 =	sor.u32 s11, s5  }
0xa: {  	s5 =	sadd.s32 $0x15C00, s0;
	s11 =	smul.u32 $0x13C00, s11;
	s17 =	sshrl.u32 s1, $0x1  }
0xb: {  	s22 =	sadd.s32 s7, s2;
	s6 =	sadd.s32 s7, s6;
	s9 =	smul.u32 $0xA80, s8  }
0xc: {  	s1 =	ssub.s32 s1, s17;
	[dreg:$0x5] =	wrdreg s22;
	s10 =	sshrl.u32 s6, $0x3  }
0xd: {  	s6 =	sadd.s32 $0x1AC00, s0;
	s19 =	sshrl.u32 s11, $0x2;
	s26 =	smax.u32 s1, $0x1  }
0xe: {  	s0 =	sadd.s32 s10, s0;
	s18 =	sadd.s32 s4, s9;
	[dreg:$0xc] =	wrdreg s26  }
0xf: {  	s9 =	sadd.s32 s19, s2;
	[dreg:$0x3] =	wrdreg s18;
	s10 =	sadd.s32 $0x1C, s18  }
0x10: {  	s8 =	smul.u32 $0x60, s8;
	s20 =	sadd.s32 $0xE00, s9;
	[dreg:$0x4] =	wrdreg s10  }
0x11: {  	s1 =	simm.s32 $0x50C0;
	s21 =	sadd.s32 $0x1C00, s9;
	[dreg:$0x6] =	wrdreg s20  }
0x12: {  	s11 =	simm.s32 $0x5130;
	s23 =	sadd.s32 $0x2A00, s9;
	[dreg:$0x7] =	wrdreg s21  }
0x13: {  	s16 =	sor.u32 $0x1, s8;
	s24 =	sadd.s32 $0x3800, s9;
	[dreg:$0x8] =	wrdreg s23  }
0x14: {  	s17 =	sor.u32 $0x2, s8;
	s25 =	sadd.s32 $0x4600, s9;
	[dreg:$0x9] =	wrdreg s24  }
0x15: {  	s19 =	simm.s32 $0x5210;
	s0 =	sadd.s32 $0x1FC00, s0;
	[dreg:$0xa] =	wrdreg s25  }
0x16: {  	s18 =	sor.u32 $0x3, s8;
	s9 =	simm.s32 $0x5;
	[dreg:$0xb] =	wrdreg s0  }
0x17: {  	s23 =	simm.s32 $0x7;
	s24 =	simm.s32 $0x70;
	s0 =	simm.s32 $0x6780  }
0x18: {  	v0 =	vimm.f32 $0.0e+00;
	v1 =	vimm.s32 $0x0;
	s21 =	simm.s32 $0x1;
	s20 =	simm.s32 $0x4;
	s10 =	simm.s32 $0x0  }
.LBB2_1:
0x19: {  	[dreg:$0xd] =	wrdreg s10  }
0x1a: {  	s7 =	rddreg [dreg:$0x3];
	s10 =	simm.s32 $0x4F00  }
0x1b: {  	[tilespmem:s10], [sflag:$0x7] =	stream.linear.gather [hbm4b:s7+s3], $0xE0, $0x38;
	[tilespmem:$0x7C80] =	vst v63  }
0x1c: {  	_ =	swait.ge [sflag:s23], $0xE0  }
0x1d: {  	[sflag:s23] =	ssyncset.done $0x0  }
0x1e: {  	s25 =	simm.s32 $0x4FE0;
	s26 =	rddreg [dreg:$0x4];
	[sflag:s23] =	ssyncadd.s32 $0xFFFFFF20  }
0x1f: {  	[tilespmem:s25], [sflag:$0x7] =	stream.linear.gather [hbm4b:s26+s3], $0xE0, $0x38;
	[tilespmem:$0x7C80] =	vst v63  }
0x20: {  	_ =	swait.ge [sflag:s23], $0xE0  }
0x21: {  	[sflag:s23] =	ssyncset.done $0x0  }
0x22: {  	s25 =	simm.s32 $0x5280;
	[sflag:s23] =	ssyncadd.s32 $0xFFFFFF20  }
0x23: {  	[tilespmem:s25], [sflag:$0x1] =	stream.indirect.gather [hbm4b:s5+s24], $0x10, s10, s24, $0xb8;
	[tilespmem:$0x7C80] =	vst v63  }
0x24: {  	s7 =	simm.s32 $0x6EA0;
	s26 =	simm.s32 $0x4F70  }
0x25: {  	[tilespmem:s28], [sflag:$0x1] =	stream.indirect.gather [hbm4b:s6+s24], $0x10, s26, s24, $0xb8;
	[tilespmem:$0x7C80] =	vst v63  }
0x26: {  	[tilespmem:s7+$0xFFFFFFE0] =	vst v0  }
0x27: {  	[tilespmem:s7+$0x10] =	vst v0  }
0x28: {  	s10 =	simm.s32 $0x0;
	[tilespmem:s7+$0x0] =	vst v0  }
.LBB2_2:
0x29: {  	s10 =	sadd.s32 $0x2, s10  }
0x2a: {  	[tilespmem:s7+$0xFFFFFFF0] =	vst v0;
	s7 =	sadd.s32 $0x40, s7;
	p0 =	slt.u32 s10, $0x6E  }
.Ltmp0:
0x2b: {  	[tilespmem:s7+$0xFFFFFFE0] =	vst v0;
	(pc) =	sbr.rel @p0 .LBB2_2-.Ltmp0, $3  }
0x2c: {  	_ =	sdelay $0x1  }
0x2d: {  	[tilespmem:s7+$0x10] =	vst v0  }
0x2e: {  	[tilespmem:s7+$0x0] =	vst v0  }
0x2f: {  	[tilespmem:s7+$0xFFFFFFF0] =	vst v0  }
0x30: {  	[spmem:s22] =	stream.linear.scatter [tilespmem:s29], [sflag:$0x7], $0xE00, $0x38;
	[tilespmem:$0x7C80] =	vst v63  }
0x31: {  	_ =	swait.ge [sflag:s23], $0xE00  }
0x32: {  	[sflag:s23] =	ssyncset.done $0x0  }
0x33: {  	s26 =	rddreg [dreg:$0x6];
	[sflag:s23] =	ssyncadd.s32 $0xFFFFF200  }
0x34: {  	[spmem:s26] =	stream.linear.scatter [tilespmem:s29], [sflag:$0x7], $0xE00, $0x38;
	[tilespmem:$0x7C80] =	vst v63  }
0x35: {  	_ =	swait.ge [sflag:s23], $0xE00  }
0x36: {  	[sflag:s23] =	ssyncset.done $0x0  }
0x37: {  	s10 =	rddreg [dreg:$0x7];
	[sflag:s23] =	ssyncadd.s32 $0xFFFFF200  }
0x38: {  	[spmem:s10] =	stream.linear.scatter [tilespmem:s29], [sflag:$0x7], $0xE00, $0x38;
	[tilespmem:$0x7C80] =	vst v63  }
0x39: {  	_ =	swait.ge [sflag:s23], $0xE00  }
0x3a: {  	[sflag:s23] =	ssyncset.done $0x0  }
0x3b: {  	s22 =	rddreg [dreg:$0x8];
	[sflag:s23] =	ssyncadd.s32 $0xFFFFF200  }
0x3c: {  	[spmem:s22] =	stream.linear.scatter [tilespmem:s29], [sflag:$0x7], $0xE00, $0x38;
	[tilespmem:$0x7C80] =	vst v63  }
0x3d: {  	_ =	swait.ge [sflag:s23], $0xE00  }
0x3e: {  	[sflag:s23] =	ssyncset.done $0x0  }
0x3f: {  	s25 =	rddreg [dreg:$0x9];
	[sflag:s23] =	ssyncadd.s32 $0xFFFFF200  }
0x40: {  	[spmem:s25] =	stream.linear.scatter [tilespmem:s29], [sflag:$0x7], $0xE00, $0x38;
	[tilespmem:$0x7C80] =	vst v63  }
0x41: {  	_ =	swait.ge [sflag:s23], $0xE00  }
0x42: {  	[sflag:s23] =	ssyncset.done $0x0  }
0x43: {  	s26 =	rddreg [dreg:$0xa];
	[sflag:s23] =	ssyncadd.s32 $0xFFFFF200  }
0x44: {  	[spmem:s26] =	stream.linear.scatter [tilespmem:s29], [sflag:$0x7], $0x900, $0x38;
	[tilespmem:$0x7C80] =	vst v63  }
0x45: {  	_ =	swait.ge [sflag:s23], $0x900  }
0x46: {  	[sflag:s23] =	ssyncset.done $0x0  }
0x47: {  	[sflag:s23] =	ssyncadd.s32 $0xFFFFF700  }
0x48: {  	s10 =	simm.s32 $0x0;
	[bflag:$0x0] =	sbarrier.arrive $0xFFFF  }
.LBB2_4:
0x49: {  	p0 =	seq.s32 s10, $0x0  }
0x4a: {  	s22 =	simm.s32 @!p0 $0x6  }
0x4b: {  	s7 =	sshll.u32 s10, $0x2;
	_ =	swait.ge @!p0 [sflag:s22], $0xE0  }
0x4c: {  	s25 =	sadd.s32 s8, s7;
	[sflag:s22] =	ssyncset.done @!p0 $0x0  }
0x4d: {  	s23 =	simm.s32 $0x4FE0;
	[sflag:s22] =	ssyncadd.s32 @!p0 $0xFFFFFF20;
	s22 =	smul.u32 $0xE0, s25  }
0x4e: {  	[tilespmem:s30], [sflag:$0x2] =	stream.indirect.gather [hbm4b:s5+s24], $0x10, s23, s24, $0xb8;
	[tilespmem:$0x7C80] =	vst v63  }
0x4f: {  	s22 =	sshrl.u32 s22, $0x3  }
0x50: {  	[tilespmem:s0], [sflag:$0x2] =	stream.indirect.gather [hbm4b:s6+s24], $0x10, s31, s24, $0xb8;
	[tilespmem:$0x7C80] =	vst v63  }
0x51: {  	s22 =	sadd.s32 s4, s22  }
0x52: {  	s22 =	sadd.s32 $0x38, s22  }
0x53: {  	[tilespmem:s1], [sflag:$0x5] =	stream.linear.gather [hbm4b:s22+s3], $0xE0, $0x38;
	[tilespmem:$0x7C80] =	vst v63  }
0x54: {  	_ =	swait.ge [sflag:s21], $0x700  }
0x55: {  	[sflag:s21] =	ssyncset.done $0x0  }
0x56: {  	[sflag:s21] =	ssyncadd.s32 $0xFFFFF900  }
0x57: {  	_ =	swait.ge [sflag:s21], $0x700  }
0x58: {  	[sflag:s21] =	ssyncset.done $0x0  }
0x59: {  	s22 =	simm.s32 @!p0 $0x4;
	[sflag:s21] =	ssyncadd.s32 $0xFFFFF900  }
0x5a: {  	_ =	swait.ge @!p0 [sflag:s22], $0xE00  }
0x5b: {  	[sflag:s22] =	ssyncset.done @!p0 $0x0  }
0x5c: {  	s26 =	simm.s32 $0x5290;
	[sflag:s22] =	ssyncadd.s32 @!p0 $0xFFFFF200  }
0x5d: {  	s23 =	simm.s32 $0x6090;
	v8 =	vld [tilespmem:s26+$0x0]  }
0x5e: {  	v2 =	vld [tilespmem:s23+$0x0];
	_ =	sdelay $0x1  }
0x5f: {  	v4 =	vld [tilespmem:s26+$0xFFFFFFF0]  }
0x60: {  	v3 =	vld [tilespmem:s23+$0xFFFFFFF0]  }
0x61: {  	v5 =	vunpack.i.u.bf16.f32 v8  }
0x62: {  	v5 =	vadd.f32 v5, v2  }
0x63: {  	s25 =	simm.s32 $0x52B0  }
0x64: {  	s26 =	simm.s32 $0x60B0;
	v6 =	vunpack.i.u.bf16.f32 v4;
	v2 =	vld [tilespmem:s25+$0x0];
	v7 =	vmul.f32 $2.000000030e-01, v5  }
0x65: {  	v9 =	vld [tilespmem:s26+$0x0];
	v3 =	vadd.f32 v6, v3;
	vm0 =	vge.f32 v5, $0.0e+00  }
0x66: {  	v6 =	vld [tilespmem:s25+$0xFFFFFFF0];
	v5 =	vsel vm0, v5, v7  }
0x67: {  	v10 =	vmul.f32 $2.000000030e-01, v3;
	v7 =	vld [tilespmem:s26+$0xFFFFFFF0];
	v5 =	vmul.f32 $1.442695020e+00, v5  }
0x68: {  	vm11 =	vge.f32 v3, $0.0e+00  }
0x69: {  	s25 =	simm.s32 $0x52D0;
	v3 =	vsel vm11, v3, v10;
	v11 =	vunpack.i.u.bf16.f32 v2;
	(erf) = vpow2.f32 v5  }
0x6a: {  	s26 =	simm.s32 $0x60D0;
	v5 =	vadd.f32 v11, v9;
	v9 =	vmul.f32 $1.442695020e+00, v3;
	v3 =	vld [tilespmem:s25+$0x0]  }
0x6b: {  	v10 =	vunpack.i.u.bf16.f32 v6;
	v11 =	vld [tilespmem:s26+$0x0]  }
0x6c: {  	v10 =	vadd.f32 v10, v7;
	v12 =	vmul.f32 $2.000000030e-01, v5;
	(erf) = vpow2.f32 v9;
	v9 =	vld [tilespmem:s25+$0xFFFFFFF0]  }
0x6d: {  	v13 =	vld [tilespmem:s26+$0xFFFFFFF0];
	vm12 =	vge.f32 v5, $0.0e+00  }
0x6e: {  	v7 =	vunpack.i.l.bf16.f32 v4;
	v4 =	vmul.f32 $2.000000030e-01, v10;
	v5 =	vsel vm12, v5, v12  }
0x6f: {  	vm13 =	vge.f32 v10, $0.0e+00;
	v5 =	vmul.f32 $1.442695020e+00, v5;
	v12 =	vunpack.i.u.bf16.f32 v3  }
0x70: {  	v4 =	vsel vm13, v10, v4;
	v10 =	vadd.f32 v12, v11  }
0x71: {  	v11 =	vmul.f32 $1.442695020e+00, v4;
	(erf) = vpow2.f32 v5;
	v12 =	vunpack.i.u.bf16.f32 v9  }
0x72: {  	s25 =	simm.s32 $0x52F0;
	v4 =	vunpack.i.l.bf16.f32 v9;
	v12 =	vadd.f32 v12, v13;
	v13 =	vmul.f32 $2.000000030e-01, v10;
	v9 =	vpop (erf)  }
0x73: {  	s23 =	simm.s32 $0x60F0;
	v5 =	vld [tilespmem:s25+$0x0];
	vm14 =	vge.f32 v10, $0.0e+00;
	(erf) = vpow2.f32 v11;
	v11 =	vperm.xlane v9, v1  }
0x74: {  	v14 =	vld [tilespmem:s23+$0x0];
	v8 =	vunpack.i.l.bf16.f32 v8;
	v13 =	vsel vm14, v10, v13  }
0x75: {  	v16 =	vmul.f32 $1.442695020e+00, v13;
	v17 =	vmul.f32 v11, v8;
	v8 =	vld [tilespmem:s25+$0xFFFFFFF0]  }
0x76: {  	v15 =	vmul.f32 $2.000000030e-01, v12;
	v11 =	vld [tilespmem:s23+$0xFFFFFFF0]  }
0x77: {  	vm15 =	vge.f32 v12, $0.0e+00;
	v10 =	vpop (erf);
	(erf) = vpow2.f32 v16  }
0x78: {  	s22 =	simm.s32 $0x6EA0;
	v18 =	vunpack.i.u.bf16.f32 v5;
	v15 =	vsel vm15, v12, v15;
	v13 =	vperm.xlane v10, v1  }
0x79: {  	v6 =	vunpack.i.l.bf16.f32 v6;
	s26 =	simm.s32 $0x5310;
	s25 =	simm.s32 $0x6;
	v12 =	vadd.f32 v18, v14;
	v14 =	vmul.f32 $1.442695020e+00, v15;
	[tilespmem:s22+$0x0] =	vst v17  }
.LBB2_5:
0x7a: {  	v15 =	vld [tilespmem:s26+$0x0];
	s25 =	sadd.s32 $0x2, s25;
	v16 =	vunpack.i.u.bf16.f32 v8;
	s23 =	sadd.s32 $0x20, s23;
	[tilespmem:s22+$0xFFFFFFF0] =	vst v10;
	v19 =	vmul.f32 v13, v7;
	v7 =	vmovc v6;
	v6 =	vmovc v4;
	v4 =	vunpack.i.l.bf16.f32 v8  }
0x7b: {  	v17 =	vld [tilespmem:s23+$0x0];
	p0 =	slt.u32 s25, $0x6E;
	v13 =	vadd.f32 v16, v11;
	v16 =	vmul.f32 $2.000000030e-01, v12;
	(erf) = vpow2.f32 v14;
	[tilespmem:s22+$0x10] =	vst v9;
	v9 =	vpop (erf)  }
.Ltmp1:
0x7c: {  	vm0 =	vge.f32 v12, $0.0e+00;
	v8 =	vld [tilespmem:s26+$0xFFFFFFF0];
	v14 =	vperm.xlane v9, v1;
	[tilespmem:s22+$0xFFFFFFE0] =	vst v19;
	(pc) =	sbr.rel @p0 .LBB2_5-.Ltmp1, $4  }
0x7d: {  	v20 =	vunpack.i.l.bf16.f32 v2;
	v11 =	vld [tilespmem:s23+$0xFFFFFFF0];
	v18 =	vmul.f32 $2.000000030e-01, v13;
	v12 =	vsel vm0, v12, v16;
	v10 =	vpop (erf)  }
0x7e: {  	v2 =	vmovc v3;
	v3 =	vmovc v5;
	vm0 =	vge.f32 v13, $0.0e+00;
	v16 =	vmul.f32 $1.442695020e+00, v12;
	v19 =	vmul.f32 v14, v20  }
0x7f: {  	s22 =	sadd.s32 $0x40, s22;
	v12 =	vunpack.i.u.bf16.f32 v15;
	v14 =	vsel vm0, v13, v18;
	v13 =	vperm.xlane v10, v1;
	v5 =	vmovc v15  }
0x80: {  	s26 =	sadd.s32 $0x20, s26;
	v12 =	vadd.f32 v12, v17;
	v14 =	vmul.f32 $1.442695020e+00, v14;
	(erf) = vpow2.f32 v16;
	[tilespmem:s22+$0x0] =	vst v19  }
0x81: {  	_ = 	snop  }
0x82: {  	v15 =	vunpack.i.u.bf16.f32 v8;
	v16 =	vmul.f32 $2.000000030e-01, v12  }
0x83: {  	v11 =	vadd.f32 v15, v11;
	vm0 =	vge.f32 v12, $0.0e+00  }
0x84: {  	v12 =	vsel vm0, v12, v16  }
0x85: {  	v15 =	vmul.f32 $2.000000030e-01, v11;
	v12 =	vmul.f32 $1.442695020e+00, v12  }
0x86: {  	(erf) = vpow2.f32 v14;
	vm9 =	vge.f32 v11, $0.0e+00  }
0x87: {  	v11 =	vsel vm9, v11, v15  }
0x88: {  	(erf) = vpow2.f32 v12;
	v11 =	vmul.f32 $1.442695020e+00, v11  }
0x89: {  	v7 =	vmul.f32 v13, v7;
	v12 =	vpop (erf)  }
0x8a: {  	[tilespmem:s22+$0xFFFFFFF0] =	vst v10;
	(erf) = vpow2.f32 v11;
	v14 =	vperm.xlane v12, v1;
	v10 =	vpop (erf)  }
0x8b: {  	v2 =	vunpack.i.l.bf16.f32 v2;
	[tilespmem:s22+$0xFFFFFFE0] =	vst v7;
	v7 =	vperm.xlane v10, v1  }
0x8c: {  	[tilespmem:s22+$0x10] =	vst v9;
	s25 =	sadd.s32 $0x40, s22;
	v2 =	vmul.f32 v14, v2  }
0x8d: {  	[tilespmem:s25+$0x10] =	vst v12;
	v9 =	vpop (erf);
	v6 =	vmul.f32 v7, v6  }
0x8e: {  	[tilespmem:s25+$0x0] =	vst v2;
	v2 =	vperm.xlane v9, v1  }
0x8f: {  	v3 =	vunpack.i.l.bf16.f32 v3;
	s22 =	sadd.s32 $0x40, s25;
	[tilespmem:s25+$0xFFFFFFF0] =	vst v10;
	v7 =	vpop (erf)  }
0x90: {  	[tilespmem:s22+$0x10] =	vst v9;
	v2 =	vmul.f32 v2, v3;
	v3 =	vperm.xlane v7, v1  }
0x91: {  	[tilespmem:s25+$0xFFFFFFE0] =	vst v6;
	v6 =	vpop (erf)  }
0x92: {  	[tilespmem:s22+$0x0] =	vst v2;
	v2 =	vperm.xlane v6, v1;
	v3 =	vmul.f32 v3, v4  }
0x93: {  	[tilespmem:s22+$0xFFFFFFF0] =	vst v7;
	v4 =	vunpack.i.l.bf16.f32 v5;
	v5 =	vpop (erf)  }
0x94: {  	v2 =	vmul.f32 v2, v4;
	[tilespmem:s22+$0xFFFFFFE0] =	vst v3;
	v3 =	vperm.xlane v5, v1;
	s22 =	sadd.s32 $0x40, s22  }
0x95: {  	v4 =	vunpack.i.l.bf16.f32 v8;
	[tilespmem:s22+$0xFFFFFFF0] =	vst v5  }
0x96: {  	[tilespmem:s22+$0x0] =	vst v2;
	v2 =	vmul.f32 v3, v4  }
0x97: {  	[tilespmem:s22+$0x10] =	vst v6  }
0x98: {  	s26 =	simm.s32 $0x4F70;
	s25 =	sadd.s32 s7, s16;
	[tilespmem:s22+$0xFFFFFFE0] =	vst v2  }
0x99: {  	[spmem:s2] =	stream.indirect.scatter.add.f32 [tilespmem:s29], [sflag:$0x3], $0x20, s26, s24, $0xb8;
	[tilespmem:$0x7C80] =	vst v63  }
0x9a: {  	s22 =	smul.u32 $0xE0, s25;
	_ =	swait.ge [sflag:s9], $0xE0  }
0x9b: {  	[sflag:s9] =	ssyncset.done $0x0  }
0x9c: {  	s23 =	simm.s32 $0x5280;
	s22 =	sshrl.u32 s22, $0x3;
	[sflag:s9] =	ssyncadd.s32 $0xFFFFFF20  }
0x9d: {  	[tilespmem:s23], [sflag:$0x1] =	stream.indirect.gather [hbm4b:s5+s24], $0x10, s1, s24, $0xb8;
	[tilespmem:$0x7C80] =	vst v63  }
0x9e: {  	s22 =	sadd.s32 s4, s22  }
0x9f: {  	[tilespmem:s28], [sflag:$0x1] =	stream.indirect.gather [hbm4b:s6+s24], $0x10, s11, s24, $0xb8;
	[tilespmem:$0x7C80] =	vst v63  }
0xa0: {  	s22 =	sadd.s32 $0x38, s22  }
0xa1: {  	[tilespmem:s12], [sflag:$0x6] =	stream.linear.gather [hbm4b:s22+s3], $0xE0, $0x38;
	[tilespmem:$0x7C80] =	vst v63  }
0xa2: {  	_ =	swait.ge [sflag:s13], $0x700  }
0xa3: {  	[sflag:s13] =	ssyncset.done $0x0  }
0xa4: {  	[sflag:s13] =	ssyncadd.s32 $0xFFFFF900  }
0xa5: {  	_ =	swait.ge [sflag:s13], $0x700  }
0xa6: {  	[sflag:s13] =	ssyncset.done $0x0  }
0xa7: {  	[sflag:s13] =	ssyncadd.s32 $0xFFFFF900  }
0xa8: {  	_ =	swait.ge [sflag:s14], $0xE00  }
0xa9: {  	[sflag:s14] =	ssyncset.done $0x0  }
0xaa: {  	s26 =	simm.s32 $0x5990;
	[sflag:s14] =	ssyncadd.s32 $0xFFFFF200  }
0xab: {  	s23 =	simm.s32 $0x6790;
	v8 =	vld [tilespmem:s26+$0x0]  }
0xac: {  	v2 =	vld [tilespmem:s23+$0x0];
	_ =	sdelay $0x1  }
0xad: {  	v4 =	vld [tilespmem:s26+$0xFFFFFFF0]  }
0xae: {  	v3 =	vld [tilespmem:s23+$0xFFFFFFF0]  }
0xaf: {  	v5 =	vunpack.i.u.bf16.f32 v8  }
0xb0: {  	v5 =	vadd.f32 v5, v2  }
0xb1: {  	s25 =	simm.s32 $0x59B0  }
0xb2: {  	s26 =	simm.s32 $0x67B0;
	v6 =	vunpack.i.u.bf16.f32 v4;
	v2 =	vld [tilespmem:s25+$0x0];
	v7 =	vmul.f32 $2.000000030e-01, v5  }
0xb3: {  	v9 =	vld [tilespmem:s26+$0x0];
	v3 =	vadd.f32 v6, v3;
	vm10 =	vge.f32 v5, $0.0e+00  }
0xb4: {  	v6 =	vld [tilespmem:s25+$0xFFFFFFF0];
	v5 =	vsel vm10, v5, v7  }
0xb5: {  	v10 =	vmul.f32 $2.000000030e-01, v3;
	v7 =	vld [tilespmem:s26+$0xFFFFFFF0];
	v5 =	vmul.f32 $1.442695020e+00, v5  }
0xb6: {  	vm11 =	vge.f32 v3, $0.0e+00  }
0xb7: {  	s25 =	simm.s32 $0x59D0;
	v3 =	vsel vm11, v3, v10;
	v11 =	vunpack.i.u.bf16.f32 v2;
	(erf) = vpow2.f32 v5  }
0xb8: {  	s26 =	simm.s32 $0x67D0;
	v5 =	vadd.f32 v11, v9;
	v9 =	vmul.f32 $1.442695020e+00, v3;
	v3 =	vld [tilespmem:s25+$0x0]  }
0xb9: {  	v10 =	vunpack.i.u.bf16.f32 v6;
	v11 =	vld [tilespmem:s26+$0x0]  }
0xba: {  	v10 =	vadd.f32 v10, v7;
	v12 =	vmul.f32 $2.000000030e-01, v5;
	(erf) = vpow2.f32 v9;
	v9 =	vld [tilespmem:s25+$0xFFFFFFF0]  }
0xbb: {  	v13 =	vld [tilespmem:s26+$0xFFFFFFF0];
	vm12 =	vge.f32 v5, $0.0e+00  }
0xbc: {  	v7 =	vunpack.i.l.bf16.f32 v4;
	v4 =	vmul.f32 $2.000000030e-01, v10;
	v5 =	vsel vm12, v5, v12  }
0xbd: {  	vm13 =	vge.f32 v10, $0.0e+00;
	v5 =	vmul.f32 $1.442695020e+00, v5;
	v12 =	vunpack.i.u.bf16.f32 v3  }
0xbe: {  	v4 =	vsel vm13, v10, v4;
	v10 =	vadd.f32 v12, v11  }
0xbf: {  	v11 =	vmul.f32 $1.442695020e+00, v4;
	(erf) = vpow2.f32 v5;
	v12 =	vunpack.i.u.bf16.f32 v9  }
0xc0: {  	s25 =	simm.s32 $0x59F0;
	v4 =	vunpack.i.l.bf16.f32 v9;
	v12 =	vadd.f32 v12, v13;
	v13 =	vmul.f32 $2.000000030e-01, v10;
	v9 =	vpop (erf)  }
0xc1: {  	s23 =	simm.s32 $0x67F0;
	v5 =	vld [tilespmem:s25+$0x0];
	vm14 =	vge.f32 v10, $0.0e+00;
	(erf) = vpow2.f32 v11;
	v11 =	vperm.xlane v9, v1  }
0xc2: {  	v14 =	vld [tilespmem:s23+$0x0];
	v8 =	vunpack.i.l.bf16.f32 v8;
	v13 =	vsel vm14, v10, v13  }
0xc3: {  	v63 =	vmul.f32 $1.442695020e+00, v13;
	v17 =	vmul.f32 v11, v8;
	v8 =	vld [tilespmem:s25+$0xFFFFFFF0]  }
0xc4: {  	v15 =	vmul.f32 $2.000000030e-01, v12;
	v11 =	vld [tilespmem:s23+$0xFFFFFFF0]  }
0xc5: {  	vm15 =	vge.f32 v12, $0.0e+00;
	v10 =	vpop (erf);
	(erf) = vpow2.f32 v63  }
0xc6: {  	s22 =	simm.s32 $0x6EA0;
	v18 =	vunpack.i.u.bf16.f32 v5;
	v15 =	vsel vm15, v12, v15;
	v13 =	vperm.xlane v10, v1  }
0xc7: {  	v6 =	vunpack.i.l.bf16.f32 v6;
	s26 =	simm.s32 $0x5A10;
	s25 =	simm.s32 $0x6;
	v12 =	vadd.f32 v18, v14;
	v14 =	vmul.f32 $1.442695020e+00, v15;
	[tilespmem:s22+$0x0] =	vst v17  }
.LBB2_7:
0xc8: {  	v15 =	vld [tilespmem:s26+$0x0];
	s25 =	sadd.s32 $0x2, s25;
	v16 =	vunpack.i.u.bf16.f32 v8;
	s23 =	sadd.s32 $0x20, s23;
	[tilespmem:s22+$0xFFFFFFF0] =	vst v10;
	v19 =	vmul.f32 v13, v7;
	v7 =	vmovc v6;
	v6 =	vmovc v4;
	v4 =	vunpack.i.l.bf16.f32 v8  }
0xc9: {  	v17 =	vld [tilespmem:s23+$0x0];
	p0 =	slt.u32 s25, $0x6E;
	v13 =	vadd.f32 v16, v11;
	v16 =	vmul.f32 $2.000000030e-01, v12;
	(erf) = vpow2.f32 v14;
	[tilespmem:s22+$0x10] =	vst v9;
	v9 =	vpop (erf)  }
.Ltmp2:
0xca: {  	vm0 =	vge.f32 v12, $0.0e+00;
	v8 =	vld [tilespmem:s26+$0xFFFFFFF0];
	v14 =	vperm.xlane v9, v1;
	[tilespmem:s22+$0xFFFFFFE0] =	vst v19;
	(pc) =	sbr.rel @p0 .LBB2_7-.Ltmp2, $4  }
0xcb: {  	v20 =	vunpack.i.l.bf16.f32 v2;
	v11 =	vld [tilespmem:s23+$0xFFFFFFF0];
	v18 =	vmul.f32 $2.000000030e-01, v13;
	v12 =	vsel vm0, v12, v16;
	v10 =	vpop (erf)  }
0xcc: {  	v2 =	vmovc v3;
	v3 =	vmovc v5;
	vm0 =	vge.f32 v13, $0.0e+00;
	v16 =	vmul.f32 $1.442695020e+00, v12;
	v19 =	vmul.f32 v14, v20  }
0xcd: {  	s22 =	sadd.s32 $0x40, s22;
	v12 =	vunpack.i.u.bf16.f32 v15;
	v14 =	vsel vm0, v13, v18;
	v13 =	vperm.xlane v10, v1;
	v5 =	vmovc v15  }
0xce: {  	s26 =	sadd.s32 $0x20, s26;
	v12 =	vadd.f32 v12, v17;
	v14 =	vmul.f32 $1.442695020e+00, v14;
	(erf) = vpow2.f32 v16;
	[tilespmem:s22+$0x0] =	vst v19  }
0xcf: {  	_ = 	snop  }
0xd0: {  	v15 =	vunpack.i.u.bf16.f32 v8;
	v16 =	vmul.f32 $2.000000030e-01, v12  }
0xd1: {  	v11 =	vadd.f32 v15, v11;
	vm0 =	vge.f32 v12, $0.0e+00  }
0xd2: {  	v12 =	vsel vm0, v12, v16  }
0xd3: {  	v15 =	vmul.f32 $2.000000030e-01, v11;
	v12 =	vmul.f32 $1.442695020e+00, v12  }
0xd4: {  	(erf) = vpow2.f32 v14;
	vm9 =	vge.f32 v11, $0.0e+00  }
0xd5: {  	v11 =	vsel vm9, v11, v15  }
0xd6: {  	(erf) = vpow2.f32 v12;
	v11 =	vmul.f32 $1.442695020e+00, v11  }
0xd7: {  	v7 =	vmul.f32 v13, v7;
	v12 =	vpop (erf)  }
0xd8: {  	[tilespmem:s22+$0xFFFFFFF0] =	vst v10;
	(erf) = vpow2.f32 v11;
	v14 =	vperm.xlane v12, v1;
	v10 =	vpop (erf)  }
0xd9: {  	v2 =	vunpack.i.l.bf16.f32 v2;
	[tilespmem:s22+$0xFFFFFFE0] =	vst v7;
	v7 =	vperm.xlane v10, v1  }
0xda: {  	[tilespmem:s22+$0x10] =	vst v9;
	s23 =	sadd.s32 $0x40, s22;
	v2 =	vmul.f32 v14, v2  }
0xdb: {  	[tilespmem:s23+$0x10] =	vst v12;
	v9 =	vpop (erf);
	v6 =	vmul.f32 v7, v6  }
0xdc: {  	[tilespmem:s23+$0x0] =	vst v2;
	v2 =	vperm.xlane v9, v1  }
0xdd: {  	v3 =	vunpack.i.l.bf16.f32 v3;
	s22 =	sadd.s32 $0x40, s23;
	[tilespmem:s23+$0xFFFFFFF0] =	vst v10;
	v7 =	vpop (erf)  }
0xde: {  	[tilespmem:s22+$0x10] =	vst v9;
	v2 =	vmul.f32 v2, v3;
	v3 =	vperm.xlane v7, v1  }
0xdf: {  	[tilespmem:s23+$0xFFFFFFE0] =	vst v6;
	v6 =	vpop (erf)  }
0xe0: {  	[tilespmem:s22+$0x0] =	vst v2;
	v2 =	vperm.xlane v6, v1;
	v3 =	vmul.f32 v3, v4  }
0xe1: {  	[tilespmem:s22+$0xFFFFFFF0] =	vst v7;
	v4 =	vunpack.i.l.bf16.f32 v5;
	v5 =	vpop (erf)  }
0xe2: {  	v2 =	vmul.f32 v2, v4;
	[tilespmem:s22+$0xFFFFFFE0] =	vst v3;
	v3 =	vperm.xlane v5, v1;
	s22 =	sadd.s32 $0x40, s22  }
0xe3: {  	v4 =	vunpack.i.l.bf16.f32 v8;
	[tilespmem:s22+$0xFFFFFFF0] =	vst v5  }
0xe4: {  	[tilespmem:s22+$0x0] =	vst v2;
	v2 =	vmul.f32 v3, v4  }
0xe5: {  	p0 =	seq.s32 s10, $0x17;
	[tilespmem:s22+$0x10] =	vst v6  }
0xe6: {  	[tilespmem:s22+$0xFFFFFFE0] =	vst v2;
	s22 =	sadd.s32 @!p0 s7, s17  }
0xe7: {  	[spmem:s2] =	stream.indirect.scatter.add.f32 [tilespmem:s29], [sflag:$0x4], $0x20, s31, s24, $0xb8;
	[tilespmem:$0x7C80] =	vst v63  }
0xe8: {  	s22 =	smul.u32 @!p0 $0xE0, s22;
	_ =	swait.ge [sflag:s15], $0xE0  }
0xe9: {  	[sflag:s15] =	ssyncset.done $0x0  }
0xea: {  	s22 =	sshrl.u32 @!p0 s22, $0x3;
	[sflag:s15] =	ssyncadd.s32 $0xFFFFFF20  }
0xeb: {  	[tilespmem:s30], [sflag:$0x2] =	stream.indirect.gather [hbm4b:s5+s24], $0x10, s12, s24, $0xb8;
	[tilespmem:$0x7C80] =	vst v63  }
0xec: {  	s22 =	sadd.s32 @!p0 s4, s22  }
0xed: {  	[tilespmem:s0], [sflag:$0x2] =	stream.indirect.gather [hbm4b:s6+s24], $0x10, s19, s24, $0xb8;
	[tilespmem:$0x7C80] =	vst v63  }
0xee: {  	s25 =	simm.s32 @!p0 $0x4F00;
	s23 =	simm.s32 @!p0 $0x0;
	s22 =	sadd.s32 @!p0 $0x38, s22  }
0xef: {  	[tilespmem:s25], [sflag:$0x5] =	stream.linear.gather @!p0 [hbm4b:s22+s23], $0xE0, $0x38;
	[tilespmem:$0x7C80] =	vst v63  }
0xf0: {  	_ =	swait.ge [sflag:s21], $0x700  }
0xf1: {  	[sflag:s21] =	ssyncset.done $0x0  }
0xf2: {  	[sflag:s21] =	ssyncadd.s32 $0xFFFFF900  }
0xf3: {  	_ =	swait.ge [sflag:s21], $0x700  }
0xf4: {  	[sflag:s21] =	ssyncset.done $0x0  }
0xf5: {  	[sflag:s21] =	ssyncadd.s32 $0xFFFFF900  }
0xf6: {  	_ =	swait.ge [sflag:s20], $0xE00  }
0xf7: {  	[sflag:s20] =	ssyncset.done $0x0  }
0xf8: {  	s25 =	simm.s32 $0x5290;
	[sflag:s20] =	ssyncadd.s32 $0xFFFFF200  }
0xf9: {  	s26 =	simm.s32 $0x6090;
	v8 =	vld [tilespmem:s25+$0x0]  }
0xfa: {  	v2 =	vld [tilespmem:s26+$0x0];
	_ =	sdelay $0x1  }
0xfb: {  	v4 =	vld [tilespmem:s25+$0xFFFFFFF0]  }
0xfc: {  	v3 =	vld [tilespmem:s26+$0xFFFFFFF0]  }
0xfd: {  	v5 =	vunpack.i.u.bf16.f32 v8  }
0xfe: {  	v5 =	vadd.f32 v5, v2  }
0xff: {  	s25 =	simm.s32 $0x52B0  }
0x100: {  	s26 =	simm.s32 $0x60B0;
	v6 =	vunpack.i.u.bf16.f32 v4;
	v2 =	vld [tilespmem:s25+$0x0];
	v7 =	vmul.f32 $2.000000030e-01, v5  }
0x101: {  	v9 =	vld [tilespmem:s26+$0x0];
	v3 =	vadd.f32 v6, v3;
	vm10 =	vge.f32 v5, $0.0e+00  }
0x102: {  	v6 =	vld [tilespmem:s25+$0xFFFFFFF0];
	v5 =	vsel vm10, v5, v7  }
0x103: {  	v10 =	vmul.f32 $2.000000030e-01, v3;
	v7 =	vld [tilespmem:s26+$0xFFFFFFF0];
	v5 =	vmul.f32 $1.442695020e+00, v5  }
0x104: {  	vm11 =	vge.f32 v3, $0.0e+00  }
0x105: {  	s23 =	simm.s32 $0x52D0;
	v3 =	vsel vm11, v3, v10;
	v11 =	vunpack.i.u.bf16.f32 v2;
	(erf) = vpow2.f32 v5  }
0x106: {  	s25 =	simm.s32 $0x60D0;
	v5 =	vadd.f32 v11, v9;
	v9 =	vmul.f32 $1.442695020e+00, v3;
	v3 =	vld [tilespmem:s23+$0x0]  }
0x107: {  	v10 =	vunpack.i.u.bf16.f32 v6;
	v11 =	vld [tilespmem:s25+$0x0]  }
0x108: {  	v10 =	vadd.f32 v10, v7;
	v12 =	vmul.f32 $2.000000030e-01, v5;
	(erf) = vpow2.f32 v9;
	v9 =	vld [tilespmem:s23+$0xFFFFFFF0]  }
0x109: {  	v13 =	vld [tilespmem:s25+$0xFFFFFFF0];
	vm12 =	vge.f32 v5, $0.0e+00  }
0x10a: {  	v7 =	vunpack.i.l.bf16.f32 v4;
	v4 =	vmul.f32 $2.000000030e-01, v10;
	v5 =	vsel vm12, v5, v12  }
0x10b: {  	vm13 =	vge.f32 v10, $0.0e+00;
	v5 =	vmul.f32 $1.442695020e+00, v5;
	v12 =	vunpack.i.u.bf16.f32 v3  }
0x10c: {  	v4 =	vsel vm13, v10, v4;
	v10 =	vadd.f32 v12, v11  }
0x10d: {  	v11 =	vmul.f32 $1.442695020e+00, v4;
	(erf) = vpow2.f32 v5;
	v12 =	vunpack.i.u.bf16.f32 v9  }
0x10e: {  	s26 =	simm.s32 $0x52F0;
	v4 =	vunpack.i.l.bf16.f32 v9;
	v12 =	vadd.f32 v12, v13;
	v13 =	vmul.f32 $2.000000030e-01, v10;
	v9 =	vpop (erf)  }
0x10f: {  	s23 =	simm.s32 $0x60F0;
	v5 =	vld [tilespmem:s26+$0x0];
	vm14 =	vge.f32 v10, $0.0e+00;
	(erf) = vpow2.f32 v11;
	v11 =	vperm.xlane v9, v1  }
0x110: {  	v8 =	vunpack.i.l.bf16.f32 v8;
	v14 =	vld [tilespmem:s23+$0x0];
	v13 =	vsel vm14, v10, v13  }
0x111: {  	v63 =	vmul.f32 $1.442695020e+00, v13;
	v17 =	vmul.f32 v11, v8;
	v8 =	vld [tilespmem:s26+$0xFFFFFFF0]  }
0x112: {  	v15 =	vmul.f32 $2.000000030e-01, v12;
	v11 =	vld [tilespmem:s23+$0xFFFFFFF0]  }
0x113: {  	vm15 =	vge.f32 v12, $0.0e+00;
	v10 =	vpop (erf);
	(erf) = vpow2.f32 v63  }
0x114: {  	s22 =	simm.s32 $0x6EA0;
	v18 =	vunpack.i.u.bf16.f32 v5;
	v15 =	vsel vm15, v12, v15;
	v13 =	vperm.xlane v10, v1  }
0x115: {  	v6 =	vunpack.i.l.bf16.f32 v6;
	s25 =	simm.s32 $0x6;
	s26 =	simm.s32 $0x5310;
	v12 =	vadd.f32 v18, v14;
	v14 =	vmul.f32 $1.442695020e+00, v15;
	[tilespmem:s22+$0x0] =	vst v17  }
.LBB2_9:
0x116: {  	v15 =	vld [tilespmem:s26+$0x0];
	s25 =	sadd.s32 $0x2, s25;
	v16 =	vunpack.i.u.bf16.f32 v8;
	s23 =	sadd.s32 $0x20, s23;
	[tilespmem:s22+$0xFFFFFFF0] =	vst v10;
	v19 =	vmul.f32 v13, v7;
	v7 =	vmovc v6;
	v6 =	vmovc v4;
	v4 =	vunpack.i.l.bf16.f32 v8  }
0x117: {  	v17 =	vld [tilespmem:s23+$0x0];
	p1 =	slt.u32 s25, $0x6E;
	v13 =	vadd.f32 v16, v11;
	v16 =	vmul.f32 $2.000000030e-01, v12;
	(erf) = vpow2.f32 v14;
	[tilespmem:s22+$0x10] =	vst v9;
	v9 =	vpop (erf)  }
.Ltmp3:
0x118: {  	vm0 =	vge.f32 v12, $0.0e+00;
	v8 =	vld [tilespmem:s26+$0xFFFFFFF0];
	v14 =	vperm.xlane v9, v1;
	[tilespmem:s22+$0xFFFFFFE0] =	vst v19;
	(pc) =	sbr.rel @p1 .LBB2_9-.Ltmp3, $4  }
0x119: {  	v20 =	vunpack.i.l.bf16.f32 v2;
	v11 =	vld [tilespmem:s23+$0xFFFFFFF0];
	v18 =	vmul.f32 $2.000000030e-01, v13;
	v12 =	vsel vm0, v12, v16;
	v10 =	vpop (erf)  }
0x11a: {  	v2 =	vmovc v3;
	v3 =	vmovc v5;
	vm0 =	vge.f32 v13, $0.0e+00;
	v16 =	vmul.f32 $1.442695020e+00, v12;
	v19 =	vmul.f32 v14, v20  }
0x11b: {  	s22 =	sadd.s32 $0x40, s22;
	v12 =	vunpack.i.u.bf16.f32 v15;
	v14 =	vsel vm0, v13, v18;
	v13 =	vperm.xlane v10, v1;
	v5 =	vmovc v15  }
0x11c: {  	s26 =	sadd.s32 $0x20, s26;
	v12 =	vadd.f32 v12, v17;
	v14 =	vmul.f32 $1.442695020e+00, v14;
	(erf) = vpow2.f32 v16;
	[tilespmem:s22+$0x0] =	vst v19  }
0x11d: {  	_ = 	snop  }
0x11e: {  	v15 =	vunpack.i.u.bf16.f32 v8;
	v16 =	vmul.f32 $2.000000030e-01, v12  }
0x11f: {  	v11 =	vadd.f32 v15, v11;
	vm0 =	vge.f32 v12, $0.0e+00  }
0x120: {  	v12 =	vsel vm0, v12, v16  }
0x121: {  	v15 =	vmul.f32 $2.000000030e-01, v11;
	v12 =	vmul.f32 $1.442695020e+00, v12  }
0x122: {  	(erf) = vpow2.f32 v14;
	vm9 =	vge.f32 v11, $0.0e+00  }
0x123: {  	v11 =	vsel vm9, v11, v15  }
0x124: {  	(erf) = vpow2.f32 v12;
	v11 =	vmul.f32 $1.442695020e+00, v11  }
0x125: {  	v7 =	vmul.f32 v13, v7;
	v12 =	vpop (erf)  }
0x126: {  	[tilespmem:s22+$0xFFFFFFF0] =	vst v10;
	(erf) = vpow2.f32 v11;
	v14 =	vperm.xlane v12, v1;
	v10 =	vpop (erf)  }
0x127: {  	v2 =	vunpack.i.l.bf16.f32 v2;
	[tilespmem:s22+$0xFFFFFFE0] =	vst v7;
	v7 =	vperm.xlane v10, v1  }
0x128: {  	[tilespmem:s22+$0x10] =	vst v9;
	s26 =	sadd.s32 $0x40, s22;
	v2 =	vmul.f32 v14, v2  }
0x129: {  	[tilespmem:s26+$0x10] =	vst v12;
	v9 =	vpop (erf);
	v6 =	vmul.f32 v7, v6  }
0x12a: {  	[tilespmem:s26+$0x0] =	vst v2;
	v2 =	vperm.xlane v9, v1  }
0x12b: {  	v3 =	vunpack.i.l.bf16.f32 v3;
	s22 =	sadd.s32 $0x40, s26;
	[tilespmem:s26+$0xFFFFFFF0] =	vst v10;
	v7 =	vpop (erf)  }
0x12c: {  	[tilespmem:s22+$0x10] =	vst v9;
	v2 =	vmul.f32 v2, v3;
	v3 =	vperm.xlane v7, v1  }
0x12d: {  	[tilespmem:s26+$0xFFFFFFE0] =	vst v6;
	v6 =	vpop (erf)  }
0x12e: {  	[tilespmem:s22+$0x0] =	vst v2;
	v2 =	vperm.xlane v6, v1;
	v3 =	vmul.f32 v3, v4  }
0x12f: {  	[tilespmem:s22+$0xFFFFFFF0] =	vst v7;
	v4 =	vunpack.i.l.bf16.f32 v5;
	v5 =	vpop (erf)  }
0x130: {  	v2 =	vmul.f32 v2, v4;
	[tilespmem:s22+$0xFFFFFFE0] =	vst v3;
	v3 =	vperm.xlane v5, v1;
	s22 =	sadd.s32 $0x40, s22  }
0x131: {  	v4 =	vunpack.i.l.bf16.f32 v8;
	[tilespmem:s22+$0xFFFFFFF0] =	vst v5  }
0x132: {  	[tilespmem:s22+$0x0] =	vst v2;
	v2 =	vmul.f32 v3, v4  }
0x133: {  	[tilespmem:s22+$0x10] =	vst v6  }
0x134: {  	s7 =	sadd.s32 @!p0 s7, s18;
	[tilespmem:s22+$0xFFFFFFE0] =	vst v2;
	s22 =	simm.s32 @!p0 $0x5  }
0x135: {  	[spmem:s2] =	stream.indirect.scatter.add.f32 [tilespmem:s29], [sflag:$0x3], $0x20, s11, s24, $0xb8;
	[tilespmem:$0x7C80] =	vst v63  }
0x136: {  	s7 =	smul.u32 @!p0 $0xE0, s7;
	_ =	swait.ge @!p0 [sflag:s22], $0xE0  }
0x137: {  	s23 =	simm.s32 @!p0 $0x4F00;
	s25 =	simm.s32 @!p0 $0x5280;
	[sflag:s22] =	ssyncset.done @!p0 $0x0  }
0x138: {  	s7 =	sshrl.u32 @!p0 s7, $0x3;
	[sflag:s22] =	ssyncadd.s32 @!p0 $0xFFFFFF20;
	s22 =	simm.s32 @!p0 $0x70  }
0x139: {  	[tilespmem:s25], [sflag:$0x1] =	stream.indirect.gather @!p0 [hbm4b:s5+s22], $0x10, s23, s22, $0xb8;
	[tilespmem:$0x7C80] =	vst v63  }
0x13a: {  	s7 =	sadd.s32 @!p0 s4, s7;
	s23 =	simm.s32 @!p0 $0x4F70;
	s25 =	simm.s32 @!p0 $0x6080  }
0x13b: {  	[tilespmem:s25], [sflag:$0x1] =	stream.indirect.gather @!p0 [hbm4b:s6+s22], $0x10, s23, s22, $0xb8;
	[tilespmem:$0x7C80] =	vst v63  }
0x13c: {  	s7 =	sadd.s32 @!p0 $0x38, s7;
	s22 =	simm.s32 @!p0 $0x0;
	s23 =	simm.s32 @!p0 $0x4FE0  }
0x13d: {  	[tilespmem:s23], [sflag:$0x6] =	stream.linear.gather @!p0 [hbm4b:s7+s22], $0xE0, $0x38;
	[tilespmem:$0x7C80] =	vst v63  }
0x13e: {  	_ =	swait.ge [sflag:s13], $0x700  }
0x13f: {  	[sflag:s13] =	ssyncset.done $0x0  }
0x140: {  	[sflag:s13] =	ssyncadd.s32 $0xFFFFF900  }
0x141: {  	_ =	swait.ge [sflag:s13], $0x700  }
0x142: {  	[sflag:s13] =	ssyncset.done $0x0  }
0x143: {  	[sflag:s13] =	ssyncadd.s32 $0xFFFFF900  }
0x144: {  	_ =	swait.ge [sflag:s14], $0xE00  }
0x145: {  	[sflag:s14] =	ssyncset.done $0x0  }
0x146: {  	s22 =	simm.s32 $0x5990;
	[sflag:s14] =	ssyncadd.s32 $0xFFFFF200  }
0x147: {  	s23 =	simm.s32 $0x6790;
	v8 =	vld [tilespmem:s22+$0x0]  }
0x148: {  	v2 =	vld [tilespmem:s23+$0x0];
	_ =	sdelay $0x1  }
0x149: {  	v4 =	vld [tilespmem:s22+$0xFFFFFFF0]  }
0x14a: {  	v3 =	vld [tilespmem:s23+$0xFFFFFFF0]  }
0x14b: {  	v5 =	vunpack.i.u.bf16.f32 v8  }
0x14c: {  	v5 =	vadd.f32 v5, v2  }
0x14d: {  	s25 =	simm.s32 $0x59B0  }
0x14e: {  	s26 =	simm.s32 $0x67B0;
	v6 =	vunpack.i.u.bf16.f32 v4;
	v2 =	vld [tilespmem:s25+$0x0];
	v7 =	vmul.f32 $2.000000030e-01, v5  }
0x14f: {  	v9 =	vld [tilespmem:s26+$0x0];
	v3 =	vadd.f32 v6, v3;
	vm10 =	vge.f32 v5, $0.0e+00  }
0x150: {  	v6 =	vld [tilespmem:s25+$0xFFFFFFF0];
	v5 =	vsel vm10, v5, v7  }
0x151: {  	v10 =	vmul.f32 $2.000000030e-01, v3;
	v7 =	vld [tilespmem:s26+$0xFFFFFFF0];
	v5 =	vmul.f32 $1.442695020e+00, v5  }
0x152: {  	vm11 =	vge.f32 v3, $0.0e+00  }
0x153: {  	s23 =	simm.s32 $0x59D0;
	v3 =	vsel vm11, v3, v10;
	v11 =	vunpack.i.u.bf16.f32 v2;
	(erf) = vpow2.f32 v5  }
0x154: {  	s25 =	simm.s32 $0x67D0;
	v5 =	vadd.f32 v11, v9;
	v9 =	vmul.f32 $1.442695020e+00, v3;
	v3 =	vld [tilespmem:s23+$0x0]  }
0x155: {  	v10 =	vunpack.i.u.bf16.f32 v6;
	v11 =	vld [tilespmem:s25+$0x0]  }
0x156: {  	v10 =	vadd.f32 v10, v7;
	v12 =	vmul.f32 $2.000000030e-01, v5;
	(erf) = vpow2.f32 v9;
	v9 =	vld [tilespmem:s23+$0xFFFFFFF0]  }
0x157: {  	v13 =	vld [tilespmem:s25+$0xFFFFFFF0];
	vm12 =	vge.f32 v5, $0.0e+00  }
0x158: {  	v7 =	vunpack.i.l.bf16.f32 v4;
	v4 =	vmul.f32 $2.000000030e-01, v10;
	v5 =	vsel vm12, v5, v12  }
0x159: {  	vm13 =	vge.f32 v10, $0.0e+00;
	v5 =	vmul.f32 $1.442695020e+00, v5;
	v12 =	vunpack.i.u.bf16.f32 v3  }
0x15a: {  	v4 =	vsel vm13, v10, v4;
	v10 =	vadd.f32 v12, v11  }
0x15b: {  	v11 =	vmul.f32 $1.442695020e+00, v4;
	(erf) = vpow2.f32 v5;
	v12 =	vunpack.i.u.bf16.f32 v9  }
0x15c: {  	s26 =	simm.s32 $0x59F0;
	v4 =	vunpack.i.l.bf16.f32 v9;
	v12 =	vadd.f32 v12, v13;
	v13 =	vmul.f32 $2.000000030e-01, v10;
	v9 =	vpop (erf)  }
0x15d: {  	s22 =	simm.s32 $0x67F0;
	v5 =	vld [tilespmem:s26+$0x0];
	vm14 =	vge.f32 v10, $0.0e+00;
	(erf) = vpow2.f32 v11;
	v11 =	vperm.xlane v9, v1  }
0x15e: {  	v14 =	vld [tilespmem:s22+$0x0];
	v8 =	vunpack.i.l.bf16.f32 v8;
	v13 =	vsel vm14, v10, v13  }
0x15f: {  	v63 =	vmul.f32 $1.442695020e+00, v13;
	v17 =	vmul.f32 v11, v8;
	v8 =	vld [tilespmem:s26+$0xFFFFFFF0]  }
0x160: {  	v15 =	vmul.f32 $2.000000030e-01, v12;
	v11 =	vld [tilespmem:s22+$0xFFFFFFF0]  }
0x161: {  	vm15 =	vge.f32 v12, $0.0e+00;
	v10 =	vpop (erf);
	(erf) = vpow2.f32 v63  }
0x162: {  	s7 =	simm.s32 $0x6EA0;
	v18 =	vunpack.i.u.bf16.f32 v5;
	v15 =	vsel vm15, v12, v15;
	v13 =	vperm.xlane v10, v1  }
0x163: {  	v6 =	vunpack.i.l.bf16.f32 v6;
	s25 =	simm.s32 $0x5A10;
	s23 =	simm.s32 $0x6;
	v12 =	vadd.f32 v18, v14;
	v14 =	vmul.f32 $1.442695020e+00, v15;
	[tilespmem:s7+$0x0] =	vst v17  }
.LBB2_11:
0x164: {  	v15 =	vld [tilespmem:s25+$0x0];
	s23 =	sadd.s32 $0x2, s23;
	v16 =	vunpack.i.u.bf16.f32 v8;
	s22 =	sadd.s32 $0x20, s22;
	[tilespmem:s7+$0xFFFFFFF0] =	vst v10;
	v19 =	vmul.f32 v13, v7;
	v7 =	vmovc v6;
	v6 =	vmovc v4;
	v4 =	vunpack.i.l.bf16.f32 v8  }
0x165: {  	v17 =	vld [tilespmem:s22+$0x0];
	p0 =	slt.u32 s23, $0x6E;
	v13 =	vadd.f32 v16, v11;
	v16 =	vmul.f32 $2.000000030e-01, v12;
	(erf) = vpow2.f32 v14;
	[tilespmem:s7+$0x10] =	vst v9;
	v9 =	vpop (erf)  }
.Ltmp4:
0x166: {  	vm0 =	vge.f32 v12, $0.0e+00;
	v8 =	vld [tilespmem:s25+$0xFFFFFFF0];
	v14 =	vperm.xlane v9, v1;
	[tilespmem:s7+$0xFFFFFFE0] =	vst v19;
	(pc) =	sbr.rel @p0 .LBB2_11-.Ltmp4, $4  }
0x167: {  	v20 =	vunpack.i.l.bf16.f32 v2;
	v11 =	vld [tilespmem:s22+$0xFFFFFFF0];
	v18 =	vmul.f32 $2.000000030e-01, v13;
	v12 =	vsel vm0, v12, v16;
	v10 =	vpop (erf)  }
0x168: {  	v2 =	vmovc v3;
	v3 =	vmovc v5;
	vm0 =	vge.f32 v13, $0.0e+00;
	v16 =	vmul.f32 $1.442695020e+00, v12;
	v19 =	vmul.f32 v14, v20  }
0x169: {  	s7 =	sadd.s32 $0x40, s7;
	v12 =	vunpack.i.u.bf16.f32 v15;
	v14 =	vsel vm0, v13, v18;
	v13 =	vperm.xlane v10, v1;
	v5 =	vmovc v15  }
0x16a: {  	s25 =	sadd.s32 $0x20, s25;
	v12 =	vadd.f32 v12, v17;
	v14 =	vmul.f32 $1.442695020e+00, v14;
	(erf) = vpow2.f32 v16;
	[tilespmem:s7+$0x0] =	vst v19  }
0x16b: {  	v15 =	vunpack.i.u.bf16.f32 v8  }
0x16c: {  	v16 =	vmul.f32 $2.000000030e-01, v12;
	v11 =	vadd.f32 v15, v11  }
0x16d: {  	vm0 =	vge.f32 v12, $0.0e+00  }
0x16e: {  	v12 =	vsel vm0, v12, v16;
	v15 =	vmul.f32 $2.000000030e-01, v11  }
0x16f: {  	(erf) = vpow2.f32 v14;
	vm15 =	vge.f32 v11, $0.0e+00;
	v12 =	vmul.f32 $1.442695020e+00, v12  }
0x170: {  	v11 =	vsel vm15, v11, v15  }
0x171: {  	(erf) = vpow2.f32 v12;
	v11 =	vmul.f32 $1.442695020e+00, v11  }
0x172: {  	v54 =	vpop (erf)  }
0x173: {  	[tilespmem:s7+$0xFFFFFFF0] =	vst v10;
	v55 =	vperm.xlane v54, v1;
	(erf) = vpow2.f32 v11  }
0x174: {  	v7 =	vmul.f32 v13, v7;
	v2 =	vunpack.i.l.bf16.f32 v2;
	[tilespmem:s7+$0x10] =	vst v9;
	s26 =	sadd.s32 $0x40, s7;
	v56 =	vpop (erf)  }
0x175: {  	[tilespmem:s26+$0x10] =	vst v54;
	v2 =	vmul.f32 v55, v2;
	v57 =	vperm.xlane v56, v1  }
0x176: {  	[tilespmem:s7+$0xFFFFFFE0] =	vst v7;
	v58 =	vpop (erf)  }
0x177: {  	[tilespmem:s26+$0x0] =	vst v2;
	v6 =	vmul.f32 v57, v6;
	v2 =	vperm.xlane v58, v1  }
0x178: {  	v3 =	vunpack.i.l.bf16.f32 v3;
	[tilespmem:s26+$0xFFFFFFF0] =	vst v56;
	v59 =	vpop (erf)  }
0x179: {  	s7 =	sadd.s32 $0x40, s26;
	[tilespmem:s26+$0xFFFFFFE0] =	vst v6;
	v2 =	vmul.f32 v2, v3;
	v3 =	vperm.xlane v59, v1  }
0x17a: {  	[tilespmem:s7+$0x10] =	vst v58;
	v60 =	vpop (erf)  }
0x17b: {  	[tilespmem:s7+$0x0] =	vst v2;
	v3 =	vmul.f32 v3, v4;
	v2 =	vperm.xlane v60, v1  }
0x17c: {  	v61 =	vunpack.i.l.bf16.f32 v5;
	s10 =	sadd.s32 $0x1, s10;
	[tilespmem:s7+$0xFFFFFFF0] =	vst v59;
	v62 =	vpop (erf)  }
0x17d: {  	p0 =	sne.s32 s10, $0x18;
	[tilespmem:s7+$0xFFFFFFE0] =	vst v3;
	s7 =	sadd.s32 $0x40, s7;
	v2 =	vmul.f32 v2, v61;
	v3 =	vperm.xlane v62, v1  }
.Ltmp5:
0x17e: {  	v63 =	vunpack.i.l.bf16.f32 v8;
	[tilespmem:s7+$0x10] =	vst v60;
	(pc) =	sbr.rel @p0 .LBB2_4-.Ltmp5, $4  }
0x17f: {  	[tilespmem:s7+$0x0] =	vst v2;
	v2 =	vmul.f32 v3, v63  }
0x180: {  	[tilespmem:s7+$0xFFFFFFF0] =	vst v62  }
0x181: {  	[tilespmem:s7+$0xFFFFFFE0] =	vst v2  }
0x182: {  	[spmem:s2] =	stream.indirect.scatter.add.f32 [tilespmem:s29], [sflag:$0x4], $0x20, s19, s24, $0xb8;
	[tilespmem:$0x7C80] =	vst v63  }
0x183: {  	_ =	swait.ge [sflag:s20], $0xE00  }
0x184: {  	[sflag:s20] =	ssyncset.done $0x0  }
0x185: {  	[sflag:s20] =	ssyncadd.s32 $0xFFFFF200  }
0x186: {  	s7 =	stileid.u32;
	[bflag:$0x0] =	sbarrier.arrive $0xFFFF  }
0x187: {  	s7 =	sshll.u32 s7, $0x6;
	s22 =	rddreg [dreg:$0x5]  }
0x188: {  	s7 =	sor.u32 $0x1C07, s7;
	s23 =	rddreg [dreg:$0xb];
	s10 =	sshrl.u32 s22, $0x3  }
0x189: {  	[hbm:s23], [sflag:s7] =	dma.local [spmem:s10], $0x9E0  }
0x18a: {  	s23 =	simm.s32 $0x7  }
0x18b: {  	_ =	swait.ge [sflag:s23], $0x9E0  }
0x18c: {  	s25 =	rddreg [dreg:$0xd]  }
0x18d: {  	s26 =	rddreg [dreg:$0xc];
	s10 =	sadd.s32 $0x1, s25  }
0x18e: {  	p0 =	sne.s32 s10, s26  }
.Ltmp6:
0x18f: {  	_ = 	snop;
	(pc) =	sbr.rel @p0 .LBB2_1-.Ltmp6, $3  }
0x190: {  	_ =	sdelay $0x1  }
0x191: {  	[sflag:s23] =	ssyncset.done $0x0  }
0x192: {  	[sflag:s23] =	ssyncadd.s32 $0xFFFFF620  }
0x193: {  	_ =	sfence.sel $0x180000  }
0x194: {  	[bflag:$0x0] =	sbarrier.arrive $0xFFFF  }
0x195: {  	_ =	strace $0x9000004A  }
0x196: {  	s0 =	stileid.u32;
	[bflag:$0x2] =	sbarrier.arrive $0xFFFF  }
0x197: {  	p0 =	sne.s32 s0, $0x0;
	s0 =	rddreg [dreg:$0x2]  }
0x198: {  	s0 =	sadd.s32 @!p0 $0x100000, s0  }
0x199: {  	[sflag:s0] =	ssyncadd.tile.s32 @!p0 $0x1;
	_ =	shalt  }
.Lfunc_end2:
_tile_overlayer_lowered:
.L_overlay_start_2:
0x19a: {  	(tag) =	ssettag $0x2  }
0x19b: {  	s0 =	rddreg [dreg:$0x0];
	s2 =	stileid.u32  }
0x19c: {  	s1 =	rddreg [dreg:$0x1];
	p0 =	sne.s32 s2, $0x0  }
0x19d: {  	s3 =	rddreg [dreg:$0x2];
	[bflag:$0x3] =	sbarrier.arrive $0xFFFF;
	s2 =	simm.s32 @!p0 $0x1C07  }
0x19e: {  	[timem:s3], [sflag:s2] =	dma.local @!p0 [hbm:s0], s1  }
0x19f: {  	s0 =	simm.s32 @!p0 $0x7  }
0x1a0: {  	_ =	swait.ge @!p0 [sflag:s0], s1  }
0x1a1: {  	s1 =	ssub.s32 @!p0 $0x0, s1;
	[sflag:s0] =	ssyncset.done @!p0 $0x0  }
0x1a2: {  	[sflag:s0] =	ssyncadd.s32 @!p0 s1  }
0x1a3: {  	[bflag:$0x3] =	sbarrier.arrive $0xFFFF  }
0x1a4: {  	_ =	shalt  }

// kernel: kernel.7.cloned.1.call-start
scs
__scs_entry_jumppad:
0x0: {  	(pc) =	sbr.rel $0x88, $3  }
0x1: {  	(tag) =	ssettag $0x0;
	lr =	simm.s32 $0x1  }
0x2: {  	[smem:$0x3F95] =	sst lr;
	_ =	strace $0xD0000000  }
0x3: {  	_ = 	snop  }
0x4: {  	_ = 	snop  }
0x5: {  	_ = 	snop  }
0x6: {  	_ = 	snop  }
0x7: {  	_ = 	snop  }
__scs_overlays_trampoline_lowered:
0x8: {  	[smem:$0x3FA4] =	sst s0  }
0x9: {  	[smem:$0x3FA5] =	sst s1  }
0xa: {  	[smem:$0x3FA6] =	sst s2  }
0xb: {  	[smem:$0x3FA7] =	sst s3  }
0xc: {  	[smem:$0x3FA8] =	sst s4  }
0xd: {  	[smem:$0x3FA9] =	sst s5  }
0xe: {  	[smem:$0x3FAA] =	sst s6  }
0xf: {  	[smem:$0x3FAB] =	sst s7  }
0x10: {  	[smem:$0x3FAC] =	sst s8  }
0x11: {  	[smem:$0x3FAD] =	sst s9;
	s0 =	simm.s32 @!p0 $0x0  }
0x12: {  	s1 =	sld [smem:$0x3F93];
	s0 =	simm.s32 @p0 $0x1  }
0x13: {  	[smem:$0x3FAE] =	sst s0;
	s0 =	simm.s32 @!p1 $0x0  }
0x14: {  	s2 =	sld [smem:$0x3F92];
	s0 =	simm.s32 @p1 $0x1  }
0x15: {  	[smem:$0x3FAF] =	sst s0;
	s0 =	simm.s32 @!p2 $0x0  }
0x16: {  	s3 =	sld [smem:$0x3FDB];
	s0 =	simm.s32 @p2 $0x1  }
0x17: {  	s4 =	simm.s32 $0x1BF5;
	[smem:$0x3FB1] =	sst s0  }
0x18: {  	s0 =	sld [smem:$0x3F94];
	_ =	swait.ge [sflag:s4], $0x0  }
0x19: {  	s7 =	sld [smem:$0x3F95]  }
0x1a: {  	s8 =	sadd.s32 $0xFFFFE003, lr  }
0x1b: {  	s9 =	sadd.s32 $0xFFFFFEF7, lr;
	s5 =	simm.s32 $0xFFFFFFFF;
	p2 =	slt.u32 s8, $0xFFFFF086  }
0x1c: {  	p1 =	slt.u32 s9, $0xF7A;
	s5 =	simm.s32 @!p2 $0x0  }
0x1d: {  	s5 =	simm.s32 @p1 $0x1;
	p0 =	seq.s32 s7, s2  }
0x1e: {  	s7 =	smul.u32 @!p0 $0xF7A, s2;
	p2 =	seq.s32 @!p0 s5, $0x0  }
0x1f: {  	s9 =	smul.u32 $0xF7A, s1;
	s8 =	simm.s32 @!p0 $0x1BF5;
	p2 =	por !p2, p0  }
0x20: {  	[sflag:s8] =	ssyncset.s32 @!p0 $0xFFFFF086;
	s6 =	sadd.s32 @!p0 s3, s7;
	s7 =	simm.s32 @!p0 $0x108  }
0x21: {  	s3 =	sadd.s32 s3, s9;
	s6 =	sadd.s32 @!p0 $0x88, s6;
	s7 =	simm.s32 @p2 $0x1082  }
0x22: {  	[simem:s7], [sflag:s8] =	dma.local @!p0 [hbm:s6], $0xF7A  }
0x23: {  	s9 =	sor.u32 $0xD0000000, s2;
	s6 =	simm.s32 $0x108;
	_ =	swait.ge @!p0 [sflag:s8], $0x0  }
0x24: {  	s3 =	sadd.s32 $0x88, s3;
	s6 =	simm.s32 @!p1 $0x1082;
	[sflag:s4] =	ssyncset.s32 $0xFFFFF086  }
0x25: {  	[simem:s6], [sflag:s4] =	dma.local [hbm:s3], $0xF7A  }
0x26: {  	[smem:$0x3F95] =	sst s1;
	(tag) =	ssettag s2;
	_ =	strace s9  }
0x27: {  	s1 =	sld [smem:$0x3FA5]  }
0x28: {  	s2 =	sld [smem:$0x3FA6]  }
0x29: {  	s4 =	sld [smem:$0x3FA8]  }
0x2a: {  	p0 =	seq.s32 s5, $0x0;
	s5 =	sld [smem:$0x3FA9]  }
0x2b: {  	s6 =	sld [smem:$0x3FAA]  }
0x2c: {  	s7 =	sld [smem:$0x3FAB]  }
0x2d: {  	s3 =	simm.s32 $0x108;
	s8 =	sld [smem:$0x3FAC]  }
0x2e: {  	s3 =	simm.s32 @!p0 $0x1082;
	s9 =	sld [smem:$0x3FAD]  }
0x2f: {  	lr =	sadd.s32 s0, s3;
	s0 =	sld [smem:$0x3FA4]  }
0x30: {  	s3 =	sld [smem:$0x3FA7]  }
0x31: {  	[smem:$0x3FB0] =	sst s10  }
0x32: {  	s10 =	sld [smem:$0x3FAE];
	_ =	sdelay $0x3  }
0x33: {  	p0 =	seq.s32 s10, $0x1;
	s10 =	sld [smem:$0x3FB0];
	_ =	sdelay $0x3  }
0x34: {  	[smem:$0x3FB0] =	sst s10  }
0x35: {  	s10 =	sld [smem:$0x3FAF];
	_ =	sdelay $0x3  }
0x36: {  	p1 =	seq.s32 s10, $0x1;
	s10 =	sld [smem:$0x3FB0];
	_ =	sdelay $0x3  }
0x37: {  	[smem:$0x3FB0] =	sst s10  }
0x38: {  	s10 =	sld [smem:$0x3FB1]  }
0x39: {  	_ = 	snop;
	(pc) =	sbr.ind lr, $3  }
0x3a: {  	_ = 	snop  }
0x3b: {  	_ = 	snop  }
0x3c: {  	p2 =	seq.s32 s10, $0x1;
	s10 =	sld [smem:$0x3FB0]  }
0x3d: {  	_ =	shalt  }
0x3e: {  	_ =	shalt  }
0x3f: {  	_ =	shalt  }
0x40: {  	_ =	shalt  }
0x41: {  	_ =	shalt  }
0x42: {  	_ =	shalt  }
0x43: {  	_ =	shalt  }
0x44: {  	_ =	shalt  }
0x45: {  	_ =	shalt  }
0x46: {  	_ =	shalt  }
0x47: {  	_ =	shalt  }
0x48: {  	_ =	shalt  }
0x49: {  	_ =	shalt  }
0x4a: {  	_ =	shalt  }
0x4b: {  	_ =	shalt  }
0x4c: {  	_ =	shalt  }
0x4d: {  	_ =	shalt  }
0x4e: {  	_ =	shalt  }
0x4f: {  	_ =	shalt  }
0x50: {  	_ =	shalt  }
0x51: {  	_ =	shalt  }
0x52: {  	_ =	shalt  }
0x53: {  	_ =	shalt  }
0x54: {  	_ =	shalt  }
0x55: {  	_ =	shalt  }
0x56: {  	_ =	shalt  }
0x57: {  	_ =	shalt  }
0x58: {  	_ =	shalt  }
0x59: {  	_ =	shalt  }
0x5a: {  	_ =	shalt  }
0x5b: {  	_ =	shalt  }
0x5c: {  	_ =	shalt  }
0x5d: {  	_ =	shalt  }
0x5e: {  	_ =	shalt  }
0x5f: {  	_ =	shalt  }
0x60: {  	_ =	shalt  }
0x61: {  	_ =	shalt  }
0x62: {  	_ =	shalt  }
0x63: {  	_ =	shalt  }
0x64: {  	_ =	shalt  }
0x65: {  	_ =	shalt  }
0x66: {  	_ =	shalt  }
0x67: {  	_ =	shalt  }
0x68: {  	_ =	shalt  }
0x69: {  	_ =	shalt  }
0x6a: {  	_ =	shalt  }
0x6b: {  	_ =	shalt  }
0x6c: {  	_ =	shalt  }
0x6d: {  	_ =	shalt  }
0x6e: {  	_ =	shalt  }
0x6f: {  	_ =	shalt  }
0x70: {  	_ =	shalt  }
0x71: {  	_ =	shalt  }
0x72: {  	_ =	shalt  }
0x73: {  	_ =	shalt  }
0x74: {  	_ =	shalt  }
0x75: {  	_ =	shalt  }
0x76: {  	_ =	shalt  }
0x77: {  	_ =	shalt  }
0x78: {  	_ =	shalt  }
0x79: {  	_ =	shalt  }
0x7a: {  	_ =	shalt  }
0x7b: {  	_ =	shalt  }
0x7c: {  	_ =	shalt  }
0x7d: {  	_ =	shalt  }
0x7e: {  	_ =	shalt  }
0x7f: {  	_ =	shalt  }
0x80: {  	_ =	shalt  }
0x81: {  	_ =	shalt  }
0x82: {  	_ =	shalt  }
0x83: {  	_ =	shalt  }
0x84: {  	_ =	shalt  }
0x85: {  	_ =	shalt  }
0x86: {  	_ =	shalt  }
0x87: {  	_ =	shalt  }
.Lfunc_end0:
.L_simem_size_0:
called_computation_lowered:
.L_overlay_start_0:
0x88: {  	s2 =	sld [smem:$0x3FD9]  }
0x89: {  	s3 =	sld [smem:$0x3FFE];
	_ =	sdelay $0x1  }
0x8a: {  	s1 =	srdreg.scid  }
0x8b: {  	s0 =	sand.u32 $0x1, s1  }
0x8c: {  	s16 =	sshll.u32 s0, $0xA;
	s2 =	sadd.s32 s3, s2  }
0x8d: {  	s2 =	sadd.s32 s2, s16  }
0x8e: {  	[smem:$0x3FBC] =	sst s2  }
0x8f: {  	_ = 	snop  }
0x90: {  	(tm) =	ssettm $0x1  }
0x91: {  	s17 =	sld [smem:$0x3FFB];
	_ =	sdelay $0x3  }
0x92: {  	_ =	strace s17  }
0x93: {  	s2 =	sld [smem:$0x3FFC];
	_ =	sdelay $0x3  }
0x94: {  	_ =	strace s2  }
0x95: {  	s2 =	sld [smem:$0x3FFD];
	_ =	sdelay $0x3  }
0x96: {  	_ =	strace s2  }
0x97: {  	_ =	strace $0x8FFFFFFF  }
0x98: {  	s18 =	sld [smem:$0x3FDB];
	_ =	sdelay $0x1  }
0x99: {  	s19 =	simm.s32 $_scs_section_size  }
0x9a: {  	s4 =	simm.s32 $_size__tile_overlayer_lowered;
	s5 =	simm.s32 $_tile_overlayer_lowered  }
0x9b: {  	s22 =	simm.s32 $0x1BFF;
	s21 =	sshll.u32 s5, $0x1;
	s2 =	sadd.s32 s19, s18  }
0x9c: {  	s6 =	simm.s32 $0x0;
	s20 =	sshll.u32 s4, $0x1;
	s4 =	sadd.s32 s21, s2  }
0x9d: {  	[timem:s6], [sflag:s22] =	dma.local [hbm:s4], s20  }
0x9e: {  	_ =	swait.ge [sflag:s22], s20  }
0x9f: {  	s3 =	ssub.s32 $0x0, s20;
	[sflag:s22] =	ssyncset.done $0x0  }
0xa0: {  	[sflag:s22] =	ssyncadd.s32 s3;
	_ =	sdelay $0x1  }
0xa1: {  	s23 =	simm.s32 $0x1B8B  }
0xa2: {  	_ =	swait.ge [sflag:s23], $0x1  }
0xa3: {  	[sflag:s23] =	ssyncset.done $0x0  }
0xa4: {  	s25 =	simm.s32 $0x1B8E;
	s24 =	sld [smem:$0x3FFE];
	[sflag:s23] =	ssyncadd.s32 $0xFFFFFFFF  }
0xa5: {  	s26 =	simm.s32 $execute0_lowered;
	[smem:$0x3FD2] =	sst s25  }
0xa6: {  	s4 =	sshll.u32 s26, $0x1;
	_ =	strace $0x80000046;
	[dreg:$0x1] =	wrdreg $0xFFFFFFFF  }
0xa7: {  	s28 =	simm.s32 $_size_execute0_lowered;
	s2 =	sadd.s32 s2, s4;
	[dreg:$0x0] =	wrdreg $0x0  }
0xa8: {  	s4 =	sshll.u32 s28, $0x1;
	[dreg:$0x2] =	wrdreg s2  }
0xa9: {  	[dreg:$0x3] =	wrdreg s4  }
0xaa: {  	[dreg:$0x4] =	wrdreg $0xC0  }
0xab: {  	_ =	task [dreg:s6], $0x5FFFF  }
0xac: {  	[dreg:$0x1] =	wrdreg $0xFFFFFFFF  }
0xad: {  	[dreg:$0x0] =	wrdreg $0x60  }
0xae: {  	[dreg:$0x2] =	wrdreg s24  }
0xaf: {  	[dreg:$0x3] =	wrdreg $0x0  }
0xb0: {  	[dreg:$0x4] =	wrdreg $0x9  }
0xb1: {  	_ =	task.clear_ibuf [dreg:s6], $0x5FFFF;
	_ =	strace $0x90000046  }
0xb2: {  	s29 =	simm.s32 $0x9;
	_ =	strace $0x80000048  }
0xb3: {  	_ =	swait.ge [sflag:s29], $0x1  }
0xb4: {  	[sflag:s29] =	ssyncadd.s32 $0xFFFFFFFF  }
0xb5: {  	_ =	strace $0x90000048  }
0xb6: {  	_ =	sfence  }
0xb7: {  	s30 =	sld [smem:$0x0];
	_ =	sdelay $0x2  }
0xb8: {  	s31 =	sshll.u32 s1, $0xD;
	s1 =	sshrl.u32 s1, $0x2  }
0xb9: {  	s3 =	sand.u32 $0x4000, s31;
	s1 =	sadd.s32 s1, s30  }
0xba: {  	s0 =	sor.u32 s3, s0;
	s1 =	sshll.u32 s1, $0x11  }
0xbb: {  	s0 =	sor.u32 s1, s0  }
0xbc: {  	s0 =	sadd.s32 $0x8F2B, s0  }
0xbd: {  	[sflag:s0] =	ssyncadd.remote.s32 $0x1  }
0xbe: {  	_ =	sfence.sel $0xFFFF  }
0xbf: {  	[dreg:$0x0] =	wrdreg $0xFFFFFFFF;
	(pc) =	sbr.abs _section_cstart, $3  }
0xc0: {  	[dreg:$0x1] =	wrdreg $0xFFFFFFFF  }
0xc1: {  	_ =	task.clear_ibuf [dreg:s6], $0x2FFFF;
	_ =	strace $0x9FFFFFFF  }
0xc2: {  	(tm) =	ssettm $0x7FFFFFFF  }
0xc3: {  	_ =	shalt  }
tec
execute0_lowered:
.L_overlay_start_1:
0x0: {  	(tag) =	ssettag $0x1  }
0x1: {  	s0 =	rddreg [dreg:$0x0]  }
0x2: {  	s2 =	rddreg [dreg:$0x1];
	s1 =	srdreg.scid  }
0x3: {  	s11 =	stileid.u32;
	s3 =	simm.s32 $0x0;
	s29 =	simm.s32 $0x1BB00  }
0x4: {  	s13 =	simm.s32 $0x2;
	s14 =	simm.s32 $0x3;
	s1 =	sand.u32 $0x1, s1  }
0x5: {  	s7 =	smul.u32 $0x16380, s11;
	[smem:$0x7FF] =	sst s3;
	s4 =	sadd.s32 $0xC00, s0  }
0x6: {  	s6 =	smul.u32 $0x163800, s1;
	s5 =	sshll.u32 s1, $0x4;
	s1 =	ssub.s32 $0x2, s1  }
0x7: {  	s8 =	sor.u32 s11, s5;
	s11 =	smul.u32 $0x58E00, s11;
	s15 =	sshrl.u32 s1, $0x1  }
0x8: {  	_ =	strace $0x80000047;
	s9 =	smul.u32 $0xA80, s8;
	s12 =	ssub.s32 s1, s15  }
0x9: {  	s5 =	sadd.s32 $0x15C00, s0;
	s18 =	smul.u32 $0x60, s8;
	s31 =	smax.u32 s12, $0x1  }
0xa: {  	s6 =	sadd.s32 s7, s6;
	s16 =	sadd.s32 s4, s9;
	[dreg:$0xf] =	wrdreg s31  }
0xb: {  	s10 =	sshrl.u32 s6, $0x3;
	s26 =	sor.u32 $0x1, s18;
	[dreg:$0x3] =	wrdreg s16  }
0xc: {  	s6 =	sadd.s32 $0x2E800, s0;
	s28 =	sor.u32 $0x2, s18;
	[dreg:$0xb] =	wrdreg s26  }
0xd: {  	s17 =	sshrl.u32 s11, $0x2;
	s30 =	sor.u32 $0x3, s18;
	[dreg:$0xc] =	wrdreg s28  }
0xe: {  	s0 =	sadd.s32 s10, s0;
	s10 =	sadd.s32 s7, s2;
	[dreg:$0xd] =	wrdreg s30  }
0xf: {  	s20 =	sadd.s32 s17, s2;
	s19 =	sadd.s32 $0x1C, s16;
	[dreg:$0x5] =	wrdreg s10  }
0x10: {  	s8 =	simm.s32 $0x7;
	s21 =	sadd.s32 $0x3F00, s20;
	[dreg:$0x4] =	wrdreg s19  }
0x11: {  	s15 =	simm.s32 $0x6;
	s22 =	sadd.s32 $0x7E00, s20;
	[dreg:$0x6] =	wrdreg s21  }
0x12: {  	s11 =	simm.s32 $0x165B0;
	s23 =	sadd.s32 $0xBD00, s20;
	[dreg:$0x7] =	wrdreg s22  }
0x13: {  	s12 =	simm.s32 $0x16620;
	s24 =	sadd.s32 $0xFC00, s20;
	[dreg:$0x8] =	wrdreg s23  }
0x14: {  	s1 =	smov.u32 s18;
	s25 =	sadd.s32 $0x13B00, s20;
	[dreg:$0x9] =	wrdreg s24  }
0x15: {  	v1 =	vlaneseq.u32;
	s9 =	simm.s32 $0x5;
	s0 =	sadd.s32 $0x33800, s0;
	[dreg:$0xa] =	wrdreg s25  }
0x16: {  	v0 =	vimm.f32 $0.0e+00;
	v1 =	vshrl.u32 v1, $0x3;
	s7 =	simm.s32 $0x0;
	s20 =	simm.s32 $0x4;
	[dreg:$0xe] =	wrdreg s0  }
0x17: {  	v2 =	vor.u32 $0x2, v1;
	v3 =	vor.u32 $0x4, v1;
	v4 =	vor.u32 $0x6, v1;
	s24 =	simm.s32 $0x70;
	s21 =	simm.s32 $0x1;
	s19 =	simm.s32 $0x16690  }
.LBB2_1:
0x18: {  	[dreg:$0x10] =	wrdreg s7  }
0x19: {  	s0 =	rddreg [dreg:$0x3];
	s25 =	simm.s32 $0x16380  }
0x1a: {  	[tilespmem:s25], [sflag:$0x7] =	stream.linear.gather [hbm4b:s0+s3], $0xE0, $0x38;
	[tilespmem:$0x1FA00] =	vst v63  }
0x1b: {  	_ =	swait.ge [sflag:s8], $0xE0  }
0x1c: {  	[sflag:s8] =	ssyncset.done $0x0  }
0x1d: {  	s16 =	simm.s32 $0x16460;
	s26 =	rddreg [dreg:$0x4];
	[sflag:s8] =	ssyncadd.s32 $0xFFFFFF20  }
0x1e: {  	[tilespmem:s16], [sflag:$0x7] =	stream.linear.gather [hbm4b:s26+s3], $0xE0, $0x38;
	[tilespmem:$0x1FA00] =	vst v63  }
0x1f: {  	_ =	swait.ge [sflag:s8], $0xE0  }
0x20: {  	[sflag:s8] =	ssyncset.done $0x0  }
0x21: {  	s28 =	simm.s32 $0x16700;
	[sflag:s8] =	ssyncadd.s32 $0xFFFFFF20  }
0x22: {  	[tilespmem:s28], [sflag:$0x1] =	stream.indirect.gather [hbm4b:s5+s24], $0x50, s25, s24, $0xb8;
	[tilespmem:$0x1FA00] =	vst v63  }
0x23: {  	s30 =	simm.s32 $0x163F0;
	s31 =	simm.s32 $0x1AD00;
	s0 =	simm.s32 $0x1BB90  }
0x24: {  	[tilespmem:s31], [sflag:$0x1] =	stream.indirect.gather [hbm4b:s6+s24], $0x10, s30, s24, $0xb8;
	[tilespmem:$0x1FA00] =	vst v63  }
0x25: {  	[tilespmem:s0+$0xFFFFFF70] =	vst v0  }
0x26: {  	[tilespmem:s0+$0x80] =	vst v0  }
0x27: {  	[tilespmem:s0+$0x70] =	vst v0  }
0x28: {  	[tilespmem:s0+$0x60] =	vst v0  }
0x29: {  	[tilespmem:s0+$0x50] =	vst v0  }
0x2a: {  	[tilespmem:s0+$0x40] =	vst v0  }
0x2b: {  	[tilespmem:s0+$0x30] =	vst v0  }
0x2c: {  	[tilespmem:s0+$0x20] =	vst v0  }
0x2d: {  	[tilespmem:s0+$0x10] =	vst v0  }
0x2e: {  	[tilespmem:s0+$0x0] =	vst v0  }
0x2f: {  	[tilespmem:s0+$0xFFFFFFF0] =	vst v0  }
0x30: {  	[tilespmem:s0+$0xFFFFFFE0] =	vst v0  }
0x31: {  	[tilespmem:s0+$0xFFFFFFD0] =	vst v0  }
0x32: {  	[tilespmem:s0+$0xFFFFFFC0] =	vst v0  }
0x33: {  	[tilespmem:s0+$0xFFFFFFB0] =	vst v0  }
0x34: {  	[tilespmem:s0+$0xFFFFFFA0] =	vst v0  }
0x35: {  	s7 =	simm.s32 $0x0;
	[tilespmem:s0+$0xFFFFFF90] =	vst v0  }
.LBB2_2:
0x36: {  	s7 =	sadd.s32 $0x2, s7;
	[tilespmem:s0+$0xFFFFFF80] =	vst v0;
	s0 =	sadd.s32 $0x120, s0  }
0x37: {  	[tilespmem:s0+$0xFFFFFF70] =	vst v0;
	p0 =	slt.u32 s7, $0x6E  }
0x38: {  	[tilespmem:s0+$0x80] =	vst v0  }
0x39: {  	[tilespmem:s0+$0x70] =	vst v0  }
0x3a: {  	[tilespmem:s0+$0x60] =	vst v0  }
0x3b: {  	[tilespmem:s0+$0x50] =	vst v0  }
0x3c: {  	[tilespmem:s0+$0x40] =	vst v0  }
0x3d: {  	[tilespmem:s0+$0x30] =	vst v0  }
0x3e: {  	[tilespmem:s0+$0x20] =	vst v0  }
0x3f: {  	[tilespmem:s0+$0x10] =	vst v0  }
0x40: {  	[tilespmem:s0+$0x0] =	vst v0  }
0x41: {  	[tilespmem:s0+$0xFFFFFFF0] =	vst v0  }
0x42: {  	[tilespmem:s0+$0xFFFFFFE0] =	vst v0  }
.Ltmp0:
0x43: {  	[tilespmem:s0+$0xFFFFFFD0] =	vst v0;
	(pc) =	sbr.rel @p0 .LBB2_2-.Ltmp0, $4  }
0x44: {  	[tilespmem:s0+$0xFFFFFFC0] =	vst v0  }
0x45: {  	[tilespmem:s0+$0xFFFFFFB0] =	vst v0  }
0x46: {  	[tilespmem:s0+$0xFFFFFFA0] =	vst v0  }
0x47: {  	[tilespmem:s0+$0xFFFFFF90] =	vst v0  }
0x48: {  	[tilespmem:s0+$0xFFFFFF80] =	vst v0  }
0x49: {  	[spmem:s10] =	stream.linear.scatter [tilespmem:s29], [sflag:$0x7], $0x3F00, $0x38;
	[tilespmem:$0x1FA00] =	vst v63  }
0x4a: {  	_ =	swait.ge [sflag:s8], $0x3F00  }
0x4b: {  	[sflag:s8] =	ssyncset.done $0x0  }
0x4c: {  	s25 =	rddreg [dreg:$0x6];
	[sflag:s8] =	ssyncadd.s32 $0xFFFFC100  }
0x4d: {  	[spmem:s25] =	stream.linear.scatter [tilespmem:s29], [sflag:$0x7], $0x3F00, $0x38;
	[tilespmem:$0x1FA00] =	vst v63  }
0x4e: {  	_ =	swait.ge [sflag:s8], $0x3F00  }
0x4f: {  	[sflag:s8] =	ssyncset.done $0x0  }
0x50: {  	s26 =	rddreg [dreg:$0x7];
	[sflag:s8] =	ssyncadd.s32 $0xFFFFC100  }
0x51: {  	[spmem:s26] =	stream.linear.scatter [tilespmem:s29], [sflag:$0x7], $0x3F00, $0x38;
	[tilespmem:$0x1FA00] =	vst v63  }
0x52: {  	_ =	swait.ge [sflag:s8], $0x3F00  }
0x53: {  	[sflag:s8] =	ssyncset.done $0x0  }
0x54: {  	s28 =	rddreg [dreg:$0x8];
	[sflag:s8] =	ssyncadd.s32 $0xFFFFC100  }
0x55: {  	[spmem:s28] =	stream.linear.scatter [tilespmem:s29], [sflag:$0x7], $0x3F00, $0x38;
	[tilespmem:$0x1FA00] =	vst v63  }
0x56: {  	_ =	swait.ge [sflag:s8], $0x3F00  }
0x57: {  	[sflag:s8] =	ssyncset.done $0x0  }
0x58: {  	s30 =	rddreg [dreg:$0x9];
	[sflag:s8] =	ssyncadd.s32 $0xFFFFC100  }
0x59: {  	[spmem:s30] =	stream.linear.scatter [tilespmem:s29], [sflag:$0x7], $0x3F00, $0x38;
	[tilespmem:$0x1FA00] =	vst v63  }
0x5a: {  	_ =	swait.ge [sflag:s8], $0x3F00  }
0x5b: {  	[sflag:s8] =	ssyncset.done $0x0  }
0x5c: {  	s31 =	rddreg [dreg:$0xa];
	[sflag:s8] =	ssyncadd.s32 $0xFFFFC100  }
0x5d: {  	[spmem:s31] =	stream.linear.scatter [tilespmem:s29], [sflag:$0x7], $0x2880, $0x38;
	[tilespmem:$0x1FA00] =	vst v63  }
0x5e: {  	_ =	swait.ge [sflag:s8], $0x2880  }
0x5f: {  	[sflag:s8] =	ssyncset.done $0x0  }
0x60: {  	[sflag:s8] =	ssyncadd.s32 $0xFFFFD780  }
0x61: {  	s10 =	simm.s32 $0x0;
	[bflag:$0x0] =	sbarrier.arrive $0xFFFF  }
.LBB2_4:
0x62: {  	p0 =	seq.s32 s10, $0x0  }
0x63: {  	s0 =	simm.s32 @!p0 $0x6  }
0x64: {  	s7 =	sshll.u32 s10, $0x2;
	_ =	swait.ge @!p0 [sflag:s0], $0xE0  }
0x65: {  	s18 =	simm.s32 $0x16460;
	s22 =	sadd.s32 s1, s7;
	[sflag:s0] =	ssyncset.done @!p0 $0x0  }
0x66: {  	s8 =	simm.s32 $0x18A00;
	[sflag:s0] =	ssyncadd.s32 @!p0 $0xFFFFFF20;
	s0 =	smul.u32 $0xE0, s22  }
0x67: {  	[tilespmem:s8], [sflag:$0x2] =	stream.indirect.gather [hbm4b:s5+s24], $0x50, s18, s24, $0xb8;
	[tilespmem:$0x1FA00] =	vst v63  }
0x68: {  	s23 =	simm.s32 $0x164D0;
	s16 =	simm.s32 $0x1B400;
	s0 =	sshrl.u32 s0, $0x3  }
0x69: {  	[tilespmem:s16], [sflag:$0x2] =	stream.indirect.gather [hbm4b:s6+s24], $0x10, s23, s24, $0xb8;
	[tilespmem:$0x1FA00] =	vst v63  }
0x6a: {  	s0 =	sadd.s32 s4, s0  }
0x6b: {  	s25 =	simm.s32 $0x16540;
	s0 =	sadd.s32 $0x38, s0  }
0x6c: {  	[tilespmem:s25], [sflag:$0x5] =	stream.linear.gather [hbm4b:s0+s3], $0xE0, $0x38;
	[tilespmem:$0x1FA00] =	vst v63  }
0x6d: {  	_ =	swait.ge [sflag:s21], $0x2300  }
0x6e: {  	[sflag:s21] =	ssyncset.done $0x0  }
0x6f: {  	[sflag:s21] =	ssyncadd.s32 $0xFFFFDD00  }
0x70: {  	_ =	swait.ge [sflag:s21], $0x700  }
0x71: {  	[sflag:s21] =	ssyncset.done $0x0  }
0x72: {  	s0 =	simm.s32 @!p0 $0x4;
	[sflag:s21] =	ssyncadd.s32 $0xFFFFF900  }
0x73: {  	_ =	swait.ge @!p0 [sflag:s0], $0x3F00  }
0x74: {  	[sflag:s0] =	ssyncset.done @!p0 $0x0  }
0x75: {  	s17 =	simm.s32 $0x16750;
	[sflag:s0] =	ssyncadd.s32 @!p0 $0xFFFFC100  }
0x76: {  	s26 =	simm.s32 $0x1AD10;
	v5 =	vld [tilespmem:s17+$0x40]  }
0x77: {  	v6 =	vld [tilespmem:s26+$0x0];
	_ =	sdelay $0x3  }
0x78: {  	v5 =	vunpack.i.l.bf16.f32 v5  }
0x79: {  	v5 =	vadd.f32 v5, v6;
	_ =	sdelay $0x1  }
0x7a: {  	v6 =	vmul.f32 $2.000000030e-01, v5  }
0x7b: {  	vm0 =	vge.f32 v5, $0.0e+00  }
0x7c: {  	v5 =	vsel vm0, v5, v6;
	v6 =	vld [tilespmem:s17+$0xFFFFFFF0]  }
0x7d: {  	v7 =	vld [tilespmem:s26+$0xFFFFFFF0];
	v5 =	vmul.f32 $1.442695020e+00, v5;
	_ =	sdelay $0x1  }
0x7e: {  	(erf) = vpow2.f32 v5;
	_ =	sdelay $0x1  }
0x7f: {  	v5 =	vunpack.i.l.bf16.f32 v6  }
0x80: {  	s23 =	simm.s32 $0x167F0;
	v5 =	vadd.f32 v5, v7  }
0x81: {  	s8 =	simm.s32 $0x1AD30;
	v6 =	vld [tilespmem:s23+$0x40]  }
0x82: {  	v8 =	vld [tilespmem:s8+$0x0];
	v7 =	vmul.f32 $2.000000030e-01, v5  }
0x83: {  	vm7 =	vge.f32 v5, $0.0e+00  }
0x84: {  	v5 =	vsel vm7, v5, v7  }
0x85: {  	v5 =	vmul.f32 $1.442695020e+00, v5  }
0x86: {  	s26 =	simm.s32 $0x1BB90;
	v6 =	vunpack.i.l.bf16.f32 v6;
	v9 =	vpop (erf)  }
0x87: {  	v7 =	vld [tilespmem:s23+$0xFFFFFFF0];
	[tilespmem:s26+$0x80] =	vst v9;
	(erf) = vpow2.f32 v5;
	v5 =	vadd.f32 v6, v8  }
0x88: {  	v6 =	vld [tilespmem:s17+$0x0]  }
0x89: {  	v10 =	vld [tilespmem:s8+$0xFFFFFFF0];
	v8 =	vmul.f32 $2.000000030e-01, v5  }
0x8a: {  	vm8 =	vge.f32 v5, $0.0e+00  }
0x8b: {  	v5 =	vsel vm8, v5, v8  }
0x8c: {  	v8 =	vperm.xlane v9, v1;
	v5 =	vmul.f32 $1.442695020e+00, v5  }
0x8d: {  	v7 =	vunpack.i.l.bf16.f32 v7;
	v11 =	vunpack.i.l.bf16.f32 v6;
	v6 =	vunpack.i.u.bf16.f32 v6  }
0x8e: {  	(erf) = vpow2.f32 v5;
	v5 =	vmul.f32 v6, v8;
	v6 =	vadd.f32 v7, v10  }
0x8f: {  	v11 =	vmul.f32 v11, v8  }
0x90: {  	[tilespmem:s26+$0x10] =	vst v5;
	v5 =	vmul.f32 $2.000000030e-01, v6  }
0x91: {  	[tilespmem:s26+$0x0] =	vst v11;
	vm9 =	vge.f32 v6, $0.0e+00  }
0x92: {  	s25 =	simm.s32 $0x16890;
	v10 =	vld [tilespmem:s17+$0x10];
	v5 =	vsel vm9, v6, v5  }
0x93: {  	s16 =	simm.s32 $0x1AD50;
	v8 =	vpop (erf);
	v6 =	vld [tilespmem:s25+$0x40];
	v5 =	vmul.f32 $1.442695020e+00, v5  }
0x94: {  	v12 =	vld [tilespmem:s16+$0x0];
	[tilespmem:s26+$0xFFFFFFF0] =	vst v8  }
0x95: {  	v11 =	vld [tilespmem:s17+$0xFFFFFFB0];
	(erf) = vpow2.f32 v5  }
0x96: {  	v14 =	vperm.xlane v9, v2  }
0x97: {  	s22 =	simm.s32 $0x1BCB0;
	v13 =	vld [tilespmem:s25+$0xFFFFFFF0];
	v15 =	vunpack.i.l.bf16.f32 v10;
	v7 =	vpop (erf)  }
0x98: {  	v5 =	vld [tilespmem:s16+$0xFFFFFFF0];
	v10 =	vunpack.i.u.bf16.f32 v10;
	v15 =	vmul.f32 v15, v14;
	v6 =	vunpack.i.l.bf16.f32 v6;
	[tilespmem:s22+$0x80] =	vst v7  }
0x99: {  	v10 =	vmul.f32 v10, v14;
	v14 =	vperm.xlane v8, v1;
	v6 =	vadd.f32 v6, v12;
	v12 =	vld [tilespmem:s23+$0x0]  }
0x9a: {  	[tilespmem:s26+$0x20] =	vst v15;
	v15 =	vunpack.i.u.bf16.f32 v11  }
0x9b: {  	[tilespmem:s26+$0x30] =	vst v10;
	v10 =	vunpack.i.l.bf16.f32 v11;
	v11 =	vmul.f32 $2.000000030e-01, v6;
	v15 =	vmul.f32 v15, v14  }
0x9c: {  	v13 =	vunpack.i.l.bf16.f32 v13;
	v10 =	vmul.f32 v10, v14;
	vm10 =	vge.f32 v6, $0.0e+00  }
0x9d: {  	v5 =	vadd.f32 v13, v5;
	v13 =	vld [tilespmem:s17+$0x20];
	v6 =	vsel vm10, v6, v11;
	v11 =	vperm.xlane v7, v1;
	[tilespmem:s26+$0xFFFFFF80] =	vst v15  }
0x9e: {  	[tilespmem:s26+$0xFFFFFF70] =	vst v10;
	v6 =	vmul.f32 $1.442695020e+00, v6;
	v15 =	vunpack.i.l.bf16.f32 v12;
	v16 =	vpop (erf)  }
0x9f: {  	v14 =	vmul.f32 $2.000000030e-01, v5;
	v10 =	vunpack.i.u.bf16.f32 v12;
	v12 =	vmul.f32 v15, v11;
	[tilespmem:s22+$0xFFFFFFF0] =	vst v16  }
0xa0: {  	vm11 =	vge.f32 v5, $0.0e+00;
	(erf) = vpow2.f32 v6;
	v6 =	vmul.f32 v10, v11;
	v11 =	vld [tilespmem:s23+$0xFFFFFFB0]  }
0xa1: {  	v17 =	vperm.xlane v8, v3;
	v5 =	vsel vm11, v5, v14;
	v15 =	vperm.xlane v9, v3  }
0xa2: {  	v10 =	vunpack.i.l.bf16.f32 v13;
	v5 =	vmul.f32 $1.442695020e+00, v5;
	[tilespmem:s22+$0x0] =	vst v12;
	v12 =	vunpack.i.u.bf16.f32 v13  }
0xa3: {  	v10 =	vmul.f32 v10, v15;
	v13 =	vld [tilespmem:s17+$0xFFFFFFC0];
	[tilespmem:s22+$0x10] =	vst v6;
	v6 =	vmul.f32 v12, v15  }
0xa4: {  	s18 =	simm.s32 $0x1AD70;
	(erf) = vpow2.f32 v5;
	v5 =	vperm.xlane v16, v1;
	v12 =	vld [tilespmem:s23+$0x10]  }
0xa5: {  	s28 =	simm.s32 $0x16930;
	v20 =	vld [tilespmem:s18+$0x0];
	v14 =	vperm.xlane v8, v2;
	[tilespmem:s26+$0x50] =	vst v6;
	v6 =	vperm.xlane v8, v4;
	v8 =	vunpack.i.u.bf16.f32 v11  }
0xa6: {  	v15 =	vld [tilespmem:s28+$0x40];
	[tilespmem:s26+$0x40] =	vst v10;
	v10 =	vunpack.i.l.bf16.f32 v11;
	v11 =	vmul.f32 v8, v5  }
0xa7: {  	v21 =	vld [tilespmem:s28+$0xFFFFFFF0];
	v23 =	vmul.f32 v10, v5  }
0xa8: {  	v18 =	vld [tilespmem:s17+$0x30];
	v8 =	vperm.xlane v7, v2;
	v22 =	vunpack.i.u.bf16.f32 v13;
	v13 =	vunpack.i.l.bf16.f32 v13;
	[tilespmem:s22+$0xFFFFFF80] =	vst v11  }
0xa9: {  	s8 =	simm.s32 $0x1BDD0;
	v5 =	vunpack.i.l.bf16.f32 v12;
	v13 =	vmul.f32 v13, v14;
	v14 =	vmul.f32 v22, v14;
	v10 =	vpop (erf);
	[tilespmem:s22+$0xFFFFFF70] =	vst v23  }
0xaa: {  	v24 =	vld [tilespmem:s18+$0xFFFFFFF0];
	v12 =	vunpack.i.u.bf16.f32 v12;
	v5 =	vmul.f32 v5, v8;
	[tilespmem:s8+$0x80] =	vst v10  }
0xab: {  	v19 =	vperm.xlane v16, v2;
	v15 =	vunpack.i.l.bf16.f32 v15;
	v12 =	vmul.f32 v12, v8;
	[tilespmem:s26+$0xFFFFFFA0] =	vst v14  }
0xac: {  	v9 =	vperm.xlane v9, v4;
	v8 =	vperm.xlane v16, v3;
	v15 =	vadd.f32 v15, v20;
	v14 =	vld [tilespmem:s23+$0xFFFFFFC0];
	[tilespmem:s22+$0x20] =	vst v5  }
0xad: {  	v20 =	vld [tilespmem:s25+$0x0];
	v5 =	vperm.xlane v16, v4;
	v16 =	vunpack.i.l.bf16.f32 v21;
	[tilespmem:s22+$0x30] =	vst v12;
	v12 =	vunpack.i.u.bf16.f32 v18  }
0xae: {  	v21 =	vmul.f32 $2.000000030e-01, v15;
	v22 =	vpop (erf);
	vm12 =	vge.f32 v15, $0.0e+00;
	v18 =	vunpack.i.l.bf16.f32 v18  }
0xaf: {  	v16 =	vadd.f32 v16, v24;
	v11 =	vmul.f32 v12, v9;
	v12 =	vperm.xlane v22, v1  }
0xb0: {  	v24 =	vld [tilespmem:s23+$0x20];
	[tilespmem:s8+$0xFFFFFFF0] =	vst v22;
	v9 =	vmul.f32 v18, v9;
	v15 =	vsel vm12, v15, v21;
	v21 =	vperm.xlane v10, v1  }
0xb1: {  	v23 =	vld [tilespmem:s25+$0xFFFFFFB0];
	v25 =	vmul.f32 $2.000000030e-01, v16;
	v15 =	vmul.f32 $1.442695020e+00, v15  }
0xb2: {  	vm13 =	vge.f32 v16, $0.0e+00;
	[tilespmem:s26+$0x70] =	vst v11;
	v11 =	vunpack.i.u.bf16.f32 v14;
	v26 =	vunpack.i.l.bf16.f32 v20  }
0xb3: {  	[tilespmem:s26+$0xFFFFFF90] =	vst v13;
	v13 =	vunpack.i.u.bf16.f32 v20;
	(erf) = vpow2.f32 v15;
	v20 =	vmul.f32 v26, v21  }
0xb4: {  	v16 =	vsel vm13, v16, v25;
	v26 =	vperm.xlane v7, v3;
	v13 =	vmul.f32 v13, v21  }
0xb5: {  	s18 =	simm.s32 $0x1AD90;
	v14 =	vunpack.i.l.bf16.f32 v14;
	v15 =	vunpack.i.l.bf16.f32 v24;
	v21 =	vld [tilespmem:s17+$0xFFFFFFD0];
	v16 =	vmul.f32 $1.442695020e+00, v16;
	[tilespmem:s8+$0x0] =	vst v20  }
0xb6: {  	v14 =	vmul.f32 v14, v19;
	v25 =	vld [tilespmem:s18+$0xFFFFFFF0];
	v18 =	vunpack.i.u.bf16.f32 v23;
	v15 =	vmul.f32 v15, v26;
	[tilespmem:s8+$0x10] =	vst v13  }
0xb7: {  	[tilespmem:s26+$0x60] =	vst v9;
	v20 =	vunpack.i.u.bf16.f32 v24;
	v18 =	vmul.f32 v18, v12;
	(erf) = vpow2.f32 v16;
	v24 =	vld [tilespmem:s25+$0x10]  }
0xb8: {  	s16 =	simm.s32 $0x169D0;
	v16 =	vmul.f32 v11, v19;
	v19 =	vld [tilespmem:s18+$0x0];
	v20 =	vmul.f32 v20, v26;
	[tilespmem:s22+$0x40] =	vst v15;
	v15 =	vunpack.i.l.bf16.f32 v23  }
0xb9: {  	v23 =	vld [tilespmem:s16+$0x40];
	[tilespmem:s8+$0xFFFFFF80] =	vst v18;
	v12 =	vmul.f32 v15, v12  }
0xba: {  	v9 =	vperm.xlane v22, v3;
	v18 =	vld [tilespmem:s16+$0xFFFFFFF0];
	[tilespmem:s22+$0x50] =	vst v20;
	v11 =	vunpack.i.u.bf16.f32 v21  }
0xbb: {  	v20 =	vperm.xlane v10, v2;
	v15 =	vld [tilespmem:s23+$0x30];
	[tilespmem:s8+$0xFFFFFF70] =	vst v12;
	v12 =	vunpack.i.l.bf16.f32 v21;
	v21 =	vmul.f32 v11, v17  }
0xbc: {  	[tilespmem:s22+$0xFFFFFF90] =	vst v14;
	v26 =	vunpack.i.l.bf16.f32 v24;
	v17 =	vmul.f32 v12, v17;
	v12 =	vunpack.i.u.bf16.f32 v24  }
0xbd: {  	s30 =	simm.s32 $0x1BEF0;
	[tilespmem:s22+$0xFFFFFFA0] =	vst v16;
	v11 =	vpop (erf);
	v14 =	vmul.f32 v26, v20;
	v12 =	vmul.f32 v12, v20  }
0xbe: {  	v13 =	vperm.xlane v22, v2;
	v24 =	vperm.xlane v7, v4;
	v23 =	vunpack.i.l.bf16.f32 v23;
	[tilespmem:s30+$0x80] =	vst v11  }
0xbf: {  	v7 =	vperm.xlane v22, v4;
	v18 =	vunpack.i.l.bf16.f32 v18;
	v22 =	vadd.f32 v23, v19;
	v23 =	vld [tilespmem:s28+$0x0];
	[tilespmem:s8+$0x20] =	vst v14  }
0xc0: {  	v26 =	vperm.xlane v11, v1;
	v16 =	vadd.f32 v18, v25;
	v20 =	vunpack.i.u.bf16.f32 v15;
	[tilespmem:s8+$0x30] =	vst v12  }
0xc1: {  	[tilespmem:s26+$0xFFFFFFB0] =	vst v17;
	v14 =	vunpack.i.l.bf16.f32 v15;
	v15 =	vmul.f32 v20, v24;
	v18 =	vmul.f32 $2.000000030e-01, v22;
	v20 =	vld [tilespmem:s25+$0x20];
	v12 =	vpop (erf)  }
0xc2: {  	v24 =	vmul.f32 v14, v24;
	vm14 =	vge.f32 v22, $0.0e+00;
	v17 =	vmul.f32 $2.000000030e-01, v16;
	[tilespmem:s30+$0xFFFFFFF0] =	vst v12  }
0xc3: {  	vm15 =	vge.f32 v16, $0.0e+00;
	v19 =	vperm.xlane v12, v1;
	v22 =	vsel vm14, v22, v18;
	v25 =	vld [tilespmem:s28+$0xFFFFFFB0]  }
0xc4: {  	v14 =	vperm.xlane v12, v2;
	v18 =	vld [tilespmem:s25+$0xFFFFFFC0];
	[tilespmem:s22+$0x70] =	vst v15;
	v15 =	vmul.f32 $1.442695020e+00, v22;
	v22 =	vunpack.i.l.bf16.f32 v23  }
0xc5: {  	[tilespmem:s26+$0xFFFFFFC0] =	vst v21;
	v21 =	vunpack.i.u.bf16.f32 v23;
	v23 =	vperm.xlane v10, v3;
	v22 =	vmul.f32 v22, v26  }
0xc6: {  	[tilespmem:s22+$0x60] =	vst v24;
	v21 =	vmul.f32 v21, v26;
	(erf) = vpow2.f32 v15;
	v26 =	vunpack.i.l.bf16.f32 v20;
	v15 =	vld [tilespmem:s23+$0xFFFFFFD0]  }
0xc7: {  	v17 =	vsel vm15, v16, v17;
	v20 =	vunpack.i.u.bf16.f32 v20;
	[tilespmem:s30+$0x0] =	vst v22;
	v26 =	vmul.f32 v26, v23  }
0xc8: {  	v16 =	vld [tilespmem:s17+$0xFFFFFFE0];
	v17 =	vmul.f32 $1.442695020e+00, v17;
	[tilespmem:s30+$0x10] =	vst v21;
	v21 =	vmul.f32 v20, v23;
	v22 =	vunpack.i.u.bf16.f32 v25  }
0xc9: {  	s31 =	simm.s32 $0x8;
	s0 =	simm.s32 $0x16A70;
	s17 =	simm.s32 $0x1BEF0;
	v20 =	vld [tilespmem:s28+$0x10];
	v23 =	vunpack.i.u.bf16.f32 v18;
	v24 =	vunpack.i.l.bf16.f32 v25;
	[tilespmem:s8+$0x40] =	vst v26;
	v22 =	vmul.f32 v22, v19  }
.LBB2_5:
0xca: {  	v25 =	vld [tilespmem:s0+$0x40];
	(erf) = vpow2.f32 v17;
	v17 =	vmul.f32 v24, v19;
	v18 =	vunpack.i.l.bf16.f32 v18;
	[tilespmem:s8+$0x50] =	vst v21  }
0xcb: {  	s18 =	sadd.s32 $0x20, s18;
	v19 =	vmul.f32 v23, v13;
	[tilespmem:s30+$0xFFFFFF80] =	vst v22;
	v18 =	vmul.f32 v18, v13;
	v21 =	vld [tilespmem:s25+$0x30];
	v22 =	vunpack.i.u.bf16.f32 v15;
	v13 =	vmovc v14  }
0xcc: {  	v29 =	vperm.xlane v12, v3;
	v15 =	vunpack.i.l.bf16.f32 v15;
	v14 =	vld [tilespmem:s18+$0x0];
	[tilespmem:s30+$0xFFFFFF70] =	vst v17;
	v22 =	vmul.f32 v22, v8  }
0xcd: {  	v24 =	vperm.xlane v11, v2;
	v26 =	vunpack.i.u.bf16.f32 v16;
	v15 =	vmul.f32 v15, v8;
	v8 =	vmovc v9;
	v23 =	vld [tilespmem:s0+$0xFFFFFFF0];
	[tilespmem:s8+$0xFFFFFF90] =	vst v18  }
0xce: {  	s31 =	sadd.s32 $0x2, s31;
	v28 =	vperm.xlane v12, v4;
	v16 =	vunpack.i.l.bf16.f32 v16;
	v9 =	vmovc v29;
	v27 =	vld [tilespmem:s18+$0xFFFFFFF0];
	v12 =	vunpack.i.l.bf16.f32 v20;
	[tilespmem:s8+$0xFFFFFFA0] =	vst v19  }
0xcf: {  	p0 =	slt.u32 s31, $0x6E;
	s30 =	sadd.s32 $0x120, s30;
	v19 =	vunpack.i.u.bf16.f32 v20;
	v20 =	vperm.xlane v10, v4;
	v17 =	vpop (erf);
	v18 =	vld [tilespmem:s28+$0xFFFFFFC0];
	v12 =	vmul.f32 v12, v24;
	[tilespmem:s22+$0xFFFFFFB0] =	vst v15  }
0xd0: {  	v10 =	vmovc v11;
	v25 =	vunpack.i.l.bf16.f32 v25;
	v19 =	vmul.f32 v19, v24;
	[tilespmem:s30+$0x80] =	vst v17;
	v15 =	vld [tilespmem:s25+$0xFFFFFFD0];
	v24 =	vunpack.i.u.bf16.f32 v21;
	v11 =	vmovc v17  }
0xd1: {  	v17 =	vadd.f32 v25, v14;
	v25 =	vld [tilespmem:s16+$0x0];
	[tilespmem:s17+$0x20] =	vst v12;
	v14 =	vunpack.i.l.bf16.f32 v21;
	v21 =	vmul.f32 v24, v20  }
0xd2: {  	v24 =	vmul.f32 v26, v6;
	v29 =	vunpack.i.l.bf16.f32 v23;
	[tilespmem:s17+$0x30] =	vst v19;
	v23 =	vmul.f32 v16, v6;
	v6 =	vmovc v5  }
0xd3: {  	v20 =	vmul.f32 v14, v20;
	v26 =	vadd.f32 v29, v27;
	v16 =	vmul.f32 $2.000000030e-01, v17;
	v12 =	vpop (erf);
	v27 =	vld [tilespmem:s28+$0x20];
	[tilespmem:s8+$0x70] =	vst v21  }
0xd4: {  	v5 =	vmovc v7;
	vm0 =	vge.f32 v17, $0.0e+00;
	[tilespmem:s30+$0xFFFFFFF0] =	vst v12;
	v19 =	vperm.xlane v12, v1;
	v14 =	vperm.xlane v12, v2  }
0xd5: {  	v7 =	vmovc v28;
	v21 =	vmul.f32 $2.000000030e-01, v26;
	v16 =	vsel vm0, v17, v16;
	v29 =	vld [tilespmem:s16+$0xFFFFFFB0];
	v17 =	vperm.xlane v11, v1;
	[tilespmem:s22+$0xFFFFFFC0] =	vst v22  }
0xd6: {  	vm0 =	vge.f32 v26, $0.0e+00;
	v22 =	vmul.f32 $1.442695020e+00, v16;
	v28 =	vunpack.i.l.bf16.f32 v25;
	v16 =	vld [tilespmem:s23+$0xFFFFFFE0];
	[tilespmem:s26+$0xFFFFFFD0] =	vst v23;
	s23 =	smov.u32 s25;
	s25 =	smov.u32 s28;
	s28 =	smov.u32 s16  }
.Ltmp1:
0xd7: {  	v23 =	vunpack.i.u.bf16.f32 v25;
	v25 =	vmul.f32 v28, v17;
	v28 =	vperm.xlane v10, v3;
	[tilespmem:s26+$0xFFFFFFE0] =	vst v24;
	s26 =	smov.u32 s22;
	s22 =	smov.u32 s8;
	(pc) =	sbr.rel @p0 .LBB2_5-.Ltmp1, $4  }
0xd8: {  	s16 =	smov.u32 s0;
	s8 =	smov.u32 s17;
	s17 =	smov.u32 s30;
	(erf) = vpow2.f32 v22;
	v22 =	vmul.f32 v23, v17;
	v17 =	vunpack.i.l.bf16.f32 v27;
	[tilespmem:s22+$0x60] =	vst v20  }
0xd9: {  	v20 =	vsel vm0, v26, v21;
	v21 =	vunpack.i.u.bf16.f32 v27;
	[tilespmem:s30+$0x0] =	vst v25;
	v25 =	vmul.f32 v17, v28  }
0xda: {  	v17 =	vmul.f32 $1.442695020e+00, v20;
	v21 =	vmul.f32 v21, v28;
	v20 =	vunpack.i.u.bf16.f32 v29;
	[tilespmem:s30+$0x10] =	vst v22  }
0xdb: {  	s0 =	sadd.s32 $0xA0, s0;
	v23 =	vunpack.i.u.bf16.f32 v18;
	v24 =	vunpack.i.l.bf16.f32 v29;
	v22 =	vmul.f32 v20, v19;
	v20 =	vld [tilespmem:s28+$0x10];
	[tilespmem:s8+$0x40] =	vst v25  }
0xdc: {  	_ =	sdelay $0x1  }
0xdd: {  	(erf) = vpow2.f32 v17;
	_ =	sdelay $0x2  }
0xde: {  	s18 =	sadd.s32 $0x120, s30;
	v17 =	vpop (erf)  }
0xdf: {  	v19 =	vmul.f32 v24, v19;
	v18 =	vunpack.i.l.bf16.f32 v18;
	[tilespmem:s18+$0x80] =	vst v17  }
0xe0: {  	[tilespmem:s8+$0x50] =	vst v21;
	v18 =	vmul.f32 v18, v13;
	v13 =	vmul.f32 v23, v13;
	v21 =	vld [tilespmem:s16+$0x0]  }
0xe1: {  	[tilespmem:s30+$0xFFFFFF80] =	vst v22  }
0xe2: {  	[tilespmem:s30+$0xFFFFFF70] =	vst v19;
	v19 =	vperm.xlane v11, v2  }
0xe3: {  	v22 =	vld [tilespmem:s25+$0x30];
	[tilespmem:s8+$0xFFFFFF90] =	vst v18;
	v18 =	vunpack.i.l.bf16.f32 v20  }
0xe4: {  	[tilespmem:s8+$0xFFFFFFA0] =	vst v13;
	v20 =	vunpack.i.u.bf16.f32 v20;
	v18 =	vmul.f32 v18, v19;
	v23 =	vperm.xlane v17, v1;
	v13 =	vpop (erf)  }
0xe5: {  	v19 =	vmul.f32 v20, v19;
	[tilespmem:s18+$0xFFFFFFF0] =	vst v13;
	v20 =	vunpack.i.l.bf16.f32 v21  }
0xe6: {  	[tilespmem:s17+$0x20] =	vst v18;
	v18 =	vld [tilespmem:s16+$0xFFFFFFB0];
	v21 =	vunpack.i.u.bf16.f32 v21;
	v20 =	vmul.f32 v20, v23  }
0xe7: {  	v24 =	vunpack.i.l.bf16.f32 v15;
	v10 =	vperm.xlane v10, v4;
	[tilespmem:s17+$0x30] =	vst v19;
	v19 =	vmul.f32 v21, v23  }
0xe8: {  	v21 =	vmul.f32 v24, v8;
	v23 =	vunpack.i.u.bf16.f32 v22;
	v24 =	vld [tilespmem:s28+$0x20];
	[tilespmem:s18+$0x0] =	vst v20  }
0xe9: {  	v15 =	vunpack.i.u.bf16.f32 v15;
	v20 =	vmul.f32 v23, v10;
	[tilespmem:s18+$0x10] =	vst v19  }
0xea: {  	v8 =	vmul.f32 v15, v8;
	v15 =	vunpack.i.l.bf16.f32 v16;
	[tilespmem:s22+$0xFFFFFFB0] =	vst v21;
	v19 =	vperm.xlane v13, v1;
	v21 =	vld [tilespmem:s16+$0x10]  }
0xeb: {  	v15 =	vmul.f32 v15, v6;
	[tilespmem:s8+$0x70] =	vst v20;
	v20 =	vunpack.i.u.bf16.f32 v18  }
0xec: {  	[tilespmem:s22+$0xFFFFFFC0] =	vst v8;
	v8 =	vperm.xlane v11, v3;
	v18 =	vunpack.i.l.bf16.f32 v18;
	v20 =	vmul.f32 v20, v19  }
0xed: {  	[tilespmem:s26+$0xFFFFFFD0] =	vst v15;
	v15 =	vunpack.i.l.bf16.f32 v24;
	v18 =	vmul.f32 v18, v19  }
0xee: {  	v19 =	vld [tilespmem:s28+$0xFFFFFFC0];
	v23 =	vunpack.i.u.bf16.f32 v24;
	v15 =	vmul.f32 v15, v8;
	[tilespmem:s18+$0xFFFFFF80] =	vst v20;
	v20 =	vperm.xlane v17, v2  }
0xef: {  	v8 =	vmul.f32 v23, v8;
	[tilespmem:s18+$0xFFFFFF70] =	vst v18;
	v18 =	vunpack.i.l.bf16.f32 v21  }
0xf0: {  	[tilespmem:s17+$0x40] =	vst v15;
	v15 =	vld [tilespmem:s16+$0xFFFFFFC0];
	v21 =	vunpack.i.u.bf16.f32 v21;
	v18 =	vmul.f32 v18, v20  }
0xf1: {  	v16 =	vunpack.i.u.bf16.f32 v16;
	[tilespmem:s17+$0x50] =	vst v8;
	v8 =	vmul.f32 v21, v20  }
0xf2: {  	v6 =	vmul.f32 v16, v6;
	v20 =	vld [tilespmem:s25+$0xFFFFFFD0];
	v21 =	vunpack.i.l.bf16.f32 v22;
	[tilespmem:s18+$0x20] =	vst v18  }
0xf3: {  	v10 =	vmul.f32 v21, v10;
	v16 =	vunpack.i.l.bf16.f32 v19;
	v18 =	vld [tilespmem:s28+$0x30];
	[tilespmem:s18+$0x30] =	vst v8  }
0xf4: {  	[tilespmem:s26+$0xFFFFFFE0] =	vst v6;
	v6 =	vunpack.i.u.bf16.f32 v19;
	v8 =	vperm.xlane v13, v2;
	v16 =	vmul.f32 v16, v14;
	v19 =	vld [tilespmem:s16+$0x20]  }
0xf5: {  	v6 =	vmul.f32 v6, v14;
	[tilespmem:s8+$0x60] =	vst v10;
	v10 =	vunpack.i.l.bf16.f32 v15  }
0xf6: {  	[tilespmem:s17+$0xFFFFFF90] =	vst v16;
	v14 =	vunpack.i.u.bf16.f32 v15;
	v10 =	vmul.f32 v10, v8  }
0xf7: {  	v15 =	vld [tilespmem:s23+$0xFFFFFFE0];
	[tilespmem:s17+$0xFFFFFFA0] =	vst v6;
	v6 =	vperm.xlane v11, v4;
	v16 =	vunpack.i.l.bf16.f32 v20;
	v8 =	vmul.f32 v14, v8  }
0xf8: {  	v21 =	vperm.xlane v17, v3;
	v14 =	vld [tilespmem:s28+$0xFFFFFFD0];
	v11 =	vmul.f32 v16, v9;
	v16 =	vunpack.i.u.bf16.f32 v18;
	[tilespmem:s18+$0xFFFFFF90] =	vst v10  }
0xf9: {  	[tilespmem:s18+$0xFFFFFFA0] =	vst v8;
	v10 =	vmul.f32 v16, v6;
	v16 =	vunpack.i.l.bf16.f32 v19  }
0xfa: {  	[tilespmem:s8+$0xFFFFFFB0] =	vst v11;
	v8 =	vunpack.i.u.bf16.f32 v19;
	v11 =	vmul.f32 v16, v21;
	v16 =	vld [tilespmem:s16+$0xFFFFFFD0]  }
0xfb: {  	v19 =	vunpack.i.u.bf16.f32 v20;
	v8 =	vmul.f32 v8, v21;
	[tilespmem:s17+$0x70] =	vst v10  }
0xfc: {  	v9 =	vmul.f32 v19, v9;
	v19 =	vunpack.i.l.bf16.f32 v15;
	v10 =	vperm.xlane v12, v3;
	[tilespmem:s18+$0x40] =	vst v11  }
0xfd: {  	v11 =	vmul.f32 v19, v5;
	[tilespmem:s18+$0x50] =	vst v8;
	v8 =	vunpack.i.l.bf16.f32 v14  }
0xfe: {  	v19 =	vperm.xlane v13, v3;
	[tilespmem:s8+$0xFFFFFFC0] =	vst v9;
	v14 =	vunpack.i.u.bf16.f32 v14;
	v9 =	vld [tilespmem:s16+$0x30];
	v8 =	vmul.f32 v8, v10  }
0xff: {  	v20 =	vld [tilespmem:s25+$0xFFFFFFE0];
	v10 =	vmul.f32 v14, v10;
	[tilespmem:s22+$0xFFFFFFD0] =	vst v11;
	v11 =	vunpack.i.l.bf16.f32 v16  }
0x100: {  	[tilespmem:s17+$0xFFFFFFB0] =	vst v8;
	v8 =	vunpack.i.u.bf16.f32 v16;
	v11 =	vmul.f32 v11, v19  }
0x101: {  	v14 =	vunpack.i.u.bf16.f32 v15;
	[tilespmem:s17+$0xFFFFFFC0] =	vst v10;
	v8 =	vmul.f32 v8, v19  }
0x102: {  	v5 =	vmul.f32 v14, v5;
	v14 =	vperm.xlane v17, v4;
	v10 =	vunpack.i.l.bf16.f32 v18;
	v15 =	vld [tilespmem:s28+$0xFFFFFFE0];
	[tilespmem:s18+$0xFFFFFFB0] =	vst v11  }
0x103: {  	v6 =	vmul.f32 v10, v6;
	v10 =	vunpack.i.u.bf16.f32 v9;
	[tilespmem:s18+$0xFFFFFFC0] =	vst v8  }
0x104: {  	[tilespmem:s22+$0xFFFFFFE0] =	vst v5;
	v5 =	vunpack.i.l.bf16.f32 v20;
	v8 =	vmul.f32 v10, v14;
	v10 =	vld [tilespmem:s16+$0xFFFFFFE0]  }
0x105: {  	[tilespmem:s17+$0x60] =	vst v6;
	v6 =	vunpack.i.u.bf16.f32 v20;
	v5 =	vmul.f32 v5, v7  }
0x106: {  	v11 =	vperm.xlane v12, v4;
	v9 =	vunpack.i.l.bf16.f32 v9;
	v6 =	vmul.f32 v6, v7;
	[tilespmem:s18+$0x70] =	vst v8  }
0x107: {  	v7 =	vmul.f32 v9, v14;
	[tilespmem:s8+$0xFFFFFFD0] =	vst v5;
	v5 =	vunpack.i.l.bf16.f32 v15  }
0x108: {  	v8 =	vperm.xlane v13, v4;
	[tilespmem:s8+$0xFFFFFFE0] =	vst v6;
	v6 =	vunpack.i.u.bf16.f32 v15;
	v5 =	vmul.f32 v5, v11  }
0x109: {  	[tilespmem:s18+$0x60] =	vst v7;
	v6 =	vmul.f32 v6, v11;
	v7 =	vunpack.i.l.bf16.f32 v10  }
0x10a: {  	[tilespmem:s17+$0xFFFFFFD0] =	vst v5;
	v5 =	vunpack.i.u.bf16.f32 v10;
	v7 =	vmul.f32 v7, v8  }
0x10b: {  	[tilespmem:s17+$0xFFFFFFE0] =	vst v6;
	v5 =	vmul.f32 v5, v8  }
0x10c: {  	[tilespmem:s18+$0xFFFFFFD0] =	vst v7  }
0x10d: {  	s0 =	simm.s32 $0x163F0;
	[tilespmem:s18+$0xFFFFFFE0] =	vst v5  }
0x10e: {  	[spmem:s2] =	stream.indirect.scatter.add.f32 [tilespmem:s29], [sflag:$0x3], $0x90, s0, s24, $0xb8;
	[tilespmem:$0x1FA00] =	vst v63  }
0x10f: {  	_ =	swait.ge [sflag:s9], $0xE0  }
0x110: {  	s22 =	simm.s32 $0x16540;
	[sflag:s9] =	ssyncset.done $0x0;
	s23 =	rddreg [dreg:$0xb]  }
0x111: {  	s18 =	simm.s32 $0x16700;
	[sflag:s9] =	ssyncadd.s32 $0xFFFFFF20;
	s0 =	sadd.s32 s7, s23  }
0x112: {  	[tilespmem:s18], [sflag:$0x1] =	stream.indirect.gather [hbm4b:s5+s24], $0x50, s22, s24, $0xb8;
	[tilespmem:$0x1FA00] =	vst v63  }
0x113: {  	s25 =	simm.s32 $0x1AD00;
	s0 =	smul.u32 $0xE0, s0  }
0x114: {  	[tilespmem:s25], [sflag:$0x1] =	stream.indirect.gather [hbm4b:s6+s24], $0x10, s11, s24, $0xb8;
	[tilespmem:$0x1FA00] =	vst v63  }
0x115: {  	s0 =	sshrl.u32 s0, $0x3  }
0x116: {  	s0 =	sadd.s32 s4, s0  }
0x117: {  	s0 =	sadd.s32 $0x38, s0  }
0x118: {  	[tilespmem:s12], [sflag:$0x6] =	stream.linear.gather [hbm4b:s0+s3], $0xE0, $0x38;
	[tilespmem:$0x1FA00] =	vst v63  }
0x119: {  	_ =	swait.ge [sflag:s13], $0x2300  }
0x11a: {  	[sflag:s13] =	ssyncset.done $0x0  }
0x11b: {  	[sflag:s13] =	ssyncadd.s32 $0xFFFFDD00  }
0x11c: {  	_ =	swait.ge [sflag:s13], $0x700  }
0x11d: {  	[sflag:s13] =	ssyncset.done $0x0  }
0x11e: {  	[sflag:s13] =	ssyncadd.s32 $0xFFFFF900  }
0x11f: {  	_ =	swait.ge [sflag:s14], $0x3F00  }
0x120: {  	[sflag:s14] =	ssyncset.done $0x0  }
0x121: {  	s17 =	simm.s32 $0x18A50;
	[sflag:s14] =	ssyncadd.s32 $0xFFFFC100  }
0x122: {  	s26 =	simm.s32 $0x1B410;
	v5 =	vld [tilespmem:s17+$0x40]  }
0x123: {  	v6 =	vld [tilespmem:s26+$0x0];
	_ =	sdelay $0x3  }
0x124: {  	v5 =	vunpack.i.l.bf16.f32 v5  }
0x125: {  	v5 =	vadd.f32 v5, v6;
	_ =	sdelay $0x1  }
0x126: {  	v6 =	vmul.f32 $2.000000030e-01, v5  }
0x127: {  	vm0 =	vge.f32 v5, $0.0e+00  }
0x128: {  	v5 =	vsel vm0, v5, v6;
	v6 =	vld [tilespmem:s17+$0xFFFFFFF0]  }
0x129: {  	v7 =	vld [tilespmem:s26+$0xFFFFFFF0];
	v5 =	vmul.f32 $1.442695020e+00, v5;
	_ =	sdelay $0x1  }
0x12a: {  	(erf) = vpow2.f32 v5;
	_ =	sdelay $0x1  }
0x12b: {  	v5 =	vunpack.i.l.bf16.f32 v6  }
0x12c: {  	s23 =	simm.s32 $0x18AF0;
	v5 =	vadd.f32 v5, v7  }
0x12d: {  	s8 =	simm.s32 $0x1B430;
	v6 =	vld [tilespmem:s23+$0x40]  }
0x12e: {  	v8 =	vld [tilespmem:s8+$0x0];
	v7 =	vmul.f32 $2.000000030e-01, v5  }
0x12f: {  	vm7 =	vge.f32 v5, $0.0e+00  }
0x130: {  	v5 =	vsel vm7, v5, v7  }
0x131: {  	v5 =	vmul.f32 $1.442695020e+00, v5  }
0x132: {  	s26 =	simm.s32 $0x1BB90;
	v6 =	vunpack.i.l.bf16.f32 v6;
	v9 =	vpop (erf)  }
0x133: {  	v7 =	vld [tilespmem:s23+$0xFFFFFFF0];
	[tilespmem:s26+$0x80] =	vst v9;
	(erf) = vpow2.f32 v5;
	v5 =	vadd.f32 v6, v8  }
0x134: {  	v6 =	vld [tilespmem:s17+$0x0]  }
0x135: {  	v10 =	vld [tilespmem:s8+$0xFFFFFFF0];
	v8 =	vmul.f32 $2.000000030e-01, v5  }
0x136: {  	vm8 =	vge.f32 v5, $0.0e+00  }
0x137: {  	v5 =	vsel vm8, v5, v8  }
0x138: {  	v8 =	vperm.xlane v9, v1;
	v5 =	vmul.f32 $1.442695020e+00, v5  }
0x139: {  	v7 =	vunpack.i.l.bf16.f32 v7;
	v11 =	vunpack.i.l.bf16.f32 v6;
	v6 =	vunpack.i.u.bf16.f32 v6  }
0x13a: {  	(erf) = vpow2.f32 v5;
	v5 =	vmul.f32 v6, v8;
	v6 =	vadd.f32 v7, v10  }
0x13b: {  	v11 =	vmul.f32 v11, v8  }
0x13c: {  	[tilespmem:s26+$0x10] =	vst v5;
	v5 =	vmul.f32 $2.000000030e-01, v6  }
0x13d: {  	[tilespmem:s26+$0x0] =	vst v11;
	vm9 =	vge.f32 v6, $0.0e+00  }
0x13e: {  	s25 =	simm.s32 $0x18B90;
	v10 =	vld [tilespmem:s17+$0x10];
	v5 =	vsel vm9, v6, v5  }
0x13f: {  	s16 =	simm.s32 $0x1B450;
	v8 =	vpop (erf);
	v6 =	vld [tilespmem:s25+$0x40];
	v5 =	vmul.f32 $1.442695020e+00, v5  }
0x140: {  	v12 =	vld [tilespmem:s16+$0x0];
	[tilespmem:s26+$0xFFFFFFF0] =	vst v8  }
0x141: {  	v11 =	vld [tilespmem:s17+$0xFFFFFFB0];
	(erf) = vpow2.f32 v5  }
0x142: {  	v14 =	vperm.xlane v9, v2  }
0x143: {  	s22 =	simm.s32 $0x1BCB0;
	v13 =	vld [tilespmem:s25+$0xFFFFFFF0];
	v15 =	vunpack.i.l.bf16.f32 v10;
	v7 =	vpop (erf)  }
0x144: {  	v5 =	vld [tilespmem:s16+$0xFFFFFFF0];
	v10 =	vunpack.i.u.bf16.f32 v10;
	v15 =	vmul.f32 v15, v14;
	v6 =	vunpack.i.l.bf16.f32 v6;
	[tilespmem:s22+$0x80] =	vst v7  }
0x145: {  	v10 =	vmul.f32 v10, v14;
	v14 =	vperm.xlane v8, v1;
	v6 =	vadd.f32 v6, v12;
	v12 =	vld [tilespmem:s23+$0x0]  }
0x146: {  	[tilespmem:s26+$0x20] =	vst v15;
	v15 =	vunpack.i.u.bf16.f32 v11  }
0x147: {  	[tilespmem:s26+$0x30] =	vst v10;
	v10 =	vunpack.i.l.bf16.f32 v11;
	v11 =	vmul.f32 $2.000000030e-01, v6;
	v15 =	vmul.f32 v15, v14  }
0x148: {  	v13 =	vunpack.i.l.bf16.f32 v13;
	v10 =	vmul.f32 v10, v14;
	vm10 =	vge.f32 v6, $0.0e+00  }
0x149: {  	v5 =	vadd.f32 v13, v5;
	v13 =	vld [tilespmem:s17+$0x20];
	v6 =	vsel vm10, v6, v11;
	v11 =	vperm.xlane v7, v1;
	[tilespmem:s26+$0xFFFFFF80] =	vst v15  }
0x14a: {  	[tilespmem:s26+$0xFFFFFF70] =	vst v10;
	v6 =	vmul.f32 $1.442695020e+00, v6;
	v15 =	vunpack.i.l.bf16.f32 v12;
	v16 =	vpop (erf)  }
0x14b: {  	v14 =	vmul.f32 $2.000000030e-01, v5;
	v10 =	vunpack.i.u.bf16.f32 v12;
	v12 =	vmul.f32 v15, v11;
	[tilespmem:s22+$0xFFFFFFF0] =	vst v16  }
0x14c: {  	vm11 =	vge.f32 v5, $0.0e+00;
	(erf) = vpow2.f32 v6;
	v6 =	vmul.f32 v10, v11;
	v11 =	vld [tilespmem:s23+$0xFFFFFFB0]  }
0x14d: {  	v17 =	vperm.xlane v8, v3;
	v5 =	vsel vm11, v5, v14;
	v15 =	vperm.xlane v9, v3  }
0x14e: {  	v10 =	vunpack.i.l.bf16.f32 v13;
	v5 =	vmul.f32 $1.442695020e+00, v5;
	[tilespmem:s22+$0x0] =	vst v12;
	v12 =	vunpack.i.u.bf16.f32 v13  }
0x14f: {  	v10 =	vmul.f32 v10, v15;
	v13 =	vld [tilespmem:s17+$0xFFFFFFC0];
	[tilespmem:s22+$0x10] =	vst v6;
	v6 =	vmul.f32 v12, v15  }
0x150: {  	s18 =	simm.s32 $0x1B470;
	(erf) = vpow2.f32 v5;
	v5 =	vperm.xlane v16, v1;
	v12 =	vld [tilespmem:s23+$0x10]  }
0x151: {  	s28 =	simm.s32 $0x18C30;
	v20 =	vld [tilespmem:s18+$0x0];
	v14 =	vperm.xlane v8, v2;
	[tilespmem:s26+$0x50] =	vst v6;
	v6 =	vperm.xlane v8, v4;
	v8 =	vunpack.i.u.bf16.f32 v11  }
0x152: {  	v15 =	vld [tilespmem:s28+$0x40];
	[tilespmem:s26+$0x40] =	vst v10;
	v10 =	vunpack.i.l.bf16.f32 v11;
	v11 =	vmul.f32 v8, v5  }
0x153: {  	v21 =	vld [tilespmem:s28+$0xFFFFFFF0];
	v23 =	vmul.f32 v10, v5  }
0x154: {  	v18 =	vld [tilespmem:s17+$0x30];
	v8 =	vperm.xlane v7, v2;
	v22 =	vunpack.i.u.bf16.f32 v13;
	v13 =	vunpack.i.l.bf16.f32 v13;
	[tilespmem:s22+$0xFFFFFF80] =	vst v11  }
0x155: {  	s8 =	simm.s32 $0x1BDD0;
	v5 =	vunpack.i.l.bf16.f32 v12;
	v13 =	vmul.f32 v13, v14;
	v14 =	vmul.f32 v22, v14;
	v10 =	vpop (erf);
	[tilespmem:s22+$0xFFFFFF70] =	vst v23  }
0x156: {  	v24 =	vld [tilespmem:s18+$0xFFFFFFF0];
	v12 =	vunpack.i.u.bf16.f32 v12;
	v5 =	vmul.f32 v5, v8;
	[tilespmem:s8+$0x80] =	vst v10  }
0x157: {  	v19 =	vperm.xlane v16, v2;
	v15 =	vunpack.i.l.bf16.f32 v15;
	v12 =	vmul.f32 v12, v8;
	[tilespmem:s26+$0xFFFFFFA0] =	vst v14  }
0x158: {  	v9 =	vperm.xlane v9, v4;
	v8 =	vperm.xlane v16, v3;
	v15 =	vadd.f32 v15, v20;
	v14 =	vld [tilespmem:s23+$0xFFFFFFC0];
	[tilespmem:s22+$0x20] =	vst v5  }
0x159: {  	v20 =	vld [tilespmem:s25+$0x0];
	v5 =	vperm.xlane v16, v4;
	v16 =	vunpack.i.l.bf16.f32 v21;
	[tilespmem:s22+$0x30] =	vst v12;
	v12 =	vunpack.i.u.bf16.f32 v18  }
0x15a: {  	v21 =	vmul.f32 $2.000000030e-01, v15;
	v22 =	vpop (erf);
	vm12 =	vge.f32 v15, $0.0e+00;
	v18 =	vunpack.i.l.bf16.f32 v18  }
0x15b: {  	v16 =	vadd.f32 v16, v24;
	v11 =	vmul.f32 v12, v9;
	v12 =	vperm.xlane v22, v1  }
0x15c: {  	v24 =	vld [tilespmem:s23+$0x20];
	[tilespmem:s8+$0xFFFFFFF0] =	vst v22;
	v9 =	vmul.f32 v18, v9;
	v15 =	vsel vm12, v15, v21;
	v21 =	vperm.xlane v10, v1  }
0x15d: {  	v23 =	vld [tilespmem:s25+$0xFFFFFFB0];
	v25 =	vmul.f32 $2.000000030e-01, v16;
	v15 =	vmul.f32 $1.442695020e+00, v15  }
0x15e: {  	vm13 =	vge.f32 v16, $0.0e+00;
	[tilespmem:s26+$0x70] =	vst v11;
	v11 =	vunpack.i.u.bf16.f32 v14;
	v26 =	vunpack.i.l.bf16.f32 v20  }
0x15f: {  	[tilespmem:s26+$0xFFFFFF90] =	vst v13;
	v13 =	vunpack.i.u.bf16.f32 v20;
	(erf) = vpow2.f32 v15;
	v20 =	vmul.f32 v26, v21  }
0x160: {  	v16 =	vsel vm13, v16, v25;
	v26 =	vperm.xlane v7, v3;
	v13 =	vmul.f32 v13, v21  }
0x161: {  	s18 =	simm.s32 $0x1B490;
	v14 =	vunpack.i.l.bf16.f32 v14;
	v15 =	vunpack.i.l.bf16.f32 v24;
	v21 =	vld [tilespmem:s17+$0xFFFFFFD0];
	v16 =	vmul.f32 $1.442695020e+00, v16;
	[tilespmem:s8+$0x0] =	vst v20  }
0x162: {  	v14 =	vmul.f32 v14, v19;
	v25 =	vld [tilespmem:s18+$0xFFFFFFF0];
	v18 =	vunpack.i.u.bf16.f32 v23;
	v15 =	vmul.f32 v15, v26;
	[tilespmem:s8+$0x10] =	vst v13  }
0x163: {  	[tilespmem:s26+$0x60] =	vst v9;
	v20 =	vunpack.i.u.bf16.f32 v24;
	v18 =	vmul.f32 v18, v12;
	(erf) = vpow2.f32 v16;
	v24 =	vld [tilespmem:s25+$0x10]  }
0x164: {  	s16 =	simm.s32 $0x18CD0;
	v16 =	vmul.f32 v11, v19;
	v19 =	vld [tilespmem:s18+$0x0];
	v20 =	vmul.f32 v20, v26;
	[tilespmem:s22+$0x40] =	vst v15;
	v15 =	vunpack.i.l.bf16.f32 v23  }
0x165: {  	v23 =	vld [tilespmem:s16+$0x40];
	[tilespmem:s8+$0xFFFFFF80] =	vst v18;
	v12 =	vmul.f32 v15, v12  }
0x166: {  	v9 =	vperm.xlane v22, v3;
	v18 =	vld [tilespmem:s16+$0xFFFFFFF0];
	[tilespmem:s22+$0x50] =	vst v20;
	v11 =	vunpack.i.u.bf16.f32 v21  }
0x167: {  	v20 =	vperm.xlane v10, v2;
	v15 =	vld [tilespmem:s23+$0x30];
	[tilespmem:s8+$0xFFFFFF70] =	vst v12;
	v12 =	vunpack.i.l.bf16.f32 v21;
	v21 =	vmul.f32 v11, v17  }
0x168: {  	[tilespmem:s22+$0xFFFFFF90] =	vst v14;
	v26 =	vunpack.i.l.bf16.f32 v24;
	v17 =	vmul.f32 v12, v17;
	v12 =	vunpack.i.u.bf16.f32 v24  }
0x169: {  	s30 =	simm.s32 $0x1BEF0;
	[tilespmem:s22+$0xFFFFFFA0] =	vst v16;
	v11 =	vpop (erf);
	v14 =	vmul.f32 v26, v20;
	v12 =	vmul.f32 v12, v20  }
0x16a: {  	v13 =	vperm.xlane v22, v2;
	v24 =	vperm.xlane v7, v4;
	v23 =	vunpack.i.l.bf16.f32 v23;
	[tilespmem:s30+$0x80] =	vst v11  }
0x16b: {  	v7 =	vperm.xlane v22, v4;
	v18 =	vunpack.i.l.bf16.f32 v18;
	v22 =	vadd.f32 v23, v19;
	v23 =	vld [tilespmem:s28+$0x0];
	[tilespmem:s8+$0x20] =	vst v14  }
0x16c: {  	v26 =	vperm.xlane v11, v1;
	v16 =	vadd.f32 v18, v25;
	v20 =	vunpack.i.u.bf16.f32 v15;
	[tilespmem:s8+$0x30] =	vst v12  }
0x16d: {  	[tilespmem:s26+$0xFFFFFFB0] =	vst v17;
	v14 =	vunpack.i.l.bf16.f32 v15;
	v15 =	vmul.f32 v20, v24;
	v18 =	vmul.f32 $2.000000030e-01, v22;
	v20 =	vld [tilespmem:s25+$0x20];
	v12 =	vpop (erf)  }
0x16e: {  	v24 =	vmul.f32 v14, v24;
	vm14 =	vge.f32 v22, $0.0e+00;
	v17 =	vmul.f32 $2.000000030e-01, v16;
	[tilespmem:s30+$0xFFFFFFF0] =	vst v12  }
0x16f: {  	vm15 =	vge.f32 v16, $0.0e+00;
	v19 =	vperm.xlane v12, v1;
	v22 =	vsel vm14, v22, v18;
	v25 =	vld [tilespmem:s28+$0xFFFFFFB0]  }
0x170: {  	v14 =	vperm.xlane v12, v2;
	v18 =	vld [tilespmem:s25+$0xFFFFFFC0];
	[tilespmem:s22+$0x70] =	vst v15;
	v15 =	vmul.f32 $1.442695020e+00, v22;
	v22 =	vunpack.i.l.bf16.f32 v23  }
0x171: {  	[tilespmem:s26+$0xFFFFFFC0] =	vst v21;
	v21 =	vunpack.i.u.bf16.f32 v23;
	v23 =	vperm.xlane v10, v3;
	v22 =	vmul.f32 v22, v26  }
0x172: {  	[tilespmem:s22+$0x60] =	vst v24;
	v21 =	vmul.f32 v21, v26;
	(erf) = vpow2.f32 v15;
	v26 =	vunpack.i.l.bf16.f32 v20;
	v15 =	vld [tilespmem:s23+$0xFFFFFFD0]  }
0x173: {  	v17 =	vsel vm15, v16, v17;
	v20 =	vunpack.i.u.bf16.f32 v20;
	[tilespmem:s30+$0x0] =	vst v22;
	v26 =	vmul.f32 v26, v23  }
0x174: {  	v16 =	vld [tilespmem:s17+$0xFFFFFFE0];
	v17 =	vmul.f32 $1.442695020e+00, v17;
	[tilespmem:s30+$0x10] =	vst v21;
	v21 =	vmul.f32 v20, v23;
	v22 =	vunpack.i.u.bf16.f32 v25  }
0x175: {  	s31 =	simm.s32 $0x8;
	s0 =	simm.s32 $0x18D70;
	s17 =	simm.s32 $0x1BEF0;
	v20 =	vld [tilespmem:s28+$0x10];
	v23 =	vunpack.i.u.bf16.f32 v18;
	v24 =	vunpack.i.l.bf16.f32 v25;
	[tilespmem:s8+$0x40] =	vst v26;
	v22 =	vmul.f32 v22, v19  }
.LBB2_7:
0x176: {  	v25 =	vld [tilespmem:s0+$0x40];
	(erf) = vpow2.f32 v17;
	v17 =	vmul.f32 v24, v19;
	v18 =	vunpack.i.l.bf16.f32 v18;
	[tilespmem:s8+$0x50] =	vst v21  }
0x177: {  	s18 =	sadd.s32 $0x20, s18;
	v19 =	vmul.f32 v23, v13;
	[tilespmem:s30+$0xFFFFFF80] =	vst v22;
	v18 =	vmul.f32 v18, v13;
	v21 =	vld [tilespmem:s25+$0x30];
	v22 =	vunpack.i.u.bf16.f32 v15;
	v13 =	vmovc v14  }
0x178: {  	v29 =	vperm.xlane v12, v3;
	v15 =	vunpack.i.l.bf16.f32 v15;
	v14 =	vld [tilespmem:s18+$0x0];
	[tilespmem:s30+$0xFFFFFF70] =	vst v17;
	v22 =	vmul.f32 v22, v8  }
0x179: {  	v24 =	vperm.xlane v11, v2;
	v26 =	vunpack.i.u.bf16.f32 v16;
	v15 =	vmul.f32 v15, v8;
	v8 =	vmovc v9;
	v23 =	vld [tilespmem:s0+$0xFFFFFFF0];
	[tilespmem:s8+$0xFFFFFF90] =	vst v18  }
0x17a: {  	s31 =	sadd.s32 $0x2, s31;
	v28 =	vperm.xlane v12, v4;
	v16 =	vunpack.i.l.bf16.f32 v16;
	v9 =	vmovc v29;
	v27 =	vld [tilespmem:s18+$0xFFFFFFF0];
	v12 =	vunpack.i.l.bf16.f32 v20;
	[tilespmem:s8+$0xFFFFFFA0] =	vst v19  }
0x17b: {  	p0 =	slt.u32 s31, $0x6E;
	s30 =	sadd.s32 $0x120, s30;
	v19 =	vunpack.i.u.bf16.f32 v20;
	v20 =	vperm.xlane v10, v4;
	v17 =	vpop (erf);
	v18 =	vld [tilespmem:s28+$0xFFFFFFC0];
	v12 =	vmul.f32 v12, v24;
	[tilespmem:s22+$0xFFFFFFB0] =	vst v15  }
0x17c: {  	v10 =	vmovc v11;
	v25 =	vunpack.i.l.bf16.f32 v25;
	v19 =	vmul.f32 v19, v24;
	[tilespmem:s30+$0x80] =	vst v17;
	v15 =	vld [tilespmem:s25+$0xFFFFFFD0];
	v24 =	vunpack.i.u.bf16.f32 v21;
	v11 =	vmovc v17  }
0x17d: {  	v17 =	vadd.f32 v25, v14;
	v25 =	vld [tilespmem:s16+$0x0];
	[tilespmem:s17+$0x20] =	vst v12;
	v14 =	vunpack.i.l.bf16.f32 v21;
	v21 =	vmul.f32 v24, v20  }
0x17e: {  	v24 =	vmul.f32 v26, v6;
	v29 =	vunpack.i.l.bf16.f32 v23;
	[tilespmem:s17+$0x30] =	vst v19;
	v23 =	vmul.f32 v16, v6;
	v6 =	vmovc v5  }
0x17f: {  	v20 =	vmul.f32 v14, v20;
	v26 =	vadd.f32 v29, v27;
	v16 =	vmul.f32 $2.000000030e-01, v17;
	v12 =	vpop (erf);
	v27 =	vld [tilespmem:s28+$0x20];
	[tilespmem:s8+$0x70] =	vst v21  }
0x180: {  	v5 =	vmovc v7;
	vm0 =	vge.f32 v17, $0.0e+00;
	[tilespmem:s30+$0xFFFFFFF0] =	vst v12;
	v19 =	vperm.xlane v12, v1;
	v14 =	vperm.xlane v12, v2  }
0x181: {  	v7 =	vmovc v28;
	v21 =	vmul.f32 $2.000000030e-01, v26;
	v16 =	vsel vm0, v17, v16;
	v29 =	vld [tilespmem:s16+$0xFFFFFFB0];
	v17 =	vperm.xlane v11, v1;
	[tilespmem:s22+$0xFFFFFFC0] =	vst v22  }
0x182: {  	vm0 =	vge.f32 v26, $0.0e+00;
	v22 =	vmul.f32 $1.442695020e+00, v16;
	v28 =	vunpack.i.l.bf16.f32 v25;
	v16 =	vld [tilespmem:s23+$0xFFFFFFE0];
	[tilespmem:s26+$0xFFFFFFD0] =	vst v23;
	s23 =	smov.u32 s25;
	s25 =	smov.u32 s28;
	s28 =	smov.u32 s16  }
.Ltmp2:
0x183: {  	v23 =	vunpack.i.u.bf16.f32 v25;
	v25 =	vmul.f32 v28, v17;
	v28 =	vperm.xlane v10, v3;
	[tilespmem:s26+$0xFFFFFFE0] =	vst v24;
	s26 =	smov.u32 s22;
	s22 =	smov.u32 s8;
	(pc) =	sbr.rel @p0 .LBB2_7-.Ltmp2, $4  }
0x184: {  	s16 =	smov.u32 s0;
	s8 =	smov.u32 s17;
	s17 =	smov.u32 s30;
	(erf) = vpow2.f32 v22;
	v22 =	vmul.f32 v23, v17;
	v17 =	vunpack.i.l.bf16.f32 v27;
	[tilespmem:s22+$0x60] =	vst v20  }
0x185: {  	v20 =	vsel vm0, v26, v21;
	v21 =	vunpack.i.u.bf16.f32 v27;
	[tilespmem:s30+$0x0] =	vst v25;
	v25 =	vmul.f32 v17, v28  }
0x186: {  	v17 =	vmul.f32 $1.442695020e+00, v20;
	v21 =	vmul.f32 v21, v28;
	v20 =	vunpack.i.u.bf16.f32 v29;
	[tilespmem:s30+$0x10] =	vst v22  }
0x187: {  	s0 =	sadd.s32 $0xA0, s0;
	v23 =	vunpack.i.u.bf16.f32 v18;
	v24 =	vunpack.i.l.bf16.f32 v29;
	v22 =	vmul.f32 v20, v19;
	v20 =	vld [tilespmem:s28+$0x10];
	[tilespmem:s8+$0x40] =	vst v25  }
0x188: {  	_ =	sdelay $0x1  }
0x189: {  	(erf) = vpow2.f32 v17;
	_ =	sdelay $0x2  }
0x18a: {  	s18 =	sadd.s32 $0x120, s30;
	v17 =	vpop (erf)  }
0x18b: {  	v19 =	vmul.f32 v24, v19;
	v18 =	vunpack.i.l.bf16.f32 v18;
	[tilespmem:s18+$0x80] =	vst v17  }
0x18c: {  	[tilespmem:s8+$0x50] =	vst v21;
	v18 =	vmul.f32 v18, v13;
	v13 =	vmul.f32 v23, v13;
	v21 =	vld [tilespmem:s16+$0x0]  }
0x18d: {  	[tilespmem:s30+$0xFFFFFF80] =	vst v22  }
0x18e: {  	[tilespmem:s30+$0xFFFFFF70] =	vst v19;
	v19 =	vperm.xlane v11, v2  }
0x18f: {  	v22 =	vld [tilespmem:s25+$0x30];
	[tilespmem:s8+$0xFFFFFF90] =	vst v18;
	v18 =	vunpack.i.l.bf16.f32 v20  }
0x190: {  	[tilespmem:s8+$0xFFFFFFA0] =	vst v13;
	v20 =	vunpack.i.u.bf16.f32 v20;
	v18 =	vmul.f32 v18, v19;
	v23 =	vperm.xlane v17, v1;
	v13 =	vpop (erf)  }
0x191: {  	v19 =	vmul.f32 v20, v19;
	[tilespmem:s18+$0xFFFFFFF0] =	vst v13;
	v20 =	vunpack.i.l.bf16.f32 v21  }
0x192: {  	[tilespmem:s17+$0x20] =	vst v18;
	v18 =	vld [tilespmem:s16+$0xFFFFFFB0];
	v21 =	vunpack.i.u.bf16.f32 v21;
	v20 =	vmul.f32 v20, v23  }
0x193: {  	v24 =	vunpack.i.l.bf16.f32 v15;
	v10 =	vperm.xlane v10, v4;
	[tilespmem:s17+$0x30] =	vst v19;
	v19 =	vmul.f32 v21, v23  }
0x194: {  	v21 =	vmul.f32 v24, v8;
	v23 =	vunpack.i.u.bf16.f32 v22;
	v24 =	vld [tilespmem:s28+$0x20];
	[tilespmem:s18+$0x0] =	vst v20  }
0x195: {  	v15 =	vunpack.i.u.bf16.f32 v15;
	v20 =	vmul.f32 v23, v10;
	[tilespmem:s18+$0x10] =	vst v19  }
0x196: {  	v8 =	vmul.f32 v15, v8;
	v15 =	vunpack.i.l.bf16.f32 v16;
	[tilespmem:s22+$0xFFFFFFB0] =	vst v21;
	v19 =	vperm.xlane v13, v1;
	v21 =	vld [tilespmem:s16+$0x10]  }
0x197: {  	v15 =	vmul.f32 v15, v6;
	[tilespmem:s8+$0x70] =	vst v20;
	v20 =	vunpack.i.u.bf16.f32 v18  }
0x198: {  	[tilespmem:s22+$0xFFFFFFC0] =	vst v8;
	v8 =	vperm.xlane v11, v3;
	v18 =	vunpack.i.l.bf16.f32 v18;
	v20 =	vmul.f32 v20, v19  }
0x199: {  	[tilespmem:s26+$0xFFFFFFD0] =	vst v15;
	v15 =	vunpack.i.l.bf16.f32 v24;
	v18 =	vmul.f32 v18, v19  }
0x19a: {  	v19 =	vld [tilespmem:s28+$0xFFFFFFC0];
	v23 =	vunpack.i.u.bf16.f32 v24;
	v15 =	vmul.f32 v15, v8;
	[tilespmem:s18+$0xFFFFFF80] =	vst v20;
	v20 =	vperm.xlane v17, v2  }
0x19b: {  	v8 =	vmul.f32 v23, v8;
	[tilespmem:s18+$0xFFFFFF70] =	vst v18;
	v18 =	vunpack.i.l.bf16.f32 v21  }
0x19c: {  	[tilespmem:s17+$0x40] =	vst v15;
	v15 =	vld [tilespmem:s16+$0xFFFFFFC0];
	v21 =	vunpack.i.u.bf16.f32 v21;
	v18 =	vmul.f32 v18, v20  }
0x19d: {  	v16 =	vunpack.i.u.bf16.f32 v16;
	[tilespmem:s17+$0x50] =	vst v8;
	v8 =	vmul.f32 v21, v20  }
0x19e: {  	v6 =	vmul.f32 v16, v6;
	v20 =	vld [tilespmem:s25+$0xFFFFFFD0];
	v21 =	vunpack.i.l.bf16.f32 v22;
	[tilespmem:s18+$0x20] =	vst v18  }
0x19f: {  	v10 =	vmul.f32 v21, v10;
	v16 =	vunpack.i.l.bf16.f32 v19;
	v18 =	vld [tilespmem:s28+$0x30];
	[tilespmem:s18+$0x30] =	vst v8  }
0x1a0: {  	[tilespmem:s26+$0xFFFFFFE0] =	vst v6;
	v6 =	vunpack.i.u.bf16.f32 v19;
	v8 =	vperm.xlane v13, v2;
	v16 =	vmul.f32 v16, v14;
	v19 =	vld [tilespmem:s16+$0x20]  }
0x1a1: {  	v6 =	vmul.f32 v6, v14;
	[tilespmem:s8+$0x60] =	vst v10;
	v10 =	vunpack.i.l.bf16.f32 v15  }
0x1a2: {  	[tilespmem:s17+$0xFFFFFF90] =	vst v16;
	v14 =	vunpack.i.u.bf16.f32 v15;
	v10 =	vmul.f32 v10, v8  }
0x1a3: {  	v15 =	vld [tilespmem:s23+$0xFFFFFFE0];
	[tilespmem:s17+$0xFFFFFFA0] =	vst v6;
	v6 =	vperm.xlane v11, v4;
	v16 =	vunpack.i.l.bf16.f32 v20;
	v8 =	vmul.f32 v14, v8  }
0x1a4: {  	v21 =	vperm.xlane v17, v3;
	v14 =	vld [tilespmem:s28+$0xFFFFFFD0];
	v11 =	vmul.f32 v16, v9;
	v16 =	vunpack.i.u.bf16.f32 v18;
	[tilespmem:s18+$0xFFFFFF90] =	vst v10  }
0x1a5: {  	[tilespmem:s18+$0xFFFFFFA0] =	vst v8;
	v10 =	vmul.f32 v16, v6;
	v16 =	vunpack.i.l.bf16.f32 v19  }
0x1a6: {  	[tilespmem:s8+$0xFFFFFFB0] =	vst v11;
	v8 =	vunpack.i.u.bf16.f32 v19;
	v11 =	vmul.f32 v16, v21;
	v16 =	vld [tilespmem:s16+$0xFFFFFFD0]  }
0x1a7: {  	v19 =	vunpack.i.u.bf16.f32 v20;
	v8 =	vmul.f32 v8, v21;
	[tilespmem:s17+$0x70] =	vst v10  }
0x1a8: {  	v9 =	vmul.f32 v19, v9;
	v19 =	vunpack.i.l.bf16.f32 v15;
	v10 =	vperm.xlane v12, v3;
	[tilespmem:s18+$0x40] =	vst v11  }
0x1a9: {  	v11 =	vmul.f32 v19, v5;
	[tilespmem:s18+$0x50] =	vst v8;
	v8 =	vunpack.i.l.bf16.f32 v14  }
0x1aa: {  	v19 =	vperm.xlane v13, v3;
	[tilespmem:s8+$0xFFFFFFC0] =	vst v9;
	v14 =	vunpack.i.u.bf16.f32 v14;
	v9 =	vld [tilespmem:s16+$0x30];
	v8 =	vmul.f32 v8, v10  }
0x1ab: {  	v20 =	vld [tilespmem:s25+$0xFFFFFFE0];
	v10 =	vmul.f32 v14, v10;
	[tilespmem:s22+$0xFFFFFFD0] =	vst v11;
	v11 =	vunpack.i.l.bf16.f32 v16  }
0x1ac: {  	[tilespmem:s17+$0xFFFFFFB0] =	vst v8;
	v8 =	vunpack.i.u.bf16.f32 v16;
	v11 =	vmul.f32 v11, v19  }
0x1ad: {  	v14 =	vunpack.i.u.bf16.f32 v15;
	[tilespmem:s17+$0xFFFFFFC0] =	vst v10;
	v8 =	vmul.f32 v8, v19  }
0x1ae: {  	v5 =	vmul.f32 v14, v5;
	v14 =	vperm.xlane v17, v4;
	v10 =	vunpack.i.l.bf16.f32 v18;
	v15 =	vld [tilespmem:s28+$0xFFFFFFE0];
	[tilespmem:s18+$0xFFFFFFB0] =	vst v11  }
0x1af: {  	v6 =	vmul.f32 v10, v6;
	v10 =	vunpack.i.u.bf16.f32 v9;
	[tilespmem:s18+$0xFFFFFFC0] =	vst v8  }
0x1b0: {  	[tilespmem:s22+$0xFFFFFFE0] =	vst v5;
	v5 =	vunpack.i.l.bf16.f32 v20;
	v8 =	vmul.f32 v10, v14;
	v10 =	vld [tilespmem:s16+$0xFFFFFFE0]  }
0x1b1: {  	[tilespmem:s17+$0x60] =	vst v6;
	v6 =	vunpack.i.u.bf16.f32 v20;
	v5 =	vmul.f32 v5, v7  }
0x1b2: {  	v11 =	vperm.xlane v12, v4;
	v9 =	vunpack.i.l.bf16.f32 v9;
	v6 =	vmul.f32 v6, v7;
	[tilespmem:s18+$0x70] =	vst v8  }
0x1b3: {  	v7 =	vmul.f32 v9, v14;
	[tilespmem:s8+$0xFFFFFFD0] =	vst v5;
	v5 =	vunpack.i.l.bf16.f32 v15  }
0x1b4: {  	v8 =	vperm.xlane v13, v4;
	[tilespmem:s8+$0xFFFFFFE0] =	vst v6;
	v6 =	vunpack.i.u.bf16.f32 v15;
	v5 =	vmul.f32 v5, v11  }
0x1b5: {  	[tilespmem:s18+$0x60] =	vst v7;
	v6 =	vmul.f32 v6, v11;
	v7 =	vunpack.i.l.bf16.f32 v10  }
0x1b6: {  	[tilespmem:s17+$0xFFFFFFD0] =	vst v5;
	v5 =	vunpack.i.u.bf16.f32 v10;
	v7 =	vmul.f32 v7, v8  }
0x1b7: {  	[tilespmem:s17+$0xFFFFFFE0] =	vst v6;
	v5 =	vmul.f32 v5, v8  }
0x1b8: {  	[tilespmem:s18+$0xFFFFFFD0] =	vst v7  }
0x1b9: {  	s0 =	simm.s32 $0x164D0;
	[tilespmem:s18+$0xFFFFFFE0] =	vst v5  }
0x1ba: {  	[spmem:s2] =	stream.indirect.scatter.add.f32 [tilespmem:s29], [sflag:$0x4], $0x90, s0, s24, $0xb8;
	[tilespmem:$0x1FA00] =	vst v63  }
0x1bb: {  	_ =	swait.ge [sflag:s15], $0xE0  }
0x1bc: {  	p0 =	seq.s32 s10, $0x17;
	[sflag:s15] =	ssyncset.done $0x0;
	s0 =	rddreg [dreg:$0xc]  }
0x1bd: {  	s23 =	simm.s32 $0x18A00;
	[sflag:s15] =	ssyncadd.s32 $0xFFFFFF20;
	s0 =	sadd.s32 @!p0 s7, s0  }
0x1be: {  	[tilespmem:s23], [sflag:$0x2] =	stream.indirect.gather [hbm4b:s5+s24], $0x50, s12, s24, $0xb8;
	[tilespmem:$0x1FA00] =	vst v63  }
0x1bf: {  	s25 =	simm.s32 $0x1B400;
	s0 =	smul.u32 @!p0 $0xE0, s0  }
0x1c0: {  	[tilespmem:s25], [sflag:$0x2] =	stream.indirect.gather [hbm4b:s6+s24], $0x10, s19, s24, $0xb8;
	[tilespmem:$0x1FA00] =	vst v63  }
0x1c1: {  	s0 =	sshrl.u32 @!p0 s0, $0x3  }
0x1c2: {  	s0 =	sadd.s32 @!p0 s4, s0  }
0x1c3: {  	s16 =	simm.s32 @!p0 $0x16380;
	s8 =	simm.s32 @!p0 $0x0;
	s0 =	sadd.s32 @!p0 $0x38, s0  }
0x1c4: {  	[tilespmem:s16], [sflag:$0x5] =	stream.linear.gather @!p0 [hbm4b:s0+s8], $0xE0, $0x38;
	[tilespmem:$0x1FA00] =	vst v63  }
0x1c5: {  	_ =	swait.ge [sflag:s21], $0x2300  }
0x1c6: {  	[sflag:s21] =	ssyncset.done $0x0  }
0x1c7: {  	[sflag:s21] =	ssyncadd.s32 $0xFFFFDD00  }
0x1c8: {  	_ =	swait.ge [sflag:s21], $0x700  }
0x1c9: {  	[sflag:s21] =	ssyncset.done $0x0  }
0x1ca: {  	[sflag:s21] =	ssyncadd.s32 $0xFFFFF900  }
0x1cb: {  	_ =	swait.ge [sflag:s20], $0x3F00  }
0x1cc: {  	[sflag:s20] =	ssyncset.done $0x0  }
0x1cd: {  	s17 =	simm.s32 $0x16750;
	[sflag:s20] =	ssyncadd.s32 $0xFFFFC100  }
0x1ce: {  	s26 =	simm.s32 $0x1AD10;
	v5 =	vld [tilespmem:s17+$0x40]  }
0x1cf: {  	v6 =	vld [tilespmem:s26+$0x0];
	_ =	sdelay $0x3  }
0x1d0: {  	v5 =	vunpack.i.l.bf16.f32 v5  }
0x1d1: {  	v5 =	vadd.f32 v5, v6;
	_ =	sdelay $0x1  }
0x1d2: {  	v6 =	vmul.f32 $2.000000030e-01, v5  }
0x1d3: {  	vm0 =	vge.f32 v5, $0.0e+00  }
0x1d4: {  	v5 =	vsel vm0, v5, v6;
	v6 =	vld [tilespmem:s17+$0xFFFFFFF0]  }
0x1d5: {  	v7 =	vld [tilespmem:s26+$0xFFFFFFF0];
	v5 =	vmul.f32 $1.442695020e+00, v5;
	_ =	sdelay $0x1  }
0x1d6: {  	(erf) = vpow2.f32 v5;
	_ =	sdelay $0x1  }
0x1d7: {  	v5 =	vunpack.i.l.bf16.f32 v6  }
0x1d8: {  	s23 =	simm.s32 $0x167F0;
	v5 =	vadd.f32 v5, v7  }
0x1d9: {  	s8 =	simm.s32 $0x1AD30;
	v6 =	vld [tilespmem:s23+$0x40]  }
0x1da: {  	v8 =	vld [tilespmem:s8+$0x0];
	v7 =	vmul.f32 $2.000000030e-01, v5  }
0x1db: {  	vm7 =	vge.f32 v5, $0.0e+00  }
0x1dc: {  	v5 =	vsel vm7, v5, v7  }
0x1dd: {  	v5 =	vmul.f32 $1.442695020e+00, v5  }
0x1de: {  	s26 =	simm.s32 $0x1BB90;
	v6 =	vunpack.i.l.bf16.f32 v6;
	v9 =	vpop (erf)  }
0x1df: {  	v7 =	vld [tilespmem:s23+$0xFFFFFFF0];
	[tilespmem:s26+$0x80] =	vst v9;
	(erf) = vpow2.f32 v5;
	v5 =	vadd.f32 v6, v8  }
0x1e0: {  	v6 =	vld [tilespmem:s17+$0x0]  }
0x1e1: {  	v10 =	vld [tilespmem:s8+$0xFFFFFFF0];
	v8 =	vmul.f32 $2.000000030e-01, v5  }
0x1e2: {  	vm8 =	vge.f32 v5, $0.0e+00  }
0x1e3: {  	v5 =	vsel vm8, v5, v8  }
0x1e4: {  	v8 =	vperm.xlane v9, v1;
	v5 =	vmul.f32 $1.442695020e+00, v5  }
0x1e5: {  	v7 =	vunpack.i.l.bf16.f32 v7;
	v11 =	vunpack.i.l.bf16.f32 v6;
	v6 =	vunpack.i.u.bf16.f32 v6  }
0x1e6: {  	(erf) = vpow2.f32 v5;
	v5 =	vmul.f32 v6, v8;
	v6 =	vadd.f32 v7, v10  }
0x1e7: {  	v11 =	vmul.f32 v11, v8  }
0x1e8: {  	[tilespmem:s26+$0x10] =	vst v5;
	v5 =	vmul.f32 $2.000000030e-01, v6  }
0x1e9: {  	[tilespmem:s26+$0x0] =	vst v11;
	vm9 =	vge.f32 v6, $0.0e+00  }
0x1ea: {  	s25 =	simm.s32 $0x16890;
	v10 =	vld [tilespmem:s17+$0x10];
	v5 =	vsel vm9, v6, v5  }
0x1eb: {  	s16 =	simm.s32 $0x1AD50;
	v8 =	vpop (erf);
	v6 =	vld [tilespmem:s25+$0x40];
	v5 =	vmul.f32 $1.442695020e+00, v5  }
0x1ec: {  	v12 =	vld [tilespmem:s16+$0x0];
	[tilespmem:s26+$0xFFFFFFF0] =	vst v8  }
0x1ed: {  	v11 =	vld [tilespmem:s17+$0xFFFFFFB0];
	(erf) = vpow2.f32 v5  }
0x1ee: {  	v14 =	vperm.xlane v9, v2  }
0x1ef: {  	s22 =	simm.s32 $0x1BCB0;
	v13 =	vld [tilespmem:s25+$0xFFFFFFF0];
	v15 =	vunpack.i.l.bf16.f32 v10;
	v7 =	vpop (erf)  }
0x1f0: {  	v5 =	vld [tilespmem:s16+$0xFFFFFFF0];
	v10 =	vunpack.i.u.bf16.f32 v10;
	v15 =	vmul.f32 v15, v14;
	v6 =	vunpack.i.l.bf16.f32 v6;
	[tilespmem:s22+$0x80] =	vst v7  }
0x1f1: {  	v10 =	vmul.f32 v10, v14;
	v14 =	vperm.xlane v8, v1;
	v6 =	vadd.f32 v6, v12;
	v12 =	vld [tilespmem:s23+$0x0]  }
0x1f2: {  	[tilespmem:s26+$0x20] =	vst v15;
	v15 =	vunpack.i.u.bf16.f32 v11  }
0x1f3: {  	[tilespmem:s26+$0x30] =	vst v10;
	v10 =	vunpack.i.l.bf16.f32 v11;
	v11 =	vmul.f32 $2.000000030e-01, v6;
	v15 =	vmul.f32 v15, v14  }
0x1f4: {  	v13 =	vunpack.i.l.bf16.f32 v13;
	v10 =	vmul.f32 v10, v14;
	vm10 =	vge.f32 v6, $0.0e+00  }
0x1f5: {  	v5 =	vadd.f32 v13, v5;
	v13 =	vld [tilespmem:s17+$0x20];
	v6 =	vsel vm10, v6, v11;
	v11 =	vperm.xlane v7, v1;
	[tilespmem:s26+$0xFFFFFF80] =	vst v15  }
0x1f6: {  	[tilespmem:s26+$0xFFFFFF70] =	vst v10;
	v6 =	vmul.f32 $1.442695020e+00, v6;
	v15 =	vunpack.i.l.bf16.f32 v12;
	v16 =	vpop (erf)  }
0x1f7: {  	v14 =	vmul.f32 $2.000000030e-01, v5;
	v10 =	vunpack.i.u.bf16.f32 v12;
	v12 =	vmul.f32 v15, v11;
	[tilespmem:s22+$0xFFFFFFF0] =	vst v16  }
0x1f8: {  	vm11 =	vge.f32 v5, $0.0e+00;
	(erf) = vpow2.f32 v6;
	v6 =	vmul.f32 v10, v11;
	v11 =	vld [tilespmem:s23+$0xFFFFFFB0]  }
0x1f9: {  	v17 =	vperm.xlane v8, v3;
	v5 =	vsel vm11, v5, v14;
	v15 =	vperm.xlane v9, v3  }
0x1fa: {  	v10 =	vunpack.i.l.bf16.f32 v13;
	v5 =	vmul.f32 $1.442695020e+00, v5;
	[tilespmem:s22+$0x0] =	vst v12;
	v12 =	vunpack.i.u.bf16.f32 v13  }
0x1fb: {  	v10 =	vmul.f32 v10, v15;
	v13 =	vld [tilespmem:s17+$0xFFFFFFC0];
	[tilespmem:s22+$0x10] =	vst v6;
	v6 =	vmul.f32 v12, v15  }
0x1fc: {  	s18 =	simm.s32 $0x1AD70;
	(erf) = vpow2.f32 v5;
	v5 =	vperm.xlane v16, v1;
	v12 =	vld [tilespmem:s23+$0x10]  }
0x1fd: {  	s28 =	simm.s32 $0x16930;
	v20 =	vld [tilespmem:s18+$0x0];
	v14 =	vperm.xlane v8, v2;
	[tilespmem:s26+$0x50] =	vst v6;
	v6 =	vperm.xlane v8, v4;
	v8 =	vunpack.i.u.bf16.f32 v11  }
0x1fe: {  	v15 =	vld [tilespmem:s28+$0x40];
	[tilespmem:s26+$0x40] =	vst v10;
	v10 =	vunpack.i.l.bf16.f32 v11;
	v11 =	vmul.f32 v8, v5  }
0x1ff: {  	v21 =	vld [tilespmem:s28+$0xFFFFFFF0];
	v23 =	vmul.f32 v10, v5  }
0x200: {  	v18 =	vld [tilespmem:s17+$0x30];
	v8 =	vperm.xlane v7, v2;
	v22 =	vunpack.i.u.bf16.f32 v13;
	v13 =	vunpack.i.l.bf16.f32 v13;
	[tilespmem:s22+$0xFFFFFF80] =	vst v11  }
0x201: {  	s8 =	simm.s32 $0x1BDD0;
	v5 =	vunpack.i.l.bf16.f32 v12;
	v13 =	vmul.f32 v13, v14;
	v14 =	vmul.f32 v22, v14;
	v10 =	vpop (erf);
	[tilespmem:s22+$0xFFFFFF70] =	vst v23  }
0x202: {  	v24 =	vld [tilespmem:s18+$0xFFFFFFF0];
	v12 =	vunpack.i.u.bf16.f32 v12;
	v5 =	vmul.f32 v5, v8;
	[tilespmem:s8+$0x80] =	vst v10  }
0x203: {  	v19 =	vperm.xlane v16, v2;
	v15 =	vunpack.i.l.bf16.f32 v15;
	v12 =	vmul.f32 v12, v8;
	[tilespmem:s26+$0xFFFFFFA0] =	vst v14  }
0x204: {  	v9 =	vperm.xlane v9, v4;
	v8 =	vperm.xlane v16, v3;
	v15 =	vadd.f32 v15, v20;
	v14 =	vld [tilespmem:s23+$0xFFFFFFC0];
	[tilespmem:s22+$0x20] =	vst v5  }
0x205: {  	v20 =	vld [tilespmem:s25+$0x0];
	v5 =	vperm.xlane v16, v4;
	v16 =	vunpack.i.l.bf16.f32 v21;
	[tilespmem:s22+$0x30] =	vst v12;
	v12 =	vunpack.i.u.bf16.f32 v18  }
0x206: {  	v21 =	vmul.f32 $2.000000030e-01, v15;
	v22 =	vpop (erf);
	vm12 =	vge.f32 v15, $0.0e+00;
	v18 =	vunpack.i.l.bf16.f32 v18  }
0x207: {  	v16 =	vadd.f32 v16, v24;
	v11 =	vmul.f32 v12, v9;
	v12 =	vperm.xlane v22, v1  }
0x208: {  	v24 =	vld [tilespmem:s23+$0x20];
	[tilespmem:s8+$0xFFFFFFF0] =	vst v22;
	v9 =	vmul.f32 v18, v9;
	v15 =	vsel vm12, v15, v21;
	v21 =	vperm.xlane v10, v1  }
0x209: {  	v23 =	vld [tilespmem:s25+$0xFFFFFFB0];
	v25 =	vmul.f32 $2.000000030e-01, v16;
	v15 =	vmul.f32 $1.442695020e+00, v15  }
0x20a: {  	vm13 =	vge.f32 v16, $0.0e+00;
	[tilespmem:s26+$0x70] =	vst v11;
	v11 =	vunpack.i.u.bf16.f32 v14;
	v26 =	vunpack.i.l.bf16.f32 v20  }
0x20b: {  	[tilespmem:s26+$0xFFFFFF90] =	vst v13;
	v13 =	vunpack.i.u.bf16.f32 v20;
	(erf) = vpow2.f32 v15;
	v20 =	vmul.f32 v26, v21  }
0x20c: {  	v16 =	vsel vm13, v16, v25;
	v26 =	vperm.xlane v7, v3;
	v13 =	vmul.f32 v13, v21  }
0x20d: {  	s18 =	simm.s32 $0x1AD90;
	v14 =	vunpack.i.l.bf16.f32 v14;
	v15 =	vunpack.i.l.bf16.f32 v24;
	v21 =	vld [tilespmem:s17+$0xFFFFFFD0];
	v16 =	vmul.f32 $1.442695020e+00, v16;
	[tilespmem:s8+$0x0] =	vst v20  }
0x20e: {  	v14 =	vmul.f32 v14, v19;
	v25 =	vld [tilespmem:s18+$0xFFFFFFF0];
	v18 =	vunpack.i.u.bf16.f32 v23;
	v15 =	vmul.f32 v15, v26;
	[tilespmem:s8+$0x10] =	vst v13  }
0x20f: {  	[tilespmem:s26+$0x60] =	vst v9;
	v20 =	vunpack.i.u.bf16.f32 v24;
	v18 =	vmul.f32 v18, v12;
	(erf) = vpow2.f32 v16;
	v24 =	vld [tilespmem:s25+$0x10]  }
0x210: {  	s16 =	simm.s32 $0x169D0;
	v16 =	vmul.f32 v11, v19;
	v19 =	vld [tilespmem:s18+$0x0];
	v20 =	vmul.f32 v20, v26;
	[tilespmem:s22+$0x40] =	vst v15;
	v15 =	vunpack.i.l.bf16.f32 v23  }
0x211: {  	v23 =	vld [tilespmem:s16+$0x40];
	[tilespmem:s8+$0xFFFFFF80] =	vst v18;
	v12 =	vmul.f32 v15, v12  }
0x212: {  	v9 =	vperm.xlane v22, v3;
	v18 =	vld [tilespmem:s16+$0xFFFFFFF0];
	[tilespmem:s22+$0x50] =	vst v20;
	v11 =	vunpack.i.u.bf16.f32 v21  }
0x213: {  	v20 =	vperm.xlane v10, v2;
	v15 =	vld [tilespmem:s23+$0x30];
	[tilespmem:s8+$0xFFFFFF70] =	vst v12;
	v12 =	vunpack.i.l.bf16.f32 v21;
	v21 =	vmul.f32 v11, v17  }
0x214: {  	[tilespmem:s22+$0xFFFFFF90] =	vst v14;
	v26 =	vunpack.i.l.bf16.f32 v24;
	v17 =	vmul.f32 v12, v17;
	v12 =	vunpack.i.u.bf16.f32 v24  }
0x215: {  	s30 =	simm.s32 $0x1BEF0;
	[tilespmem:s22+$0xFFFFFFA0] =	vst v16;
	v11 =	vpop (erf);
	v14 =	vmul.f32 v26, v20;
	v12 =	vmul.f32 v12, v20  }
0x216: {  	v13 =	vperm.xlane v22, v2;
	v24 =	vperm.xlane v7, v4;
	v23 =	vunpack.i.l.bf16.f32 v23;
	[tilespmem:s30+$0x80] =	vst v11  }
0x217: {  	v7 =	vperm.xlane v22, v4;
	v18 =	vunpack.i.l.bf16.f32 v18;
	v22 =	vadd.f32 v23, v19;
	v23 =	vld [tilespmem:s28+$0x0];
	[tilespmem:s8+$0x20] =	vst v14  }
0x218: {  	v26 =	vperm.xlane v11, v1;
	v16 =	vadd.f32 v18, v25;
	v20 =	vunpack.i.u.bf16.f32 v15;
	[tilespmem:s8+$0x30] =	vst v12  }
0x219: {  	[tilespmem:s26+$0xFFFFFFB0] =	vst v17;
	v14 =	vunpack.i.l.bf16.f32 v15;
	v15 =	vmul.f32 v20, v24;
	v18 =	vmul.f32 $2.000000030e-01, v22;
	v20 =	vld [tilespmem:s25+$0x20];
	v12 =	vpop (erf)  }
0x21a: {  	v24 =	vmul.f32 v14, v24;
	vm14 =	vge.f32 v22, $0.0e+00;
	v17 =	vmul.f32 $2.000000030e-01, v16;
	[tilespmem:s30+$0xFFFFFFF0] =	vst v12  }
0x21b: {  	vm15 =	vge.f32 v16, $0.0e+00;
	v19 =	vperm.xlane v12, v1;
	v22 =	vsel vm14, v22, v18;
	v25 =	vld [tilespmem:s28+$0xFFFFFFB0]  }
0x21c: {  	v14 =	vperm.xlane v12, v2;
	v18 =	vld [tilespmem:s25+$0xFFFFFFC0];
	[tilespmem:s22+$0x70] =	vst v15;
	v15 =	vmul.f32 $1.442695020e+00, v22;
	v22 =	vunpack.i.l.bf16.f32 v23  }
0x21d: {  	[tilespmem:s26+$0xFFFFFFC0] =	vst v21;
	v21 =	vunpack.i.u.bf16.f32 v23;
	v23 =	vperm.xlane v10, v3;
	v22 =	vmul.f32 v22, v26  }
0x21e: {  	[tilespmem:s22+$0x60] =	vst v24;
	v21 =	vmul.f32 v21, v26;
	(erf) = vpow2.f32 v15;
	v26 =	vunpack.i.l.bf16.f32 v20;
	v15 =	vld [tilespmem:s23+$0xFFFFFFD0]  }
0x21f: {  	v17 =	vsel vm15, v16, v17;
	v20 =	vunpack.i.u.bf16.f32 v20;
	[tilespmem:s30+$0x0] =	vst v22;
	v26 =	vmul.f32 v26, v23  }
0x220: {  	v16 =	vld [tilespmem:s17+$0xFFFFFFE0];
	v17 =	vmul.f32 $1.442695020e+00, v17;
	[tilespmem:s30+$0x10] =	vst v21;
	v21 =	vmul.f32 v20, v23;
	v22 =	vunpack.i.u.bf16.f32 v25  }
0x221: {  	s31 =	simm.s32 $0x8;
	s0 =	simm.s32 $0x16A70;
	s17 =	simm.s32 $0x1BEF0;
	v20 =	vld [tilespmem:s28+$0x10];
	v23 =	vunpack.i.u.bf16.f32 v18;
	v24 =	vunpack.i.l.bf16.f32 v25;
	[tilespmem:s8+$0x40] =	vst v26;
	v22 =	vmul.f32 v22, v19  }
.LBB2_9:
0x222: {  	v25 =	vld [tilespmem:s0+$0x40];
	(erf) = vpow2.f32 v17;
	v17 =	vmul.f32 v24, v19;
	v18 =	vunpack.i.l.bf16.f32 v18;
	[tilespmem:s8+$0x50] =	vst v21  }
0x223: {  	s18 =	sadd.s32 $0x20, s18;
	v19 =	vmul.f32 v23, v13;
	[tilespmem:s30+$0xFFFFFF80] =	vst v22;
	v18 =	vmul.f32 v18, v13;
	v21 =	vld [tilespmem:s25+$0x30];
	v22 =	vunpack.i.u.bf16.f32 v15;
	v13 =	vmovc v14  }
0x224: {  	v29 =	vperm.xlane v12, v3;
	v15 =	vunpack.i.l.bf16.f32 v15;
	v14 =	vld [tilespmem:s18+$0x0];
	[tilespmem:s30+$0xFFFFFF70] =	vst v17;
	v22 =	vmul.f32 v22, v8  }
0x225: {  	v24 =	vperm.xlane v11, v2;
	v26 =	vunpack.i.u.bf16.f32 v16;
	v15 =	vmul.f32 v15, v8;
	v8 =	vmovc v9;
	v23 =	vld [tilespmem:s0+$0xFFFFFFF0];
	[tilespmem:s8+$0xFFFFFF90] =	vst v18  }
0x226: {  	s31 =	sadd.s32 $0x2, s31;
	v28 =	vperm.xlane v12, v4;
	v16 =	vunpack.i.l.bf16.f32 v16;
	v9 =	vmovc v29;
	v27 =	vld [tilespmem:s18+$0xFFFFFFF0];
	v12 =	vunpack.i.l.bf16.f32 v20;
	[tilespmem:s8+$0xFFFFFFA0] =	vst v19  }
0x227: {  	p1 =	slt.u32 s31, $0x6E;
	s30 =	sadd.s32 $0x120, s30;
	v19 =	vunpack.i.u.bf16.f32 v20;
	v20 =	vperm.xlane v10, v4;
	v17 =	vpop (erf);
	v18 =	vld [tilespmem:s28+$0xFFFFFFC0];
	v12 =	vmul.f32 v12, v24;
	[tilespmem:s22+$0xFFFFFFB0] =	vst v15  }
0x228: {  	v10 =	vmovc v11;
	v25 =	vunpack.i.l.bf16.f32 v25;
	v19 =	vmul.f32 v19, v24;
	[tilespmem:s30+$0x80] =	vst v17;
	v15 =	vld [tilespmem:s25+$0xFFFFFFD0];
	v24 =	vunpack.i.u.bf16.f32 v21;
	v11 =	vmovc v17  }
0x229: {  	v17 =	vadd.f32 v25, v14;
	v25 =	vld [tilespmem:s16+$0x0];
	[tilespmem:s17+$0x20] =	vst v12;
	v14 =	vunpack.i.l.bf16.f32 v21;
	v21 =	vmul.f32 v24, v20  }
0x22a: {  	v24 =	vmul.f32 v26, v6;
	v29 =	vunpack.i.l.bf16.f32 v23;
	[tilespmem:s17+$0x30] =	vst v19;
	v23 =	vmul.f32 v16, v6;
	v6 =	vmovc v5  }
0x22b: {  	v20 =	vmul.f32 v14, v20;
	v26 =	vadd.f32 v29, v27;
	v16 =	vmul.f32 $2.000000030e-01, v17;
	v12 =	vpop (erf);
	v27 =	vld [tilespmem:s28+$0x20];
	[tilespmem:s8+$0x70] =	vst v21  }
0x22c: {  	v5 =	vmovc v7;
	vm0 =	vge.f32 v17, $0.0e+00;
	[tilespmem:s30+$0xFFFFFFF0] =	vst v12;
	v19 =	vperm.xlane v12, v1;
	v14 =	vperm.xlane v12, v2  }
0x22d: {  	v7 =	vmovc v28;
	v21 =	vmul.f32 $2.000000030e-01, v26;
	v16 =	vsel vm0, v17, v16;
	v29 =	vld [tilespmem:s16+$0xFFFFFFB0];
	v17 =	vperm.xlane v11, v1;
	[tilespmem:s22+$0xFFFFFFC0] =	vst v22  }
0x22e: {  	vm0 =	vge.f32 v26, $0.0e+00;
	v22 =	vmul.f32 $1.442695020e+00, v16;
	v28 =	vunpack.i.l.bf16.f32 v25;
	v16 =	vld [tilespmem:s23+$0xFFFFFFE0];
	[tilespmem:s26+$0xFFFFFFD0] =	vst v23;
	s23 =	smov.u32 s25;
	s25 =	smov.u32 s28;
	s28 =	smov.u32 s16  }
.Ltmp3:
0x22f: {  	v23 =	vunpack.i.u.bf16.f32 v25;
	v25 =	vmul.f32 v28, v17;
	v28 =	vperm.xlane v10, v3;
	[tilespmem:s26+$0xFFFFFFE0] =	vst v24;
	s26 =	smov.u32 s22;
	s22 =	smov.u32 s8;
	(pc) =	sbr.rel @p1 .LBB2_9-.Ltmp3, $4  }
0x230: {  	s16 =	smov.u32 s0;
	s8 =	smov.u32 s17;
	s17 =	smov.u32 s30;
	(erf) = vpow2.f32 v22;
	v22 =	vmul.f32 v23, v17;
	v17 =	vunpack.i.l.bf16.f32 v27;
	[tilespmem:s22+$0x60] =	vst v20  }
0x231: {  	v20 =	vsel vm0, v26, v21;
	v21 =	vunpack.i.u.bf16.f32 v27;
	[tilespmem:s30+$0x0] =	vst v25;
	v25 =	vmul.f32 v17, v28  }
0x232: {  	v17 =	vmul.f32 $1.442695020e+00, v20;
	v21 =	vmul.f32 v21, v28;
	v20 =	vunpack.i.u.bf16.f32 v29;
	[tilespmem:s30+$0x10] =	vst v22  }
0x233: {  	s0 =	sadd.s32 $0xA0, s0;
	v23 =	vunpack.i.u.bf16.f32 v18;
	v24 =	vunpack.i.l.bf16.f32 v29;
	v22 =	vmul.f32 v20, v19;
	v20 =	vld [tilespmem:s28+$0x10];
	[tilespmem:s8+$0x40] =	vst v25  }
0x234: {  	_ =	sdelay $0x1  }
0x235: {  	(erf) = vpow2.f32 v17;
	_ =	sdelay $0x2  }
0x236: {  	s18 =	sadd.s32 $0x120, s30;
	v17 =	vpop (erf)  }
0x237: {  	v19 =	vmul.f32 v24, v19;
	v18 =	vunpack.i.l.bf16.f32 v18;
	[tilespmem:s18+$0x80] =	vst v17  }
0x238: {  	[tilespmem:s8+$0x50] =	vst v21;
	v18 =	vmul.f32 v18, v13;
	v13 =	vmul.f32 v23, v13;
	v21 =	vld [tilespmem:s16+$0x0]  }
0x239: {  	[tilespmem:s30+$0xFFFFFF80] =	vst v22  }
0x23a: {  	[tilespmem:s30+$0xFFFFFF70] =	vst v19;
	v19 =	vperm.xlane v11, v2  }
0x23b: {  	v22 =	vld [tilespmem:s25+$0x30];
	[tilespmem:s8+$0xFFFFFF90] =	vst v18;
	v18 =	vunpack.i.l.bf16.f32 v20  }
0x23c: {  	[tilespmem:s8+$0xFFFFFFA0] =	vst v13;
	v20 =	vunpack.i.u.bf16.f32 v20;
	v18 =	vmul.f32 v18, v19;
	v23 =	vperm.xlane v17, v1;
	v13 =	vpop (erf)  }
0x23d: {  	v19 =	vmul.f32 v20, v19;
	[tilespmem:s18+$0xFFFFFFF0] =	vst v13;
	v20 =	vunpack.i.l.bf16.f32 v21  }
0x23e: {  	[tilespmem:s17+$0x20] =	vst v18;
	v18 =	vld [tilespmem:s16+$0xFFFFFFB0];
	v21 =	vunpack.i.u.bf16.f32 v21;
	v20 =	vmul.f32 v20, v23  }
0x23f: {  	v24 =	vunpack.i.l.bf16.f32 v15;
	v10 =	vperm.xlane v10, v4;
	[tilespmem:s17+$0x30] =	vst v19;
	v19 =	vmul.f32 v21, v23  }
0x240: {  	v21 =	vmul.f32 v24, v8;
	v23 =	vunpack.i.u.bf16.f32 v22;
	v24 =	vld [tilespmem:s28+$0x20];
	[tilespmem:s18+$0x0] =	vst v20  }
0x241: {  	v15 =	vunpack.i.u.bf16.f32 v15;
	v20 =	vmul.f32 v23, v10;
	[tilespmem:s18+$0x10] =	vst v19  }
0x242: {  	v8 =	vmul.f32 v15, v8;
	v15 =	vunpack.i.l.bf16.f32 v16;
	[tilespmem:s22+$0xFFFFFFB0] =	vst v21;
	v19 =	vperm.xlane v13, v1;
	v21 =	vld [tilespmem:s16+$0x10]  }
0x243: {  	v15 =	vmul.f32 v15, v6;
	[tilespmem:s8+$0x70] =	vst v20;
	v20 =	vunpack.i.u.bf16.f32 v18  }
0x244: {  	[tilespmem:s22+$0xFFFFFFC0] =	vst v8;
	v8 =	vperm.xlane v11, v3;
	v18 =	vunpack.i.l.bf16.f32 v18;
	v20 =	vmul.f32 v20, v19  }
0x245: {  	[tilespmem:s26+$0xFFFFFFD0] =	vst v15;
	v15 =	vunpack.i.l.bf16.f32 v24;
	v18 =	vmul.f32 v18, v19  }
0x246: {  	v19 =	vld [tilespmem:s28+$0xFFFFFFC0];
	v23 =	vunpack.i.u.bf16.f32 v24;
	v15 =	vmul.f32 v15, v8;
	[tilespmem:s18+$0xFFFFFF80] =	vst v20;
	v20 =	vperm.xlane v17, v2  }
0x247: {  	v8 =	vmul.f32 v23, v8;
	[tilespmem:s18+$0xFFFFFF70] =	vst v18;
	v18 =	vunpack.i.l.bf16.f32 v21  }
0x248: {  	[tilespmem:s17+$0x40] =	vst v15;
	v15 =	vld [tilespmem:s16+$0xFFFFFFC0];
	v21 =	vunpack.i.u.bf16.f32 v21;
	v18 =	vmul.f32 v18, v20  }
0x249: {  	v16 =	vunpack.i.u.bf16.f32 v16;
	[tilespmem:s17+$0x50] =	vst v8;
	v8 =	vmul.f32 v21, v20  }
0x24a: {  	v6 =	vmul.f32 v16, v6;
	v20 =	vld [tilespmem:s25+$0xFFFFFFD0];
	v21 =	vunpack.i.l.bf16.f32 v22;
	[tilespmem:s18+$0x20] =	vst v18  }
0x24b: {  	v10 =	vmul.f32 v21, v10;
	v16 =	vunpack.i.l.bf16.f32 v19;
	v18 =	vld [tilespmem:s28+$0x30];
	[tilespmem:s18+$0x30] =	vst v8  }
0x24c: {  	[tilespmem:s26+$0xFFFFFFE0] =	vst v6;
	v6 =	vunpack.i.u.bf16.f32 v19;
	v8 =	vperm.xlane v13, v2;
	v16 =	vmul.f32 v16, v14;
	v19 =	vld [tilespmem:s16+$0x20]  }
0x24d: {  	v6 =	vmul.f32 v6, v14;
	[tilespmem:s8+$0x60] =	vst v10;
	v10 =	vunpack.i.l.bf16.f32 v15  }
0x24e: {  	[tilespmem:s17+$0xFFFFFF90] =	vst v16;
	v14 =	vunpack.i.u.bf16.f32 v15;
	v10 =	vmul.f32 v10, v8  }
0x24f: {  	v15 =	vld [tilespmem:s23+$0xFFFFFFE0];
	[tilespmem:s17+$0xFFFFFFA0] =	vst v6;
	v6 =	vperm.xlane v11, v4;
	v16 =	vunpack.i.l.bf16.f32 v20;
	v8 =	vmul.f32 v14, v8  }
0x250: {  	v21 =	vperm.xlane v17, v3;
	v14 =	vld [tilespmem:s28+$0xFFFFFFD0];
	v11 =	vmul.f32 v16, v9;
	v16 =	vunpack.i.u.bf16.f32 v18;
	[tilespmem:s18+$0xFFFFFF90] =	vst v10  }
0x251: {  	[tilespmem:s18+$0xFFFFFFA0] =	vst v8;
	v10 =	vmul.f32 v16, v6;
	v16 =	vunpack.i.l.bf16.f32 v19  }
0x252: {  	[tilespmem:s8+$0xFFFFFFB0] =	vst v11;
	v8 =	vunpack.i.u.bf16.f32 v19;
	v11 =	vmul.f32 v16, v21;
	v16 =	vld [tilespmem:s16+$0xFFFFFFD0]  }
0x253: {  	v19 =	vunpack.i.u.bf16.f32 v20;
	v8 =	vmul.f32 v8, v21;
	[tilespmem:s17+$0x70] =	vst v10  }
0x254: {  	v9 =	vmul.f32 v19, v9;
	v19 =	vunpack.i.l.bf16.f32 v15;
	v10 =	vperm.xlane v12, v3;
	[tilespmem:s18+$0x40] =	vst v11  }
0x255: {  	v11 =	vmul.f32 v19, v5;
	[tilespmem:s18+$0x50] =	vst v8;
	v8 =	vunpack.i.l.bf16.f32 v14  }
0x256: {  	v19 =	vperm.xlane v13, v3;
	[tilespmem:s8+$0xFFFFFFC0] =	vst v9;
	v14 =	vunpack.i.u.bf16.f32 v14;
	v9 =	vld [tilespmem:s16+$0x30];
	v8 =	vmul.f32 v8, v10  }
0x257: {  	v20 =	vld [tilespmem:s25+$0xFFFFFFE0];
	v10 =	vmul.f32 v14, v10;
	[tilespmem:s22+$0xFFFFFFD0] =	vst v11;
	v11 =	vunpack.i.l.bf16.f32 v16  }
0x258: {  	[tilespmem:s17+$0xFFFFFFB0] =	vst v8;
	v8 =	vunpack.i.u.bf16.f32 v16;
	v11 =	vmul.f32 v11, v19  }
0x259: {  	v14 =	vunpack.i.u.bf16.f32 v15;
	[tilespmem:s17+$0xFFFFFFC0] =	vst v10;
	v8 =	vmul.f32 v8, v19  }
0x25a: {  	v5 =	vmul.f32 v14, v5;
	v14 =	vperm.xlane v17, v4;
	v10 =	vunpack.i.l.bf16.f32 v18;
	v15 =	vld [tilespmem:s28+$0xFFFFFFE0];
	[tilespmem:s18+$0xFFFFFFB0] =	vst v11  }
0x25b: {  	v6 =	vmul.f32 v10, v6;
	v10 =	vunpack.i.u.bf16.f32 v9;
	[tilespmem:s18+$0xFFFFFFC0] =	vst v8  }
0x25c: {  	[tilespmem:s22+$0xFFFFFFE0] =	vst v5;
	v5 =	vunpack.i.l.bf16.f32 v20;
	v8 =	vmul.f32 v10, v14;
	v10 =	vld [tilespmem:s16+$0xFFFFFFE0]  }
0x25d: {  	[tilespmem:s17+$0x60] =	vst v6;
	v6 =	vunpack.i.u.bf16.f32 v20;
	v5 =	vmul.f32 v5, v7  }
0x25e: {  	v11 =	vperm.xlane v12, v4;
	v9 =	vunpack.i.l.bf16.f32 v9;
	v6 =	vmul.f32 v6, v7;
	[tilespmem:s18+$0x70] =	vst v8  }
0x25f: {  	v7 =	vmul.f32 v9, v14;
	[tilespmem:s8+$0xFFFFFFD0] =	vst v5;
	v5 =	vunpack.i.l.bf16.f32 v15  }
0x260: {  	v8 =	vperm.xlane v13, v4;
	[tilespmem:s8+$0xFFFFFFE0] =	vst v6;
	v6 =	vunpack.i.u.bf16.f32 v15;
	v5 =	vmul.f32 v5, v11  }
0x261: {  	[tilespmem:s18+$0x60] =	vst v7;
	v6 =	vmul.f32 v6, v11;
	v7 =	vunpack.i.l.bf16.f32 v10  }
0x262: {  	[tilespmem:s17+$0xFFFFFFD0] =	vst v5;
	v5 =	vunpack.i.u.bf16.f32 v10;
	v7 =	vmul.f32 v7, v8  }
0x263: {  	[tilespmem:s17+$0xFFFFFFE0] =	vst v6;
	v5 =	vmul.f32 v5, v8  }
0x264: {  	[tilespmem:s18+$0xFFFFFFD0] =	vst v7  }
0x265: {  	s0 =	simm.s32 @!p0 $0x5;
	[tilespmem:s18+$0xFFFFFFE0] =	vst v5  }
0x266: {  	[spmem:s2] =	stream.indirect.scatter.add.f32 [tilespmem:s29], [sflag:$0x3], $0x90, s11, s24, $0xb8;
	[tilespmem:$0x1FA00] =	vst v63  }
0x267: {  	_ =	swait.ge @!p0 [sflag:s0], $0xE0  }
0x268: {  	s16 =	simm.s32 @!p0 $0x16700;
	[sflag:s0] =	ssyncset.done @!p0 $0x0  }
0x269: {  	s8 =	simm.s32 @!p0 $0x16380;
	[sflag:s0] =	ssyncadd.s32 @!p0 $0xFFFFFF20;
	s0 =	simm.s32 @!p0 $0x70  }
0x26a: {  	[tilespmem:s16], [sflag:$0x1] =	stream.indirect.gather @!p0 [hbm4b:s5+s0], $0x50, s8, s0, $0xb8;
	[tilespmem:$0x1FA00] =	vst v63  }
0x26b: {  	s8 =	rddreg [dreg:$0xd]  }
0x26c: {  	s7 =	sadd.s32 @!p0 s7, s8  }
0x26d: {  	s16 =	simm.s32 @!p0 $0x1AD00;
	s8 =	simm.s32 @!p0 $0x163F0;
	s7 =	smul.u32 @!p0 $0xE0, s7  }
0x26e: {  	[tilespmem:s16], [sflag:$0x1] =	stream.indirect.gather @!p0 [hbm4b:s6+s0], $0x10, s8, s0, $0xb8;
	[tilespmem:$0x1FA00] =	vst v63  }
0x26f: {  	s0 =	sshrl.u32 @!p0 s7, $0x3  }
0x270: {  	s0 =	sadd.s32 @!p0 s4, s0  }
0x271: {  	s8 =	simm.s32 @!p0 $0x16460;
	s7 =	simm.s32 @!p0 $0x0;
	s0 =	sadd.s32 @!p0 $0x38, s0  }
0x272: {  	[tilespmem:s8], [sflag:$0x6] =	stream.linear.gather @!p0 [hbm4b:s0+s7], $0xE0, $0x38;
	[tilespmem:$0x1FA00] =	vst v63  }
0x273: {  	_ =	swait.ge [sflag:s13], $0x2300  }
0x274: {  	[sflag:s13] =	ssyncset.done $0x0  }
0x275: {  	[sflag:s13] =	ssyncadd.s32 $0xFFFFDD00  }
0x276: {  	_ =	swait.ge [sflag:s13], $0x700  }
0x277: {  	[sflag:s13] =	ssyncset.done $0x0  }
0x278: {  	[sflag:s13] =	ssyncadd.s32 $0xFFFFF900  }
0x279: {  	_ =	swait.ge [sflag:s14], $0x3F00  }
0x27a: {  	[sflag:s14] =	ssyncset.done $0x0  }
0x27b: {  	s17 =	simm.s32 $0x18A50;
	[sflag:s14] =	ssyncadd.s32 $0xFFFFC100  }
0x27c: {  	s22 =	simm.s32 $0x1B410;
	v5 =	vld [tilespmem:s17+$0x40]  }
0x27d: {  	v6 =	vld [tilespmem:s22+$0x0];
	_ =	sdelay $0x3  }
0x27e: {  	v5 =	vunpack.i.l.bf16.f32 v5  }
0x27f: {  	v5 =	vadd.f32 v5, v6;
	_ =	sdelay $0x1  }
0x280: {  	v6 =	vmul.f32 $2.000000030e-01, v5  }
0x281: {  	vm0 =	vge.f32 v5, $0.0e+00  }
0x282: {  	v5 =	vsel vm0, v5, v6;
	v6 =	vld [tilespmem:s17+$0xFFFFFFF0]  }
0x283: {  	v7 =	vld [tilespmem:s22+$0xFFFFFFF0];
	v5 =	vmul.f32 $1.442695020e+00, v5;
	_ =	sdelay $0x1  }
0x284: {  	(erf) = vpow2.f32 v5;
	_ =	sdelay $0x1  }
0x285: {  	v5 =	vunpack.i.l.bf16.f32 v6  }
0x286: {  	s22 =	simm.s32 $0x18AF0;
	v5 =	vadd.f32 v5, v7  }
0x287: {  	s23 =	simm.s32 $0x1B430;
	v6 =	vld [tilespmem:s22+$0x40]  }
0x288: {  	v8 =	vld [tilespmem:s23+$0x0];
	v7 =	vmul.f32 $2.000000030e-01, v5  }
0x289: {  	vm7 =	vge.f32 v5, $0.0e+00  }
0x28a: {  	v5 =	vsel vm7, v5, v7  }
0x28b: {  	v5 =	vmul.f32 $1.442695020e+00, v5  }
0x28c: {  	s25 =	simm.s32 $0x1BB90;
	v6 =	vunpack.i.l.bf16.f32 v6;
	v9 =	vpop (erf)  }
0x28d: {  	v7 =	vld [tilespmem:s22+$0xFFFFFFF0];
	[tilespmem:s25+$0x80] =	vst v9;
	(erf) = vpow2.f32 v5;
	v5 =	vadd.f32 v6, v8  }
0x28e: {  	v6 =	vld [tilespmem:s17+$0x0]  }
0x28f: {  	v10 =	vld [tilespmem:s23+$0xFFFFFFF0];
	v8 =	vmul.f32 $2.000000030e-01, v5  }
0x290: {  	vm8 =	vge.f32 v5, $0.0e+00  }
0x291: {  	v5 =	vsel vm8, v5, v8  }
0x292: {  	v8 =	vperm.xlane v9, v1;
	v5 =	vmul.f32 $1.442695020e+00, v5  }
0x293: {  	v7 =	vunpack.i.l.bf16.f32 v7;
	v11 =	vunpack.i.l.bf16.f32 v6;
	v6 =	vunpack.i.u.bf16.f32 v6  }
0x294: {  	(erf) = vpow2.f32 v5;
	v5 =	vmul.f32 v6, v8;
	v6 =	vadd.f32 v7, v10  }
0x295: {  	v11 =	vmul.f32 v11, v8  }
0x296: {  	[tilespmem:s25+$0x10] =	vst v5;
	v5 =	vmul.f32 $2.000000030e-01, v6  }
0x297: {  	[tilespmem:s25+$0x0] =	vst v11;
	vm9 =	vge.f32 v6, $0.0e+00  }
0x298: {  	s23 =	simm.s32 $0x18B90;
	v10 =	vld [tilespmem:s17+$0x10];
	v5 =	vsel vm9, v6, v5  }
0x299: {  	s26 =	simm.s32 $0x1B450;
	v8 =	vpop (erf);
	v6 =	vld [tilespmem:s23+$0x40];
	v5 =	vmul.f32 $1.442695020e+00, v5  }
0x29a: {  	v12 =	vld [tilespmem:s26+$0x0];
	[tilespmem:s25+$0xFFFFFFF0] =	vst v8  }
0x29b: {  	v11 =	vld [tilespmem:s17+$0xFFFFFFB0];
	(erf) = vpow2.f32 v5  }
0x29c: {  	v14 =	vperm.xlane v9, v2  }
0x29d: {  	s7 =	simm.s32 $0x1BCB0;
	v13 =	vld [tilespmem:s23+$0xFFFFFFF0];
	v15 =	vunpack.i.l.bf16.f32 v10;
	v7 =	vpop (erf)  }
0x29e: {  	v5 =	vld [tilespmem:s26+$0xFFFFFFF0];
	v10 =	vunpack.i.u.bf16.f32 v10;
	v15 =	vmul.f32 v15, v14;
	v6 =	vunpack.i.l.bf16.f32 v6;
	[tilespmem:s7+$0x80] =	vst v7  }
0x29f: {  	v10 =	vmul.f32 v10, v14;
	v14 =	vperm.xlane v8, v1;
	v6 =	vadd.f32 v6, v12;
	v12 =	vld [tilespmem:s22+$0x0]  }
0x2a0: {  	[tilespmem:s25+$0x20] =	vst v15;
	v15 =	vunpack.i.u.bf16.f32 v11  }
0x2a1: {  	[tilespmem:s25+$0x30] =	vst v10;
	v10 =	vunpack.i.l.bf16.f32 v11;
	v11 =	vmul.f32 $2.000000030e-01, v6;
	v15 =	vmul.f32 v15, v14  }
0x2a2: {  	v13 =	vunpack.i.l.bf16.f32 v13;
	v10 =	vmul.f32 v10, v14;
	vm10 =	vge.f32 v6, $0.0e+00  }
0x2a3: {  	v5 =	vadd.f32 v13, v5;
	v13 =	vld [tilespmem:s17+$0x20];
	v6 =	vsel vm10, v6, v11;
	v11 =	vperm.xlane v7, v1;
	[tilespmem:s25+$0xFFFFFF80] =	vst v15  }
0x2a4: {  	[tilespmem:s25+$0xFFFFFF70] =	vst v10;
	v6 =	vmul.f32 $1.442695020e+00, v6;
	v15 =	vunpack.i.l.bf16.f32 v12;
	v16 =	vpop (erf)  }
0x2a5: {  	v14 =	vmul.f32 $2.000000030e-01, v5;
	v10 =	vunpack.i.u.bf16.f32 v12;
	v12 =	vmul.f32 v15, v11;
	[tilespmem:s7+$0xFFFFFFF0] =	vst v16  }
0x2a6: {  	vm11 =	vge.f32 v5, $0.0e+00;
	(erf) = vpow2.f32 v6;
	v6 =	vmul.f32 v10, v11;
	v11 =	vld [tilespmem:s22+$0xFFFFFFB0]  }
0x2a7: {  	v17 =	vperm.xlane v8, v3;
	v5 =	vsel vm11, v5, v14;
	v15 =	vperm.xlane v9, v3  }
0x2a8: {  	v10 =	vunpack.i.l.bf16.f32 v13;
	v5 =	vmul.f32 $1.442695020e+00, v5;
	[tilespmem:s7+$0x0] =	vst v12;
	v12 =	vunpack.i.u.bf16.f32 v13  }
0x2a9: {  	v10 =	vmul.f32 v10, v15;
	v13 =	vld [tilespmem:s17+$0xFFFFFFC0];
	[tilespmem:s7+$0x10] =	vst v6;
	v6 =	vmul.f32 v12, v15  }
0x2aa: {  	s31 =	simm.s32 $0x1B470;
	(erf) = vpow2.f32 v5;
	v5 =	vperm.xlane v16, v1;
	v12 =	vld [tilespmem:s22+$0x10]  }
0x2ab: {  	v20 =	vld [tilespmem:s31+$0x0];
	s26 =	simm.s32 $0x18C30;
	v14 =	vperm.xlane v8, v2;
	[tilespmem:s25+$0x50] =	vst v6;
	v6 =	vperm.xlane v8, v4;
	v8 =	vunpack.i.u.bf16.f32 v11  }
0x2ac: {  	v15 =	vld [tilespmem:s26+$0x40];
	[tilespmem:s25+$0x40] =	vst v10;
	v10 =	vunpack.i.l.bf16.f32 v11;
	v11 =	vmul.f32 v8, v5  }
0x2ad: {  	v21 =	vld [tilespmem:s26+$0xFFFFFFF0];
	v23 =	vmul.f32 v10, v5  }
0x2ae: {  	v18 =	vld [tilespmem:s17+$0x30];
	v8 =	vperm.xlane v7, v2;
	v22 =	vunpack.i.u.bf16.f32 v13;
	v13 =	vunpack.i.l.bf16.f32 v13;
	[tilespmem:s7+$0xFFFFFF80] =	vst v11  }
0x2af: {  	s8 =	simm.s32 $0x1BDD0;
	v5 =	vunpack.i.l.bf16.f32 v12;
	v13 =	vmul.f32 v13, v14;
	v14 =	vmul.f32 v22, v14;
	v10 =	vpop (erf);
	[tilespmem:s7+$0xFFFFFF70] =	vst v23  }
0x2b0: {  	v24 =	vld [tilespmem:s31+$0xFFFFFFF0];
	v12 =	vunpack.i.u.bf16.f32 v12;
	v5 =	vmul.f32 v5, v8;
	[tilespmem:s8+$0x80] =	vst v10  }
0x2b1: {  	v19 =	vperm.xlane v16, v2;
	v15 =	vunpack.i.l.bf16.f32 v15;
	v12 =	vmul.f32 v12, v8;
	[tilespmem:s25+$0xFFFFFFA0] =	vst v14  }
0x2b2: {  	v9 =	vperm.xlane v9, v4;
	v8 =	vperm.xlane v16, v3;
	v15 =	vadd.f32 v15, v20;
	v14 =	vld [tilespmem:s22+$0xFFFFFFC0];
	[tilespmem:s7+$0x20] =	vst v5  }
0x2b3: {  	v20 =	vld [tilespmem:s23+$0x0];
	v5 =	vperm.xlane v16, v4;
	v16 =	vunpack.i.l.bf16.f32 v21;
	[tilespmem:s7+$0x30] =	vst v12;
	v12 =	vunpack.i.u.bf16.f32 v18  }
0x2b4: {  	v21 =	vmul.f32 $2.000000030e-01, v15;
	v22 =	vpop (erf);
	vm12 =	vge.f32 v15, $0.0e+00;
	v18 =	vunpack.i.l.bf16.f32 v18  }
0x2b5: {  	v16 =	vadd.f32 v16, v24;
	v11 =	vmul.f32 v12, v9;
	v12 =	vperm.xlane v22, v1  }
0x2b6: {  	v24 =	vld [tilespmem:s22+$0x20];
	[tilespmem:s8+$0xFFFFFFF0] =	vst v22;
	v9 =	vmul.f32 v18, v9;
	v15 =	vsel vm12, v15, v21;
	v21 =	vperm.xlane v10, v1  }
0x2b7: {  	v23 =	vld [tilespmem:s23+$0xFFFFFFB0];
	v25 =	vmul.f32 $2.000000030e-01, v16;
	v15 =	vmul.f32 $1.442695020e+00, v15  }
0x2b8: {  	vm13 =	vge.f32 v16, $0.0e+00;
	[tilespmem:s25+$0x70] =	vst v11;
	v11 =	vunpack.i.u.bf16.f32 v14;
	v26 =	vunpack.i.l.bf16.f32 v20  }
0x2b9: {  	[tilespmem:s25+$0xFFFFFF90] =	vst v13;
	v13 =	vunpack.i.u.bf16.f32 v20;
	(erf) = vpow2.f32 v15;
	v20 =	vmul.f32 v26, v21  }
0x2ba: {  	v16 =	vsel vm13, v16, v25;
	v26 =	vperm.xlane v7, v3;
	v13 =	vmul.f32 v13, v21  }
0x2bb: {  	s18 =	simm.s32 $0x1B490;
	v14 =	vunpack.i.l.bf16.f32 v14;
	v15 =	vunpack.i.l.bf16.f32 v24;
	v21 =	vld [tilespmem:s17+$0xFFFFFFD0];
	v16 =	vmul.f32 $1.442695020e+00, v16;
	[tilespmem:s8+$0x0] =	vst v20  }
0x2bc: {  	v14 =	vmul.f32 v14, v19;
	v25 =	vld [tilespmem:s18+$0xFFFFFFF0];
	v18 =	vunpack.i.u.bf16.f32 v23;
	v15 =	vmul.f32 v15, v26;
	[tilespmem:s8+$0x10] =	vst v13  }
0x2bd: {  	[tilespmem:s25+$0x60] =	vst v9;
	v20 =	vunpack.i.u.bf16.f32 v24;
	v18 =	vmul.f32 v18, v12;
	(erf) = vpow2.f32 v16;
	v24 =	vld [tilespmem:s23+$0x10]  }
0x2be: {  	s16 =	simm.s32 $0x18CD0;
	v16 =	vmul.f32 v11, v19;
	v19 =	vld [tilespmem:s18+$0x0];
	v20 =	vmul.f32 v20, v26;
	[tilespmem:s7+$0x40] =	vst v15;
	v15 =	vunpack.i.l.bf16.f32 v23  }
0x2bf: {  	v23 =	vld [tilespmem:s16+$0x40];
	[tilespmem:s8+$0xFFFFFF80] =	vst v18;
	v12 =	vmul.f32 v15, v12  }
0x2c0: {  	v9 =	vperm.xlane v22, v3;
	v18 =	vld [tilespmem:s16+$0xFFFFFFF0];
	[tilespmem:s7+$0x50] =	vst v20;
	v11 =	vunpack.i.u.bf16.f32 v21  }
0x2c1: {  	v20 =	vperm.xlane v10, v2;
	v15 =	vld [tilespmem:s22+$0x30];
	[tilespmem:s8+$0xFFFFFF70] =	vst v12;
	v12 =	vunpack.i.l.bf16.f32 v21;
	v21 =	vmul.f32 v11, v17  }
0x2c2: {  	[tilespmem:s7+$0xFFFFFF90] =	vst v14;
	v26 =	vunpack.i.l.bf16.f32 v24;
	v17 =	vmul.f32 v12, v17;
	v12 =	vunpack.i.u.bf16.f32 v24  }
0x2c3: {  	s28 =	simm.s32 $0x1BEF0;
	[tilespmem:s7+$0xFFFFFFA0] =	vst v16;
	v11 =	vpop (erf);
	v14 =	vmul.f32 v26, v20;
	v12 =	vmul.f32 v12, v20  }
0x2c4: {  	v13 =	vperm.xlane v22, v2;
	v24 =	vperm.xlane v7, v4;
	v23 =	vunpack.i.l.bf16.f32 v23;
	[tilespmem:s28+$0x80] =	vst v11  }
0x2c5: {  	v7 =	vperm.xlane v22, v4;
	v18 =	vunpack.i.l.bf16.f32 v18;
	v22 =	vadd.f32 v23, v19;
	v23 =	vld [tilespmem:s26+$0x0];
	[tilespmem:s8+$0x20] =	vst v14  }
0x2c6: {  	v26 =	vperm.xlane v11, v1;
	v16 =	vadd.f32 v18, v25;
	v20 =	vunpack.i.u.bf16.f32 v15;
	[tilespmem:s8+$0x30] =	vst v12  }
0x2c7: {  	[tilespmem:s25+$0xFFFFFFB0] =	vst v17;
	v14 =	vunpack.i.l.bf16.f32 v15;
	v15 =	vmul.f32 v20, v24;
	v18 =	vmul.f32 $2.000000030e-01, v22;
	v20 =	vld [tilespmem:s23+$0x20];
	v12 =	vpop (erf)  }
0x2c8: {  	v24 =	vmul.f32 v14, v24;
	vm14 =	vge.f32 v22, $0.0e+00;
	v17 =	vmul.f32 $2.000000030e-01, v16;
	[tilespmem:s28+$0xFFFFFFF0] =	vst v12  }
0x2c9: {  	vm15 =	vge.f32 v16, $0.0e+00;
	v19 =	vperm.xlane v12, v1;
	v22 =	vsel vm14, v22, v18;
	v25 =	vld [tilespmem:s26+$0xFFFFFFB0]  }
0x2ca: {  	v14 =	vperm.xlane v12, v2;
	v18 =	vld [tilespmem:s23+$0xFFFFFFC0];
	[tilespmem:s7+$0x70] =	vst v15;
	v15 =	vmul.f32 $1.442695020e+00, v22;
	v22 =	vunpack.i.l.bf16.f32 v23  }
0x2cb: {  	[tilespmem:s25+$0xFFFFFFC0] =	vst v21;
	v21 =	vunpack.i.u.bf16.f32 v23;
	v23 =	vperm.xlane v10, v3;
	v22 =	vmul.f32 v22, v26  }
0x2cc: {  	[tilespmem:s7+$0x60] =	vst v24;
	v21 =	vmul.f32 v21, v26;
	(erf) = vpow2.f32 v15;
	v26 =	vunpack.i.l.bf16.f32 v20;
	v15 =	vld [tilespmem:s22+$0xFFFFFFD0]  }
0x2cd: {  	v17 =	vsel vm15, v16, v17;
	v20 =	vunpack.i.u.bf16.f32 v20;
	[tilespmem:s28+$0x0] =	vst v22;
	v26 =	vmul.f32 v26, v23  }
0x2ce: {  	v16 =	vld [tilespmem:s17+$0xFFFFFFE0];
	v17 =	vmul.f32 $1.442695020e+00, v17;
	[tilespmem:s28+$0x10] =	vst v21;
	v21 =	vmul.f32 v20, v23;
	v22 =	vunpack.i.u.bf16.f32 v25  }
0x2cf: {  	s30 =	simm.s32 $0x8;
	s0 =	simm.s32 $0x18D70;
	s17 =	simm.s32 $0x1BEF0;
	v20 =	vld [tilespmem:s26+$0x10];
	v24 =	vunpack.i.l.bf16.f32 v25;
	[tilespmem:s8+$0x40] =	vst v26;
	v23 =	vmul.f32 v22, v19;
	v22 =	vunpack.i.u.bf16.f32 v18  }
.LBB2_11:
0x2d0: {  	v25 =	vld [tilespmem:s0+$0x40];
	(erf) = vpow2.f32 v17;
	v17 =	vmul.f32 v24, v19;
	v18 =	vunpack.i.l.bf16.f32 v18;
	[tilespmem:s8+$0x50] =	vst v21  }
0x2d1: {  	s18 =	sadd.s32 $0x20, s18;
	v19 =	vmul.f32 v22, v13;
	v22 =	vunpack.i.u.bf16.f32 v15;
	[tilespmem:s28+$0xFFFFFF80] =	vst v23;
	v18 =	vmul.f32 v18, v13;
	v21 =	vld [tilespmem:s23+$0x30];
	v13 =	vmovc v14  }
0x2d2: {  	v29 =	vperm.xlane v12, v3;
	v15 =	vunpack.i.l.bf16.f32 v15;
	v22 =	vmul.f32 v22, v8;
	v14 =	vld [tilespmem:s18+$0x0];
	[tilespmem:s28+$0xFFFFFF70] =	vst v17  }
0x2d3: {  	v24 =	vperm.xlane v11, v2;
	v26 =	vunpack.i.u.bf16.f32 v16;
	v15 =	vmul.f32 v15, v8;
	v8 =	vmovc v9;
	v23 =	vld [tilespmem:s0+$0xFFFFFFF0];
	[tilespmem:s8+$0xFFFFFF90] =	vst v18  }
0x2d4: {  	s30 =	sadd.s32 $0x2, s30;
	v28 =	vperm.xlane v12, v4;
	v16 =	vunpack.i.l.bf16.f32 v16;
	v9 =	vmovc v29;
	v27 =	vld [tilespmem:s18+$0xFFFFFFF0];
	v12 =	vunpack.i.l.bf16.f32 v20;
	[tilespmem:s8+$0xFFFFFFA0] =	vst v19  }
0x2d5: {  	p0 =	slt.u32 s30, $0x6E;
	s28 =	sadd.s32 $0x120, s28;
	v19 =	vunpack.i.u.bf16.f32 v20;
	v20 =	vperm.xlane v10, v4;
	v17 =	vpop (erf);
	v18 =	vld [tilespmem:s26+$0xFFFFFFC0];
	v12 =	vmul.f32 v12, v24;
	[tilespmem:s7+$0xFFFFFFB0] =	vst v15  }
0x2d6: {  	v10 =	vmovc v11;
	v25 =	vunpack.i.l.bf16.f32 v25;
	v19 =	vmul.f32 v19, v24;
	[tilespmem:s28+$0x80] =	vst v17;
	v15 =	vld [tilespmem:s23+$0xFFFFFFD0];
	v24 =	vunpack.i.u.bf16.f32 v21;
	v11 =	vmovc v17  }
0x2d7: {  	v17 =	vadd.f32 v25, v14;
	v25 =	vld [tilespmem:s16+$0x0];
	[tilespmem:s17+$0x20] =	vst v12;
	v14 =	vunpack.i.l.bf16.f32 v21;
	v21 =	vmul.f32 v24, v20  }
0x2d8: {  	v24 =	vmul.f32 v26, v6;
	v29 =	vunpack.i.l.bf16.f32 v23;
	[tilespmem:s17+$0x30] =	vst v19;
	v23 =	vmul.f32 v16, v6;
	v6 =	vmovc v5  }
0x2d9: {  	v20 =	vmul.f32 v14, v20;
	v26 =	vadd.f32 v29, v27;
	v16 =	vmul.f32 $2.000000030e-01, v17;
	v12 =	vpop (erf);
	v27 =	vld [tilespmem:s26+$0x20];
	[tilespmem:s8+$0x70] =	vst v21  }
0x2da: {  	v5 =	vmovc v7;
	vm0 =	vge.f32 v17, $0.0e+00;
	[tilespmem:s28+$0xFFFFFFF0] =	vst v12;
	v19 =	vperm.xlane v12, v1;
	v14 =	vperm.xlane v12, v2  }
0x2db: {  	v7 =	vmovc v28;
	v21 =	vmul.f32 $2.000000030e-01, v26;
	v16 =	vsel vm0, v17, v16;
	v29 =	vld [tilespmem:s16+$0xFFFFFFB0];
	v17 =	vperm.xlane v11, v1;
	[tilespmem:s7+$0xFFFFFFC0] =	vst v22  }
0x2dc: {  	vm0 =	vge.f32 v26, $0.0e+00;
	v22 =	vmul.f32 $1.442695020e+00, v16;
	v28 =	vunpack.i.l.bf16.f32 v25;
	v16 =	vld [tilespmem:s22+$0xFFFFFFE0];
	[tilespmem:s25+$0xFFFFFFD0] =	vst v23;
	s22 =	smov.u32 s23;
	s23 =	smov.u32 s26;
	s26 =	smov.u32 s16  }
.Ltmp4:
0x2dd: {  	v23 =	vunpack.i.u.bf16.f32 v25;
	v25 =	vmul.f32 v28, v17;
	v28 =	vperm.xlane v10, v3;
	[tilespmem:s25+$0xFFFFFFE0] =	vst v24;
	s25 =	smov.u32 s7;
	s7 =	smov.u32 s8;
	(pc) =	sbr.rel @p0 .LBB2_11-.Ltmp4, $4  }
0x2de: {  	s16 =	smov.u32 s0;
	s8 =	smov.u32 s17;
	s17 =	smov.u32 s28;
	(erf) = vpow2.f32 v22;
	v22 =	vmul.f32 v23, v17;
	v17 =	vunpack.i.l.bf16.f32 v27;
	[tilespmem:s7+$0x60] =	vst v20  }
0x2df: {  	v20 =	vsel vm0, v26, v21;
	v21 =	vunpack.i.u.bf16.f32 v27;
	[tilespmem:s28+$0x0] =	vst v25;
	v25 =	vmul.f32 v17, v28  }
0x2e0: {  	v17 =	vmul.f32 $1.442695020e+00, v20;
	v21 =	vmul.f32 v21, v28;
	v20 =	vunpack.i.u.bf16.f32 v29;
	[tilespmem:s28+$0x10] =	vst v22  }
0x2e1: {  	s0 =	sadd.s32 $0xA0, s0;
	v24 =	vunpack.i.l.bf16.f32 v29;
	v22 =	vunpack.i.u.bf16.f32 v18;
	v23 =	vmul.f32 v20, v19;
	v20 =	vld [tilespmem:s26+$0x10];
	[tilespmem:s8+$0x40] =	vst v25  }
0x2e2: {  	(erf) = vpow2.f32 v17;
	_ =	sdelay $0x3  }
0x2e3: {  	[tilespmem:s8+$0x50] =	vst v21  }
0x2e4: {  	s18 =	sadd.s32 $0x120, s28;
	v19 =	vmul.f32 v24, v19;
	[tilespmem:s28+$0xFFFFFF80] =	vst v23;
	v17 =	vpop (erf)  }
0x2e5: {  	v18 =	vunpack.i.l.bf16.f32 v18;
	v38 =	vmul.f32 v22, v13;
	[tilespmem:s18+$0x80] =	vst v17  }
0x2e6: {  	v18 =	vmul.f32 v18, v13;
	[tilespmem:s28+$0xFFFFFF70] =	vst v19;
	v37 =	vld [tilespmem:s16+$0x0]  }
0x2e7: {  	v45 =	vunpack.i.l.bf16.f32 v15;
	[tilespmem:s8+$0xFFFFFFA0] =	vst v38  }
0x2e8: {  	v50 =	vunpack.i.u.bf16.f32 v15;
	v47 =	vmul.f32 v45, v8;
	[tilespmem:s8+$0xFFFFFF90] =	vst v18;
	v13 =	vpop (erf)  }
0x2e9: {  	v39 =	vperm.xlane v11, v2;
	v53 =	vunpack.i.l.bf16.f32 v16;
	v52 =	vmul.f32 v50, v8;
	[tilespmem:s18+$0xFFFFFFF0] =	vst v13  }
0x2ea: {  	v24 =	vunpack.i.u.bf16.f32 v16;
	v15 =	vmul.f32 v53, v6;
	[tilespmem:s7+$0xFFFFFFB0] =	vst v47;
	v42 =	vperm.xlane v17, v1;
	v44 =	vld [tilespmem:s16+$0xFFFFFFB0]  }
0x2eb: {  	v6 =	vmul.f32 v24, v6;
	[tilespmem:s7+$0xFFFFFFC0] =	vst v52;
	v40 =	vunpack.i.l.bf16.f32 v20;
	v43 =	vunpack.i.l.bf16.f32 v37  }
0x2ec: {  	v21 =	vld [tilespmem:s23+$0x30];
	[tilespmem:s25+$0xFFFFFFD0] =	vst v15;
	v41 =	vunpack.i.u.bf16.f32 v20;
	v23 =	vunpack.i.u.bf16.f32 v37;
	v20 =	vmul.f32 v43, v42  }
0x2ed: {  	[tilespmem:s25+$0xFFFFFFE0] =	vst v6;
	v46 =	vmul.f32 v23, v42  }
0x2ee: {  	v59 =	vld [tilespmem:s26+$0xFFFFFFC0];
	v18 =	vmul.f32 v40, v39;
	v54 =	vperm.xlane v13, v1;
	[tilespmem:s18+$0x0] =	vst v20  }
0x2ef: {  	v19 =	vmul.f32 v41, v39;
	[tilespmem:s18+$0x10] =	vst v46;
	v56 =	vunpack.i.u.bf16.f32 v44  }
0x2f0: {  	v10 =	vperm.xlane v10, v4;
	[tilespmem:s17+$0x20] =	vst v18;
	v55 =	vld [tilespmem:s16+$0x10];
	v18 =	vunpack.i.l.bf16.f32 v44;
	v20 =	vmul.f32 v56, v54  }
0x2f1: {  	v48 =	vunpack.i.u.bf16.f32 v21;
	[tilespmem:s17+$0x30] =	vst v19;
	v18 =	vmul.f32 v18, v54  }
0x2f2: {  	v26 =	vld [tilespmem:s23+$0xFFFFFFD0];
	v21 =	vunpack.i.l.bf16.f32 v21;
	v51 =	vmul.f32 v48, v10;
	[tilespmem:s18+$0xFFFFFF80] =	vst v20  }
0x2f3: {  	v10 =	vmul.f32 v21, v10;
	v49 =	vld [tilespmem:s26+$0x20];
	v27 =	vunpack.i.l.bf16.f32 v59;
	[tilespmem:s18+$0xFFFFFF70] =	vst v18  }
0x2f4: {  	v61 =	vperm.xlane v17, v2;
	v6 =	vunpack.i.u.bf16.f32 v59;
	[tilespmem:s8+$0x70] =	vst v51;
	v16 =	vmul.f32 v27, v14;
	v63 =	vld [tilespmem:s16+$0xFFFFFFC0]  }
0x2f5: {  	[tilespmem:s8+$0x60] =	vst v10;
	v6 =	vmul.f32 v6, v14;
	v62 =	vunpack.i.l.bf16.f32 v55  }
0x2f6: {  	v33 =	vld [tilespmem:s22+$0xFFFFFFE0];
	[tilespmem:s17+$0xFFFFFF90] =	vst v16;
	v22 =	vunpack.i.u.bf16.f32 v55;
	v18 =	vmul.f32 v62, v61  }
0x2f7: {  	v57 =	vperm.xlane v11, v3;
	v34 =	vunpack.i.l.bf16.f32 v26;
	[tilespmem:s17+$0xFFFFFFA0] =	vst v6;
	v25 =	vmul.f32 v22, v61  }
0x2f8: {  	v29 =	vperm.xlane v13, v2;
	v35 =	vmul.f32 v34, v9;
	v60 =	vunpack.i.u.bf16.f32 v49;
	[tilespmem:s18+$0x20] =	vst v18  }
0x2f9: {  	v8 =	vmul.f32 v60, v57;
	[tilespmem:s18+$0x30] =	vst v25;
	v31 =	vunpack.i.l.bf16.f32 v63  }
0x2fa: {  	[tilespmem:s8+$0xFFFFFFB0] =	vst v35;
	v30 =	vld [tilespmem:s16+$0x20];
	v32 =	vunpack.i.u.bf16.f32 v63;
	v10 =	vmul.f32 v31, v29  }
0x2fb: {  	v47 =	vunpack.i.l.bf16.f32 v33;
	[tilespmem:s17+$0x50] =	vst v8;
	v8 =	vmul.f32 v32, v29  }
0x2fc: {  	v48 =	vmul.f32 v47, v5;
	v36 =	vld [tilespmem:s26+$0xFFFFFFD0];
	v58 =	vunpack.i.l.bf16.f32 v49;
	[tilespmem:s18+$0xFFFFFF90] =	vst v10  }
0x2fd: {  	v15 =	vmul.f32 v58, v57;
	v44 =	vunpack.i.u.bf16.f32 v26;
	[tilespmem:s18+$0xFFFFFFA0] =	vst v8  }
0x2fe: {  	v38 =	vperm.xlane v17, v3;
	[tilespmem:s7+$0xFFFFFFD0] =	vst v48;
	v46 =	vmul.f32 v44, v9;
	v55 =	vunpack.i.u.bf16.f32 v33;
	v43 =	vld [tilespmem:s16+$0xFFFFFFD0]  }
0x2ff: {  	[tilespmem:s17+$0x40] =	vst v15;
	v5 =	vmul.f32 v55, v5;
	v40 =	vunpack.i.l.bf16.f32 v30  }
0x300: {  	v45 =	vperm.xlane v12, v3;
	v28 =	vld [tilespmem:s26+$0x30];
	[tilespmem:s8+$0xFFFFFFC0] =	vst v46;
	v41 =	vunpack.i.u.bf16.f32 v30;
	v42 =	vmul.f32 v40, v38  }
0x301: {  	v14 =	vunpack.i.u.bf16.f32 v36;
	[tilespmem:s7+$0xFFFFFFE0] =	vst v5;
	v8 =	vmul.f32 v41, v38  }
0x302: {  	v50 =	vperm.xlane v13, v3;
	v49 =	vunpack.i.l.bf16.f32 v36;
	v52 =	vld [tilespmem:s23+$0xFFFFFFE0];
	v10 =	vmul.f32 v14, v45;
	[tilespmem:s18+$0x40] =	vst v42  }
0x303: {  	[tilespmem:s18+$0x50] =	vst v8;
	v8 =	vmul.f32 v49, v45;
	v53 =	vunpack.i.l.bf16.f32 v43  }
0x304: {  	v6 =	vperm.xlane v11, v4;
	[tilespmem:s17+$0xFFFFFFC0] =	vst v10;
	v51 =	vld [tilespmem:s16+$0x30];
	v54 =	vunpack.i.u.bf16.f32 v43;
	v11 =	vmul.f32 v53, v50  }
0x305: {  	v37 =	vunpack.i.u.bf16.f32 v28;
	v56 =	vunpack.i.l.bf16.f32 v28;
	[tilespmem:s17+$0xFFFFFFB0] =	vst v8;
	v8 =	vmul.f32 v54, v50  }
0x306: {  	v39 =	vmul.f32 v37, v6;
	v6 =	vmul.f32 v56, v6;
	v58 =	vld [tilespmem:s26+$0xFFFFFFE0];
	[tilespmem:s18+$0xFFFFFFB0] =	vst v11  }
0x307: {  	v5 =	vunpack.i.l.bf16.f32 v52;
	[tilespmem:s18+$0xFFFFFFC0] =	vst v8  }
0x308: {  	v57 =	vperm.xlane v17, v4;
	[tilespmem:s17+$0x60] =	vst v6;
	v6 =	vunpack.i.u.bf16.f32 v52;
	v5 =	vmul.f32 v5, v7;
	v61 =	vld [tilespmem:s16+$0xFFFFFFE0]  }
0x309: {  	[tilespmem:s17+$0x70] =	vst v39;
	v6 =	vmul.f32 v6, v7;
	v59 =	vunpack.i.u.bf16.f32 v51  }
0x30a: {  	v62 =	vperm.xlane v12, v4;
	[tilespmem:s8+$0xFFFFFFD0] =	vst v5;
	v9 =	vunpack.i.l.bf16.f32 v51;
	v60 =	vmul.f32 v59, v57  }
0x30b: {  	[tilespmem:s8+$0xFFFFFFE0] =	vst v6;
	v7 =	vmul.f32 v9, v57;
	v5 =	vunpack.i.l.bf16.f32 v58  }
0x30c: {  	s10 =	sadd.s32 $0x1, s10;
	v63 =	vperm.xlane v13, v4;
	v6 =	vunpack.i.u.bf16.f32 v58;
	[tilespmem:s18+$0x70] =	vst v60;
	v5 =	vmul.f32 v5, v62  }
0x30d: {  	p0 =	sne.s32 s10, $0x18;
	[tilespmem:s18+$0x60] =	vst v7;
	v6 =	vmul.f32 v6, v62;
	v7 =	vunpack.i.l.bf16.f32 v61  }
.Ltmp5:
0x30e: {  	[tilespmem:s17+$0xFFFFFFD0] =	vst v5;
	v5 =	vunpack.i.u.bf16.f32 v61;
	v7 =	vmul.f32 v7, v63;
	(pc) =	sbr.rel @p0 .LBB2_4-.Ltmp5, $4  }
0x30f: {  	[tilespmem:s17+$0xFFFFFFE0] =	vst v6;
	v5 =	vmul.f32 v5, v63  }
0x310: {  	[tilespmem:s18+$0xFFFFFFD0] =	vst v7  }
0x311: {  	[tilespmem:s18+$0xFFFFFFE0] =	vst v5  }
0x312: {  	[spmem:s2] =	stream.indirect.scatter.add.f32 [tilespmem:s29], [sflag:$0x4], $0x90, s19, s24, $0xb8;
	[tilespmem:$0x1FA00] =	vst v63  }
0x313: {  	_ =	swait.ge [sflag:s20], $0x3F00  }
0x314: {  	[sflag:s20] =	ssyncset.done $0x0  }
0x315: {  	[sflag:s20] =	ssyncadd.s32 $0xFFFFC100  }
0x316: {  	s0 =	stileid.u32;
	[bflag:$0x0] =	sbarrier.arrive $0xFFFF  }
0x317: {  	s0 =	sshll.u32 s0, $0x6;
	s10 =	rddreg [dreg:$0x5]  }
0x318: {  	s0 =	sor.u32 $0x1C07, s0;
	s8 =	rddreg [dreg:$0xe];
	s7 =	sshrl.u32 s10, $0x3  }
0x319: {  	[hbm:s8], [sflag:s0] =	dma.local [spmem:s7], $0x2C70  }
0x31a: {  	s8 =	simm.s32 $0x7  }
0x31b: {  	_ =	swait.ge [sflag:s8], $0x2C70  }
0x31c: {  	s30 =	rddreg [dreg:$0x10]  }
0x31d: {  	s31 =	rddreg [dreg:$0xf];
	s7 =	sadd.s32 $0x1, s30  }
0x31e: {  	p0 =	sne.s32 s7, s31  }
.Ltmp6:
0x31f: {  	_ = 	snop;
	(pc) =	sbr.rel @p0 .LBB2_1-.Ltmp6, $3  }
0x320: {  	_ =	sdelay $0x1  }
0x321: {  	[sflag:s8] =	ssyncset.done $0x0  }
0x322: {  	[sflag:s8] =	ssyncadd.s32 $0xFFFFD390  }
0x323: {  	_ =	sfence.sel $0x180000  }
0x324: {  	[bflag:$0x0] =	sbarrier.arrive $0xFFFF  }
0x325: {  	_ =	strace $0x90000047  }
0x326: {  	s0 =	stileid.u32;
	[bflag:$0x2] =	sbarrier.arrive $0xFFFF  }
0x327: {  	p0 =	sne.s32 s0, $0x0;
	s0 =	rddreg [dreg:$0x2]  }
0x328: {  	s0 =	sadd.s32 @!p0 $0x100000, s0  }
0x329: {  	[sflag:s0] =	ssyncadd.tile.s32 @!p0 $0x1;
	_ =	shalt  }
.Lfunc_end2:
_tile_overlayer_lowered:
.L_overlay_start_2:
0x32a: {  	(tag) =	ssettag $0x2  }
0x32b: {  	s0 =	rddreg [dreg:$0x0];
	s2 =	stileid.u32  }
0x32c: {  	s1 =	rddreg [dreg:$0x1];
	p0 =	sne.s32 s2, $0x0  }
0x32d: {  	s3 =	rddreg [dreg:$0x2];
	[bflag:$0x3] =	sbarrier.arrive $0xFFFF;
	s2 =	simm.s32 @!p0 $0x1C07  }
0x32e: {  	[timem:s3], [sflag:s2] =	dma.local @!p0 [hbm:s0], s1  }
0x32f: {  	s0 =	simm.s32 @!p0 $0x7  }
0x330: {  	_ =	swait.ge @!p0 [sflag:s0], s1  }
0x331: {  	s1 =	ssub.s32 @!p0 $0x0, s1;
	[sflag:s0] =	ssyncset.done @!p0 $0x0  }
0x332: {  	[sflag:s0] =	ssyncadd.s32 @!p0 s1  }
0x333: {  	[bflag:$0x3] =	sbarrier.arrive $0xFFFF  }
0x334: {  	_ =	shalt  }

</sc_bundles>
